<compile_context>
chip_gen: v7x
topology: tpu7x:2x2x1
jax: 0.10.2.dev20260603
libtpu: 0.0.44.dev20260713+nightly
codegen_flags: <defaults>
</compile_context>

<pallas_src>
import functools
import jax
import jax.numpy as jnp
from jax import lax
from jax.experimental import pallas as pl
from jax.experimental.pallas import tpu as pltpu
from jax.experimental.pallas import tpu_sc as plsc

_NC = 2
_NS = 16
_NW = _NC * _NS
_L = 16

_C = 128
_K = 40
_DPAD = 16


def _sc_edge_scatter(p, q, srcw, dstw):
    n = p.shape[0]
    nch = srcw.shape[1]
    rpt = n // _NS
    assert srcw.shape == (_NW, nch, _K) and nch % 2 == 0
    nz, zrem = rpt // _K, rpt % _K

    mesh = plsc.VectorSubcoreMesh(core_axis_name="c", subcore_axis_name="s")

    @functools.partial(
        pl.kernel,
        out_type=jax.ShapeDtypeStruct((_NC, n, _C), jnp.float32),
        mesh=mesh,
        compiler_params=pltpu.CompilerParams(use_tc_tiling_on_sc=False),
        scratch_types=[
            pltpu.VMEM((nch, _K), jnp.int32),
            pltpu.VMEM((nch, _K), jnp.int32),
            [pltpu.VMEM((_K, _C), jnp.float32)] * 2,
            [pltpu.VMEM((_K, _C), jnp.float32)] * 2,
            [pltpu.VMEM((_K, _C), jnp.float32)] * 2,
            pltpu.VMEM_SHARED((n, _C), jnp.float32),
            [pltpu.SemaphoreType.DMA] * 2,
            [pltpu.SemaphoreType.DMA] * 2,
            [pltpu.SemaphoreType.DMA] * 2,
        ],
    )
    def k(p_hbm, q_hbm, src_hbm, dst_hbm, s_out,
          sidx, didx, pb, qb, rb, s_sh, gsp, gsq, ssem):
        cid = lax.axis_index("c")
        sid = lax.axis_index("s")
        wid = cid * _NS + sid

        pltpu.sync_copy(src_hbm.at[wid], sidx)
        pltpu.sync_copy(dst_hbm.at[wid], didx)

        zeros = jnp.zeros((_L,), jnp.float32)

        def fill_z(r, _):
            for c in range(_C // _L):
                rb[0][r, pl.ds(c * _L, _L)] = zeros
            return 0
        lax.fori_loop(0, _K, fill_z, 0)
        base = sid * rpt
        for t in range(nz):
            pltpu.sync_copy(rb[0], s_sh.at[pl.ds(base + t * _K, _K)])
        if zrem:
            pltpu.sync_copy(rb[0].at[pl.ds(0, zrem)],
                            s_sh.at[pl.ds(base + nz * _K, zrem)])

        plsc.subcore_barrier()

        def start_gather(j, par):
            pltpu.async_copy(p_hbm.at[sidx.at[j]], pb[par], gsp[par])
            pltpu.async_copy(q_hbm.at[didx.at[j]], qb[par], gsq[par])

        def wait_gather(j, par):
            pltpu.make_async_copy(p_hbm.at[sidx.at[j]], pb[par], gsp[par]).wait()
            pltpu.make_async_copy(q_hbm.at[didx.at[j]], qb[par], gsq[par]).wait()

        def wait_scatter(j, par):
            pltpu.make_async_copy(rb[par], s_sh.at[didx.at[j]], ssem[par]).wait()

        start_gather(0, 0)
        start_gather(1, 1)

        def pair(jj, _):
            for par in (0, 1):
                j = 2 * jj + par
                wait_gather(j, par)

                @pl.when(j >= 2)
                def _():
                    wait_scatter(j - 2, par)

                def row(r, _):
                    for c in range(_C // _L):
                        sl = pl.ds(c * _L, _L)
                        rb[par][r, sl] = jnp.maximum(
                            pb[par][r, sl] + qb[par][r, sl], 0.0)
                    return 0
                lax.fori_loop(0, _K, row, 0)

                @pl.when(j + 2 < nch)
                def _():
                    start_gather(j + 2, par)

                pltpu.async_copy(rb[par], s_sh.at[didx.at[j]], ssem[par],
                                 add=True)
            return 0
        lax.fori_loop(0, nch // 2, pair, 0)

        wait_scatter(nch - 2, 0)
        wait_scatter(nch - 1, 1)
        plsc.subcore_barrier()

        pltpu.sync_copy(s_sh.at[pl.ds(base, rpt)], s_out.at[cid, pl.ds(base, rpt)])

    return k(p, q, srcw, dstw)


def _sc_degree(dstw, n):
    nch = dstw.shape[1]
    rpt = n // _NS
    nz, zrem = rpt // _K, rpt % _K
    mesh = plsc.VectorSubcoreMesh(core_axis_name="c", subcore_axis_name="s")

    @functools.partial(
        pl.kernel,
        out_type=jax.ShapeDtypeStruct((_NC, n, _DPAD), jnp.float32),
        mesh=mesh,
        compiler_params=pltpu.CompilerParams(use_tc_tiling_on_sc=False),
        scratch_types=[
            pltpu.VMEM((nch, _K), jnp.int32),
            pltpu.VMEM((_K, _DPAD), jnp.float32),
            pltpu.VMEM((_K, _DPAD), jnp.float32),
            pltpu.VMEM_SHARED((n, _DPAD), jnp.float32),
            pltpu.SemaphoreType.DMA,
        ],
    )
    def k(dst_hbm, d_out, didx, obuf, zbuf, d_sh, dsem):
        cid = lax.axis_index("c")
        sid = lax.axis_index("s")
        wid = cid * _NS + sid
        pltpu.sync_copy(dst_hbm.at[wid], didx)

        ones = jnp.ones((_L,), jnp.float32)
        zeros = jnp.zeros((_L,), jnp.float32)

        def fill(r, _):
            obuf[r, :] = ones
            zbuf[r, :] = zeros
            return 0
        lax.fori_loop(0, _K, fill, 0)

        base = sid * rpt
        for t in range(nz):
            pltpu.sync_copy(zbuf, d_sh.at[pl.ds(base + t * _K, _K)])
        if zrem:
            pltpu.sync_copy(zbuf.at[pl.ds(0, zrem)],
                            d_sh.at[pl.ds(base + nz * _K, zrem)])
        plsc.subcore_barrier()

        def fire(j, _):
            pltpu.async_copy(obuf, d_sh.at[didx.at[j]], dsem, add=True)
            return 0
        lax.fori_loop(0, nch, fire, 0)

        def drain(j, _):
            pltpu.make_async_copy(obuf, d_sh.at[didx.at[0]], dsem).wait()
            return 0
        lax.fori_loop(0, nch, drain, 0)

        plsc.subcore_barrier()
        pltpu.sync_copy(d_sh.at[pl.ds(base, rpt)],
                        d_out.at[cid, pl.ds(base, rpt)])

    return k(dstw)

    return k(p, q, srcw, dstw)



_BR = 2000


def _mm(a, b):
    return jax.lax.dot(a, b)


def _row_spec(width):
    return pl.BlockSpec((_BR, width), lambda i: (i, 0))


def _w_spec(shape):
    return pl.BlockSpec(shape, lambda i: (0,) * len(shape))


def _enc_pq_body(x, pos, w1, b1, w2, b2, wp, wq, wd, bq, h_o, p_o, q_o):
    h = _mm(jnp.maximum(_mm(x[...], w1[...]) + b1[...], 0.0), w2[...]) + b2[...]
    pd = _mm(pos[...], wd[...])
    h_o[...] = h
    p_o[...] = _mm(h, wp[...]) + pd
    q_o[...] = _mm(h, wq[...]) - pd + bq[...]


def _enc_pq(x, pos8, w1t, b1, w2t, b2, wpt, wqt, wdt, bq):
    n = x.shape[0]
    grid = (n // _BR,)
    out = [jax.ShapeDtypeStruct((n, _C), jnp.float32)] * 3
    return pl.pallas_call(
        _enc_pq_body,
        grid=grid,
        in_specs=[
            _row_spec(_C), _row_spec(8),
            _w_spec((_C, _C)), _w_spec((1, _C)), _w_spec((_C, _C)), _w_spec((1, _C)),
            _w_spec((_C, _C)), _w_spec((_C, _C)), _w_spec((8, _C)), _w_spec((1, _C)),
        ],
        out_specs=[_row_spec(_C)] * 3,
        out_shape=out,
    )(x, pos8, w1t, b1, w2t, b2, wpt, wqt, wdt, bq)


def _node_core(h, s0, s1, deg, w2et, b2e, wn1at, wn1bt, bn1, wn2t, bn2):
    s = s0[...] + s1[...]
    agg = _mm(s, w2et[...]) + deg[...] * b2e[...]
    z = _mm(h[...], wn1at[...]) + _mm(agg, wn1bt[...]) + bn1[...]
    return h[...] + _mm(jnp.maximum(z, 0.0), wn2t[...]) + bn2[...]


def _node_pq_body(h, s0, s1, deg, pos,
                  w2et, b2e, wn1at, wn1bt, bn1, wn2t, bn2,
                  wp, wq, wd, bq, h_o, p_o, q_o):
    hn = _node_core(h, s0, s1, deg, w2et, b2e, wn1at, wn1bt, bn1, wn2t, bn2)
    pd = _mm(pos[...], wd[...])
    h_o[...] = hn
    p_o[...] = _mm(hn, wp[...]) + pd
    q_o[...] = _mm(hn, wq[...]) - pd + bq[...]


def _node_pq(h, s0, s1, deg, pos8, w2et, b2e, wn1at, wn1bt, bn1, wn2t, bn2,
             wpt, wqt, wdt, bq):
    n = h.shape[0]
    grid = (n // _BR,)
    out = [jax.ShapeDtypeStruct((n, _C), jnp.float32)] * 3
    return pl.pallas_call(
        _node_pq_body,
        grid=grid,
        in_specs=[
            _row_spec(_C), _row_spec(_C), _row_spec(_C), _row_spec(1), _row_spec(8),
            _w_spec((_C, _C)), _w_spec((1, _C)),
            _w_spec((_C, _C)), _w_spec((_C, _C)), _w_spec((1, _C)),
            _w_spec((_C, _C)), _w_spec((1, _C)),
            _w_spec((_C, _C)), _w_spec((_C, _C)), _w_spec((8, _C)), _w_spec((1, _C)),
        ],
        out_specs=[_row_spec(_C)] * 3,
        out_shape=out,
    )(h, s0, s1, deg, pos8, w2et, b2e, wn1at, wn1bt, bn1, wn2t, bn2,
      wpt, wqt, wdt, bq)


def _node_dec_body(h, s0, s1, deg,
                   w2et, b2e, wn1at, wn1bt, bn1, wn2t, bn2,
                   wd1, bd1, wd2, bd2, y_o):
    hn = _node_core(h, s0, s1, deg, w2et, b2e, wn1at, wn1bt, bn1, wn2t, bn2)
    y_o[...] = _mm(jnp.maximum(_mm(hn, wd1[...]) + bd1[...], 0.0), wd2[...]) + bd2[...]


def _node_dec(h, s0, s1, deg, w2et, b2e, wn1at, wn1bt, bn1, wn2t, bn2,
              wd1t, bd1, wd2t, bd2):
    n = h.shape[0]
    grid = (n // _BR,)
    return pl.pallas_call(
        _node_dec_body,
        grid=grid,
        in_specs=[
            _row_spec(_C), _row_spec(_C), _row_spec(_C), _row_spec(1),
            _w_spec((_C, _C)), _w_spec((1, _C)),
            _w_spec((_C, _C)), _w_spec((_C, _C)), _w_spec((1, _C)),
            _w_spec((_C, _C)), _w_spec((1, _C)),
            _w_spec((_C, _C)), _w_spec((1, _C)), _w_spec((_C, _C)), _w_spec((1, _C)),
        ],
        out_specs=[_row_spec(_C)],
        out_shape=[jax.ShapeDtypeStruct((n, _C), jnp.float32)],
    )(h, s0, s1, deg, w2et, b2e, wn1at, wn1bt, bn1, wn2t, bn2,
      wd1t, bd1, wd2t, bd2)[0]


def _row(b):
    return b.reshape(1, -1)


@jax.jit
def kernel(x, edge_index, pos, params):
    n, c = x.shape
    e = edge_index.shape[1]
    epw = e // _NW
    nch = epw // _K
    assert nch * _K == epw and c == _C

    enc, dec, mps = params["enc"], params["dec"], params["mp"]
    pos8 = jnp.pad(pos, ((0, 0), (0, 5)))

    def edge_split(mp):
        w1 = mp["edge"][0]["W"]
        a, b, cm, d = w1[:, :c], w1[:, c:2*c], w1[:, 2*c:3*c], w1[:, 3*c:]
        wpt = (a + cm).T
        wqt = (b - cm).T
        wdt = jnp.pad(d, ((0, 0), (0, 5))).T
        return wpt, wqt, wdt, _row(mp["edge"][0]["b"])

    def node_split(mp):
        wn1 = mp["node"][0]["W"]
        return (mp["edge"][1]["W"].T, _row(mp["edge"][1]["b"]),
                wn1[:, :c].T, wn1[:, c:].T, _row(mp["node"][0]["b"]),
                mp["node"][1]["W"].T, _row(mp["node"][1]["b"]))

    src = edge_index[0].astype(jnp.int32).reshape(_NW, nch, _K)
    dst = edge_index[1].astype(jnp.int32).reshape(_NW, nch, _K)

    wpt, wqt, wdt, bq = edge_split(mps[0])
    h, p1, q1 = _enc_pq(x, pos8, enc[0]["W"].T, _row(enc[0]["b"]),
                        enc[1]["W"].T, _row(enc[1]["b"]), wpt, wqt, wdt, bq)

    d_part = _sc_degree(dst, n)
    s_part = _sc_edge_scatter(p1, q1, src, dst)
    deg = (d_part[0, :, 0] + d_part[1, :, 0]).reshape(n, 1)

    wpt2, wqt2, wdt2, bq2 = edge_split(mps[1])
    h2, p2, q2 = _node_pq(h, s_part[0], s_part[1], deg, pos8,
                          *node_split(mps[0]), wpt2, wqt2, wdt2, bq2)

    s_part2 = _sc_edge_scatter(p2, q2, src, dst)

    return _node_dec(h2, s_part2[0], s_part2[1], deg,
                     *node_split(mps[1]),
                     dec[0]["W"].T, _row(dec[0]["b"]),
                     dec[1]["W"].T, _row(dec[1]["b"]))

# --- scband reference (transcript-rebuilt; emitter-appended) ---
"""Pipeline reference for scband-mp-gnn-39943195852849 (READ-ONLY COPY).

The authoritative reference and input builder live on the scoring server;
editing this copy changes nothing except your own understanding.
"""

import jax, jax.numpy as jnp
import numpy as np

N = 10000
E = 320000
C = 128
POS_DIM = 3
N_MP = 2


def _lin(key, fin, fout):
    k1, k2 = jax.random.split(key)
    W = jax.random.normal(k1, (fout, fin), dtype=jnp.float32) * (1.0 / np.sqrt(fin))
    b = jax.random.normal(k2, (fout,), dtype=jnp.float32) * 0.01
    return {"W": W, "b": b}


def _init_params(key):
    keys = jax.random.split(key, 32)
    it = iter(range(32))
    enc = [_lin(keys[next(it)], C, C), _lin(keys[next(it)], C, C)]
    dec = [_lin(keys[next(it)], C, C), _lin(keys[next(it)], C, C)]
    mps = []
    for _ in range(N_MP):
        edge = [_lin(keys[next(it)], C * 3 + POS_DIM, C), _lin(keys[next(it)], C, C)]
        node = [_lin(keys[next(it)], C * 2, C), _lin(keys[next(it)], C, C)]
        mps.append({"edge": edge, "node": node})
    return {"enc": enc, "dec": dec, "mp": mps}


def _mlp(h, layers):
    n = len(layers)
    for j, l in enumerate(layers):
        h = h @ l["W"].T + l["b"]
        if j < n - 1:
            h = jax.nn.relu(h)
    return h


def _forward(x, pos, params, edge_index):
    # node encoder
    h = _mlp(x, params["enc"])
    src = edge_index[0]
    dst = edge_index[1]
    for mp in params["mp"]:
        x_nei = h[src]
        x_own = h[dst]
        ea = jnp.concatenate([x_nei, x_own, x_nei - x_own, pos[src] - pos[dst]], axis=1)
        ea = _mlp(ea, mp["edge"])  # relu between layers, not after last
        # EdgeAggregation(aggr='add'): scatter-add messages (edge features) to dst nodes
        agg = jax.ops.segment_sum(ea, dst, num_segments=h.shape[0])
        hh = jnp.concatenate([h, agg], axis=1)
        hh = _mlp(hh, mp["node"])
        h = h + hh  # residual connection
    # node decoder
    return _mlp(h, params["dec"])


def setup_inputs(seed: int = 0) -> dict:
    key = jax.random.key(seed)
    k1, k2, k3, k4 = jax.random.split(key, 4)
    x = jax.random.normal(k1, (N, C), dtype=jnp.float32)
    pos = jax.random.normal(k2, (N, POS_DIM), dtype=jnp.float32)
    edge_index = jax.random.randint(k3, (2, E), 0, N).astype(jnp.int64)
    params = _init_params(k4)
    return {"x": x, "edge_index": edge_index, "pos": pos, "params": params}


def reference(x, edge_index, pos, params):
    return _forward(x, pos, params, edge_index)

if __name__ == "__main__":
    import jax
    _d = setup_inputs()
    print(jax.jit(kernel)(*tuple(_d.values())))

</pallas_src>

<mosaic_0001>
#map = affine_map<(d0, d1) -> (0, 0)>
#map1 = affine_map<(d0, d1) -> (0, 0, 0)>
module attributes {stable_mosaic.version = 14 : i64} {
  func.func @k(%arg0: i32, %arg1: i32, %arg2: memref<10000x128xf32, #tpu.memory_space<hbm>>, %arg3: memref<10000x128xf32, #tpu.memory_space<hbm>>, %arg4: memref<32x250x40xi32, #tpu.memory_space<hbm>>, %arg5: memref<32x250x40xi32, #tpu.memory_space<hbm>>, %arg6: memref<2x10000x128xf32, #tpu.memory_space<hbm>>, %arg7: memref<250x40xi32, #tpu.memory_space<vmem>>, %arg8: memref<250x40xi32, #tpu.memory_space<vmem>>, %arg9: memref<40x128xf32, #tpu.memory_space<vmem>>, %arg10: memref<40x128xf32, #tpu.memory_space<vmem>>, %arg11: memref<40x128xf32, #tpu.memory_space<vmem>>, %arg12: memref<40x128xf32, #tpu.memory_space<vmem>>, %arg13: memref<40x128xf32, #tpu.memory_space<vmem>>, %arg14: memref<40x128xf32, #tpu.memory_space<vmem>>, %arg15: memref<10000x128xf32, #tpu.memory_space<vmem_shared>>, %arg16: memref<!tpu.dma_semaphore, #tpu.memory_space<semaphore_mem>>, %arg17: memref<!tpu.dma_semaphore, #tpu.memory_space<semaphore_mem>>, %arg18: memref<!tpu.dma_semaphore, #tpu.memory_space<semaphore_mem>>, %arg19: memref<!tpu.dma_semaphore, #tpu.memory_space<semaphore_mem>>, %arg20: memref<!tpu.dma_semaphore, #tpu.memory_space<semaphore_mem>>, %arg21: memref<!tpu.dma_semaphore, #tpu.memory_space<semaphore_mem>>) attributes {dimension_semantics = [#tpu.dimension_semantics<core_parallel>, #tpu.dimension_semantics<subcore_parallel>], iteration_bounds = array<i64: 2, 16>, scalar_prefetch = 0 : i64, scratch_operands = 15 : i64, tpu.core_type = #tpu.core_type<sc_vector_subcore>, window_params = [{transform_indices = #map}, {transform_indices = #map}, {transform_indices = #map1}, {transform_indices = #map1}, {transform_indices = #map1}]} {
    %mul3A = arith.constant 16 : i32
    %mul3A_0 = arith.muli %arg0, %mul3A : i32
    %add3A = arith.addi %mul3A_0, %arg1 : i32
    "tpu.region"() ({
      %run_scoped3A = tpu.sem_alloc : memref<!tpu.dma_semaphore, #tpu.memory_space<semaphore_mem>>
      %dma_start3A_90 = arith.constant 0 : i32
      %dma_start3A_91 = arith.constant 0 : i32
      %dma_start3A_92 = tpu.memref_slice %arg4[%add3A, %dma_start3A_90, %dma_start3A_91] : memref<32x250x40xi32, #tpu.memory_space<hbm>> -> memref<1x250x40xi32, #tpu.memory_space<hbm>>
      %dma_start3A_93 = tpu.memref_squeeze %dma_start3A_92 : memref<1x250x40xi32, #tpu.memory_space<hbm>> -> memref<250x40xi32, #tpu.memory_space<hbm>>
      %dma_start3A_94 = arith.constant 0 : i32
      %dma_start3A_95 = arith.constant 0 : i32
      %dma_start3A_96 = tpu.memref_slice %arg4[%add3A, %dma_start3A_94, %dma_start3A_95] : memref<32x250x40xi32, #tpu.memory_space<hbm>> -> memref<1x250x40xi32, #tpu.memory_space<hbm>>
      %dma_start3A_97 = tpu.memref_squeeze %dma_start3A_96 : memref<1x250x40xi32, #tpu.memory_space<hbm>> -> memref<250x40xi32, #tpu.memory_space<hbm>>
      tpu.enqueue_dma source(%dma_start3A_97 : memref<250x40xi32, #tpu.memory_space<hbm>>) target(%arg7 : memref<250x40xi32, #tpu.memory_space<vmem>>) target_semaphore(%run_scoped3A : memref<!tpu.dma_semaphore, #tpu.memory_space<semaphore_mem>>)
      %dma_wait3A_98 = arith.constant 0 : i32
      %dma_wait3A_99 = arith.constant 0 : i32
      %dma_wait3A_100 = tpu.memref_slice %arg4[%add3A, %dma_wait3A_98, %dma_wait3A_99] : memref<32x250x40xi32, #tpu.memory_space<hbm>> -> memref<1x250x40xi32, #tpu.memory_space<hbm>>
      %dma_wait3A_101 = tpu.memref_squeeze %dma_wait3A_100 : memref<1x250x40xi32, #tpu.memory_space<hbm>> -> memref<250x40xi32, #tpu.memory_space<hbm>>
      %dma_wait3A_102 = arith.constant 0 : i32
      %dma_wait3A_103 = arith.constant 0 : i32
      %dma_wait3A_104 = tpu.memref_slice %arg4[%add3A, %dma_wait3A_102, %dma_wait3A_103] : memref<32x250x40xi32, #tpu.memory_space<hbm>> -> memref<1x250x40xi32, #tpu.memory_space<hbm>>
      %dma_wait3A_105 = tpu.memref_squeeze %dma_wait3A_104 : memref<1x250x40xi32, #tpu.memory_space<hbm>> -> memref<250x40xi32, #tpu.memory_space<hbm>>
      tpu.wait_dma2 semaphore(%run_scoped3A : memref<!tpu.dma_semaphore, #tpu.memory_space<semaphore_mem>>) src(%dma_wait3A_105 : memref<250x40xi32, #tpu.memory_space<hbm>>) dst(%arg7 : memref<250x40xi32, #tpu.memory_space<vmem>>)
      tpu.yield
    }) : () -> ()
    "tpu.region"() ({
      %run_scoped3A = tpu.sem_alloc : memref<!tpu.dma_semaphore, #tpu.memory_space<semaphore_mem>>
      %dma_start3A_90 = arith.constant 0 : i32
      %dma_start3A_91 = arith.constant 0 : i32
      %dma_start3A_92 = tpu.memref_slice %arg5[%add3A, %dma_start3A_90, %dma_start3A_91] : memref<32x250x40xi32, #tpu.memory_space<hbm>> -> memref<1x250x40xi32, #tpu.memory_space<hbm>>
      %dma_start3A_93 = tpu.memref_squeeze %dma_start3A_92 : memref<1x250x40xi32, #tpu.memory_space<hbm>> -> memref<250x40xi32, #tpu.memory_space<hbm>>
      %dma_start3A_94 = arith.constant 0 : i32
      %dma_start3A_95 = arith.constant 0 : i32
      %dma_start3A_96 = tpu.memref_slice %arg5[%add3A, %dma_start3A_94, %dma_start3A_95] : memref<32x250x40xi32, #tpu.memory_space<hbm>> -> memref<1x250x40xi32, #tpu.memory_space<hbm>>
      %dma_start3A_97 = tpu.memref_squeeze %dma_start3A_96 : memref<1x250x40xi32, #tpu.memory_space<hbm>> -> memref<250x40xi32, #tpu.memory_space<hbm>>
      tpu.enqueue_dma source(%dma_start3A_97 : memref<250x40xi32, #tpu.memory_space<hbm>>) target(%arg8 : memref<250x40xi32, #tpu.memory_space<vmem>>) target_semaphore(%run_scoped3A : memref<!tpu.dma_semaphore, #tpu.memory_space<semaphore_mem>>)
      %dma_wait3A_98 = arith.constant 0 : i32
      %dma_wait3A_99 = arith.constant 0 : i32
      %dma_wait3A_100 = tpu.memref_slice %arg5[%add3A, %dma_wait3A_98, %dma_wait3A_99] : memref<32x250x40xi32, #tpu.memory_space<hbm>> -> memref<1x250x40xi32, #tpu.memory_space<hbm>>
      %dma_wait3A_101 = tpu.memref_squeeze %dma_wait3A_100 : memref<1x250x40xi32, #tpu.memory_space<hbm>> -> memref<250x40xi32, #tpu.memory_space<hbm>>
      %dma_wait3A_102 = arith.constant 0 : i32
      %dma_wait3A_103 = arith.constant 0 : i32
      %dma_wait3A_104 = tpu.memref_slice %arg5[%add3A, %dma_wait3A_102, %dma_wait3A_103] : memref<32x250x40xi32, #tpu.memory_space<hbm>> -> memref<1x250x40xi32, #tpu.memory_space<hbm>>
      %dma_wait3A_105 = tpu.memref_squeeze %dma_wait3A_104 : memref<1x250x40xi32, #tpu.memory_space<hbm>> -> memref<250x40xi32, #tpu.memory_space<hbm>>
      tpu.wait_dma2 semaphore(%run_scoped3A : memref<!tpu.dma_semaphore, #tpu.memory_space<semaphore_mem>>) src(%dma_wait3A_105 : memref<250x40xi32, #tpu.memory_space<hbm>>) dst(%arg8 : memref<250x40xi32, #tpu.memory_space<vmem>>)
      tpu.yield
    }) : () -> ()
    %broadcast_in_dim3A = arith.constant 0.000000e+00 : f32
    %broadcast_in_dim3A_1 = vector.broadcast %broadcast_in_dim3A : f32 to vector<16xf32>
    %scan3A = arith.constant 0 : i32
    %scan3A_2 = arith.constant 0 : i32
    %scan3A_3 = arith.constant 40 : i32
    %scan3A_4 = arith.addi %scan3A_2, %scan3A_3 : i32
    %scan3A_5 = arith.constant 1 : i32
    %scan3A_6 = scf.for %scan3A_90 = %scan3A_2 to %scan3A_4 step %scan3A_5 iter_args(%scan3A_91 = %scan3A) -> (i32)  : i32 {
      %swap3A = arith.index_cast %scan3A_90 : i32 to index
      %swap3A_92 = arith.constant 0 : index
      %swap3A_93 = tpu.vector_load %arg13[%swap3A, %swap3A_92] {strides = array<i32>} : memref<40x128xf32, #tpu.memory_space<vmem>>, vector<1x16xf32>,
      %swap3A_94 = vector.shape_cast %swap3A_93 : vector<1x16xf32> to vector<16xf32>
      %swap3A_95 = vector.shape_cast %broadcast_in_dim3A_1 : vector<16xf32> to vector<1x16xf32>
      tpu.vector_store %arg13[%swap3A, %swap3A_92], %swap3A_95 {strides = array<i32>} : memref<40x128xf32, #tpu.memory_space<vmem>>, vector<1x16xf32>,
      %swap3A_96 = arith.index_cast %scan3A_90 : i32 to index
      %swap3A_97 = arith.constant 16 : index
      %swap3A_98 = tpu.vector_load %arg13[%swap3A_96, %swap3A_97] {strides = array<i32>} : memref<40x128xf32, #tpu.memory_space<vmem>>, vector<1x16xf32>,
      %swap3A_99 = vector.shape_cast %swap3A_98 : vector<1x16xf32> to vector<16xf32>
      %swap3A_100 = vector.shape_cast %broadcast_in_dim3A_1 : vector<16xf32> to vector<1x16xf32>
      tpu.vector_store %arg13[%swap3A_96, %swap3A_97], %swap3A_100 {strides = array<i32>} : memref<40x128xf32, #tpu.memory_space<vmem>>, vector<1x16xf32>,
      %swap3A_101 = arith.index_cast %scan3A_90 : i32 to index
      %swap3A_102 = arith.constant 32 : index
      %swap3A_103 = tpu.vector_load %arg13[%swap3A_101, %swap3A_102] {strides = array<i32>} : memref<40x128xf32, #tpu.memory_space<vmem>>, vector<1x16xf32>,
      %swap3A_104 = vector.shape_cast %swap3A_103 : vector<1x16xf32> to vector<16xf32>
      %swap3A_105 = vector.shape_cast %broadcast_in_dim3A_1 : vector<16xf32> to vector<1x16xf32>
      tpu.vector_store %arg13[%swap3A_101, %swap3A_102], %swap3A_105 {strides = array<i32>} : memref<40x128xf32, #tpu.memory_space<vmem>>, vector<1x16xf32>,
      %swap3A_106 = arith.index_cast %scan3A_90 : i32 to index
      %swap3A_107 = arith.constant 48 : index
      %swap3A_108 = tpu.vector_load %arg13[%swap3A_106, %swap3A_107] {strides = array<i32>} : memref<40x128xf32, #tpu.memory_space<vmem>>, vector<1x16xf32>,
      %swap3A_109 = vector.shape_cast %swap3A_108 : vector<1x16xf32> to vector<16xf32>
      %swap3A_110 = vector.shape_cast %broadcast_in_dim3A_1 : vector<16xf32> to vector<1x16xf32>
      tpu.vector_store %arg13[%swap3A_106, %swap3A_107], %swap3A_110 {strides = array<i32>} : memref<40x128xf32, #tpu.memory_space<vmem>>, vector<1x16xf32>,
      %swap3A_111 = arith.index_cast %scan3A_90 : i32 to index
      %swap3A_112 = arith.constant 64 : index
      %swap3A_113 = tpu.vector_load %arg13[%swap3A_111, %swap3A_112] {strides = array<i32>} : memref<40x128xf32, #tpu.memory_space<vmem>>, vector<1x16xf32>,
      %swap3A_114 = vector.shape_cast %swap3A_113 : vector<1x16xf32> to vector<16xf32>
      %swap3A_115 = vector.shape_cast %broadcast_in_dim3A_1 : vector<16xf32> to vector<1x16xf32>
      tpu.vector_store %arg13[%swap3A_111, %swap3A_112], %swap3A_115 {strides = array<i32>} : memref<40x128xf32, #tpu.memory_space<vmem>>, vector<1x16xf32>,
      %swap3A_116 = arith.index_cast %scan3A_90 : i32 to index
      %swap3A_117 = arith.constant 80 : index
      %swap3A_118 = tpu.vector_load %arg13[%swap3A_116, %swap3A_117] {strides = array<i32>} : memref<40x128xf32, #tpu.memory_space<vmem>>, vector<1x16xf32>,
      %swap3A_119 = vector.shape_cast %swap3A_118 : vector<1x16xf32> to vector<16xf32>
      %swap3A_120 = vector.shape_cast %broadcast_in_dim3A_1 : vector<16xf32> to vector<1x16xf32>
      tpu.vector_store %arg13[%swap3A_116, %swap3A_117], %swap3A_120 {strides = array<i32>} : memref<40x128xf32, #tpu.memory_space<vmem>>, vector<1x16xf32>,
      %swap3A_121 = arith.index_cast %scan3A_90 : i32 to index
      %swap3A_122 = arith.constant 96 : index
      %swap3A_123 = tpu.vector_load %arg13[%swap3A_121, %swap3A_122] {strides = array<i32>} : memref<40x128xf32, #tpu.memory_space<vmem>>, vector<1x16xf32>,
      %swap3A_124 = vector.shape_cast %swap3A_123 : vector<1x16xf32> to vector<16xf32>
      %swap3A_125 = vector.shape_cast %broadcast_in_dim3A_1 : vector<16xf32> to vector<1x16xf32>
      tpu.vector_store %arg13[%swap3A_121, %swap3A_122], %swap3A_125 {strides = array<i32>} : memref<40x128xf32, #tpu.memory_space<vmem>>, vector<1x16xf32>,
      %swap3A_126 = arith.index_cast %scan3A_90 : i32 to index
      %swap3A_127 = arith.constant 112 : index
      %swap3A_128 = tpu.vector_load %arg13[%swap3A_126, %swap3A_127] {strides = array<i32>} : memref<40x128xf32, #tpu.memory_space<vmem>>, vector<1x16xf32>,
      %swap3A_129 = vector.shape_cast %swap3A_128 : vector<1x16xf32> to vector<16xf32>
      %swap3A_130 = vector.shape_cast %broadcast_in_dim3A_1 : vector<16xf32> to vector<1x16xf32>
      tpu.vector_store %arg13[%swap3A_126, %swap3A_127], %swap3A_130 {strides = array<i32>} : memref<40x128xf32, #tpu.memory_space<vmem>>, vector<1x16xf32>,
      %scan3A_131 = arith.constant 0 : i32
      scf.yield %scan3A_131 : i32
    }
    %scan3A_7 = arith.constant 40 : i32
    %mul3A_8 = arith.constant 625 : i32
    %mul3A_9 = arith.muli %arg1, %mul3A_8 : i32
    %add3A_10 = arith.constant 0 : i32
    %add3A_11 = arith.addi %mul3A_9, %add3A_10 : i32
    "tpu.region"() ({
      %run_scoped3A = tpu.sem_alloc : memref<!tpu.dma_semaphore, #tpu.memory_space<semaphore_mem>>
      %dma_start3A_90 = arith.constant 0 : i32
      %dma_start3A_91 = tpu.memref_slice %arg15[%add3A_11, %dma_start3A_90] : memref<10000x128xf32, #tpu.memory_space<vmem_shared>> -> memref<40x128xf32, #tpu.memory_space<vmem_shared>>
      %dma_start3A_92 = arith.constant 0 : i32
      %dma_start3A_93 = tpu.memref_slice %arg15[%add3A_11, %dma_start3A_92] : memref<10000x128xf32, #tpu.memory_space<vmem_shared>> -> memref<40x128xf32, #tpu.memory_space<vmem_shared>>
      tpu.enqueue_dma source(%arg13 : memref<40x128xf32, #tpu.memory_space<vmem>>) target(%dma_start3A_93 : memref<40x128xf32, #tpu.memory_space<vmem_shared>>) target_semaphore(%run_scoped3A : memref<!tpu.dma_semaphore, #tpu.memory_space<semaphore_mem>>)
      %dma_wait3A_94 = arith.constant 0 : i32
      %dma_wait3A_95 = tpu.memref_slice %arg15[%add3A_11, %dma_wait3A_94] : memref<10000x128xf32, #tpu.memory_space<vmem_shared>> -> memref<40x128xf32, #tpu.memory_space<vmem_shared>>
      %dma_wait3A_96 = arith.constant 0 : i32
      %dma_wait3A_97 = tpu.memref_slice %arg15[%add3A_11, %dma_wait3A_96] : memref<10000x128xf32, #tpu.memory_space<vmem_shared>> -> memref<40x128xf32, #tpu.memory_space<vmem_shared>>
      tpu.wait_dma2 semaphore(%run_scoped3A : memref<!tpu.dma_semaphore, #tpu.memory_space<semaphore_mem>>) src(%arg13 : memref<40x128xf32, #tpu.memory_space<vmem>>) dst(%dma_wait3A_97 : memref<40x128xf32, #tpu.memory_space<vmem_shared>>)
      tpu.yield
    }) : () -> ()
    %add3A_12 = arith.constant 40 : i32
    %add3A_13 = arith.addi %mul3A_9, %add3A_12 : i32
    "tpu.region"() ({
      %run_scoped3A = tpu.sem_alloc : memref<!tpu.dma_semaphore, #tpu.memory_space<semaphore_mem>>
      %dma_start3A_90 = arith.constant 0 : i32
      %dma_start3A_91 = tpu.memref_slice %arg15[%add3A_13, %dma_start3A_90] : memref<10000x128xf32, #tpu.memory_space<vmem_shared>> -> memref<40x128xf32, #tpu.memory_space<vmem_shared>>
      %dma_start3A_92 = arith.constant 0 : i32
      %dma_start3A_93 = tpu.memref_slice %arg15[%add3A_13, %dma_start3A_92] : memref<10000x128xf32, #tpu.memory_space<vmem_shared>> -> memref<40x128xf32, #tpu.memory_space<vmem_shared>>
      tpu.enqueue_dma source(%arg13 : memref<40x128xf32, #tpu.memory_space<vmem>>) target(%dma_start3A_93 : memref<40x128xf32, #tpu.memory_space<vmem_shared>>) target_semaphore(%run_scoped3A : memref<!tpu.dma_semaphore, #tpu.memory_space<semaphore_mem>>)
      %dma_wait3A_94 = arith.constant 0 : i32
      %dma_wait3A_95 = tpu.memref_slice %arg15[%add3A_13, %dma_wait3A_94] : memref<10000x128xf32, #tpu.memory_space<vmem_shared>> -> memref<40x128xf32, #tpu.memory_space<vmem_shared>>
      %dma_wait3A_96 = arith.constant 0 : i32
      %dma_wait3A_97 = tpu.memref_slice %arg15[%add3A_13, %dma_wait3A_96] : memref<10000x128xf32, #tpu.memory_space<vmem_shared>> -> memref<40x128xf32, #tpu.memory_space<vmem_shared>>
      tpu.wait_dma2 semaphore(%run_scoped3A : memref<!tpu.dma_semaphore, #tpu.memory_space<semaphore_mem>>) src(%arg13 : memref<40x128xf32, #tpu.memory_space<vmem>>) dst(%dma_wait3A_97 : memref<40x128xf32, #tpu.memory_space<vmem_shared>>)
      tpu.yield
    }) : () -> ()
    %add3A_14 = arith.constant 80 : i32
    %add3A_15 = arith.addi %mul3A_9, %add3A_14 : i32
    "tpu.region"() ({
      %run_scoped3A = tpu.sem_alloc : memref<!tpu.dma_semaphore, #tpu.memory_space<semaphore_mem>>
      %dma_start3A_90 = arith.constant 0 : i32
      %dma_start3A_91 = tpu.memref_slice %arg15[%add3A_15, %dma_start3A_90] : memref<10000x128xf32, #tpu.memory_space<vmem_shared>> -> memref<40x128xf32, #tpu.memory_space<vmem_shared>>
      %dma_start3A_92 = arith.constant 0 : i32
      %dma_start3A_93 = tpu.memref_slice %arg15[%add3A_15, %dma_start3A_92] : memref<10000x128xf32, #tpu.memory_space<vmem_shared>> -> memref<40x128xf32, #tpu.memory_space<vmem_shared>>
      tpu.enqueue_dma source(%arg13 : memref<40x128xf32, #tpu.memory_space<vmem>>) target(%dma_start3A_93 : memref<40x128xf32, #tpu.memory_space<vmem_shared>>) target_semaphore(%run_scoped3A : memref<!tpu.dma_semaphore, #tpu.memory_space<semaphore_mem>>)
      %dma_wait3A_94 = arith.constant 0 : i32
      %dma_wait3A_95 = tpu.memref_slice %arg15[%add3A_15, %dma_wait3A_94] : memref<10000x128xf32, #tpu.memory_space<vmem_shared>> -> memref<40x128xf32, #tpu.memory_space<vmem_shared>>
      %dma_wait3A_96 = arith.constant 0 : i32
      %dma_wait3A_97 = tpu.memref_slice %arg15[%add3A_15, %dma_wait3A_96] : memref<10000x128xf32, #tpu.memory_space<vmem_shared>> -> memref<40x128xf32, #tpu.memory_space<vmem_shared>>
      tpu.wait_dma2 semaphore(%run_scoped3A : memref<!tpu.dma_semaphore, #tpu.memory_space<semaphore_mem>>) src(%arg13 : memref<40x128xf32, #tpu.memory_space<vmem>>) dst(%dma_wait3A_97 : memref<40x128xf32, #tpu.memory_space<vmem_shared>>)
      tpu.yield
    }) : () -> ()
    %add3A_16 = arith.constant 120 : i32
    %add3A_17 = arith.addi %mul3A_9, %add3A_16 : i32
    "tpu.region"() ({
      %run_scoped3A = tpu.sem_alloc : memref<!tpu.dma_semaphore, #tpu.memory_space<semaphore_mem>>
      %dma_start3A_90 = arith.constant 0 : i32
      %dma_start3A_91 = tpu.memref_slice %arg15[%add3A_17, %dma_start3A_90] : memref<10000x128xf32, #tpu.memory_space<vmem_shared>> -> memref<40x128xf32, #tpu.memory_space<vmem_shared>>
      %dma_start3A_92 = arith.constant 0 : i32
      %dma_start3A_93 = tpu.memref_slice %arg15[%add3A_17, %dma_start3A_92] : memref<10000x128xf32, #tpu.memory_space<vmem_shared>> -> memref<40x128xf32, #tpu.memory_space<vmem_shared>>
      tpu.enqueue_dma source(%arg13 : memref<40x128xf32, #tpu.memory_space<vmem>>) target(%dma_start3A_93 : memref<40x128xf32, #tpu.memory_space<vmem_shared>>) target_semaphore(%run_scoped3A : memref<!tpu.dma_semaphore, #tpu.memory_space<semaphore_mem>>)
      %dma_wait3A_94 = arith.constant 0 : i32
      %dma_wait3A_95 = tpu.memref_slice %arg15[%add3A_17, %dma_wait3A_94] : memref<10000x128xf32, #tpu.memory_space<vmem_shared>> -> memref<40x128xf32, #tpu.memory_space<vmem_shared>>
      %dma_wait3A_96 = arith.constant 0 : i32
      %dma_wait3A_97 = tpu.memref_slice %arg15[%add3A_17, %dma_wait3A_96] : memref<10000x128xf32, #tpu.memory_space<vmem_shared>> -> memref<40x128xf32, #tpu.memory_space<vmem_shared>>
      tpu.wait_dma2 semaphore(%run_scoped3A : memref<!tpu.dma_semaphore, #tpu.memory_space<semaphore_mem>>) src(%arg13 : memref<40x128xf32, #tpu.memory_space<vmem>>) dst(%dma_wait3A_97 : memref<40x128xf32, #tpu.memory_space<vmem_shared>>)
      tpu.yield
    }) : () -> ()
    %add3A_18 = arith.constant 160 : i32
    %add3A_19 = arith.addi %mul3A_9, %add3A_18 : i32
    "tpu.region"() ({
      %run_scoped3A = tpu.sem_alloc : memref<!tpu.dma_semaphore, #tpu.memory_space<semaphore_mem>>
      %dma_start3A_90 = arith.constant 0 : i32
      %dma_start3A_91 = tpu.memref_slice %arg15[%add3A_19, %dma_start3A_90] : memref<10000x128xf32, #tpu.memory_space<vmem_shared>> -> memref<40x128xf32, #tpu.memory_space<vmem_shared>>
      %dma_start3A_92 = arith.constant 0 : i32
      %dma_start3A_93 = tpu.memref_slice %arg15[%add3A_19, %dma_start3A_92] : memref<10000x128xf32, #tpu.memory_space<vmem_shared>> -> memref<40x128xf32, #tpu.memory_space<vmem_shared>>
      tpu.enqueue_dma source(%arg13 : memref<40x128xf32, #tpu.memory_space<vmem>>) target(%dma_start3A_93 : memref<40x128xf32, #tpu.memory_space<vmem_shared>>) target_semaphore(%run_scoped3A : memref<!tpu.dma_semaphore, #tpu.memory_space<semaphore_mem>>)
      %dma_wait3A_94 = arith.constant 0 : i32
      %dma_wait3A_95 = tpu.memref_slice %arg15[%add3A_19, %dma_wait3A_94] : memref<10000x128xf32, #tpu.memory_space<vmem_shared>> -> memref<40x128xf32, #tpu.memory_space<vmem_shared>>
      %dma_wait3A_96 = arith.constant 0 : i32
      %dma_wait3A_97 = tpu.memref_slice %arg15[%add3A_19, %dma_wait3A_96] : memref<10000x128xf32, #tpu.memory_space<vmem_shared>> -> memref<40x128xf32, #tpu.memory_space<vmem_shared>>
      tpu.wait_dma2 semaphore(%run_scoped3A : memref<!tpu.dma_semaphore, #tpu.memory_space<semaphore_mem>>) src(%arg13 : memref<40x128xf32, #tpu.memory_space<vmem>>) dst(%dma_wait3A_97 : memref<40x128xf32, #tpu.memory_space<vmem_shared>>)
      tpu.yield
    }) : () -> ()
    %add3A_20 = arith.constant 200 : i32
    %add3A_21 = arith.addi %mul3A_9, %add3A_20 : i32
    "tpu.region"() ({
      %run_scoped3A = tpu.sem_alloc : memref<!tpu.dma_semaphore, #tpu.memory_space<semaphore_mem>>
      %dma_start3A_90 = arith.constant 0 : i32
      %dma_start3A_91 = tpu.memref_slice %arg15[%add3A_21, %dma_start3A_90] : memref<10000x128xf32, #tpu.memory_space<vmem_shared>> -> memref<40x128xf32, #tpu.memory_space<vmem_shared>>
      %dma_start3A_92 = arith.constant 0 : i32
      %dma_start3A_93 = tpu.memref_slice %arg15[%add3A_21, %dma_start3A_92] : memref<10000x128xf32, #tpu.memory_space<vmem_shared>> -> memref<40x128xf32, #tpu.memory_space<vmem_shared>>
      tpu.enqueue_dma source(%arg13 : memref<40x128xf32, #tpu.memory_space<vmem>>) target(%dma_start3A_93 : memref<40x128xf32, #tpu.memory_space<vmem_shared>>) target_semaphore(%run_scoped3A : memref<!tpu.dma_semaphore, #tpu.memory_space<semaphore_mem>>)
      %dma_wait3A_94 = arith.constant 0 : i32
      %dma_wait3A_95 = tpu.memref_slice %arg15[%add3A_21, %dma_wait3A_94] : memref<10000x128xf32, #tpu.memory_space<vmem_shared>> -> memref<40x128xf32, #tpu.memory_space<vmem_shared>>
      %dma_wait3A_96 = arith.constant 0 : i32
      %dma_wait3A_97 = tpu.memref_slice %arg15[%add3A_21, %dma_wait3A_96] : memref<10000x128xf32, #tpu.memory_space<vmem_shared>> -> memref<40x128xf32, #tpu.memory_space<vmem_shared>>
      tpu.wait_dma2 semaphore(%run_scoped3A : memref<!tpu.dma_semaphore, #tpu.memory_space<semaphore_mem>>) src(%arg13 : memref<40x128xf32, #tpu.memory_space<vmem>>) dst(%dma_wait3A_97 : memref<40x128xf32, #tpu.memory_space<vmem_shared>>)
      tpu.yield
    }) : () -> ()
    %add3A_22 = arith.constant 240 : i32
    %add3A_23 = arith.addi %mul3A_9, %add3A_22 : i32
    "tpu.region"() ({
      %run_scoped3A = tpu.sem_alloc : memref<!tpu.dma_semaphore, #tpu.memory_space<semaphore_mem>>
      %dma_start3A_90 = arith.constant 0 : i32
      %dma_start3A_91 = tpu.memref_slice %arg15[%add3A_23, %dma_start3A_90] : memref<10000x128xf32, #tpu.memory_space<vmem_shared>> -> memref<40x128xf32, #tpu.memory_space<vmem_shared>>
      %dma_start3A_92 = arith.constant 0 : i32
      %dma_start3A_93 = tpu.memref_slice %arg15[%add3A_23, %dma_start3A_92] : memref<10000x128xf32, #tpu.memory_space<vmem_shared>> -> memref<40x128xf32, #tpu.memory_space<vmem_shared>>
      tpu.enqueue_dma source(%arg13 : memref<40x128xf32, #tpu.memory_space<vmem>>) target(%dma_start3A_93 : memref<40x128xf32, #tpu.memory_space<vmem_shared>>) target_semaphore(%run_scoped3A : memref<!tpu.dma_semaphore, #tpu.memory_space<semaphore_mem>>)
      %dma_wait3A_94 = arith.constant 0 : i32
      %dma_wait3A_95 = tpu.memref_slice %arg15[%add3A_23, %dma_wait3A_94] : memref<10000x128xf32, #tpu.memory_space<vmem_shared>> -> memref<40x128xf32, #tpu.memory_space<vmem_shared>>
      %dma_wait3A_96 = arith.constant 0 : i32
      %dma_wait3A_97 = tpu.memref_slice %arg15[%add3A_23, %dma_wait3A_96] : memref<10000x128xf32, #tpu.memory_space<vmem_shared>> -> memref<40x128xf32, #tpu.memory_space<vmem_shared>>
      tpu.wait_dma2 semaphore(%run_scoped3A : memref<!tpu.dma_semaphore, #tpu.memory_space<semaphore_mem>>) src(%arg13 : memref<40x128xf32, #tpu.memory_space<vmem>>) dst(%dma_wait3A_97 : memref<40x128xf32, #tpu.memory_space<vmem_shared>>)
      tpu.yield
    }) : () -> ()
    %add3A_24 = arith.constant 280 : i32
    %add3A_25 = arith.addi %mul3A_9, %add3A_24 : i32
    "tpu.region"() ({
      %run_scoped3A = tpu.sem_alloc : memref<!tpu.dma_semaphore, #tpu.memory_space<semaphore_mem>>
      %dma_start3A_90 = arith.constant 0 : i32
      %dma_start3A_91 = tpu.memref_slice %arg15[%add3A_25, %dma_start3A_90] : memref<10000x128xf32, #tpu.memory_space<vmem_shared>> -> memref<40x128xf32, #tpu.memory_space<vmem_shared>>
      %dma_start3A_92 = arith.constant 0 : i32
      %dma_start3A_93 = tpu.memref_slice %arg15[%add3A_25, %dma_start3A_92] : memref<10000x128xf32, #tpu.memory_space<vmem_shared>> -> memref<40x128xf32, #tpu.memory_space<vmem_shared>>
      tpu.enqueue_dma source(%arg13 : memref<40x128xf32, #tpu.memory_space<vmem>>) target(%dma_start3A_93 : memref<40x128xf32, #tpu.memory_space<vmem_shared>>) target_semaphore(%run_scoped3A : memref<!tpu.dma_semaphore, #tpu.memory_space<semaphore_mem>>)
      %dma_wait3A_94 = arith.constant 0 : i32
      %dma_wait3A_95 = tpu.memref_slice %arg15[%add3A_25, %dma_wait3A_94] : memref<10000x128xf32, #tpu.memory_space<vmem_shared>> -> memref<40x128xf32, #tpu.memory_space<vmem_shared>>
      %dma_wait3A_96 = arith.constant 0 : i32
      %dma_wait3A_97 = tpu.memref_slice %arg15[%add3A_25, %dma_wait3A_96] : memref<10000x128xf32, #tpu.memory_space<vmem_shared>> -> memref<40x128xf32, #tpu.memory_space<vmem_shared>>
      tpu.wait_dma2 semaphore(%run_scoped3A : memref<!tpu.dma_semaphore, #tpu.memory_space<semaphore_mem>>) src(%arg13 : memref<40x128xf32, #tpu.memory_space<vmem>>) dst(%dma_wait3A_97 : memref<40x128xf32, #tpu.memory_space<vmem_shared>>)
      tpu.yield
    }) : () -> ()
    %add3A_26 = arith.constant 320 : i32
    %add3A_27 = arith.addi %mul3A_9, %add3A_26 : i32
    "tpu.region"() ({
      %run_scoped3A = tpu.sem_alloc : memref<!tpu.dma_semaphore, #tpu.memory_space<semaphore_mem>>
      %dma_start3A_90 = arith.constant 0 : i32
      %dma_start3A_91 = tpu.memref_slice %arg15[%add3A_27, %dma_start3A_90] : memref<10000x128xf32, #tpu.memory_space<vmem_shared>> -> memref<40x128xf32, #tpu.memory_space<vmem_shared>>
      %dma_start3A_92 = arith.constant 0 : i32
      %dma_start3A_93 = tpu.memref_slice %arg15[%add3A_27, %dma_start3A_92] : memref<10000x128xf32, #tpu.memory_space<vmem_shared>> -> memref<40x128xf32, #tpu.memory_space<vmem_shared>>
      tpu.enqueue_dma source(%arg13 : memref<40x128xf32, #tpu.memory_space<vmem>>) target(%dma_start3A_93 : memref<40x128xf32, #tpu.memory_space<vmem_shared>>) target_semaphore(%run_scoped3A : memref<!tpu.dma_semaphore, #tpu.memory_space<semaphore_mem>>)
      %dma_wait3A_94 = arith.constant 0 : i32
      %dma_wait3A_95 = tpu.memref_slice %arg15[%add3A_27, %dma_wait3A_94] : memref<10000x128xf32, #tpu.memory_space<vmem_shared>> -> memref<40x128xf32, #tpu.memory_space<vmem_shared>>
      %dma_wait3A_96 = arith.constant 0 : i32
      %dma_wait3A_97 = tpu.memref_slice %arg15[%add3A_27, %dma_wait3A_96] : memref<10000x128xf32, #tpu.memory_space<vmem_shared>> -> memref<40x128xf32, #tpu.memory_space<vmem_shared>>
      tpu.wait_dma2 semaphore(%run_scoped3A : memref<!tpu.dma_semaphore, #tpu.memory_space<semaphore_mem>>) src(%arg13 : memref<40x128xf32, #tpu.memory_space<vmem>>) dst(%dma_wait3A_97 : memref<40x128xf32, #tpu.memory_space<vmem_shared>>)
      tpu.yield
    }) : () -> ()
    %add3A_28 = arith.constant 360 : i32
    %add3A_29 = arith.addi %mul3A_9, %add3A_28 : i32
    "tpu.region"() ({
      %run_scoped3A = tpu.sem_alloc : memref<!tpu.dma_semaphore, #tpu.memory_space<semaphore_mem>>
      %dma_start3A_90 = arith.constant 0 : i32
      %dma_start3A_91 = tpu.memref_slice %arg15[%add3A_29, %dma_start3A_90] : memref<10000x128xf32, #tpu.memory_space<vmem_shared>> -> memref<40x128xf32, #tpu.memory_space<vmem_shared>>
      %dma_start3A_92 = arith.constant 0 : i32
      %dma_start3A_93 = tpu.memref_slice %arg15[%add3A_29, %dma_start3A_92] : memref<10000x128xf32, #tpu.memory_space<vmem_shared>> -> memref<40x128xf32, #tpu.memory_space<vmem_shared>>
      tpu.enqueue_dma source(%arg13 : memref<40x128xf32, #tpu.memory_space<vmem>>) target(%dma_start3A_93 : memref<40x128xf32, #tpu.memory_space<vmem_shared>>) target_semaphore(%run_scoped3A : memref<!tpu.dma_semaphore, #tpu.memory_space<semaphore_mem>>)
      %dma_wait3A_94 = arith.constant 0 : i32
      %dma_wait3A_95 = tpu.memref_slice %arg15[%add3A_29, %dma_wait3A_94] : memref<10000x128xf32, #tpu.memory_space<vmem_shared>> -> memref<40x128xf32, #tpu.memory_space<vmem_shared>>
      %dma_wait3A_96 = arith.constant 0 : i32
      %dma_wait3A_97 = tpu.memref_slice %arg15[%add3A_29, %dma_wait3A_96] : memref<10000x128xf32, #tpu.memory_space<vmem_shared>> -> memref<40x128xf32, #tpu.memory_space<vmem_shared>>
      tpu.wait_dma2 semaphore(%run_scoped3A : memref<!tpu.dma_semaphore, #tpu.memory_space<semaphore_mem>>) src(%arg13 : memref<40x128xf32, #tpu.memory_space<vmem>>) dst(%dma_wait3A_97 : memref<40x128xf32, #tpu.memory_space<vmem_shared>>)
      tpu.yield
    }) : () -> ()
    %add3A_30 = arith.constant 400 : i32
    %add3A_31 = arith.addi %mul3A_9, %add3A_30 : i32
    "tpu.region"() ({
      %run_scoped3A = tpu.sem_alloc : memref<!tpu.dma_semaphore, #tpu.memory_space<semaphore_mem>>
      %dma_start3A_90 = arith.constant 0 : i32
      %dma_start3A_91 = tpu.memref_slice %arg15[%add3A_31, %dma_start3A_90] : memref<10000x128xf32, #tpu.memory_space<vmem_shared>> -> memref<40x128xf32, #tpu.memory_space<vmem_shared>>
      %dma_start3A_92 = arith.constant 0 : i32
      %dma_start3A_93 = tpu.memref_slice %arg15[%add3A_31, %dma_start3A_92] : memref<10000x128xf32, #tpu.memory_space<vmem_shared>> -> memref<40x128xf32, #tpu.memory_space<vmem_shared>>
      tpu.enqueue_dma source(%arg13 : memref<40x128xf32, #tpu.memory_space<vmem>>) target(%dma_start3A_93 : memref<40x128xf32, #tpu.memory_space<vmem_shared>>) target_semaphore(%run_scoped3A : memref<!tpu.dma_semaphore, #tpu.memory_space<semaphore_mem>>)
      %dma_wait3A_94 = arith.constant 0 : i32
      %dma_wait3A_95 = tpu.memref_slice %arg15[%add3A_31, %dma_wait3A_94] : memref<10000x128xf32, #tpu.memory_space<vmem_shared>> -> memref<40x128xf32, #tpu.memory_space<vmem_shared>>
      %dma_wait3A_96 = arith.constant 0 : i32
      %dma_wait3A_97 = tpu.memref_slice %arg15[%add3A_31, %dma_wait3A_96] : memref<10000x128xf32, #tpu.memory_space<vmem_shared>> -> memref<40x128xf32, #tpu.memory_space<vmem_shared>>
      tpu.wait_dma2 semaphore(%run_scoped3A : memref<!tpu.dma_semaphore, #tpu.memory_space<semaphore_mem>>) src(%arg13 : memref<40x128xf32, #tpu.memory_space<vmem>>) dst(%dma_wait3A_97 : memref<40x128xf32, #tpu.memory_space<vmem_shared>>)
      tpu.yield
    }) : () -> ()
    %add3A_32 = arith.constant 440 : i32
    %add3A_33 = arith.addi %mul3A_9, %add3A_32 : i32
    "tpu.region"() ({
      %run_scoped3A = tpu.sem_alloc : memref<!tpu.dma_semaphore, #tpu.memory_space<semaphore_mem>>
      %dma_start3A_90 = arith.constant 0 : i32
      %dma_start3A_91 = tpu.memref_slice %arg15[%add3A_33, %dma_start3A_90] : memref<10000x128xf32, #tpu.memory_space<vmem_shared>> -> memref<40x128xf32, #tpu.memory_space<vmem_shared>>
      %dma_start3A_92 = arith.constant 0 : i32
      %dma_start3A_93 = tpu.memref_slice %arg15[%add3A_33, %dma_start3A_92] : memref<10000x128xf32, #tpu.memory_space<vmem_shared>> -> memref<40x128xf32, #tpu.memory_space<vmem_shared>>
      tpu.enqueue_dma source(%arg13 : memref<40x128xf32, #tpu.memory_space<vmem>>) target(%dma_start3A_93 : memref<40x128xf32, #tpu.memory_space<vmem_shared>>) target_semaphore(%run_scoped3A : memref<!tpu.dma_semaphore, #tpu.memory_space<semaphore_mem>>)
      %dma_wait3A_94 = arith.constant 0 : i32
      %dma_wait3A_95 = tpu.memref_slice %arg15[%add3A_33, %dma_wait3A_94] : memref<10000x128xf32, #tpu.memory_space<vmem_shared>> -> memref<40x128xf32, #tpu.memory_space<vmem_shared>>
      %dma_wait3A_96 = arith.constant 0 : i32
      %dma_wait3A_97 = tpu.memref_slice %arg15[%add3A_33, %dma_wait3A_96] : memref<10000x128xf32, #tpu.memory_space<vmem_shared>> -> memref<40x128xf32, #tpu.memory_space<vmem_shared>>
      tpu.wait_dma2 semaphore(%run_scoped3A : memref<!tpu.dma_semaphore, #tpu.memory_space<semaphore_mem>>) src(%arg13 : memref<40x128xf32, #tpu.memory_space<vmem>>) dst(%dma_wait3A_97 : memref<40x128xf32, #tpu.memory_space<vmem_shared>>)
      tpu.yield
    }) : () -> ()
    %add3A_34 = arith.constant 480 : i32
    %add3A_35 = arith.addi %mul3A_9, %add3A_34 : i32
    "tpu.region"() ({
      %run_scoped3A = tpu.sem_alloc : memref<!tpu.dma_semaphore, #tpu.memory_space<semaphore_mem>>
      %dma_start3A_90 = arith.constant 0 : i32
      %dma_start3A_91 = tpu.memref_slice %arg15[%add3A_35, %dma_start3A_90] : memref<10000x128xf32, #tpu.memory_space<vmem_shared>> -> memref<40x128xf32, #tpu.memory_space<vmem_shared>>
      %dma_start3A_92 = arith.constant 0 : i32
      %dma_start3A_93 = tpu.memref_slice %arg15[%add3A_35, %dma_start3A_92] : memref<10000x128xf32, #tpu.memory_space<vmem_shared>> -> memref<40x128xf32, #tpu.memory_space<vmem_shared>>
      tpu.enqueue_dma source(%arg13 : memref<40x128xf32, #tpu.memory_space<vmem>>) target(%dma_start3A_93 : memref<40x128xf32, #tpu.memory_space<vmem_shared>>) target_semaphore(%run_scoped3A : memref<!tpu.dma_semaphore, #tpu.memory_space<semaphore_mem>>)
      %dma_wait3A_94 = arith.constant 0 : i32
      %dma_wait3A_95 = tpu.memref_slice %arg15[%add3A_35, %dma_wait3A_94] : memref<10000x128xf32, #tpu.memory_space<vmem_shared>> -> memref<40x128xf32, #tpu.memory_space<vmem_shared>>
      %dma_wait3A_96 = arith.constant 0 : i32
      %dma_wait3A_97 = tpu.memref_slice %arg15[%add3A_35, %dma_wait3A_96] : memref<10000x128xf32, #tpu.memory_space<vmem_shared>> -> memref<40x128xf32, #tpu.memory_space<vmem_shared>>
      tpu.wait_dma2 semaphore(%run_scoped3A : memref<!tpu.dma_semaphore, #tpu.memory_space<semaphore_mem>>) src(%arg13 : memref<40x128xf32, #tpu.memory_space<vmem>>) dst(%dma_wait3A_97 : memref<40x128xf32, #tpu.memory_space<vmem_shared>>)
      tpu.yield
    }) : () -> ()
    %add3A_36 = arith.constant 520 : i32
    %add3A_37 = arith.addi %mul3A_9, %add3A_36 : i32
    "tpu.region"() ({
      %run_scoped3A = tpu.sem_alloc : memref<!tpu.dma_semaphore, #tpu.memory_space<semaphore_mem>>
      %dma_start3A_90 = arith.constant 0 : i32
      %dma_start3A_91 = tpu.memref_slice %arg15[%add3A_37, %dma_start3A_90] : memref<10000x128xf32, #tpu.memory_space<vmem_shared>> -> memref<40x128xf32, #tpu.memory_space<vmem_shared>>
      %dma_start3A_92 = arith.constant 0 : i32
      %dma_start3A_93 = tpu.memref_slice %arg15[%add3A_37, %dma_start3A_92] : memref<10000x128xf32, #tpu.memory_space<vmem_shared>> -> memref<40x128xf32, #tpu.memory_space<vmem_shared>>
      tpu.enqueue_dma source(%arg13 : memref<40x128xf32, #tpu.memory_space<vmem>>) target(%dma_start3A_93 : memref<40x128xf32, #tpu.memory_space<vmem_shared>>) target_semaphore(%run_scoped3A : memref<!tpu.dma_semaphore, #tpu.memory_space<semaphore_mem>>)
      %dma_wait3A_94 = arith.constant 0 : i32
      %dma_wait3A_95 = tpu.memref_slice %arg15[%add3A_37, %dma_wait3A_94] : memref<10000x128xf32, #tpu.memory_space<vmem_shared>> -> memref<40x128xf32, #tpu.memory_space<vmem_shared>>
      %dma_wait3A_96 = arith.constant 0 : i32
      %dma_wait3A_97 = tpu.memref_slice %arg15[%add3A_37, %dma_wait3A_96] : memref<10000x128xf32, #tpu.memory_space<vmem_shared>> -> memref<40x128xf32, #tpu.memory_space<vmem_shared>>
      tpu.wait_dma2 semaphore(%run_scoped3A : memref<!tpu.dma_semaphore, #tpu.memory_space<semaphore_mem>>) src(%arg13 : memref<40x128xf32, #tpu.memory_space<vmem>>) dst(%dma_wait3A_97 : memref<40x128xf32, #tpu.memory_space<vmem_shared>>)
      tpu.yield
    }) : () -> ()
    %add3A_38 = arith.constant 560 : i32
    %add3A_39 = arith.addi %mul3A_9, %add3A_38 : i32
    "tpu.region"() ({
      %run_scoped3A = tpu.sem_alloc : memref<!tpu.dma_semaphore, #tpu.memory_space<semaphore_mem>>
      %dma_start3A_90 = arith.constant 0 : i32
      %dma_start3A_91 = tpu.memref_slice %arg15[%add3A_39, %dma_start3A_90] : memref<10000x128xf32, #tpu.memory_space<vmem_shared>> -> memref<40x128xf32, #tpu.memory_space<vmem_shared>>
      %dma_start3A_92 = arith.constant 0 : i32
      %dma_start3A_93 = tpu.memref_slice %arg15[%add3A_39, %dma_start3A_92] : memref<10000x128xf32, #tpu.memory_space<vmem_shared>> -> memref<40x128xf32, #tpu.memory_space<vmem_shared>>
      tpu.enqueue_dma source(%arg13 : memref<40x128xf32, #tpu.memory_space<vmem>>) target(%dma_start3A_93 : memref<40x128xf32, #tpu.memory_space<vmem_shared>>) target_semaphore(%run_scoped3A : memref<!tpu.dma_semaphore, #tpu.memory_space<semaphore_mem>>)
      %dma_wait3A_94 = arith.constant 0 : i32
      %dma_wait3A_95 = tpu.memref_slice %arg15[%add3A_39, %dma_wait3A_94] : memref<10000x128xf32, #tpu.memory_space<vmem_shared>> -> memref<40x128xf32, #tpu.memory_space<vmem_shared>>
      %dma_wait3A_96 = arith.constant 0 : i32
      %dma_wait3A_97 = tpu.memref_slice %arg15[%add3A_39, %dma_wait3A_96] : memref<10000x128xf32, #tpu.memory_space<vmem_shared>> -> memref<40x128xf32, #tpu.memory_space<vmem_shared>>
      tpu.wait_dma2 semaphore(%run_scoped3A : memref<!tpu.dma_semaphore, #tpu.memory_space<semaphore_mem>>) src(%arg13 : memref<40x128xf32, #tpu.memory_space<vmem>>) dst(%dma_wait3A_97 : memref<40x128xf32, #tpu.memory_space<vmem_shared>>)
      tpu.yield
    }) : () -> ()
    %add3A_40 = arith.constant 600 : i32
    %add3A_41 = arith.addi %mul3A_9, %add3A_40 : i32
    "tpu.region"() ({
      %run_scoped3A = tpu.sem_alloc : memref<!tpu.dma_semaphore, #tpu.memory_space<semaphore_mem>>
      %dma_start3A_90 = arith.constant 0 : i32
      %dma_start3A_91 = arith.constant 0 : i32
      %dma_start3A_92 = tpu.memref_slice %arg13[%dma_start3A_90, %dma_start3A_91] : memref<40x128xf32, #tpu.memory_space<vmem>> -> memref<25x128xf32, #tpu.memory_space<vmem>>
      %dma_start3A_93 = arith.constant 0 : i32
      %dma_start3A_94 = tpu.memref_slice %arg15[%add3A_41, %dma_start3A_93] : memref<10000x128xf32, #tpu.memory_space<vmem_shared>> -> memref<25x128xf32, #tpu.memory_space<vmem_shared>>
      %dma_start3A_95 = arith.constant 0 : i32
      %dma_start3A_96 = tpu.memref_slice %arg15[%add3A_41, %dma_start3A_95] : memref<10000x128xf32, #tpu.memory_space<vmem_shared>> -> memref<25x128xf32, #tpu.memory_space<vmem_shared>>
      %dma_start3A_97 = arith.constant 0 : i32
      %dma_start3A_98 = arith.constant 0 : i32
      %dma_start3A_99 = tpu.memref_slice %arg13[%dma_start3A_97, %dma_start3A_98] : memref<40x128xf32, #tpu.memory_space<vmem>> -> memref<25x128xf32, #tpu.memory_space<vmem>>
      tpu.enqueue_dma source(%dma_start3A_99 : memref<25x128xf32, #tpu.memory_space<vmem>>) target(%dma_start3A_96 : memref<25x128xf32, #tpu.memory_space<vmem_shared>>) target_semaphore(%run_scoped3A : memref<!tpu.dma_semaphore, #tpu.memory_space<semaphore_mem>>)
      %dma_wait3A_100 = arith.constant 0 : i32
      %dma_wait3A_101 = arith.constant 0 : i32
      %dma_wait3A_102 = tpu.memref_slice %arg13[%dma_wait3A_100, %dma_wait3A_101] : memref<40x128xf32, #tpu.memory_space<vmem>> -> memref<25x128xf32, #tpu.memory_space<vmem>>
      %dma_wait3A_103 = arith.constant 0 : i32
      %dma_wait3A_104 = tpu.memref_slice %arg15[%add3A_41, %dma_wait3A_103] : memref<10000x128xf32, #tpu.memory_space<vmem_shared>> -> memref<25x128xf32, #tpu.memory_space<vmem_shared>>
      %dma_wait3A_105 = arith.constant 0 : i32
      %dma_wait3A_106 = tpu.memref_slice %arg15[%add3A_41, %dma_wait3A_105] : memref<10000x128xf32, #tpu.memory_space<vmem_shared>> -> memref<25x128xf32, #tpu.memory_space<vmem_shared>>
      %dma_wait3A_107 = arith.constant 0 : i32
      %dma_wait3A_108 = arith.constant 0 : i32
      %dma_wait3A_109 = tpu.memref_slice %arg13[%dma_wait3A_107, %dma_wait3A_108] : memref<40x128xf32, #tpu.memory_space<vmem>> -> memref<25x128xf32, #tpu.memory_space<vmem>>
      tpu.wait_dma2 semaphore(%run_scoped3A : memref<!tpu.dma_semaphore, #tpu.memory_space<semaphore_mem>>) src(%dma_wait3A_109 : memref<25x128xf32, #tpu.memory_space<vmem>>) dst(%dma_wait3A_106 : memref<25x128xf32, #tpu.memory_space<vmem_shared>>)
      tpu.yield
    }) : () -> ()
    %barrier3A = arith.constant 0 : index
    tpu.barrier barrier_id(%barrier3A)
    %dma_start3A = arith.constant 0 : i32
    %dma_start3A_42 = arith.constant 0 : i32
    %dma_start3A_43 = tpu.memref_slice %arg7[%dma_start3A, %dma_start3A_42] : memref<250x40xi32, #tpu.memory_space<vmem>> -> memref<1x40xi32, #tpu.memory_space<vmem>>
    %dma_start3A_44 = tpu.memref_squeeze %dma_start3A_43 : memref<1x40xi32, #tpu.memory_space<vmem>> -> memref<40xi32, #tpu.memory_space<vmem>>
    %dma_start3A_45 = arith.constant 0 : i32
    %dma_start3A_46 = arith.constant 0 : i32
    %dma_start3A_47 = tpu.memref_slice %arg2[%dma_start3A_45, %dma_start3A_46] : memref<10000x128xf32, #tpu.memory_space<hbm>> -> memref<10000x128xf32, #tpu.memory_space<hbm>>
    tpu.enqueue_indirect_dma source(%dma_start3A_47 : memref<10000x128xf32, #tpu.memory_space<hbm>>) target(%arg9 : memref<40x128xf32, #tpu.memory_space<vmem>>) offsets(%dma_start3A_44 : memref<40xi32, #tpu.memory_space<vmem>>) semaphore(%arg16 : memref<!tpu.dma_semaphore, #tpu.memory_space<semaphore_mem>>)
    %dma_start3A_48 = arith.constant 0 : i32
    %dma_start3A_49 = arith.constant 0 : i32
    %dma_start3A_50 = tpu.memref_slice %arg8[%dma_start3A_48, %dma_start3A_49] : memref<250x40xi32, #tpu.memory_space<vmem>> -> memref<1x40xi32, #tpu.memory_space<vmem>>
    %dma_start3A_51 = tpu.memref_squeeze %dma_start3A_50 : memref<1x40xi32, #tpu.memory_space<vmem>> -> memref<40xi32, #tpu.memory_space<vmem>>
    %dma_start3A_52 = arith.constant 0 : i32
    %dma_start3A_53 = arith.constant 0 : i32
    %dma_start3A_54 = tpu.memref_slice %arg3[%dma_start3A_52, %dma_start3A_53] : memref<10000x128xf32, #tpu.memory_space<hbm>> -> memref<10000x128xf32, #tpu.memory_space<hbm>>
    tpu.enqueue_indirect_dma source(%dma_start3A_54 : memref<10000x128xf32, #tpu.memory_space<hbm>>) target(%arg11 : memref<40x128xf32, #tpu.memory_space<vmem>>) offsets(%dma_start3A_51 : memref<40xi32, #tpu.memory_space<vmem>>) semaphore(%arg18 : memref<!tpu.dma_semaphore, #tpu.memory_space<semaphore_mem>>)
    %dma_start3A_55 = arith.constant 1 : i32
    %dma_start3A_56 = arith.constant 0 : i32
    %dma_start3A_57 = tpu.memref_slice %arg7[%dma_start3A_55, %dma_start3A_56] : memref<250x40xi32, #tpu.memory_space<vmem>> -> memref<1x40xi32, #tpu.memory_space<vmem>>
    %dma_start3A_58 = tpu.memref_squeeze %dma_start3A_57 : memref<1x40xi32, #tpu.memory_space<vmem>> -> memref<40xi32, #tpu.memory_space<vmem>>
    %dma_start3A_59 = arith.constant 0 : i32
    %dma_start3A_60 = arith.constant 0 : i32
    %dma_start3A_61 = tpu.memref_slice %arg2[%dma_start3A_59, %dma_start3A_60] : memref<10000x128xf32, #tpu.memory_space<hbm>> -> memref<10000x128xf32, #tpu.memory_space<hbm>>
    tpu.enqueue_indirect_dma source(%dma_start3A_61 : memref<10000x128xf32, #tpu.memory_space<hbm>>) target(%arg10 : memref<40x128xf32, #tpu.memory_space<vmem>>) offsets(%dma_start3A_58 : memref<40xi32, #tpu.memory_space<vmem>>) semaphore(%arg17 : memref<!tpu.dma_semaphore, #tpu.memory_space<semaphore_mem>>)
    %dma_start3A_62 = arith.constant 1 : i32
    %dma_start3A_63 = arith.constant 0 : i32
    %dma_start3A_64 = tpu.memref_slice %arg8[%dma_start3A_62, %dma_start3A_63] : memref<250x40xi32, #tpu.memory_space<vmem>> -> memref<1x40xi32, #tpu.memory_space<vmem>>
    %dma_start3A_65 = tpu.memref_squeeze %dma_start3A_64 : memref<1x40xi32, #tpu.memory_space<vmem>> -> memref<40xi32, #tpu.memory_space<vmem>>
    %dma_start3A_66 = arith.constant 0 : i32
    %dma_start3A_67 = arith.constant 0 : i32
    %dma_start3A_68 = tpu.memref_slice %arg3[%dma_start3A_66, %dma_start3A_67] : memref<10000x128xf32, #tpu.memory_space<hbm>> -> memref<10000x128xf32, #tpu.memory_space<hbm>>
    tpu.enqueue_indirect_dma source(%dma_start3A_68 : memref<10000x128xf32, #tpu.memory_space<hbm>>) target(%arg12 : memref<40x128xf32, #tpu.memory_space<vmem>>) offsets(%dma_start3A_65 : memref<40xi32, #tpu.memory_space<vmem>>) semaphore(%arg19 : memref<!tpu.dma_semaphore, #tpu.memory_space<semaphore_mem>>)
    %scan3A_69 = arith.constant 0 : i32
    %scan3A_70 = arith.constant 0 : i32
    %scan3A_71 = arith.constant 125 : i32
    %scan3A_72 = arith.addi %scan3A_70, %scan3A_71 : i32
    %scan3A_73 = arith.constant 1 : i32
    %scan3A_74 = scf.for %scan3A_90 = %scan3A_70 to %scan3A_72 step %scan3A_73 iter_args(%scan3A_91 = %scan3A_69) -> (i32)  : i32 {
      %mul3A_92 = arith.constant 2 : i32
      %mul3A_93 = arith.muli %mul3A_92, %scan3A_90 : i32
      %add3A_94 = arith.constant 0 : i32
      %add3A_95 = arith.addi %mul3A_93, %add3A_94 : i32
      %dma_wait3A_96 = arith.constant 0 : i32
      %dma_wait3A_97 = tpu.memref_slice %arg7[%add3A_95, %dma_wait3A_96] : memref<250x40xi32, #tpu.memory_space<vmem>> -> memref<1x40xi32, #tpu.memory_space<vmem>>
      %dma_wait3A_98 = tpu.memref_squeeze %dma_wait3A_97 : memref<1x40xi32, #tpu.memory_space<vmem>> -> memref<40xi32, #tpu.memory_space<vmem>>
      %dma_wait3A_99 = arith.constant 0 : i32
      %dma_wait3A_100 = arith.constant 0 : i32
      %dma_wait3A_101 = tpu.memref_slice %arg2[%dma_wait3A_99, %dma_wait3A_100] : memref<10000x128xf32, #tpu.memory_space<hbm>> -> memref<10000x128xf32, #tpu.memory_space<hbm>>
      tpu.wait_indirect_dma semaphore(%arg16 : memref<!tpu.dma_semaphore, #tpu.memory_space<semaphore_mem>>) src(%dma_wait3A_101 : memref<10000x128xf32, #tpu.memory_space<hbm>>) dst(%arg9 : memref<40x128xf32, #tpu.memory_space<vmem>>)
      %dma_wait3A_102 = arith.constant 0 : i32
      %dma_wait3A_103 = tpu.memref_slice %arg8[%add3A_95, %dma_wait3A_102] : memref<250x40xi32, #tpu.memory_space<vmem>> -> memref<1x40xi32, #tpu.memory_space<vmem>>
      %dma_wait3A_104 = tpu.memref_squeeze %dma_wait3A_103 : memref<1x40xi32, #tpu.memory_space<vmem>> -> memref<40xi32, #tpu.memory_space<vmem>>
      %dma_wait3A_105 = arith.constant 0 : i32
      %dma_wait3A_106 = arith.constant 0 : i32
      %dma_wait3A_107 = tpu.memref_slice %arg3[%dma_wait3A_105, %dma_wait3A_106] : memref<10000x128xf32, #tpu.memory_space<hbm>> -> memref<10000x128xf32, #tpu.memory_space<hbm>>
      tpu.wait_indirect_dma semaphore(%arg18 : memref<!tpu.dma_semaphore, #tpu.memory_space<semaphore_mem>>) src(%dma_wait3A_107 : memref<10000x128xf32, #tpu.memory_space<hbm>>) dst(%arg11 : memref<40x128xf32, #tpu.memory_space<vmem>>)
      %ge3A = arith.constant 2 : i32
      %ge3A_108 = arith.cmpi sge, %add3A_95, %ge3A : i32
      %convert_element_type3A = arith.extui %ge3A_108 : i1 to i32
      %cond3A = arith.constant 0 : i32
      %cond3A_109 = arith.cmpi ne, %convert_element_type3A, %cond3A : i32
      scf.if %cond3A_109 {
        %sub3A = arith.constant 2 : i32
        %sub3A_171 = arith.subi %add3A_95, %sub3A : i32
        %dma_wait3A_172 = arith.constant 0 : i32
        %dma_wait3A_173 = tpu.memref_slice %arg8[%sub3A_171, %dma_wait3A_172] : memref<250x40xi32, #tpu.memory_space<vmem>> -> memref<1x40xi32, #tpu.memory_space<vmem>>
        %dma_wait3A_174 = tpu.memref_squeeze %dma_wait3A_173 : memref<1x40xi32, #tpu.memory_space<vmem>> -> memref<40xi32, #tpu.memory_space<vmem>>
        %dma_wait3A_175 = arith.constant 0 : i32
        %dma_wait3A_176 = arith.constant 0 : i32
        %dma_wait3A_177 = tpu.memref_slice %arg15[%dma_wait3A_175, %dma_wait3A_176] : memref<10000x128xf32, #tpu.memory_space<vmem_shared>> -> memref<10000x128xf32, #tpu.memory_space<vmem_shared>>
        tpu.wait_indirect_dma semaphore(%arg20 : memref<!tpu.dma_semaphore, #tpu.memory_space<semaphore_mem>>) src(%arg13 : memref<40x128xf32, #tpu.memory_space<vmem>>) dst(%dma_wait3A_177 : memref<10000x128xf32, #tpu.memory_space<vmem_shared>>)
      } else {
      }
      %scan3A_110 = arith.constant 0 : i32
      %scan3A_111 = arith.constant 0 : i32
      %scan3A_112 = arith.constant 40 : i32
      %scan3A_113 = arith.addi %scan3A_111, %scan3A_112 : i32
      %scan3A_114 = arith.constant 1 : i32
      %scan3A_115 = scf.for %scan3A_171 = %scan3A_111 to %scan3A_113 step %scan3A_114 iter_args(%scan3A_172 = %scan3A_110) -> (i32)  : i32 {
        %get3A = arith.index_cast %scan3A_171 : i32 to index
        %get3A_173 = arith.constant 0 : index
        %get3A_174 = tpu.vector_load %arg9[%get3A, %get3A_173] {strides = array<i32>} : memref<40x128xf32, #tpu.memory_space<vmem>>, vector<1x16xf32>,
        %get3A_175 = vector.shape_cast %get3A_174 : vector<1x16xf32> to vector<16xf32>
        %get3A_176 = arith.index_cast %scan3A_171 : i32 to index
        %get3A_177 = arith.constant 0 : index
        %get3A_178 = tpu.vector_load %arg11[%get3A_176, %get3A_177] {strides = array<i32>} : memref<40x128xf32, #tpu.memory_space<vmem>>, vector<1x16xf32>,
        %get3A_179 = vector.shape_cast %get3A_178 : vector<1x16xf32> to vector<16xf32>
        %add3A_180 = arith.addf %get3A_175, %get3A_179 : vector<16xf32>
        %max3A = arith.constant 0.000000e+00 : f32
        %max3A_181 = vector.broadcast %max3A : f32 to vector<16xf32>
        %max3A_182 = arith.maximumf %add3A_180, %max3A_181 : vector<16xf32>
        %swap3A = arith.index_cast %scan3A_171 : i32 to index
        %swap3A_183 = arith.constant 0 : index
        %swap3A_184 = tpu.vector_load %arg13[%swap3A, %swap3A_183] {strides = array<i32>} : memref<40x128xf32, #tpu.memory_space<vmem>>, vector<1x16xf32>,
        %swap3A_185 = vector.shape_cast %swap3A_184 : vector<1x16xf32> to vector<16xf32>
        %swap3A_186 = vector.shape_cast %max3A_182 : vector<16xf32> to vector<1x16xf32>
        tpu.vector_store %arg13[%swap3A, %swap3A_183], %swap3A_186 {strides = array<i32>} : memref<40x128xf32, #tpu.memory_space<vmem>>, vector<1x16xf32>,
        %get3A_187 = arith.index_cast %scan3A_171 : i32 to index
        %get3A_188 = arith.constant 16 : index
        %get3A_189 = tpu.vector_load %arg9[%get3A_187, %get3A_188] {strides = array<i32>} : memref<40x128xf32, #tpu.memory_space<vmem>>, vector<1x16xf32>,
        %get3A_190 = vector.shape_cast %get3A_189 : vector<1x16xf32> to vector<16xf32>
        %get3A_191 = arith.index_cast %scan3A_171 : i32 to index
        %get3A_192 = arith.constant 16 : index
        %get3A_193 = tpu.vector_load %arg11[%get3A_191, %get3A_192] {strides = array<i32>} : memref<40x128xf32, #tpu.memory_space<vmem>>, vector<1x16xf32>,
        %get3A_194 = vector.shape_cast %get3A_193 : vector<1x16xf32> to vector<16xf32>
        %add3A_195 = arith.addf %get3A_190, %get3A_194 : vector<16xf32>
        %max3A_196 = arith.constant 0.000000e+00 : f32
        %max3A_197 = vector.broadcast %max3A_196 : f32 to vector<16xf32>
        %max3A_198 = arith.maximumf %add3A_195, %max3A_197 : vector<16xf32>
        %swap3A_199 = arith.index_cast %scan3A_171 : i32 to index
        %swap3A_200 = arith.constant 16 : index
        %swap3A_201 = tpu.vector_load %arg13[%swap3A_199, %swap3A_200] {strides = array<i32>} : memref<40x128xf32, #tpu.memory_space<vmem>>, vector<1x16xf32>,
        %swap3A_202 = vector.shape_cast %swap3A_201 : vector<1x16xf32> to vector<16xf32>
        %swap3A_203 = vector.shape_cast %max3A_198 : vector<16xf32> to vector<1x16xf32>
        tpu.vector_store %arg13[%swap3A_199, %swap3A_200], %swap3A_203 {strides = array<i32>} : memref<40x128xf32, #tpu.memory_space<vmem>>, vector<1x16xf32>,
        %get3A_204 = arith.index_cast %scan3A_171 : i32 to index
        %get3A_205 = arith.constant 32 : index
        %get3A_206 = tpu.vector_load %arg9[%get3A_204, %get3A_205] {strides = array<i32>} : memref<40x128xf32, #tpu.memory_space<vmem>>, vector<1x16xf32>,
        %get3A_207 = vector.shape_cast %get3A_206 : vector<1x16xf32> to vector<16xf32>
        %get3A_208 = arith.index_cast %scan3A_171 : i32 to index
        %get3A_209 = arith.constant 32 : index
        %get3A_210 = tpu.vector_load %arg11[%get3A_208, %get3A_209] {strides = array<i32>} : memref<40x128xf32, #tpu.memory_space<vmem>>, vector<1x16xf32>,
        %get3A_211 = vector.shape_cast %get3A_210 : vector<1x16xf32> to vector<16xf32>
        %add3A_212 = arith.addf %get3A_207, %get3A_211 : vector<16xf32>
        %max3A_213 = arith.constant 0.000000e+00 : f32
        %max3A_214 = vector.broadcast %max3A_213 : f32 to vector<16xf32>
        %max3A_215 = arith.maximumf %add3A_212, %max3A_214 : vector<16xf32>
        %swap3A_216 = arith.index_cast %scan3A_171 : i32 to index
        %swap3A_217 = arith.constant 32 : index
        %swap3A_218 = tpu.vector_load %arg13[%swap3A_216, %swap3A_217] {strides = array<i32>} : memref<40x128xf32, #tpu.memory_space<vmem>>, vector<1x16xf32>,
        %swap3A_219 = vector.shape_cast %swap3A_218 : vector<1x16xf32> to vector<16xf32>
        %swap3A_220 = vector.shape_cast %max3A_215 : vector<16xf32> to vector<1x16xf32>
        tpu.vector_store %arg13[%swap3A_216, %swap3A_217], %swap3A_220 {strides = array<i32>} : memref<40x128xf32, #tpu.memory_space<vmem>>, vector<1x16xf32>,
        %get3A_221 = arith.index_cast %scan3A_171 : i32 to index
        %get3A_222 = arith.constant 48 : index
        %get3A_223 = tpu.vector_load %arg9[%get3A_221, %get3A_222] {strides = array<i32>} : memref<40x128xf32, #tpu.memory_space<vmem>>, vector<1x16xf32>,
        %get3A_224 = vector.shape_cast %get3A_223 : vector<1x16xf32> to vector<16xf32>
        %get3A_225 = arith.index_cast %scan3A_171 : i32 to index
        %get3A_226 = arith.constant 48 : index
        %get3A_227 = tpu.vector_load %arg11[%get3A_225, %get3A_226] {strides = array<i32>} : memref<40x128xf32, #tpu.memory_space<vmem>>, vector<1x16xf32>,
        %get3A_228 = vector.shape_cast %get3A_227 : vector<1x16xf32> to vector<16xf32>
        %add3A_229 = arith.addf %get3A_224, %get3A_228 : vector<16xf32>
        %max3A_230 = arith.constant 0.000000e+00 : f32
        %max3A_231 = vector.broadcast %max3A_230 : f32 to vector<16xf32>
        %max3A_232 = arith.maximumf %add3A_229, %max3A_231 : vector<16xf32>
        %swap3A_233 = arith.index_cast %scan3A_171 : i32 to index
        %swap3A_234 = arith.constant 48 : index
        %swap3A_235 = tpu.vector_load %arg13[%swap3A_233, %swap3A_234] {strides = array<i32>} : memref<40x128xf32, #tpu.memory_space<vmem>>, vector<1x16xf32>,
        %swap3A_236 = vector.shape_cast %swap3A_235 : vector<1x16xf32> to vector<16xf32>
        %swap3A_237 = vector.shape_cast %max3A_232 : vector<16xf32> to vector<1x16xf32>
        tpu.vector_store %arg13[%swap3A_233, %swap3A_234], %swap3A_237 {strides = array<i32>} : memref<40x128xf32, #tpu.memory_space<vmem>>, vector<1x16xf32>,
        %get3A_238 = arith.index_cast %scan3A_171 : i32 to index
        %get3A_239 = arith.constant 64 : index
        %get3A_240 = tpu.vector_load %arg9[%get3A_238, %get3A_239] {strides = array<i32>} : memref<40x128xf32, #tpu.memory_space<vmem>>, vector<1x16xf32>,
        %get3A_241 = vector.shape_cast %get3A_240 : vector<1x16xf32> to vector<16xf32>
        %get3A_242 = arith.index_cast %scan3A_171 : i32 to index
        %get3A_243 = arith.constant 64 : index
        %get3A_244 = tpu.vector_load %arg11[%get3A_242, %get3A_243] {strides = array<i32>} : memref<40x128xf32, #tpu.memory_space<vmem>>, vector<1x16xf32>,
        %get3A_245 = vector.shape_cast %get3A_244 : vector<1x16xf32> to vector<16xf32>
        %add3A_246 = arith.addf %get3A_241, %get3A_245 : vector<16xf32>
        %max3A_247 = arith.constant 0.000000e+00 : f32
        %max3A_248 = vector.broadcast %max3A_247 : f32 to vector<16xf32>
        %max3A_249 = arith.maximumf %add3A_246, %max3A_248 : vector<16xf32>
        %swap3A_250 = arith.index_cast %scan3A_171 : i32 to index
        %swap3A_251 = arith.constant 64 : index
        %swap3A_252 = tpu.vector_load %arg13[%swap3A_250, %swap3A_251] {strides = array<i32>} : memref<40x128xf32, #tpu.memory_space<vmem>>, vector<1x16xf32>,
        %swap3A_253 = vector.shape_cast %swap3A_252 : vector<1x16xf32> to vector<16xf32>
        %swap3A_254 = vector.shape_cast %max3A_249 : vector<16xf32> to vector<1x16xf32>
        tpu.vector_store %arg13[%swap3A_250, %swap3A_251], %swap3A_254 {strides = array<i32>} : memref<40x128xf32, #tpu.memory_space<vmem>>, vector<1x16xf32>,
        %get3A_255 = arith.index_cast %scan3A_171 : i32 to index
        %get3A_256 = arith.constant 80 : index
        %get3A_257 = tpu.vector_load %arg9[%get3A_255, %get3A_256] {strides = array<i32>} : memref<40x128xf32, #tpu.memory_space<vmem>>, vector<1x16xf32>,
        %get3A_258 = vector.shape_cast %get3A_257 : vector<1x16xf32> to vector<16xf32>
        %get3A_259 = arith.index_cast %scan3A_171 : i32 to index
        %get3A_260 = arith.constant 80 : index
        %get3A_261 = tpu.vector_load %arg11[%get3A_259, %get3A_260] {strides = array<i32>} : memref<40x128xf32, #tpu.memory_space<vmem>>, vector<1x16xf32>,
        %get3A_262 = vector.shape_cast %get3A_261 : vector<1x16xf32> to vector<16xf32>
        %add3A_263 = arith.addf %get3A_258, %get3A_262 : vector<16xf32>
        %max3A_264 = arith.constant 0.000000e+00 : f32
        %max3A_265 = vector.broadcast %max3A_264 : f32 to vector<16xf32>
        %max3A_266 = arith.maximumf %add3A_263, %max3A_265 : vector<16xf32>
        %swap3A_267 = arith.index_cast %scan3A_171 : i32 to index
        %swap3A_268 = arith.constant 80 : index
        %swap3A_269 = tpu.vector_load %arg13[%swap3A_267, %swap3A_268] {strides = array<i32>} : memref<40x128xf32, #tpu.memory_space<vmem>>, vector<1x16xf32>,
        %swap3A_270 = vector.shape_cast %swap3A_269 : vector<1x16xf32> to vector<16xf32>
        %swap3A_271 = vector.shape_cast %max3A_266 : vector<16xf32> to vector<1x16xf32>
        tpu.vector_store %arg13[%swap3A_267, %swap3A_268], %swap3A_271 {strides = array<i32>} : memref<40x128xf32, #tpu.memory_space<vmem>>, vector<1x16xf32>,
        %get3A_272 = arith.index_cast %scan3A_171 : i32 to index
        %get3A_273 = arith.constant 96 : index
        %get3A_274 = tpu.vector_load %arg9[%get3A_272, %get3A_273] {strides = array<i32>} : memref<40x128xf32, #tpu.memory_space<vmem>>, vector<1x16xf32>,
        %get3A_275 = vector.shape_cast %get3A_274 : vector<1x16xf32> to vector<16xf32>
        %get3A_276 = arith.index_cast %scan3A_171 : i32 to index
        %get3A_277 = arith.constant 96 : index
        %get3A_278 = tpu.vector_load %arg11[%get3A_276, %get3A_277] {strides = array<i32>} : memref<40x128xf32, #tpu.memory_space<vmem>>, vector<1x16xf32>,
        %get3A_279 = vector.shape_cast %get3A_278 : vector<1x16xf32> to vector<16xf32>
        %add3A_280 = arith.addf %get3A_275, %get3A_279 : vector<16xf32>
        %max3A_281 = arith.constant 0.000000e+00 : f32
        %max3A_282 = vector.broadcast %max3A_281 : f32 to vector<16xf32>
        %max3A_283 = arith.maximumf %add3A_280, %max3A_282 : vector<16xf32>
        %swap3A_284 = arith.index_cast %scan3A_171 : i32 to index
        %swap3A_285 = arith.constant 96 : index
        %swap3A_286 = tpu.vector_load %arg13[%swap3A_284, %swap3A_285] {strides = array<i32>} : memref<40x128xf32, #tpu.memory_space<vmem>>, vector<1x16xf32>,
        %swap3A_287 = vector.shape_cast %swap3A_286 : vector<1x16xf32> to vector<16xf32>
        %swap3A_288 = vector.shape_cast %max3A_283 : vector<16xf32> to vector<1x16xf32>
        tpu.vector_store %arg13[%swap3A_284, %swap3A_285], %swap3A_288 {strides = array<i32>} : memref<40x128xf32, #tpu.memory_space<vmem>>, vector<1x16xf32>,
        %get3A_289 = arith.index_cast %scan3A_171 : i32 to index
        %get3A_290 = arith.constant 112 : index
        %get3A_291 = tpu.vector_load %arg9[%get3A_289, %get3A_290] {strides = array<i32>} : memref<40x128xf32, #tpu.memory_space<vmem>>, vector<1x16xf32>,
        %get3A_292 = vector.shape_cast %get3A_291 : vector<1x16xf32> to vector<16xf32>
        %get3A_293 = arith.index_cast %scan3A_171 : i32 to index
        %get3A_294 = arith.constant 112 : index
        %get3A_295 = tpu.vector_load %arg11[%get3A_293, %get3A_294] {strides = array<i32>} : memref<40x128xf32, #tpu.memory_space<vmem>>, vector<1x16xf32>,
        %get3A_296 = vector.shape_cast %get3A_295 : vector<1x16xf32> to vector<16xf32>
        %add3A_297 = arith.addf %get3A_292, %get3A_296 : vector<16xf32>
        %max3A_298 = arith.constant 0.000000e+00 : f32
        %max3A_299 = vector.broadcast %max3A_298 : f32 to vector<16xf32>
        %max3A_300 = arith.maximumf %add3A_297, %max3A_299 : vector<16xf32>
        %swap3A_301 = arith.index_cast %scan3A_171 : i32 to index
        %swap3A_302 = arith.constant 112 : index
        %swap3A_303 = tpu.vector_load %arg13[%swap3A_301, %swap3A_302] {strides = array<i32>} : memref<40x128xf32, #tpu.memory_space<vmem>>, vector<1x16xf32>,
        %swap3A_304 = vector.shape_cast %swap3A_303 : vector<1x16xf32> to vector<16xf32>
        %swap3A_305 = vector.shape_cast %max3A_300 : vector<16xf32> to vector<1x16xf32>
        tpu.vector_store %arg13[%swap3A_301, %swap3A_302], %swap3A_305 {strides = array<i32>} : memref<40x128xf32, #tpu.memory_space<vmem>>, vector<1x16xf32>,
        %scan3A_306 = arith.constant 0 : i32
        scf.yield %scan3A_306 : i32
      }
      %scan3A_116 = arith.constant 40 : i32
      %add3A_117 = arith.constant 2 : i32
      %add3A_118 = arith.addi %add3A_95, %add3A_117 : i32
      %lt3A = arith.constant 250 : i32
      %lt3A_119 = arith.cmpi slt, %add3A_118, %lt3A : i32
      %convert_element_type3A_120 = arith.extui %lt3A_119 : i1 to i32
      %cond3A_121 = arith.constant 0 : i32
      %cond3A_122 = arith.cmpi ne, %convert_element_type3A_120, %cond3A_121 : i32
      scf.if %cond3A_122 {
        %add3A_171 = arith.constant 2 : i32
        %add3A_172 = arith.addi %add3A_95, %add3A_171 : i32
        %dma_start3A_173 = arith.constant 0 : i32
        %dma_start3A_174 = tpu.memref_slice %arg7[%add3A_172, %dma_start3A_173] : memref<250x40xi32, #tpu.memory_space<vmem>> -> memref<1x40xi32, #tpu.memory_space<vmem>>
        %dma_start3A_175 = tpu.memref_squeeze %dma_start3A_174 : memref<1x40xi32, #tpu.memory_space<vmem>> -> memref<40xi32, #tpu.memory_space<vmem>>
        %dma_start3A_176 = arith.constant 0 : i32
        %dma_start3A_177 = arith.constant 0 : i32
        %dma_start3A_178 = tpu.memref_slice %arg2[%dma_start3A_176, %dma_start3A_177] : memref<10000x128xf32, #tpu.memory_space<hbm>> -> memref<10000x128xf32, #tpu.memory_space<hbm>>
        tpu.enqueue_indirect_dma source(%dma_start3A_178 : memref<10000x128xf32, #tpu.memory_space<hbm>>) target(%arg9 : memref<40x128xf32, #tpu.memory_space<vmem>>) offsets(%dma_start3A_175 : memref<40xi32, #tpu.memory_space<vmem>>) semaphore(%arg16 : memref<!tpu.dma_semaphore, #tpu.memory_space<semaphore_mem>>)
        %dma_start3A_179 = arith.constant 0 : i32
        %dma_start3A_180 = tpu.memref_slice %arg8[%add3A_172, %dma_start3A_179] : memref<250x40xi32, #tpu.memory_space<vmem>> -> memref<1x40xi32, #tpu.memory_space<vmem>>
        %dma_start3A_181 = tpu.memref_squeeze %dma_start3A_180 : memref<1x40xi32, #tpu.memory_space<vmem>> -> memref<40xi32, #tpu.memory_space<vmem>>
        %dma_start3A_182 = arith.constant 0 : i32
        %dma_start3A_183 = arith.constant 0 : i32
        %dma_start3A_184 = tpu.memref_slice %arg3[%dma_start3A_182, %dma_start3A_183] : memref<10000x128xf32, #tpu.memory_space<hbm>> -> memref<10000x128xf32, #tpu.memory_space<hbm>>
        tpu.enqueue_indirect_dma source(%dma_start3A_184 : memref<10000x128xf32, #tpu.memory_space<hbm>>) target(%arg11 : memref<40x128xf32, #tpu.memory_space<vmem>>) offsets(%dma_start3A_181 : memref<40xi32, #tpu.memory_space<vmem>>) semaphore(%arg18 : memref<!tpu.dma_semaphore, #tpu.memory_space<semaphore_mem>>)
      } else {
      }
      %dma_start3A_123 = arith.constant 0 : i32
      %dma_start3A_124 = tpu.memref_slice %arg8[%add3A_95, %dma_start3A_123] : memref<250x40xi32, #tpu.memory_space<vmem>> -> memref<1x40xi32, #tpu.memory_space<vmem>>
      %dma_start3A_125 = tpu.memref_squeeze %dma_start3A_124 : memref<1x40xi32, #tpu.memory_space<vmem>> -> memref<40xi32, #tpu.memory_space<vmem>>
      %dma_start3A_126 = arith.constant 0 : i32
      %dma_start3A_127 = arith.constant 0 : i32
      %dma_start3A_128 = tpu.memref_slice %arg15[%dma_start3A_126, %dma_start3A_127] : memref<10000x128xf32, #tpu.memory_space<vmem_shared>> -> memref<10000x128xf32, #tpu.memory_space<vmem_shared>>
      tpu.enqueue_indirect_dma source(%arg13 : memref<40x128xf32, #tpu.memory_space<vmem>>) target(%dma_start3A_128 : memref<10000x128xf32, #tpu.memory_space<vmem_shared>>) offsets(%dma_start3A_125 : memref<40xi32, #tpu.memory_space<vmem>>) semaphore(%arg20 : memref<!tpu.dma_semaphore, #tpu.memory_space<semaphore_mem>>) {add = true}
      %mul3A_129 = arith.constant 2 : i32
      %mul3A_130 = arith.muli %mul3A_129, %scan3A_90 : i32
      %add3A_131 = arith.constant 1 : i32
      %add3A_132 = arith.addi %mul3A_130, %add3A_131 : i32
      %dma_wait3A_133 = arith.constant 0 : i32
      %dma_wait3A_134 = tpu.memref_slice %arg7[%add3A_132, %dma_wait3A_133] : memref<250x40xi32, #tpu.memory_space<vmem>> -> memref<1x40xi32, #tpu.memory_space<vmem>>
      %dma_wait3A_135 = tpu.memref_squeeze %dma_wait3A_134 : memref<1x40xi32, #tpu.memory_space<vmem>> -> memref<40xi32, #tpu.memory_space<vmem>>
      %dma_wait3A_136 = arith.constant 0 : i32
      %dma_wait3A_137 = arith.constant 0 : i32
      %dma_wait3A_138 = tpu.memref_slice %arg2[%dma_wait3A_136, %dma_wait3A_137] : memref<10000x128xf32, #tpu.memory_space<hbm>> -> memref<10000x128xf32, #tpu.memory_space<hbm>>
      tpu.wait_indirect_dma semaphore(%arg17 : memref<!tpu.dma_semaphore, #tpu.memory_space<semaphore_mem>>) src(%dma_wait3A_138 : memref<10000x128xf32, #tpu.memory_space<hbm>>) dst(%arg10 : memref<40x128xf32, #tpu.memory_space<vmem>>)
      %dma_wait3A_139 = arith.constant 0 : i32
      %dma_wait3A_140 = tpu.memref_slice %arg8[%add3A_132, %dma_wait3A_139] : memref<250x40xi32, #tpu.memory_space<vmem>> -> memref<1x40xi32, #tpu.memory_space<vmem>>
      %dma_wait3A_141 = tpu.memref_squeeze %dma_wait3A_140 : memref<1x40xi32, #tpu.memory_space<vmem>> -> memref<40xi32, #tpu.memory_space<vmem>>
      %dma_wait3A_142 = arith.constant 0 : i32
      %dma_wait3A_143 = arith.constant 0 : i32
      %dma_wait3A_144 = tpu.memref_slice %arg3[%dma_wait3A_142, %dma_wait3A_143] : memref<10000x128xf32, #tpu.memory_space<hbm>> -> memref<10000x128xf32, #tpu.memory_space<hbm>>
      tpu.wait_indirect_dma semaphore(%arg19 : memref<!tpu.dma_semaphore, #tpu.memory_space<semaphore_mem>>) src(%dma_wait3A_144 : memref<10000x128xf32, #tpu.memory_space<hbm>>) dst(%arg12 : memref<40x128xf32, #tpu.memory_space<vmem>>)
      %ge3A_145 = arith.constant 2 : i32
      %ge3A_146 = arith.cmpi sge, %add3A_132, %ge3A_145 : i32
      %convert_element_type3A_147 = arith.extui %ge3A_146 : i1 to i32
      %cond3A_148 = arith.constant 0 : i32
      %cond3A_149 = arith.cmpi ne, %convert_element_type3A_147, %cond3A_148 : i32
      scf.if %cond3A_149 {
        %sub3A = arith.constant 2 : i32
        %sub3A_171 = arith.subi %add3A_132, %sub3A : i32
        %dma_wait3A_172 = arith.constant 0 : i32
        %dma_wait3A_173 = tpu.memref_slice %arg8[%sub3A_171, %dma_wait3A_172] : memref<250x40xi32, #tpu.memory_space<vmem>> -> memref<1x40xi32, #tpu.memory_space<vmem>>
        %dma_wait3A_174 = tpu.memref_squeeze %dma_wait3A_173 : memref<1x40xi32, #tpu.memory_space<vmem>> -> memref<40xi32, #tpu.memory_space<vmem>>
        %dma_wait3A_175 = arith.constant 0 : i32
        %dma_wait3A_176 = arith.constant 0 : i32
        %dma_wait3A_177 = tpu.memref_slice %arg15[%dma_wait3A_175, %dma_wait3A_176] : memref<10000x128xf32, #tpu.memory_space<vmem_shared>> -> memref<10000x128xf32, #tpu.memory_space<vmem_shared>>
        tpu.wait_indirect_dma semaphore(%arg21 : memref<!tpu.dma_semaphore, #tpu.memory_space<semaphore_mem>>) src(%arg14 : memref<40x128xf32, #tpu.memory_space<vmem>>) dst(%dma_wait3A_177 : memref<10000x128xf32, #tpu.memory_space<vmem_shared>>)
      } else {
      }
      %scan3A_150 = arith.constant 0 : i32
      %scan3A_151 = arith.constant 0 : i32
      %scan3A_152 = arith.constant 40 : i32
      %scan3A_153 = arith.addi %scan3A_151, %scan3A_152 : i32
      %scan3A_154 = arith.constant 1 : i32
      %scan3A_155 = scf.for %scan3A_171 = %scan3A_151 to %scan3A_153 step %scan3A_154 iter_args(%scan3A_172 = %scan3A_150) -> (i32)  : i32 {
        %get3A = arith.index_cast %scan3A_171 : i32 to index
        %get3A_173 = arith.constant 0 : index
        %get3A_174 = tpu.vector_load %arg10[%get3A, %get3A_173] {strides = array<i32>} : memref<40x128xf32, #tpu.memory_space<vmem>>, vector<1x16xf32>,
        %get3A_175 = vector.shape_cast %get3A_174 : vector<1x16xf32> to vector<16xf32>
        %get3A_176 = arith.index_cast %scan3A_171 : i32 to index
        %get3A_177 = arith.constant 0 : index
        %get3A_178 = tpu.vector_load %arg12[%get3A_176, %get3A_177] {strides = array<i32>} : memref<40x128xf32, #tpu.memory_space<vmem>>, vector<1x16xf32>,
        %get3A_179 = vector.shape_cast %get3A_178 : vector<1x16xf32> to vector<16xf32>
        %add3A_180 = arith.addf %get3A_175, %get3A_179 : vector<16xf32>
        %max3A = arith.constant 0.000000e+00 : f32
        %max3A_181 = vector.broadcast %max3A : f32 to vector<16xf32>
        %max3A_182 = arith.maximumf %add3A_180, %max3A_181 : vector<16xf32>
        %swap3A = arith.index_cast %scan3A_171 : i32 to index
        %swap3A_183 = arith.constant 0 : index
        %swap3A_184 = tpu.vector_load %arg14[%swap3A, %swap3A_183] {strides = array<i32>} : memref<40x128xf32, #tpu.memory_space<vmem>>, vector<1x16xf32>,
        %swap3A_185 = vector.shape_cast %swap3A_184 : vector<1x16xf32> to vector<16xf32>
        %swap3A_186 = vector.shape_cast %max3A_182 : vector<16xf32> to vector<1x16xf32>
        tpu.vector_store %arg14[%swap3A, %swap3A_183], %swap3A_186 {strides = array<i32>} : memref<40x128xf32, #tpu.memory_space<vmem>>, vector<1x16xf32>,
        %get3A_187 = arith.index_cast %scan3A_171 : i32 to index
        %get3A_188 = arith.constant 16 : index
        %get3A_189 = tpu.vector_load %arg10[%get3A_187, %get3A_188] {strides = array<i32>} : memref<40x128xf32, #tpu.memory_space<vmem>>, vector<1x16xf32>,
        %get3A_190 = vector.shape_cast %get3A_189 : vector<1x16xf32> to vector<16xf32>
        %get3A_191 = arith.index_cast %scan3A_171 : i32 to index
        %get3A_192 = arith.constant 16 : index
        %get3A_193 = tpu.vector_load %arg12[%get3A_191, %get3A_192] {strides = array<i32>} : memref<40x128xf32, #tpu.memory_space<vmem>>, vector<1x16xf32>,
        %get3A_194 = vector.shape_cast %get3A_193 : vector<1x16xf32> to vector<16xf32>
        %add3A_195 = arith.addf %get3A_190, %get3A_194 : vector<16xf32>
        %max3A_196 = arith.constant 0.000000e+00 : f32
        %max3A_197 = vector.broadcast %max3A_196 : f32 to vector<16xf32>
        %max3A_198 = arith.maximumf %add3A_195, %max3A_197 : vector<16xf32>
        %swap3A_199 = arith.index_cast %scan3A_171 : i32 to index
        %swap3A_200 = arith.constant 16 : index
        %swap3A_201 = tpu.vector_load %arg14[%swap3A_199, %swap3A_200] {strides = array<i32>} : memref<40x128xf32, #tpu.memory_space<vmem>>, vector<1x16xf32>,
        %swap3A_202 = vector.shape_cast %swap3A_201 : vector<1x16xf32> to vector<16xf32>
        %swap3A_203 = vector.shape_cast %max3A_198 : vector<16xf32> to vector<1x16xf32>
        tpu.vector_store %arg14[%swap3A_199, %swap3A_200], %swap3A_203 {strides = array<i32>} : memref<40x128xf32, #tpu.memory_space<vmem>>, vector<1x16xf32>,
        %get3A_204 = arith.index_cast %scan3A_171 : i32 to index
        %get3A_205 = arith.constant 32 : index
        %get3A_206 = tpu.vector_load %arg10[%get3A_204, %get3A_205] {strides = array<i32>} : memref<40x128xf32, #tpu.memory_space<vmem>>, vector<1x16xf32>,
        %get3A_207 = vector.shape_cast %get3A_206 : vector<1x16xf32> to vector<16xf32>
        %get3A_208 = arith.index_cast %scan3A_171 : i32 to index
        %get3A_209 = arith.constant 32 : index
        %get3A_210 = tpu.vector_load %arg12[%get3A_208, %get3A_209] {strides = array<i32>} : memref<40x128xf32, #tpu.memory_space<vmem>>, vector<1x16xf32>,
        %get3A_211 = vector.shape_cast %get3A_210 : vector<1x16xf32> to vector<16xf32>
        %add3A_212 = arith.addf %get3A_207, %get3A_211 : vector<16xf32>
        %max3A_213 = arith.constant 0.000000e+00 : f32
        %max3A_214 = vector.broadcast %max3A_213 : f32 to vector<16xf32>
        %max3A_215 = arith.maximumf %add3A_212, %max3A_214 : vector<16xf32>
        %swap3A_216 = arith.index_cast %scan3A_171 : i32 to index
        %swap3A_217 = arith.constant 32 : index
        %swap3A_218 = tpu.vector_load %arg14[%swap3A_216, %swap3A_217] {strides = array<i32>} : memref<40x128xf32, #tpu.memory_space<vmem>>, vector<1x16xf32>,
        %swap3A_219 = vector.shape_cast %swap3A_218 : vector<1x16xf32> to vector<16xf32>
        %swap3A_220 = vector.shape_cast %max3A_215 : vector<16xf32> to vector<1x16xf32>
        tpu.vector_store %arg14[%swap3A_216, %swap3A_217], %swap3A_220 {strides = array<i32>} : memref<40x128xf32, #tpu.memory_space<vmem>>, vector<1x16xf32>,
        %get3A_221 = arith.index_cast %scan3A_171 : i32 to index
        %get3A_222 = arith.constant 48 : index
        %get3A_223 = tpu.vector_load %arg10[%get3A_221, %get3A_222] {strides = array<i32>} : memref<40x128xf32, #tpu.memory_space<vmem>>, vector<1x16xf32>,
        %get3A_224 = vector.shape_cast %get3A_223 : vector<1x16xf32> to vector<16xf32>
        %get3A_225 = arith.index_cast %scan3A_171 : i32 to index
        %get3A_226 = arith.constant 48 : index
        %get3A_227 = tpu.vector_load %arg12[%get3A_225, %get3A_226] {strides = array<i32>} : memref<40x128xf32, #tpu.memory_space<vmem>>, vector<1x16xf32>,
        %get3A_228 = vector.shape_cast %get3A_227 : vector<1x16xf32> to vector<16xf32>
        %add3A_229 = arith.addf %get3A_224, %get3A_228 : vector<16xf32>
        %max3A_230 = arith.constant 0.000000e+00 : f32
        %max3A_231 = vector.broadcast %max3A_230 : f32 to vector<16xf32>
        %max3A_232 = arith.maximumf %add3A_229, %max3A_231 : vector<16xf32>
        %swap3A_233 = arith.index_cast %scan3A_171 : i32 to index
        %swap3A_234 = arith.constant 48 : index
        %swap3A_235 = tpu.vector_load %arg14[%swap3A_233, %swap3A_234] {strides = array<i32>} : memref<40x128xf32, #tpu.memory_space<vmem>>, vector<1x16xf32>,
        %swap3A_236 = vector.shape_cast %swap3A_235 : vector<1x16xf32> to vector<16xf32>
        %swap3A_237 = vector.shape_cast %max3A_232 : vector<16xf32> to vector<1x16xf32>
        tpu.vector_store %arg14[%swap3A_233, %swap3A_234], %swap3A_237 {strides = array<i32>} : memref<40x128xf32, #tpu.memory_space<vmem>>, vector<1x16xf32>,
        %get3A_238 = arith.index_cast %scan3A_171 : i32 to index
        %get3A_239 = arith.constant 64 : index
        %get3A_240 = tpu.vector_load %arg10[%get3A_238, %get3A_239] {strides = array<i32>} : memref<40x128xf32, #tpu.memory_space<vmem>>, vector<1x16xf32>,
        %get3A_241 = vector.shape_cast %get3A_240 : vector<1x16xf32> to vector<16xf32>
        %get3A_242 = arith.index_cast %scan3A_171 : i32 to index
        %get3A_243 = arith.constant 64 : index
        %get3A_244 = tpu.vector_load %arg12[%get3A_242, %get3A_243] {strides = array<i32>} : memref<40x128xf32, #tpu.memory_space<vmem>>, vector<1x16xf32>,
        %get3A_245 = vector.shape_cast %get3A_244 : vector<1x16xf32> to vector<16xf32>
        %add3A_246 = arith.addf %get3A_241, %get3A_245 : vector<16xf32>
        %max3A_247 = arith.constant 0.000000e+00 : f32
        %max3A_248 = vector.broadcast %max3A_247 : f32 to vector<16xf32>
        %max3A_249 = arith.maximumf %add3A_246, %max3A_248 : vector<16xf32>
        %swap3A_250 = arith.index_cast %scan3A_171 : i32 to index
        %swap3A_251 = arith.constant 64 : index
        %swap3A_252 = tpu.vector_load %arg14[%swap3A_250, %swap3A_251] {strides = array<i32>} : memref<40x128xf32, #tpu.memory_space<vmem>>, vector<1x16xf32>,
        %swap3A_253 = vector.shape_cast %swap3A_252 : vector<1x16xf32> to vector<16xf32>
        %swap3A_254 = vector.shape_cast %max3A_249 : vector<16xf32> to vector<1x16xf32>
        tpu.vector_store %arg14[%swap3A_250, %swap3A_251], %swap3A_254 {strides = array<i32>} : memref<40x128xf32, #tpu.memory_space<vmem>>, vector<1x16xf32>,
        %get3A_255 = arith.index_cast %scan3A_171 : i32 to index
        %get3A_256 = arith.constant 80 : index
        %get3A_257 = tpu.vector_load %arg10[%get3A_255, %get3A_256] {strides = array<i32>} : memref<40x128xf32, #tpu.memory_space<vmem>>, vector<1x16xf32>,
        %get3A_258 = vector.shape_cast %get3A_257 : vector<1x16xf32> to vector<16xf32>
        %get3A_259 = arith.index_cast %scan3A_171 : i32 to index
        %get3A_260 = arith.constant 80 : index
        %get3A_261 = tpu.vector_load %arg12[%get3A_259, %get3A_260] {strides = array<i32>} : memref<40x128xf32, #tpu.memory_space<vmem>>, vector<1x16xf32>,
        %get3A_262 = vector.shape_cast %get3A_261 : vector<1x16xf32> to vector<16xf32>
        %add3A_263 = arith.addf %get3A_258, %get3A_262 : vector<16xf32>
        %max3A_264 = arith.constant 0.000000e+00 : f32
        %max3A_265 = vector.broadcast %max3A_264 : f32 to vector<16xf32>
        %max3A_266 = arith.maximumf %add3A_263, %max3A_265 : vector<16xf32>
        %swap3A_267 = arith.index_cast %scan3A_171 : i32 to index
        %swap3A_268 = arith.constant 80 : index
        %swap3A_269 = tpu.vector_load %arg14[%swap3A_267, %swap3A_268] {strides = array<i32>} : memref<40x128xf32, #tpu.memory_space<vmem>>, vector<1x16xf32>,
        %swap3A_270 = vector.shape_cast %swap3A_269 : vector<1x16xf32> to vector<16xf32>
        %swap3A_271 = vector.shape_cast %max3A_266 : vector<16xf32> to vector<1x16xf32>
        tpu.vector_store %arg14[%swap3A_267, %swap3A_268], %swap3A_271 {strides = array<i32>} : memref<40x128xf32, #tpu.memory_space<vmem>>, vector<1x16xf32>,
        %get3A_272 = arith.index_cast %scan3A_171 : i32 to index
        %get3A_273 = arith.constant 96 : index
        %get3A_274 = tpu.vector_load %arg10[%get3A_272, %get3A_273] {strides = array<i32>} : memref<40x128xf32, #tpu.memory_space<vmem>>, vector<1x16xf32>,
        %get3A_275 = vector.shape_cast %get3A_274 : vector<1x16xf32> to vector<16xf32>
        %get3A_276 = arith.index_cast %scan3A_171 : i32 to index
        %get3A_277 = arith.constant 96 : index
        %get3A_278 = tpu.vector_load %arg12[%get3A_276, %get3A_277] {strides = array<i32>} : memref<40x128xf32, #tpu.memory_space<vmem>>, vector<1x16xf32>,
        %get3A_279 = vector.shape_cast %get3A_278 : vector<1x16xf32> to vector<16xf32>
        %add3A_280 = arith.addf %get3A_275, %get3A_279 : vector<16xf32>
        %max3A_281 = arith.constant 0.000000e+00 : f32
        %max3A_282 = vector.broadcast %max3A_281 : f32 to vector<16xf32>
        %max3A_283 = arith.maximumf %add3A_280, %max3A_282 : vector<16xf32>
        %swap3A_284 = arith.index_cast %scan3A_171 : i32 to index
        %swap3A_285 = arith.constant 96 : index
        %swap3A_286 = tpu.vector_load %arg14[%swap3A_284, %swap3A_285] {strides = array<i32>} : memref<40x128xf32, #tpu.memory_space<vmem>>, vector<1x16xf32>,
        %swap3A_287 = vector.shape_cast %swap3A_286 : vector<1x16xf32> to vector<16xf32>
        %swap3A_288 = vector.shape_cast %max3A_283 : vector<16xf32> to vector<1x16xf32>
        tpu.vector_store %arg14[%swap3A_284, %swap3A_285], %swap3A_288 {strides = array<i32>} : memref<40x128xf32, #tpu.memory_space<vmem>>, vector<1x16xf32>,
        %get3A_289 = arith.index_cast %scan3A_171 : i32 to index
        %get3A_290 = arith.constant 112 : index
        %get3A_291 = tpu.vector_load %arg10[%get3A_289, %get3A_290] {strides = array<i32>} : memref<40x128xf32, #tpu.memory_space<vmem>>, vector<1x16xf32>,
        %get3A_292 = vector.shape_cast %get3A_291 : vector<1x16xf32> to vector<16xf32>
        %get3A_293 = arith.index_cast %scan3A_171 : i32 to index
        %get3A_294 = arith.constant 112 : index
        %get3A_295 = tpu.vector_load %arg12[%get3A_293, %get3A_294] {strides = array<i32>} : memref<40x128xf32, #tpu.memory_space<vmem>>, vector<1x16xf32>,
        %get3A_296 = vector.shape_cast %get3A_295 : vector<1x16xf32> to vector<16xf32>
        %add3A_297 = arith.addf %get3A_292, %get3A_296 : vector<16xf32>
        %max3A_298 = arith.constant 0.000000e+00 : f32
        %max3A_299 = vector.broadcast %max3A_298 : f32 to vector<16xf32>
        %max3A_300 = arith.maximumf %add3A_297, %max3A_299 : vector<16xf32>
        %swap3A_301 = arith.index_cast %scan3A_171 : i32 to index
        %swap3A_302 = arith.constant 112 : index
        %swap3A_303 = tpu.vector_load %arg14[%swap3A_301, %swap3A_302] {strides = array<i32>} : memref<40x128xf32, #tpu.memory_space<vmem>>, vector<1x16xf32>,
        %swap3A_304 = vector.shape_cast %swap3A_303 : vector<1x16xf32> to vector<16xf32>
        %swap3A_305 = vector.shape_cast %max3A_300 : vector<16xf32> to vector<1x16xf32>
        tpu.vector_store %arg14[%swap3A_301, %swap3A_302], %swap3A_305 {strides = array<i32>} : memref<40x128xf32, #tpu.memory_space<vmem>>, vector<1x16xf32>,
        %scan3A_306 = arith.constant 0 : i32
        scf.yield %scan3A_306 : i32
      }
      %scan3A_156 = arith.constant 40 : i32
      %add3A_157 = arith.constant 2 : i32
      %add3A_158 = arith.addi %add3A_132, %add3A_157 : i32
      %lt3A_159 = arith.constant 250 : i32
      %lt3A_160 = arith.cmpi slt, %add3A_158, %lt3A_159 : i32
      %convert_element_type3A_161 = arith.extui %lt3A_160 : i1 to i32
      %cond3A_162 = arith.constant 0 : i32
      %cond3A_163 = arith.cmpi ne, %convert_element_type3A_161, %cond3A_162 : i32
      scf.if %cond3A_163 {
        %add3A_171 = arith.constant 2 : i32
        %add3A_172 = arith.addi %add3A_132, %add3A_171 : i32
        %dma_start3A_173 = arith.constant 0 : i32
        %dma_start3A_174 = tpu.memref_slice %arg7[%add3A_172, %dma_start3A_173] : memref<250x40xi32, #tpu.memory_space<vmem>> -> memref<1x40xi32, #tpu.memory_space<vmem>>
        %dma_start3A_175 = tpu.memref_squeeze %dma_start3A_174 : memref<1x40xi32, #tpu.memory_space<vmem>> -> memref<40xi32, #tpu.memory_space<vmem>>
        %dma_start3A_176 = arith.constant 0 : i32
        %dma_start3A_177 = arith.constant 0 : i32
        %dma_start3A_178 = tpu.memref_slice %arg2[%dma_start3A_176, %dma_start3A_177] : memref<10000x128xf32, #tpu.memory_space<hbm>> -> memref<10000x128xf32, #tpu.memory_space<hbm>>
        tpu.enqueue_indirect_dma source(%dma_start3A_178 : memref<10000x128xf32, #tpu.memory_space<hbm>>) target(%arg10 : memref<40x128xf32, #tpu.memory_space<vmem>>) offsets(%dma_start3A_175 : memref<40xi32, #tpu.memory_space<vmem>>) semaphore(%arg17 : memref<!tpu.dma_semaphore, #tpu.memory_space<semaphore_mem>>)
        %dma_start3A_179 = arith.constant 0 : i32
        %dma_start3A_180 = tpu.memref_slice %arg8[%add3A_172, %dma_start3A_179] : memref<250x40xi32, #tpu.memory_space<vmem>> -> memref<1x40xi32, #tpu.memory_space<vmem>>
        %dma_start3A_181 = tpu.memref_squeeze %dma_start3A_180 : memref<1x40xi32, #tpu.memory_space<vmem>> -> memref<40xi32, #tpu.memory_space<vmem>>
        %dma_start3A_182 = arith.constant 0 : i32
        %dma_start3A_183 = arith.constant 0 : i32
        %dma_start3A_184 = tpu.memref_slice %arg3[%dma_start3A_182, %dma_start3A_183] : memref<10000x128xf32, #tpu.memory_space<hbm>> -> memref<10000x128xf32, #tpu.memory_space<hbm>>
        tpu.enqueue_indirect_dma source(%dma_start3A_184 : memref<10000x128xf32, #tpu.memory_space<hbm>>) target(%arg12 : memref<40x128xf32, #tpu.memory_space<vmem>>) offsets(%dma_start3A_181 : memref<40xi32, #tpu.memory_space<vmem>>) semaphore(%arg19 : memref<!tpu.dma_semaphore, #tpu.memory_space<semaphore_mem>>)
      } else {
      }
      %dma_start3A_164 = arith.constant 0 : i32
      %dma_start3A_165 = tpu.memref_slice %arg8[%add3A_132, %dma_start3A_164] : memref<250x40xi32, #tpu.memory_space<vmem>> -> memref<1x40xi32, #tpu.memory_space<vmem>>
      %dma_start3A_166 = tpu.memref_squeeze %dma_start3A_165 : memref<1x40xi32, #tpu.memory_space<vmem>> -> memref<40xi32, #tpu.memory_space<vmem>>
      %dma_start3A_167 = arith.constant 0 : i32
      %dma_start3A_168 = arith.constant 0 : i32
      %dma_start3A_169 = tpu.memref_slice %arg15[%dma_start3A_167, %dma_start3A_168] : memref<10000x128xf32, #tpu.memory_space<vmem_shared>> -> memref<10000x128xf32, #tpu.memory_space<vmem_shared>>
      tpu.enqueue_indirect_dma source(%arg14 : memref<40x128xf32, #tpu.memory_space<vmem>>) target(%dma_start3A_169 : memref<10000x128xf32, #tpu.memory_space<vmem_shared>>) offsets(%dma_start3A_166 : memref<40xi32, #tpu.memory_space<vmem>>) semaphore(%arg21 : memref<!tpu.dma_semaphore, #tpu.memory_space<semaphore_mem>>) {add = true}
      %scan3A_170 = arith.constant 0 : i32
      scf.yield %scan3A_170 : i32
    }
    %scan3A_75 = arith.constant 125 : i32
    %dma_wait3A = arith.constant 248 : i32
    %dma_wait3A_76 = arith.constant 0 : i32
    %dma_wait3A_77 = tpu.memref_slice %arg8[%dma_wait3A, %dma_wait3A_76] : memref<250x40xi32, #tpu.memory_space<vmem>> -> memref<1x40xi32, #tpu.memory_space<vmem>>
    %dma_wait3A_78 = tpu.memref_squeeze %dma_wait3A_77 : memref<1x40xi32, #tpu.memory_space<vmem>> -> memref<40xi32, #tpu.memory_space<vmem>>
    %dma_wait3A_79 = arith.constant 0 : i32
    %dma_wait3A_80 = arith.constant 0 : i32
    %dma_wait3A_81 = tpu.memref_slice %arg15[%dma_wait3A_79, %dma_wait3A_80] : memref<10000x128xf32, #tpu.memory_space<vmem_shared>> -> memref<10000x128xf32, #tpu.memory_space<vmem_shared>>
    tpu.wait_indirect_dma semaphore(%arg20 : memref<!tpu.dma_semaphore, #tpu.memory_space<semaphore_mem>>) src(%arg13 : memref<40x128xf32, #tpu.memory_space<vmem>>) dst(%dma_wait3A_81 : memref<10000x128xf32, #tpu.memory_space<vmem_shared>>)
    %dma_wait3A_82 = arith.constant 249 : i32
    %dma_wait3A_83 = arith.constant 0 : i32
    %dma_wait3A_84 = tpu.memref_slice %arg8[%dma_wait3A_82, %dma_wait3A_83] : memref<250x40xi32, #tpu.memory_space<vmem>> -> memref<1x40xi32, #tpu.memory_space<vmem>>
    %dma_wait3A_85 = tpu.memref_squeeze %dma_wait3A_84 : memref<1x40xi32, #tpu.memory_space<vmem>> -> memref<40xi32, #tpu.memory_space<vmem>>
    %dma_wait3A_86 = arith.constant 0 : i32
    %dma_wait3A_87 = arith.constant 0 : i32
    %dma_wait3A_88 = tpu.memref_slice %arg15[%dma_wait3A_86, %dma_wait3A_87] : memref<10000x128xf32, #tpu.memory_space<vmem_shared>> -> memref<10000x128xf32, #tpu.memory_space<vmem_shared>>
    tpu.wait_indirect_dma semaphore(%arg21 : memref<!tpu.dma_semaphore, #tpu.memory_space<semaphore_mem>>) src(%arg14 : memref<40x128xf32, #tpu.memory_space<vmem>>) dst(%dma_wait3A_88 : memref<10000x128xf32, #tpu.memory_space<vmem_shared>>)
    %barrier3A_89 = arith.constant 0 : index
    tpu.barrier barrier_id(%barrier3A_89)
    "tpu.region"() ({
      %run_scoped3A = tpu.sem_alloc : memref<!tpu.dma_semaphore, #tpu.memory_space<semaphore_mem>>
      %dma_start3A_90 = arith.constant 0 : i32
      %dma_start3A_91 = tpu.memref_slice %arg6[%arg0, %mul3A_9, %dma_start3A_90] : memref<2x10000x128xf32, #tpu.memory_space<hbm>> -> memref<1x625x128xf32, #tpu.memory_space<hbm>>
      %dma_start3A_92 = tpu.memref_squeeze %dma_start3A_91 : memref<1x625x128xf32, #tpu.memory_space<hbm>> -> memref<625x128xf32, #tpu.memory_space<hbm>>
      %dma_start3A_93 = arith.constant 0 : i32
      %dma_start3A_94 = tpu.memref_slice %arg15[%mul3A_9, %dma_start3A_93] : memref<10000x128xf32, #tpu.memory_space<vmem_shared>> -> memref<625x128xf32, #tpu.memory_space<vmem_shared>>
      tpu.enqueue_dma source(%dma_start3A_94 : memref<625x128xf32, #tpu.memory_space<vmem_shared>>) target(%dma_start3A_92 : memref<625x128xf32, #tpu.memory_space<hbm>>) target_semaphore(%run_scoped3A : memref<!tpu.dma_semaphore, #tpu.memory_space<semaphore_mem>>)
      %dma_wait3A_95 = arith.constant 0 : i32
      %dma_wait3A_96 = tpu.memref_slice %arg6[%arg0, %mul3A_9, %dma_wait3A_95] : memref<2x10000x128xf32, #tpu.memory_space<hbm>> -> memref<1x625x128xf32, #tpu.memory_space<hbm>>
      %dma_wait3A_97 = tpu.memref_squeeze %dma_wait3A_96 : memref<1x625x128xf32, #tpu.memory_space<hbm>> -> memref<625x128xf32, #tpu.memory_space<hbm>>
      %dma_wait3A_98 = arith.constant 0 : i32
      %dma_wait3A_99 = tpu.memref_slice %arg15[%mul3A_9, %dma_wait3A_98] : memref<10000x128xf32, #tpu.memory_space<vmem_shared>> -> memref<625x128xf32, #tpu.memory_space<vmem_shared>>
      tpu.wait_dma2 semaphore(%run_scoped3A : memref<!tpu.dma_semaphore, #tpu.memory_space<semaphore_mem>>) src(%dma_wait3A_99 : memref<625x128xf32, #tpu.memory_space<vmem_shared>>) dst(%dma_wait3A_97 : memref<625x128xf32, #tpu.memory_space<hbm>>)
      tpu.yield
    }) : () -> ()
    return
  }
}

#map = affine_map<(d0, d1) -> (0, 0)>
#map1 = affine_map<(d0, d1) -> (0, 0, 0)>
module attributes {stable_mosaic.version = 14 : i64} {
  func.func @k(%arg0: i32, %arg1: i32, %arg2: memref<10000x128xf32, #tpu.memory_space<hbm>>, %arg3: memref<10000x128xf32, #tpu.memory_space<hbm>>, %arg4: memref<32x250x40xi32, #tpu.memory_space<hbm>>, %arg5: memref<32x250x40xi32, #tpu.memory_space<hbm>>, %arg6: memref<2x10000x128xf32, #tpu.memory_space<hbm>>, %arg7: memref<250x40xi32, #tpu.memory_space<vmem>>, %arg8: memref<250x40xi32, #tpu.memory_space<vmem>>, %arg9: memref<40x128xf32, #tpu.memory_space<vmem>>, %arg10: memref<40x128xf32, #tpu.memory_space<vmem>>, %arg11: memref<40x128xf32, #tpu.memory_space<vmem>>, %arg12: memref<40x128xf32, #tpu.memory_space<vmem>>, %arg13: memref<40x128xf32, #tpu.memory_space<vmem>>, %arg14: memref<40x128xf32, #tpu.memory_space<vmem>>, %arg15: memref<10000x128xf32, #tpu.memory_space<vmem_shared>>, %arg16: memref<!tpu.dma_semaphore, #tpu.memory_space<semaphore_mem>>, %arg17: memref<!tpu.dma_semaphore, #tpu.memory_space<semaphore_mem>>, %arg18: memref<!tpu.dma_semaphore, #tpu.memory_space<semaphore_mem>>, %arg19: memref<!tpu.dma_semaphore, #tpu.memory_space<semaphore_mem>>, %arg20: memref<!tpu.dma_semaphore, #tpu.memory_space<semaphore_mem>>, %arg21: memref<!tpu.dma_semaphore, #tpu.memory_space<semaphore_mem>>) attributes {dimension_semantics = [#tpu.dimension_semantics<core_parallel>, #tpu.dimension_semantics<subcore_parallel>], iteration_bounds = array<i64: 2, 16>, scalar_prefetch = 0 : i64, scratch_operands = 15 : i64, tpu.core_type = #tpu.core_type<sc_vector_subcore>, window_params = [{transform_indices = #map}, {transform_indices = #map}, {transform_indices = #map1}, {transform_indices = #map1}, {transform_indices = #map1}]} {
    %mul3A = arith.constant 16 : i32
    %mul3A_0 = arith.muli %arg0, %mul3A : i32
    %add3A = arith.addi %mul3A_0, %arg1 : i32
    "tpu.region"() ({
      %run_scoped3A = tpu.sem_alloc : memref<!tpu.dma_semaphore, #tpu.memory_space<semaphore_mem>>
      %dma_start3A_90 = arith.constant 0 : i32
      %dma_start3A_91 = arith.constant 0 : i32
      %dma_start3A_92 = tpu.memref_slice %arg4[%add3A, %dma_start3A_90, %dma_start3A_91] : memref<32x250x40xi32, #tpu.memory_space<hbm>> -> memref<1x250x40xi32, #tpu.memory_space<hbm>>
      %dma_start3A_93 = tpu.memref_squeeze %dma_start3A_92 : memref<1x250x40xi32, #tpu.memory_space<hbm>> -> memref<250x40xi32, #tpu.memory_space<hbm>>
      %dma_start3A_94 = arith.constant 0 : i32
      %dma_start3A_95 = arith.constant 0 : i32
      %dma_start3A_96 = tpu.memref_slice %arg4[%add3A, %dma_start3A_94, %dma_start3A_95] : memref<32x250x40xi32, #tpu.memory_space<hbm>> -> memref<1x250x40xi32, #tpu.memory_space<hbm>>
      %dma_start3A_97 = tpu.memref_squeeze %dma_start3A_96 : memref<1x250x40xi32, #tpu.memory_space<hbm>> -> memref<250x40xi32, #tpu.memory_space<hbm>>
      tpu.enqueue_dma source(%dma_start3A_97 : memref<250x40xi32, #tpu.memory_space<hbm>>) target(%arg7 : memref<250x40xi32, #tpu.memory_space<vmem>>) target_semaphore(%run_scoped3A : memref<!tpu.dma_semaphore, #tpu.memory_space<semaphore_mem>>)
      %dma_wait3A_98 = arith.constant 0 : i32
      %dma_wait3A_99 = arith.constant 0 : i32
      %dma_wait3A_100 = tpu.memref_slice %arg4[%add3A, %dma_wait3A_98, %dma_wait3A_99] : memref<32x250x40xi32, #tpu.memory_space<hbm>> -> memref<1x250x40xi32, #tpu.memory_space<hbm>>
      %dma_wait3A_101 = tpu.memref_squeeze %dma_wait3A_100 : memref<1x250x40xi32, #tpu.memory_space<hbm>> -> memref<250x40xi32, #tpu.memory_space<hbm>>
      %dma_wait3A_102 = arith.constant 0 : i32
      %dma_wait3A_103 = arith.constant 0 : i32
      %dma_wait3A_104 = tpu.memref_slice %arg4[%add3A, %dma_wait3A_102, %dma_wait3A_103] : memref<32x250x40xi32, #tpu.memory_space<hbm>> -> memref<1x250x40xi32, #tpu.memory_space<hbm>>
      %dma_wait3A_105 = tpu.memref_squeeze %dma_wait3A_104 : memref<1x250x40xi32, #tpu.memory_space<hbm>> -> memref<250x40xi32, #tpu.memory_space<hbm>>
      tpu.wait_dma2 semaphore(%run_scoped3A : memref<!tpu.dma_semaphore, #tpu.memory_space<semaphore_mem>>) src(%dma_wait3A_105 : memref<250x40xi32, #tpu.memory_space<hbm>>) dst(%arg7 : memref<250x40xi32, #tpu.memory_space<vmem>>)
      tpu.yield
    }) : () -> ()
    "tpu.region"() ({
      %run_scoped3A = tpu.sem_alloc : memref<!tpu.dma_semaphore, #tpu.memory_space<semaphore_mem>>
      %dma_start3A_90 = arith.constant 0 : i32
      %dma_start3A_91 = arith.constant 0 : i32
      %dma_start3A_92 = tpu.memref_slice %arg5[%add3A, %dma_start3A_90, %dma_start3A_91] : memref<32x250x40xi32, #tpu.memory_space<hbm>> -> memref<1x250x40xi32, #tpu.memory_space<hbm>>
      %dma_start3A_93 = tpu.memref_squeeze %dma_start3A_92 : memref<1x250x40xi32, #tpu.memory_space<hbm>> -> memref<250x40xi32, #tpu.memory_space<hbm>>
      %dma_start3A_94 = arith.constant 0 : i32
      %dma_start3A_95 = arith.constant 0 : i32
      %dma_start3A_96 = tpu.memref_slice %arg5[%add3A, %dma_start3A_94, %dma_start3A_95] : memref<32x250x40xi32, #tpu.memory_space<hbm>> -> memref<1x250x40xi32, #tpu.memory_space<hbm>>
      %dma_start3A_97 = tpu.memref_squeeze %dma_start3A_96 : memref<1x250x40xi32, #tpu.memory_space<hbm>> -> memref<250x40xi32, #tpu.memory_space<hbm>>
      tpu.enqueue_dma source(%dma_start3A_97 : memref<250x40xi32, #tpu.memory_space<hbm>>) target(%arg8 : memref<250x40xi32, #tpu.memory_space<vmem>>) target_semaphore(%run_scoped3A : memref<!tpu.dma_semaphore, #tpu.memory_space<semaphore_mem>>)
      %dma_wait3A_98 = arith.constant 0 : i32
      %dma_wait3A_99 = arith.constant 0 : i32
      %dma_wait3A_100 = tpu.memref_slice %arg5[%add3A, %dma_wait3A_98, %dma_wait3A_99] : memref<32x250x40xi32, #tpu.memory_space<hbm>> -> memref<1x250x40xi32, #tpu.memory_space<hbm>>
      %dma_wait3A_101 = tpu.memref_squeeze %dma_wait3A_100 : memref<1x250x40xi32, #tpu.memory_space<hbm>> -> memref<250x40xi32, #tpu.memory_space<hbm>>
      %dma_wait3A_102 = arith.constant 0 : i32
      %dma_wait3A_103 = arith.constant 0 : i32
      %dma_wait3A_104 = tpu.memref_slice %arg5[%add3A, %dma_wait3A_102, %dma_wait3A_103] : memref<32x250x40xi32, #tpu.memory_space<hbm>> -> memref<1x250x40xi32, #tpu.memory_space<hbm>>
      %dma_wait3A_105 = tpu.memref_squeeze %dma_wait3A_104 : memref<1x250x40xi32, #tpu.memory_space<hbm>> -> memref<250x40xi32, #tpu.memory_space<hbm>>
      tpu.wait_dma2 semaphore(%run_scoped3A : memref<!tpu.dma_semaphore, #tpu.memory_space<semaphore_mem>>) src(%dma_wait3A_105 : memref<250x40xi32, #tpu.memory_space<hbm>>) dst(%arg8 : memref<250x40xi32, #tpu.memory_space<vmem>>)
      tpu.yield
    }) : () -> ()
    %broadcast_in_dim3A = arith.constant 0.000000e+00 : f32
    %broadcast_in_dim3A_1 = vector.broadcast %broadcast_in_dim3A : f32 to vector<16xf32>
    %scan3A = arith.constant 0 : i32
    %scan3A_2 = arith.constant 0 : i32
    %scan3A_3 = arith.constant 40 : i32
    %scan3A_4 = arith.addi %scan3A_2, %scan3A_3 : i32
    %scan3A_5 = arith.constant 1 : i32
    %scan3A_6 = scf.for %scan3A_90 = %scan3A_2 to %scan3A_4 step %scan3A_5 iter_args(%scan3A_91 = %scan3A) -> (i32)  : i32 {
      %swap3A = arith.index_cast %scan3A_90 : i32 to index
      %swap3A_92 = arith.constant 0 : index
      %swap3A_93 = tpu.vector_load %arg13[%swap3A, %swap3A_92] {strides = array<i32>} : memref<40x128xf32, #tpu.memory_space<vmem>>, vector<1x16xf32>,
      %swap3A_94 = vector.shape_cast %swap3A_93 : vector<1x16xf32> to vector<16xf32>
      %swap3A_95 = vector.shape_cast %broadcast_in_dim3A_1 : vector<16xf32> to vector<1x16xf32>
      tpu.vector_store %arg13[%swap3A, %swap3A_92], %swap3A_95 {strides = array<i32>} : memref<40x128xf32, #tpu.memory_space<vmem>>, vector<1x16xf32>,
      %swap3A_96 = arith.index_cast %scan3A_90 : i32 to index
      %swap3A_97 = arith.constant 16 : index
      %swap3A_98 = tpu.vector_load %arg13[%swap3A_96, %swap3A_97] {strides = array<i32>} : memref<40x128xf32, #tpu.memory_space<vmem>>, vector<1x16xf32>,
      %swap3A_99 = vector.shape_cast %swap3A_98 : vector<1x16xf32> to vector<16xf32>
      %swap3A_100 = vector.shape_cast %broadcast_in_dim3A_1 : vector<16xf32> to vector<1x16xf32>
      tpu.vector_store %arg13[%swap3A_96, %swap3A_97], %swap3A_100 {strides = array<i32>} : memref<40x128xf32, #tpu.memory_space<vmem>>, vector<1x16xf32>,
      %swap3A_101 = arith.index_cast %scan3A_90 : i32 to index
      %swap3A_102 = arith.constant 32 : index
      %swap3A_103 = tpu.vector_load %arg13[%swap3A_101, %swap3A_102] {strides = array<i32>} : memref<40x128xf32, #tpu.memory_space<vmem>>, vector<1x16xf32>,
      %swap3A_104 = vector.shape_cast %swap3A_103 : vector<1x16xf32> to vector<16xf32>
      %swap3A_105 = vector.shape_cast %broadcast_in_dim3A_1 : vector<16xf32> to vector<1x16xf32>
      tpu.vector_store %arg13[%swap3A_101, %swap3A_102], %swap3A_105 {strides = array<i32>} : memref<40x128xf32, #tpu.memory_space<vmem>>, vector<1x16xf32>,
      %swap3A_106 = arith.index_cast %scan3A_90 : i32 to index
      %swap3A_107 = arith.constant 48 : index
      %swap3A_108 = tpu.vector_load %arg13[%swap3A_106, %swap3A_107] {strides = array<i32>} : memref<40x128xf32, #tpu.memory_space<vmem>>, vector<1x16xf32>,
      %swap3A_109 = vector.shape_cast %swap3A_108 : vector<1x16xf32> to vector<16xf32>
      %swap3A_110 = vector.shape_cast %broadcast_in_dim3A_1 : vector<16xf32> to vector<1x16xf32>
      tpu.vector_store %arg13[%swap3A_106, %swap3A_107], %swap3A_110 {strides = array<i32>} : memref<40x128xf32, #tpu.memory_space<vmem>>, vector<1x16xf32>,
      %swap3A_111 = arith.index_cast %scan3A_90 : i32 to index
      %swap3A_112 = arith.constant 64 : index
      %swap3A_113 = tpu.vector_load %arg13[%swap3A_111, %swap3A_112] {strides = array<i32>} : memref<40x128xf32, #tpu.memory_space<vmem>>, vector<1x16xf32>,
      %swap3A_114 = vector.shape_cast %swap3A_113 : vector<1x16xf32> to vector<16xf32>
      %swap3A_115 = vector.shape_cast %broadcast_in_dim3A_1 : vector<16xf32> to vector<1x16xf32>
      tpu.vector_store %arg13[%swap3A_111, %swap3A_112], %swap3A_115 {strides = array<i32>} : memref<40x128xf32, #tpu.memory_space<vmem>>, vector<1x16xf32>,
      %swap3A_116 = arith.index_cast %scan3A_90 : i32 to index
      %swap3A_117 = arith.constant 80 : index
      %swap3A_118 = tpu.vector_load %arg13[%swap3A_116, %swap3A_117] {strides = array<i32>} : memref<40x128xf32, #tpu.memory_space<vmem>>, vector<1x16xf32>,
      %swap3A_119 = vector.shape_cast %swap3A_118 : vector<1x16xf32> to vector<16xf32>
      %swap3A_120 = vector.shape_cast %broadcast_in_dim3A_1 : vector<16xf32> to vector<1x16xf32>
      tpu.vector_store %arg13[%swap3A_116, %swap3A_117], %swap3A_120 {strides = array<i32>} : memref<40x128xf32, #tpu.memory_space<vmem>>, vector<1x16xf32>,
      %swap3A_121 = arith.index_cast %scan3A_90 : i32 to index
      %swap3A_122 = arith.constant 96 : index
      %swap3A_123 = tpu.vector_load %arg13[%swap3A_121, %swap3A_122] {strides = array<i32>} : memref<40x128xf32, #tpu.memory_space<vmem>>, vector<1x16xf32>,
      %swap3A_124 = vector.shape_cast %swap3A_123 : vector<1x16xf32> to vector<16xf32>
      %swap3A_125 = vector.shape_cast %broadcast_in_dim3A_1 : vector<16xf32> to vector<1x16xf32>
      tpu.vector_store %arg13[%swap3A_121, %swap3A_122], %swap3A_125 {strides = array<i32>} : memref<40x128xf32, #tpu.memory_space<vmem>>, vector<1x16xf32>,
      %swap3A_126 = arith.index_cast %scan3A_90 : i32 to index
      %swap3A_127 = arith.constant 112 : index
      %swap3A_128 = tpu.vector_load %arg13[%swap3A_126, %swap3A_127] {strides = array<i32>} : memref<40x128xf32, #tpu.memory_space<vmem>>, vector<1x16xf32>,
      %swap3A_129 = vector.shape_cast %swap3A_128 : vector<1x16xf32> to vector<16xf32>
      %swap3A_130 = vector.shape_cast %broadcast_in_dim3A_1 : vector<16xf32> to vector<1x16xf32>
      tpu.vector_store %arg13[%swap3A_126, %swap3A_127], %swap3A_130 {strides = array<i32>} : memref<40x128xf32, #tpu.memory_space<vmem>>, vector<1x16xf32>,
      %scan3A_131 = arith.constant 0 : i32
      scf.yield %scan3A_131 : i32
    }
    %scan3A_7 = arith.constant 40 : i32
    %mul3A_8 = arith.constant 625 : i32
    %mul3A_9 = arith.muli %arg1, %mul3A_8 : i32
    %add3A_10 = arith.constant 0 : i32
    %add3A_11 = arith.addi %mul3A_9, %add3A_10 : i32
    "tpu.region"() ({
      %run_scoped3A = tpu.sem_alloc : memref<!tpu.dma_semaphore, #tpu.memory_space<semaphore_mem>>
      %dma_start3A_90 = arith.constant 0 : i32
      %dma_start3A_91 = tpu.memref_slice %arg15[%add3A_11, %dma_start3A_90] : memref<10000x128xf32, #tpu.memory_space<vmem_shared>> -> memref<40x128xf32, #tpu.memory_space<vmem_shared>>
      %dma_start3A_92 = arith.constant 0 : i32
      %dma_start3A_93 = tpu.memref_slice %arg15[%add3A_11, %dma_start3A_92] : memref<10000x128xf32, #tpu.memory_space<vmem_shared>> -> memref<40x128xf32, #tpu.memory_space<vmem_shared>>
      tpu.enqueue_dma source(%arg13 : memref<40x128xf32, #tpu.memory_space<vmem>>) target(%dma_start3A_93 : memref<40x128xf32, #tpu.memory_space<vmem_shared>>) target_semaphore(%run_scoped3A : memref<!tpu.dma_semaphore, #tpu.memory_space<semaphore_mem>>)
      %dma_wait3A_94 = arith.constant 0 : i32
      %dma_wait3A_95 = tpu.memref_slice %arg15[%add3A_11, %dma_wait3A_94] : memref<10000x128xf32, #tpu.memory_space<vmem_shared>> -> memref<40x128xf32, #tpu.memory_space<vmem_shared>>
      %dma_wait3A_96 = arith.constant 0 : i32
      %dma_wait3A_97 = tpu.memref_slice %arg15[%add3A_11, %dma_wait3A_96] : memref<10000x128xf32, #tpu.memory_space<vmem_shared>> -> memref<40x128xf32, #tpu.memory_space<vmem_shared>>
      tpu.wait_dma2 semaphore(%run_scoped3A : memref<!tpu.dma_semaphore, #tpu.memory_space<semaphore_mem>>) src(%arg13 : memref<40x128xf32, #tpu.memory_space<vmem>>) dst(%dma_wait3A_97 : memref<40x128xf32, #tpu.memory_space<vmem_shared>>)
      tpu.yield
    }) : () -> ()
    %add3A_12 = arith.constant 40 : i32
    %add3A_13 = arith.addi %mul3A_9, %add3A_12 : i32
    "tpu.region"() ({
      %run_scoped3A = tpu.sem_alloc : memref<!tpu.dma_semaphore, #tpu.memory_space<semaphore_mem>>
      %dma_start3A_90 = arith.constant 0 : i32
      %dma_start3A_91 = tpu.memref_slice %arg15[%add3A_13, %dma_start3A_90] : memref<10000x128xf32, #tpu.memory_space<vmem_shared>> -> memref<40x128xf32, #tpu.memory_space<vmem_shared>>
      %dma_start3A_92 = arith.constant 0 : i32
      %dma_start3A_93 = tpu.memref_slice %arg15[%add3A_13, %dma_start3A_92] : memref<10000x128xf32, #tpu.memory_space<vmem_shared>> -> memref<40x128xf32, #tpu.memory_space<vmem_shared>>
      tpu.enqueue_dma source(%arg13 : memref<40x128xf32, #tpu.memory_space<vmem>>) target(%dma_start3A_93 : memref<40x128xf32, #tpu.memory_space<vmem_shared>>) target_semaphore(%run_scoped3A : memref<!tpu.dma_semaphore, #tpu.memory_space<semaphore_mem>>)
      %dma_wait3A_94 = arith.constant 0 : i32
      %dma_wait3A_95 = tpu.memref_slice %arg15[%add3A_13, %dma_wait3A_94] : memref<10000x128xf32, #tpu.memory_space<vmem_shared>> -> memref<40x128xf32, #tpu.memory_space<vmem_shared>>
      %dma_wait3A_96 = arith.constant 0 : i32
      %dma_wait3A_97 = tpu.memref_slice %arg15[%add3A_13, %dma_wait3A_96] : memref<10000x128xf32, #tpu.memory_space<vmem_shared>> -> memref<40x128xf32, #tpu.memory_space<vmem_shared>>
      tpu.wait_dma2 semaphore(%run_scoped3A : memref<!tpu.dma_semaphore, #tpu.memory_space<semaphore_mem>>) src(%arg13 : memref<40x128xf32, #tpu.memory_space<vmem>>) dst(%dma_wait3A_97 : memref<40x128xf32, #tpu.memory_space<vmem_shared>>)
      tpu.yield
    }) : () -> ()
    %add3A_14 = arith.constant 80 : i32
    %add3A_15 = arith.addi %mul3A_9, %add3A_14 : i32
    "tpu.region"() ({
      %run_scoped3A = tpu.sem_alloc : memref<!tpu.dma_semaphore, #tpu.memory_space<semaphore_mem>>
      %dma_start3A_90 = arith.constant 0 : i32
      %dma_start3A_91 = tpu.memref_slice %arg15[%add3A_15, %dma_start3A_90] : memref<10000x128xf32, #tpu.memory_space<vmem_shared>> -> memref<40x128xf32, #tpu.memory_space<vmem_shared>>
      %dma_start3A_92 = arith.constant 0 : i32
      %dma_start3A_93 = tpu.memref_slice %arg15[%add3A_15, %dma_start3A_92] : memref<10000x128xf32, #tpu.memory_space<vmem_shared>> -> memref<40x128xf32, #tpu.memory_space<vmem_shared>>
      tpu.enqueue_dma source(%arg13 : memref<40x128xf32, #tpu.memory_space<vmem>>) target(%dma_start3A_93 : memref<40x128xf32, #tpu.memory_space<vmem_shared>>) target_semaphore(%run_scoped3A : memref<!tpu.dma_semaphore, #tpu.memory_space<semaphore_mem>>)
      %dma_wait3A_94 = arith.constant 0 : i32
      %dma_wait3A_95 = tpu.memref_slice %arg15[%add3A_15, %dma_wait3A_94] : memref<10000x128xf32, #tpu.memory_space<vmem_shared>> -> memref<40x128xf32, #tpu.memory_space<vmem_shared>>
      %dma_wait3A_96 = arith.constant 0 : i32
      %dma_wait3A_97 = tpu.memref_slice %arg15[%add3A_15, %dma_wait3A_96] : memref<10000x128xf32, #tpu.memory_space<vmem_shared>> -> memref<40x128xf32, #tpu.memory_space<vmem_shared>>
      tpu.wait_dma2 semaphore(%run_scoped3A : memref<!tpu.dma_semaphore, #tpu.memory_space<semaphore_mem>>) src(%arg13 : memref<40x128xf32, #tpu.memory_space<vmem>>) dst(%dma_wait3A_97 : memref<40x128xf32, #tpu.memory_space<vmem_shared>>)
      tpu.yield
    }) : () -> ()
    %add3A_16 = arith.constant 120 : i32
    %add3A_17 = arith.addi %mul3A_9, %add3A_16 : i32
    "tpu.region"() ({
      %run_scoped3A = tpu.sem_alloc : memref<!tpu.dma_semaphore, #tpu.memory_space<semaphore_mem>>
      %dma_start3A_90 = arith.constant 0 : i32
      %dma_start3A_91 = tpu.memref_slice %arg15[%add3A_17, %dma_start3A_90] : memref<10000x128xf32, #tpu.memory_space<vmem_shared>> -> memref<40x128xf32, #tpu.memory_space<vmem_shared>>
      %dma_start3A_92 = arith.constant 0 : i32
      %dma_start3A_93 = tpu.memref_slice %arg15[%add3A_17, %dma_start3A_92] : memref<10000x128xf32, #tpu.memory_space<vmem_shared>> -> memref<40x128xf32, #tpu.memory_space<vmem_shared>>
      tpu.enqueue_dma source(%arg13 : memref<40x128xf32, #tpu.memory_space<vmem>>) target(%dma_start3A_93 : memref<40x128xf32, #tpu.memory_space<vmem_shared>>) target_semaphore(%run_scoped3A : memref<!tpu.dma_semaphore, #tpu.memory_space<semaphore_mem>>)
      %dma_wait3A_94 = arith.constant 0 : i32
      %dma_wait3A_95 = tpu.memref_slice %arg15[%add3A_17, %dma_wait3A_94] : memref<10000x128xf32, #tpu.memory_space<vmem_shared>> -> memref<40x128xf32, #tpu.memory_space<vmem_shared>>
      %dma_wait3A_96 = arith.constant 0 : i32
      %dma_wait3A_97 = tpu.memref_slice %arg15[%add3A_17, %dma_wait3A_96] : memref<10000x128xf32, #tpu.memory_space<vmem_shared>> -> memref<40x128xf32, #tpu.memory_space<vmem_shared>>
      tpu.wait_dma2 semaphore(%run_scoped3A : memref<!tpu.dma_semaphore, #tpu.memory_space<semaphore_mem>>) src(%arg13 : memref<40x128xf32, #tpu.memory_space<vmem>>) dst(%dma_wait3A_97 : memref<40x128xf32, #tpu.memory_space<vmem_shared>>)
      tpu.yield
    }) : () -> ()
    %add3A_18 = arith.constant 160 : i32
    %add3A_19 = arith.addi %mul3A_9, %add3A_18 : i32
    "tpu.region"() ({
      %run_scoped3A = tpu.sem_alloc : memref<!tpu.dma_semaphore, #tpu.memory_space<semaphore_mem>>
      %dma_start3A_90 = arith.constant 0 : i32
      %dma_start3A_91 = tpu.memref_slice %arg15[%add3A_19, %dma_start3A_90] : memref<10000x128xf32, #tpu.memory_space<vmem_shared>> -> memref<40x128xf32, #tpu.memory_space<vmem_shared>>
      %dma_start3A_92 = arith.constant 0 : i32
      %dma_start3A_93 = tpu.memref_slice %arg15[%add3A_19, %dma_start3A_92] : memref<10000x128xf32, #tpu.memory_space<vmem_shared>> -> memref<40x128xf32, #tpu.memory_space<vmem_shared>>
      tpu.enqueue_dma source(%arg13 : memref<40x128xf32, #tpu.memory_space<vmem>>) target(%dma_start3A_93 : memref<40x128xf32, #tpu.memory_space<vmem_shared>>) target_semaphore(%run_scoped3A : memref<!tpu.dma_semaphore, #tpu.memory_space<semaphore_mem>>)
      %dma_wait3A_94 = arith.constant 0 : i32
      %dma_wait3A_95 = tpu.memref_slice %arg15[%add3A_19, %dma_wait3A_94] : memref<10000x128xf32, #tpu.memory_space<vmem_shared>> -> memref<40x128xf32, #tpu.memory_space<vmem_shared>>
      %dma_wait3A_96 = arith.constant 0 : i32
      %dma_wait3A_97 = tpu.memref_slice %arg15[%add3A_19, %dma_wait3A_96] : memref<10000x128xf32, #tpu.memory_space<vmem_shared>> -> memref<40x128xf32, #tpu.memory_space<vmem_shared>>
      tpu.wait_dma2 semaphore(%run_scoped3A : memref<!tpu.dma_semaphore, #tpu.memory_space<semaphore_mem>>) src(%arg13 : memref<40x128xf32, #tpu.memory_space<vmem>>) dst(%dma_wait3A_97 : memref<40x128xf32, #tpu.memory_space<vmem_shared>>)
      tpu.yield
    }) : () -> ()
    %add3A_20 = arith.constant 200 : i32
    %add3A_21 = arith.addi %mul3A_9, %add3A_20 : i32
    "tpu.region"() ({
      %run_scoped3A = tpu.sem_alloc : memref<!tpu.dma_semaphore, #tpu.memory_space<semaphore_mem>>
      %dma_start3A_90 = arith.constant 0 : i32
      %dma_start3A_91 = tpu.memref_slice %arg15[%add3A_21, %dma_start3A_90] : memref<10000x128xf32, #tpu.memory_space<vmem_shared>> -> memref<40x128xf32, #tpu.memory_space<vmem_shared>>
      %dma_start3A_92 = arith.constant 0 : i32
      %dma_start3A_93 = tpu.memref_slice %arg15[%add3A_21, %dma_start3A_92] : memref<10000x128xf32, #tpu.memory_space<vmem_shared>> -> memref<40x128xf32, #tpu.memory_space<vmem_shared>>
      tpu.enqueue_dma source(%arg13 : memref<40x128xf32, #tpu.memory_space<vmem>>) target(%dma_start3A_93 : memref<40x128xf32, #tpu.memory_space<vmem_shared>>) target_semaphore(%run_scoped3A : memref<!tpu.dma_semaphore, #tpu.memory_space<semaphore_mem>>)
      %dma_wait3A_94 = arith.constant 0 : i32
      %dma_wait3A_95 = tpu.memref_slice %arg15[%add3A_21, %dma_wait3A_94] : memref<10000x128xf32, #tpu.memory_space<vmem_shared>> -> memref<40x128xf32, #tpu.memory_space<vmem_shared>>
      %dma_wait3A_96 = arith.constant 0 : i32
      %dma_wait3A_97 = tpu.memref_slice %arg15[%add3A_21, %dma_wait3A_96] : memref<10000x128xf32, #tpu.memory_space<vmem_shared>> -> memref<40x128xf32, #tpu.memory_space<vmem_shared>>
      tpu.wait_dma2 semaphore(%run_scoped3A : memref<!tpu.dma_semaphore, #tpu.memory_space<semaphore_mem>>) src(%arg13 : memref<40x128xf32, #tpu.memory_space<vmem>>) dst(%dma_wait3A_97 : memref<40x128xf32, #tpu.memory_space<vmem_shared>>)
      tpu.yield
    }) : () -> ()
    %add3A_22 = arith.constant 240 : i32
    %add3A_23 = arith.addi %mul3A_9, %add3A_22 : i32
    "tpu.region"() ({
      %run_scoped3A = tpu.sem_alloc : memref<!tpu.dma_semaphore, #tpu.memory_space<semaphore_mem>>
      %dma_start3A_90 = arith.constant 0 : i32
      %dma_start3A_91 = tpu.memref_slice %arg15[%add3A_23, %dma_start3A_90] : memref<10000x128xf32, #tpu.memory_space<vmem_shared>> -> memref<40x128xf32, #tpu.memory_space<vmem_shared>>
      %dma_start3A_92 = arith.constant 0 : i32
      %dma_start3A_93 = tpu.memref_slice %arg15[%add3A_23, %dma_start3A_92] : memref<10000x128xf32, #tpu.memory_space<vmem_shared>> -> memref<40x128xf32, #tpu.memory_space<vmem_shared>>
      tpu.enqueue_dma source(%arg13 : memref<40x128xf32, #tpu.memory_space<vmem>>) target(%dma_start3A_93 : memref<40x128xf32, #tpu.memory_space<vmem_shared>>) target_semaphore(%run_scoped3A : memref<!tpu.dma_semaphore, #tpu.memory_space<semaphore_mem>>)
      %dma_wait3A_94 = arith.constant 0 : i32
      %dma_wait3A_95 = tpu.memref_slice %arg15[%add3A_23, %dma_wait3A_94] : memref<10000x128xf32, #tpu.memory_space<vmem_shared>> -> memref<40x128xf32, #tpu.memory_space<vmem_shared>>
      %dma_wait3A_96 = arith.constant 0 : i32
      %dma_wait3A_97 = tpu.memref_slice %arg15[%add3A_23, %dma_wait3A_96] : memref<10000x128xf32, #tpu.memory_space<vmem_shared>> -> memref<40x128xf32, #tpu.memory_space<vmem_shared>>
      tpu.wait_dma2 semaphore(%run_scoped3A : memref<!tpu.dma_semaphore, #tpu.memory_space<semaphore_mem>>) src(%arg13 : memref<40x128xf32, #tpu.memory_space<vmem>>) dst(%dma_wait3A_97 : memref<40x128xf32, #tpu.memory_space<vmem_shared>>)
      tpu.yield
    }) : () -> ()
    %add3A_24 = arith.constant 280 : i32
    %add3A_25 = arith.addi %mul3A_9, %add3A_24 : i32
    "tpu.region"() ({
      %run_scoped3A = tpu.sem_alloc : memref<!tpu.dma_semaphore, #tpu.memory_space<semaphore_mem>>
      %dma_start3A_90 = arith.constant 0 : i32
      %dma_start3A_91 = tpu.memref_slice %arg15[%add3A_25, %dma_start3A_90] : memref<10000x128xf32, #tpu.memory_space<vmem_shared>> -> memref<40x128xf32, #tpu.memory_space<vmem_shared>>
      %dma_start3A_92 = arith.constant 0 : i32
      %dma_start3A_93 = tpu.memref_slice %arg15[%add3A_25, %dma_start3A_92] : memref<10000x128xf32, #tpu.memory_space<vmem_shared>> -> memref<40x128xf32, #tpu.memory_space<vmem_shared>>
      tpu.enqueue_dma source(%arg13 : memref<40x128xf32, #tpu.memory_space<vmem>>) target(%dma_start3A_93 : memref<40x128xf32, #tpu.memory_space<vmem_shared>>) target_semaphore(%run_scoped3A : memref<!tpu.dma_semaphore, #tpu.memory_space<semaphore_mem>>)
      %dma_wait3A_94 = arith.constant 0 : i32
      %dma_wait3A_95 = tpu.memref_slice %arg15[%add3A_25, %dma_wait3A_94] : memref<10000x128xf32, #tpu.memory_space<vmem_shared>> -> memref<40x128xf32, #tpu.memory_space<vmem_shared>>
      %dma_wait3A_96 = arith.constant 0 : i32
      %dma_wait3A_97 = tpu.memref_slice %arg15[%add3A_25, %dma_wait3A_96] : memref<10000x128xf32, #tpu.memory_space<vmem_shared>> -> memref<40x128xf32, #tpu.memory_space<vmem_shared>>
      tpu.wait_dma2 semaphore(%run_scoped3A : memref<!tpu.dma_semaphore, #tpu.memory_space<semaphore_mem>>) src(%arg13 : memref<40x128xf32, #tpu.memory_space<vmem>>) dst(%dma_wait3A_97 : memref<40x128xf32, #tpu.memory_space<vmem_shared>>)
      tpu.yield
    }) : () -> ()
    %add3A_26 = arith.constant 320 : i32
    %add3A_27 = arith.addi %mul3A_9, %add3A_26 : i32
    "tpu.region"() ({
      %run_scoped3A = tpu.sem_alloc : memref<!tpu.dma_semaphore, #tpu.memory_space<semaphore_mem>>
      %dma_start3A_90 = arith.constant 0 : i32
      %dma_start3A_91 = tpu.memref_slice %arg15[%add3A_27, %dma_start3A_90] : memref<10000x128xf32, #tpu.memory_space<vmem_shared>> -> memref<40x128xf32, #tpu.memory_space<vmem_shared>>
      %dma_start3A_92 = arith.constant 0 : i32
      %dma_start3A_93 = tpu.memref_slice %arg15[%add3A_27, %dma_start3A_92] : memref<10000x128xf32, #tpu.memory_space<vmem_shared>> -> memref<40x128xf32, #tpu.memory_space<vmem_shared>>
      tpu.enqueue_dma source(%arg13 : memref<40x128xf32, #tpu.memory_space<vmem>>) target(%dma_start3A_93 : memref<40x128xf32, #tpu.memory_space<vmem_shared>>) target_semaphore(%run_scoped3A : memref<!tpu.dma_semaphore, #tpu.memory_space<semaphore_mem>>)
      %dma_wait3A_94 = arith.constant 0 : i32
      %dma_wait3A_95 = tpu.memref_slice %arg15[%add3A_27, %dma_wait3A_94] : memref<10000x128xf32, #tpu.memory_space<vmem_shared>> -> memref<40x128xf32, #tpu.memory_space<vmem_shared>>
      %dma_wait3A_96 = arith.constant 0 : i32
      %dma_wait3A_97 = tpu.memref_slice %arg15[%add3A_27, %dma_wait3A_96] : memref<10000x128xf32, #tpu.memory_space<vmem_shared>> -> memref<40x128xf32, #tpu.memory_space<vmem_shared>>
      tpu.wait_dma2 semaphore(%run_scoped3A : memref<!tpu.dma_semaphore, #tpu.memory_space<semaphore_mem>>) src(%arg13 : memref<40x128xf32, #tpu.memory_space<vmem>>) dst(%dma_wait3A_97 : memref<40x128xf32, #tpu.memory_space<vmem_shared>>)
      tpu.yield
    }) : () -> ()
    %add3A_28 = arith.constant 360 : i32
    %add3A_29 = arith.addi %mul3A_9, %add3A_28 : i32
    "tpu.region"() ({
      %run_scoped3A = tpu.sem_alloc : memref<!tpu.dma_semaphore, #tpu.memory_space<semaphore_mem>>
      %dma_start3A_90 = arith.constant 0 : i32
      %dma_start3A_91 = tpu.memref_slice %arg15[%add3A_29, %dma_start3A_90] : memref<10000x128xf32, #tpu.memory_space<vmem_shared>> -> memref<40x128xf32, #tpu.memory_space<vmem_shared>>
      %dma_start3A_92 = arith.constant 0 : i32
      %dma_start3A_93 = tpu.memref_slice %arg15[%add3A_29, %dma_start3A_92] : memref<10000x128xf32, #tpu.memory_space<vmem_shared>> -> memref<40x128xf32, #tpu.memory_space<vmem_shared>>
      tpu.enqueue_dma source(%arg13 : memref<40x128xf32, #tpu.memory_space<vmem>>) target(%dma_start3A_93 : memref<40x128xf32, #tpu.memory_space<vmem_shared>>) target_semaphore(%run_scoped3A : memref<!tpu.dma_semaphore, #tpu.memory_space<semaphore_mem>>)
      %dma_wait3A_94 = arith.constant 0 : i32
      %dma_wait3A_95 = tpu.memref_slice %arg15[%add3A_29, %dma_wait3A_94] : memref<10000x128xf32, #tpu.memory_space<vmem_shared>> -> memref<40x128xf32, #tpu.memory_space<vmem_shared>>
      %dma_wait3A_96 = arith.constant 0 : i32
      %dma_wait3A_97 = tpu.memref_slice %arg15[%add3A_29, %dma_wait3A_96] : memref<10000x128xf32, #tpu.memory_space<vmem_shared>> -> memref<40x128xf32, #tpu.memory_space<vmem_shared>>
      tpu.wait_dma2 semaphore(%run_scoped3A : memref<!tpu.dma_semaphore, #tpu.memory_space<semaphore_mem>>) src(%arg13 : memref<40x128xf32, #tpu.memory_space<vmem>>) dst(%dma_wait3A_97 : memref<40x128xf32, #tpu.memory_space<vmem_shared>>)
      tpu.yield
    }) : () -> ()
    %add3A_30 = arith.constant 400 : i32
    %add3A_31 = arith.addi %mul3A_9, %add3A_30 : i32
    "tpu.region"() ({
      %run_scoped3A = tpu.sem_alloc : memref<!tpu.dma_semaphore, #tpu.memory_space<semaphore_mem>>
      %dma_start3A_90 = arith.constant 0 : i32
      %dma_start3A_91 = tpu.memref_slice %arg15[%add3A_31, %dma_start3A_90] : memref<10000x128xf32, #tpu.memory_space<vmem_shared>> -> memref<40x128xf32, #tpu.memory_space<vmem_shared>>
      %dma_start3A_92 = arith.constant 0 : i32
      %dma_start3A_93 = tpu.memref_slice %arg15[%add3A_31, %dma_start3A_92] : memref<10000x128xf32, #tpu.memory_space<vmem_shared>> -> memref<40x128xf32, #tpu.memory_space<vmem_shared>>
      tpu.enqueue_dma source(%arg13 : memref<40x128xf32, #tpu.memory_space<vmem>>) target(%dma_start3A_93 : memref<40x128xf32, #tpu.memory_space<vmem_shared>>) target_semaphore(%run_scoped3A : memref<!tpu.dma_semaphore, #tpu.memory_space<semaphore_mem>>)
      %dma_wait3A_94 = arith.constant 0 : i32
      %dma_wait3A_95 = tpu.memref_slice %arg15[%add3A_31, %dma_wait3A_94] : memref<10000x128xf32, #tpu.memory_space<vmem_shared>> -> memref<40x128xf32, #tpu.memory_space<vmem_shared>>
      %dma_wait3A_96 = arith.constant 0 : i32
      %dma_wait3A_97 = tpu.memref_slice %arg15[%add3A_31, %dma_wait3A_96] : memref<10000x128xf32, #tpu.memory_space<vmem_shared>> -> memref<40x128xf32, #tpu.memory_space<vmem_shared>>
      tpu.wait_dma2 semaphore(%run_scoped3A : memref<!tpu.dma_semaphore, #tpu.memory_space<semaphore_mem>>) src(%arg13 : memref<40x128xf32, #tpu.memory_space<vmem>>) dst(%dma_wait3A_97 : memref<40x128xf32, #tpu.memory_space<vmem_shared>>)
      tpu.yield
    }) : () -> ()
    %add3A_32 = arith.constant 440 : i32
    %add3A_33 = arith.addi %mul3A_9, %add3A_32 : i32
    "tpu.region"() ({
      %run_scoped3A = tpu.sem_alloc : memref<!tpu.dma_semaphore, #tpu.memory_space<semaphore_mem>>
      %dma_start3A_90 = arith.constant 0 : i32
      %dma_start3A_91 = tpu.memref_slice %arg15[%add3A_33, %dma_start3A_90] : memref<10000x128xf32, #tpu.memory_space<vmem_shared>> -> memref<40x128xf32, #tpu.memory_space<vmem_shared>>
      %dma_start3A_92 = arith.constant 0 : i32
      %dma_start3A_93 = tpu.memref_slice %arg15[%add3A_33, %dma_start3A_92] : memref<10000x128xf32, #tpu.memory_space<vmem_shared>> -> memref<40x128xf32, #tpu.memory_space<vmem_shared>>
      tpu.enqueue_dma source(%arg13 : memref<40x128xf32, #tpu.memory_space<vmem>>) target(%dma_start3A_93 : memref<40x128xf32, #tpu.memory_space<vmem_shared>>) target_semaphore(%run_scoped3A : memref<!tpu.dma_semaphore, #tpu.memory_space<semaphore_mem>>)
      %dma_wait3A_94 = arith.constant 0 : i32
      %dma_wait3A_95 = tpu.memref_slice %arg15[%add3A_33, %dma_wait3A_94] : memref<10000x128xf32, #tpu.memory_space<vmem_shared>> -> memref<40x128xf32, #tpu.memory_space<vmem_shared>>
      %dma_wait3A_96 = arith.constant 0 : i32
      %dma_wait3A_97 = tpu.memref_slice %arg15[%add3A_33, %dma_wait3A_96] : memref<10000x128xf32, #tpu.memory_space<vmem_shared>> -> memref<40x128xf32, #tpu.memory_space<vmem_shared>>
      tpu.wait_dma2 semaphore(%run_scoped3A : memref<!tpu.dma_semaphore, #tpu.memory_space<semaphore_mem>>) src(%arg13 : memref<40x128xf32, #tpu.memory_space<vmem>>) dst(%dma_wait3A_97 : memref<40x128xf32, #tpu.memory_space<vmem_shared>>)
      tpu.yield
    }) : () -> ()
    %add3A_34 = arith.constant 480 : i32
    %add3A_35 = arith.addi %mul3A_9, %add3A_34 : i32
    "tpu.region"() ({
      %run_scoped3A = tpu.sem_alloc : memref<!tpu.dma_semaphore, #tpu.memory_space<semaphore_mem>>
      %dma_start3A_90 = arith.constant 0 : i32
      %dma_start3A_91 = tpu.memref_slice %arg15[%add3A_35, %dma_start3A_90] : memref<10000x128xf32, #tpu.memory_space<vmem_shared>> -> memref<40x128xf32, #tpu.memory_space<vmem_shared>>
      %dma_start3A_92 = arith.constant 0 : i32
      %dma_start3A_93 = tpu.memref_slice %arg15[%add3A_35, %dma_start3A_92] : memref<10000x128xf32, #tpu.memory_space<vmem_shared>> -> memref<40x128xf32, #tpu.memory_space<vmem_shared>>
      tpu.enqueue_dma source(%arg13 : memref<40x128xf32, #tpu.memory_space<vmem>>) target(%dma_start3A_93 : memref<40x128xf32, #tpu.memory_space<vmem_shared>>) target_semaphore(%run_scoped3A : memref<!tpu.dma_semaphore, #tpu.memory_space<semaphore_mem>>)
      %dma_wait3A_94 = arith.constant 0 : i32
      %dma_wait3A_95 = tpu.memref_slice %arg15[%add3A_35, %dma_wait3A_94] : memref<10000x128xf32, #tpu.memory_space<vmem_shared>> -> memref<40x128xf32, #tpu.memory_space<vmem_shared>>
      %dma_wait3A_96 = arith.constant 0 : i32
      %dma_wait3A_97 = tpu.memref_slice %arg15[%add3A_35, %dma_wait3A_96] : memref<10000x128xf32, #tpu.memory_space<vmem_shared>> -> memref<40x128xf32, #tpu.memory_space<vmem_shared>>
      tpu.wait_dma2 semaphore(%run_scoped3A : memref<!tpu.dma_semaphore, #tpu.memory_space<semaphore_mem>>) src(%arg13 : memref<40x128xf32, #tpu.memory_space<vmem>>) dst(%dma_wait3A_97 : memref<40x128xf32, #tpu.memory_space<vmem_shared>>)
      tpu.yield
    }) : () -> ()
    %add3A_36 = arith.constant 520 : i32
    %add3A_37 = arith.addi %mul3A_9, %add3A_36 : i32
    "tpu.region"() ({
      %run_scoped3A = tpu.sem_alloc : memref<!tpu.dma_semaphore, #tpu.memory_space<semaphore_mem>>
      %dma_start3A_90 = arith.constant 0 : i32
      %dma_start3A_91 = tpu.memref_slice %arg15[%add3A_37, %dma_start3A_90] : memref<10000x128xf32, #tpu.memory_space<vmem_shared>> -> memref<40x128xf32, #tpu.memory_space<vmem_shared>>
      %dma_start3A_92 = arith.constant 0 : i32
      %dma_start3A_93 = tpu.memref_slice %arg15[%add3A_37, %dma_start3A_92] : memref<10000x128xf32, #tpu.memory_space<vmem_shared>> -> memref<40x128xf32, #tpu.memory_space<vmem_shared>>
      tpu.enqueue_dma source(%arg13 : memref<40x128xf32, #tpu.memory_space<vmem>>) target(%dma_start3A_93 : memref<40x128xf32, #tpu.memory_space<vmem_shared>>) target_semaphore(%run_scoped3A : memref<!tpu.dma_semaphore, #tpu.memory_space<semaphore_mem>>)
      %dma_wait3A_94 = arith.constant 0 : i32
      %dma_wait3A_95 = tpu.memref_slice %arg15[%add3A_37, %dma_wait3A_94] : memref<10000x128xf32, #tpu.memory_space<vmem_shared>> -> memref<40x128xf32, #tpu.memory_space<vmem_shared>>
      %dma_wait3A_96 = arith.constant 0 : i32
      %dma_wait3A_97 = tpu.memref_slice %arg15[%add3A_37, %dma_wait3A_96] : memref<10000x128xf32, #tpu.memory_space<vmem_shared>> -> memref<40x128xf32, #tpu.memory_space<vmem_shared>>
      tpu.wait_dma2 semaphore(%run_scoped3A : memref<!tpu.dma_semaphore, #tpu.memory_space<semaphore_mem>>) src(%arg13 : memref<40x128xf32, #tpu.memory_space<vmem>>) dst(%dma_wait3A_97 : memref<40x128xf32, #tpu.memory_space<vmem_shared>>)
      tpu.yield
    }) : () -> ()
    %add3A_38 = arith.constant 560 : i32
    %add3A_39 = arith.addi %mul3A_9, %add3A_38 : i32
    "tpu.region"() ({
      %run_scoped3A = tpu.sem_alloc : memref<!tpu.dma_semaphore, #tpu.memory_space<semaphore_mem>>
      %dma_start3A_90 = arith.constant 0 : i32
      %dma_start3A_91 = tpu.memref_slice %arg15[%add3A_39, %dma_start3A_90] : memref<10000x128xf32, #tpu.memory_space<vmem_shared>> -> memref<40x128xf32, #tpu.memory_space<vmem_shared>>
      %dma_start3A_92 = arith.constant 0 : i32
      %dma_start3A_93 = tpu.memref_slice %arg15[%add3A_39, %dma_start3A_92] : memref<10000x128xf32, #tpu.memory_space<vmem_shared>> -> memref<40x128xf32, #tpu.memory_space<vmem_shared>>
      tpu.enqueue_dma source(%arg13 : memref<40x128xf32, #tpu.memory_space<vmem>>) target(%dma_start3A_93 : memref<40x128xf32, #tpu.memory_space<vmem_shared>>) target_semaphore(%run_scoped3A : memref<!tpu.dma_semaphore, #tpu.memory_space<semaphore_mem>>)
      %dma_wait3A_94 = arith.constant 0 : i32
      %dma_wait3A_95 = tpu.memref_slice %arg15[%add3A_39, %dma_wait3A_94] : memref<10000x128xf32, #tpu.memory_space<vmem_shared>> -> memref<40x128xf32, #tpu.memory_space<vmem_shared>>
      %dma_wait3A_96 = arith.constant 0 : i32
      %dma_wait3A_97 = tpu.memref_slice %arg15[%add3A_39, %dma_wait3A_96] : memref<10000x128xf32, #tpu.memory_space<vmem_shared>> -> memref<40x128xf32, #tpu.memory_space<vmem_shared>>
      tpu.wait_dma2 semaphore(%run_scoped3A : memref<!tpu.dma_semaphore, #tpu.memory_space<semaphore_mem>>) src(%arg13 : memref<40x128xf32, #tpu.memory_space<vmem>>) dst(%dma_wait3A_97 : memref<40x128xf32, #tpu.memory_space<vmem_shared>>)
      tpu.yield
    }) : () -> ()
    %add3A_40 = arith.constant 600 : i32
    %add3A_41 = arith.addi %mul3A_9, %add3A_40 : i32
    "tpu.region"() ({
      %run_scoped3A = tpu.sem_alloc : memref<!tpu.dma_semaphore, #tpu.memory_space<semaphore_mem>>
      %dma_start3A_90 = arith.constant 0 : i32
      %dma_start3A_91 = arith.constant 0 : i32
      %dma_start3A_92 = tpu.memref_slice %arg13[%dma_start3A_90, %dma_start3A_91] : memref<40x128xf32, #tpu.memory_space<vmem>> -> memref<25x128xf32, #tpu.memory_space<vmem>>
      %dma_start3A_93 = arith.constant 0 : i32
      %dma_start3A_94 = tpu.memref_slice %arg15[%add3A_41, %dma_start3A_93] : memref<10000x128xf32, #tpu.memory_space<vmem_shared>> -> memref<25x128xf32, #tpu.memory_space<vmem_shared>>
      %dma_start3A_95 = arith.constant 0 : i32
      %dma_start3A_96 = tpu.memref_slice %arg15[%add3A_41, %dma_start3A_95] : memref<10000x128xf32, #tpu.memory_space<vmem_shared>> -> memref<25x128xf32, #tpu.memory_space<vmem_shared>>
      %dma_start3A_97 = arith.constant 0 : i32
      %dma_start3A_98 = arith.constant 0 : i32
      %dma_start3A_99 = tpu.memref_slice %arg13[%dma_start3A_97, %dma_start3A_98] : memref<40x128xf32, #tpu.memory_space<vmem>> -> memref<25x128xf32, #tpu.memory_space<vmem>>
      tpu.enqueue_dma source(%dma_start3A_99 : memref<25x128xf32, #tpu.memory_space<vmem>>) target(%dma_start3A_96 : memref<25x128xf32, #tpu.memory_space<vmem_shared>>) target_semaphore(%run_scoped3A : memref<!tpu.dma_semaphore, #tpu.memory_space<semaphore_mem>>)
      %dma_wait3A_100 = arith.constant 0 : i32
      %dma_wait3A_101 = arith.constant 0 : i32
      %dma_wait3A_102 = tpu.memref_slice %arg13[%dma_wait3A_100, %dma_wait3A_101] : memref<40x128xf32, #tpu.memory_space<vmem>> -> memref<25x128xf32, #tpu.memory_space<vmem>>
      %dma_wait3A_103 = arith.constant 0 : i32
      %dma_wait3A_104 = tpu.memref_slice %arg15[%add3A_41, %dma_wait3A_103] : memref<10000x128xf32, #tpu.memory_space<vmem_shared>> -> memref<25x128xf32, #tpu.memory_space<vmem_shared>>
      %dma_wait3A_105 = arith.constant 0 : i32
      %dma_wait3A_106 = tpu.memref_slice %arg15[%add3A_41, %dma_wait3A_105] : memref<10000x128xf32, #tpu.memory_space<vmem_shared>> -> memref<25x128xf32, #tpu.memory_space<vmem_shared>>
      %dma_wait3A_107 = arith.constant 0 : i32
      %dma_wait3A_108 = arith.constant 0 : i32
      %dma_wait3A_109 = tpu.memref_slice %arg13[%dma_wait3A_107, %dma_wait3A_108] : memref<40x128xf32, #tpu.memory_space<vmem>> -> memref<25x128xf32, #tpu.memory_space<vmem>>
      tpu.wait_dma2 semaphore(%run_scoped3A : memref<!tpu.dma_semaphore, #tpu.memory_space<semaphore_mem>>) src(%dma_wait3A_109 : memref<25x128xf32, #tpu.memory_space<vmem>>) dst(%dma_wait3A_106 : memref<25x128xf32, #tpu.memory_space<vmem_shared>>)
      tpu.yield
    }) : () -> ()
    %barrier3A = arith.constant 0 : index
    tpu.barrier barrier_id(%barrier3A)
    %dma_start3A = arith.constant 0 : i32
    %dma_start3A_42 = arith.constant 0 : i32
    %dma_start3A_43 = tpu.memref_slice %arg7[%dma_start3A, %dma_start3A_42] : memref<250x40xi32, #tpu.memory_space<vmem>> -> memref<1x40xi32, #tpu.memory_space<vmem>>
    %dma_start3A_44 = tpu.memref_squeeze %dma_start3A_43 : memref<1x40xi32, #tpu.memory_space<vmem>> -> memref<40xi32, #tpu.memory_space<vmem>>
    %dma_start3A_45 = arith.constant 0 : i32
    %dma_start3A_46 = arith.constant 0 : i32
    %dma_start3A_47 = tpu.memref_slice %arg2[%dma_start3A_45, %dma_start3A_46] : memref<10000x128xf32, #tpu.memory_space<hbm>> -> memref<10000x128xf32, #tpu.memory_space<hbm>>
    tpu.enqueue_indirect_dma source(%dma_start3A_47 : memref<10000x128xf32, #tpu.memory_space<hbm>>) target(%arg9 : memref<40x128xf32, #tpu.memory_space<vmem>>) offsets(%dma_start3A_44 : memref<40xi32, #tpu.memory_space<vmem>>) semaphore(%arg16 : memref<!tpu.dma_semaphore, #tpu.memory_space<semaphore_mem>>)
    %dma_start3A_48 = arith.constant 0 : i32
    %dma_start3A_49 = arith.constant 0 : i32
    %dma_start3A_50 = tpu.memref_slice %arg8[%dma_start3A_48, %dma_start3A_49] : memref<250x40xi32, #tpu.memory_space<vmem>> -> memref<1x40xi32, #tpu.memory_space<vmem>>
    %dma_start3A_51 = tpu.memref_squeeze %dma_start3A_50 : memref<1x40xi32, #tpu.memory_space<vmem>> -> memref<40xi32, #tpu.memory_space<vmem>>
    %dma_start3A_52 = arith.constant 0 : i32
    %dma_start3A_53 = arith.constant 0 : i32
    %dma_start3A_54 = tpu.memref_slice %arg3[%dma_start3A_52, %dma_start3A_53] : memref<10000x128xf32, #tpu.memory_space<hbm>> -> memref<10000x128xf32, #tpu.memory_space<hbm>>
    tpu.enqueue_indirect_dma source(%dma_start3A_54 : memref<10000x128xf32, #tpu.memory_space<hbm>>) target(%arg11 : memref<40x128xf32, #tpu.memory_space<vmem>>) offsets(%dma_start3A_51 : memref<40xi32, #tpu.memory_space<vmem>>) semaphore(%arg18 : memref<!tpu.dma_semaphore, #tpu.memory_space<semaphore_mem>>)
    %dma_start3A_55 = arith.constant 1 : i32
    %dma_start3A_56 = arith.constant 0 : i32
    %dma_start3A_57 = tpu.memref_slice %arg7[%dma_start3A_55, %dma_start3A_56] : memref<250x40xi32, #tpu.memory_space<vmem>> -> memref<1x40xi32, #tpu.memory_space<vmem>>
    %dma_start3A_58 = tpu.memref_squeeze %dma_start3A_57 : memref<1x40xi32, #tpu.memory_space<vmem>> -> memref<40xi32, #tpu.memory_space<vmem>>
    %dma_start3A_59 = arith.constant 0 : i32
    %dma_start3A_60 = arith.constant 0 : i32
    %dma_start3A_61 = tpu.memref_slice %arg2[%dma_start3A_59, %dma_start3A_60] : memref<10000x128xf32, #tpu.memory_space<hbm>> -> memref<10000x128xf32, #tpu.memory_space<hbm>>
    tpu.enqueue_indirect_dma source(%dma_start3A_61 : memref<10000x128xf32, #tpu.memory_space<hbm>>) target(%arg10 : memref<40x128xf32, #tpu.memory_space<vmem>>) offsets(%dma_start3A_58 : memref<40xi32, #tpu.memory_space<vmem>>) semaphore(%arg17 : memref<!tpu.dma_semaphore, #tpu.memory_space<semaphore_mem>>)
    %dma_start3A_62 = arith.constant 1 : i32
    %dma_start3A_63 = arith.constant 0 : i32
    %dma_start3A_64 = tpu.memref_slice %arg8[%dma_start3A_62, %dma_start3A_63] : memref<250x40xi32, #tpu.memory_space<vmem>> -> memref<1x40xi32, #tpu.memory_space<vmem>>
    %dma_start3A_65 = tpu.memref_squeeze %dma_start3A_64 : memref<1x40xi32, #tpu.memory_space<vmem>> -> memref<40xi32, #tpu.memory_space<vmem>>
    %dma_start3A_66 = arith.constant 0 : i32
    %dma_start3A_67 = arith.constant 0 : i32
    %dma_start3A_68 = tpu.memref_slice %arg3[%dma_start3A_66, %dma_start3A_67] : memref<10000x128xf32, #tpu.memory_space<hbm>> -> memref<10000x128xf32, #tpu.memory_space<hbm>>
    tpu.enqueue_indirect_dma source(%dma_start3A_68 : memref<10000x128xf32, #tpu.memory_space<hbm>>) target(%arg12 : memref<40x128xf32, #tpu.memory_space<vmem>>) offsets(%dma_start3A_65 : memref<40xi32, #tpu.memory_space<vmem>>) semaphore(%arg19 : memref<!tpu.dma_semaphore, #tpu.memory_space<semaphore_mem>>)
    %scan3A_69 = arith.constant 0 : i32
    %scan3A_70 = arith.constant 0 : i32
    %scan3A_71 = arith.constant 125 : i32
    %scan3A_72 = arith.addi %scan3A_70, %scan3A_71 : i32
    %scan3A_73 = arith.constant 1 : i32
    %scan3A_74 = scf.for %scan3A_90 = %scan3A_70 to %scan3A_72 step %scan3A_73 iter_args(%scan3A_91 = %scan3A_69) -> (i32)  : i32 {
      %mul3A_92 = arith.constant 2 : i32
      %mul3A_93 = arith.muli %mul3A_92, %scan3A_90 : i32
      %add3A_94 = arith.constant 0 : i32
      %add3A_95 = arith.addi %mul3A_93, %add3A_94 : i32
      %dma_wait3A_96 = arith.constant 0 : i32
      %dma_wait3A_97 = tpu.memref_slice %arg7[%add3A_95, %dma_wait3A_96] : memref<250x40xi32, #tpu.memory_space<vmem>> -> memref<1x40xi32, #tpu.memory_space<vmem>>
      %dma_wait3A_98 = tpu.memref_squeeze %dma_wait3A_97 : memref<1x40xi32, #tpu.memory_space<vmem>> -> memref<40xi32, #tpu.memory_space<vmem>>
      %dma_wait3A_99 = arith.constant 0 : i32
      %dma_wait3A_100 = arith.constant 0 : i32
      %dma_wait3A_101 = tpu.memref_slice %arg2[%dma_wait3A_99, %dma_wait3A_100] : memref<10000x128xf32, #tpu.memory_space<hbm>> -> memref<10000x128xf32, #tpu.memory_space<hbm>>
      tpu.wait_indirect_dma semaphore(%arg16 : memref<!tpu.dma_semaphore, #tpu.memory_space<semaphore_mem>>) src(%dma_wait3A_101 : memref<10000x128xf32, #tpu.memory_space<hbm>>) dst(%arg9 : memref<40x128xf32, #tpu.memory_space<vmem>>)
      %dma_wait3A_102 = arith.constant 0 : i32
      %dma_wait3A_103 = tpu.memref_slice %arg8[%add3A_95, %dma_wait3A_102] : memref<250x40xi32, #tpu.memory_space<vmem>> -> memref<1x40xi32, #tpu.memory_space<vmem>>
      %dma_wait3A_104 = tpu.memref_squeeze %dma_wait3A_103 : memref<1x40xi32, #tpu.memory_space<vmem>> -> memref<40xi32, #tpu.memory_space<vmem>>
      %dma_wait3A_105 = arith.constant 0 : i32
      %dma_wait3A_106 = arith.constant 0 : i32
      %dma_wait3A_107 = tpu.memref_slice %arg3[%dma_wait3A_105, %dma_wait3A_106] : memref<10000x128xf32, #tpu.memory_space<hbm>> -> memref<10000x128xf32, #tpu.memory_space<hbm>>
      tpu.wait_indirect_dma semaphore(%arg18 : memref<!tpu.dma_semaphore, #tpu.memory_space<semaphore_mem>>) src(%dma_wait3A_107 : memref<10000x128xf32, #tpu.memory_space<hbm>>) dst(%arg11 : memref<40x128xf32, #tpu.memory_space<vmem>>)
      %ge3A = arith.constant 2 : i32
      %ge3A_108 = arith.cmpi sge, %add3A_95, %ge3A : i32
      %convert_element_type3A = arith.extui %ge3A_108 : i1 to i32
      %cond3A = arith.constant 0 : i32
      %cond3A_109 = arith.cmpi ne, %convert_element_type3A, %cond3A : i32
      scf.if %cond3A_109 {
        %sub3A = arith.constant 2 : i32
        %sub3A_171 = arith.subi %add3A_95, %sub3A : i32
        %dma_wait3A_172 = arith.constant 0 : i32
        %dma_wait3A_173 = tpu.memref_slice %arg8[%sub3A_171, %dma_wait3A_172] : memref<250x40xi32, #tpu.memory_space<vmem>> -> memref<1x40xi32, #tpu.memory_space<vmem>>
        %dma_wait3A_174 = tpu.memref_squeeze %dma_wait3A_173 : memref<1x40xi32, #tpu.memory_space<vmem>> -> memref<40xi32, #tpu.memory_space<vmem>>
        %dma_wait3A_175 = arith.constant 0 : i32
        %dma_wait3A_176 = arith.constant 0 : i32
        %dma_wait3A_177 = tpu.memref_slice %arg15[%dma_wait3A_175, %dma_wait3A_176] : memref<10000x128xf32, #tpu.memory_space<vmem_shared>> -> memref<10000x128xf32, #tpu.memory_space<vmem_shared>>
        tpu.wait_indirect_dma semaphore(%arg20 : memref<!tpu.dma_semaphore, #tpu.memory_space<semaphore_mem>>) src(%arg13 : memref<40x128xf32, #tpu.memory_space<vmem>>) dst(%dma_wait3A_177 : memref<10000x128xf32, #tpu.memory_space<vmem_shared>>)
      } else {
      }
      %scan3A_110 = arith.constant 0 : i32
      %scan3A_111 = arith.constant 0 : i32
      %scan3A_112 = arith.constant 40 : i32
      %scan3A_113 = arith.addi %scan3A_111, %scan3A_112 : i32
      %scan3A_114 = arith.constant 1 : i32
      %scan3A_115 = scf.for %scan3A_171 = %scan3A_111 to %scan3A_113 step %scan3A_114 iter_args(%scan3A_172 = %scan3A_110) -> (i32)  : i32 {
        %get3A = arith.index_cast %scan3A_171 : i32 to index
        %get3A_173 = arith.constant 0 : index
        %get3A_174 = tpu.vector_load %arg9[%get3A, %get3A_173] {strides = array<i32>} : memref<40x128xf32, #tpu.memory_space<vmem>>, vector<1x16xf32>,
        %get3A_175 = vector.shape_cast %get3A_174 : vector<1x16xf32> to vector<16xf32>
        %get3A_176 = arith.index_cast %scan3A_171 : i32 to index
        %get3A_177 = arith.constant 0 : index
        %get3A_178 = tpu.vector_load %arg11[%get3A_176, %get3A_177] {strides = array<i32>} : memref<40x128xf32, #tpu.memory_space<vmem>>, vector<1x16xf32>,
        %get3A_179 = vector.shape_cast %get3A_178 : vector<1x16xf32> to vector<16xf32>
        %add3A_180 = arith.addf %get3A_175, %get3A_179 : vector<16xf32>
        %max3A = arith.constant 0.000000e+00 : f32
        %max3A_181 = vector.broadcast %max3A : f32 to vector<16xf32>
        %max3A_182 = arith.maximumf %add3A_180, %max3A_181 : vector<16xf32>
        %swap3A = arith.index_cast %scan3A_171 : i32 to index
        %swap3A_183 = arith.constant 0 : index
        %swap3A_184 = tpu.vector_load %arg13[%swap3A, %swap3A_183] {strides = array<i32>} : memref<40x128xf32, #tpu.memory_space<vmem>>, vector<1x16xf32>,
        %swap3A_185 = vector.shape_cast %swap3A_184 : vector<1x16xf32> to vector<16xf32>
        %swap3A_186 = vector.shape_cast %max3A_182 : vector<16xf32> to vector<1x16xf32>
        tpu.vector_store %arg13[%swap3A, %swap3A_183], %swap3A_186 {strides = array<i32>} : memref<40x128xf32, #tpu.memory_space<vmem>>, vector<1x16xf32>,
        %get3A_187 = arith.index_cast %scan3A_171 : i32 to index
        %get3A_188 = arith.constant 16 : index
        %get3A_189 = tpu.vector_load %arg9[%get3A_187, %get3A_188] {strides = array<i32>} : memref<40x128xf32, #tpu.memory_space<vmem>>, vector<1x16xf32>,
        %get3A_190 = vector.shape_cast %get3A_189 : vector<1x16xf32> to vector<16xf32>
        %get3A_191 = arith.index_cast %scan3A_171 : i32 to index
        %get3A_192 = arith.constant 16 : index
        %get3A_193 = tpu.vector_load %arg11[%get3A_191, %get3A_192] {strides = array<i32>} : memref<40x128xf32, #tpu.memory_space<vmem>>, vector<1x16xf32>,
        %get3A_194 = vector.shape_cast %get3A_193 : vector<1x16xf32> to vector<16xf32>
        %add3A_195 = arith.addf %get3A_190, %get3A_194 : vector<16xf32>
        %max3A_196 = arith.constant 0.000000e+00 : f32
        %max3A_197 = vector.broadcast %max3A_196 : f32 to vector<16xf32>
        %max3A_198 = arith.maximumf %add3A_195, %max3A_197 : vector<16xf32>
        %swap3A_199 = arith.index_cast %scan3A_171 : i32 to index
        %swap3A_200 = arith.constant 16 : index
        %swap3A_201 = tpu.vector_load %arg13[%swap3A_199, %swap3A_200] {strides = array<i32>} : memref<40x128xf32, #tpu.memory_space<vmem>>, vector<1x16xf32>,
        %swap3A_202 = vector.shape_cast %swap3A_201 : vector<1x16xf32> to vector<16xf32>
        %swap3A_203 = vector.shape_cast %max3A_198 : vector<16xf32> to vector<1x16xf32>
        tpu.vector_store %arg13[%swap3A_199, %swap3A_200], %swap3A_203 {strides = array<i32>} : memref<40x128xf32, #tpu.memory_space<vmem>>, vector<1x16xf32>,
        %get3A_204 = arith.index_cast %scan3A_171 : i32 to index
        %get3A_205 = arith.constant 32 : index
        %get3A_206 = tpu.vector_load %arg9[%get3A_204, %get3A_205] {strides = array<i32>} : memref<40x128xf32, #tpu.memory_space<vmem>>, vector<1x16xf32>,
        %get3A_207 = vector.shape_cast %get3A_206 : vector<1x16xf32> to vector<16xf32>
        %get3A_208 = arith.index_cast %scan3A_171 : i32 to index
        %get3A_209 = arith.constant 32 : index
        %get3A_210 = tpu.vector_load %arg11[%get3A_208, %get3A_209] {strides = array<i32>} : memref<40x128xf32, #tpu.memory_space<vmem>>, vector<1x16xf32>,
        %get3A_211 = vector.shape_cast %get3A_210 : vector<1x16xf32> to vector<16xf32>
        %add3A_212 = arith.addf %get3A_207, %get3A_211 : vector<16xf32>
        %max3A_213 = arith.constant 0.000000e+00 : f32
        %max3A_214 = vector.broadcast %max3A_213 : f32 to vector<16xf32>
        %max3A_215 = arith.maximumf %add3A_212, %max3A_214 : vector<16xf32>
        %swap3A_216 = arith.index_cast %scan3A_171 : i32 to index
        %swap3A_217 = arith.constant 32 : index
        %swap3A_218 = tpu.vector_load %arg13[%swap3A_216, %swap3A_217] {strides = array<i32>} : memref<40x128xf32, #tpu.memory_space<vmem>>, vector<1x16xf32>,
        %swap3A_219 = vector.shape_cast %swap3A_218 : vector<1x16xf32> to vector<16xf32>
        %swap3A_220 = vector.shape_cast %max3A_215 : vector<16xf32> to vector<1x16xf32>
        tpu.vector_store %arg13[%swap3A_216, %swap3A_217], %swap3A_220 {strides = array<i32>} : memref<40x128xf32, #tpu.memory_space<vmem>>, vector<1x16xf32>,
        %get3A_221 = arith.index_cast %scan3A_171 : i32 to index
        %get3A_222 = arith.constant 48 : index
        %get3A_223 = tpu.vector_load %arg9[%get3A_221, %get3A_222] {strides = array<i32>} : memref<40x128xf32, #tpu.memory_space<vmem>>, vector<1x16xf32>,
        %get3A_224 = vector.shape_cast %get3A_223 : vector<1x16xf32> to vector<16xf32>
        %get3A_225 = arith.index_cast %scan3A_171 : i32 to index
        %get3A_226 = arith.constant 48 : index
        %get3A_227 = tpu.vector_load %arg11[%get3A_225, %get3A_226] {strides = array<i32>} : memref<40x128xf32, #tpu.memory_space<vmem>>, vector<1x16xf32>,
        %get3A_228 = vector.shape_cast %get3A_227 : vector<1x16xf32> to vector<16xf32>
        %add3A_229 = arith.addf %get3A_224, %get3A_228 : vector<16xf32>
        %max3A_230 = arith.constant 0.000000e+00 : f32
        %max3A_231 = vector.broadcast %max3A_230 : f32 to vector<16xf32>
        %max3A_232 = arith.maximumf %add3A_229, %max3A_231 : vector<16xf32>
        %swap3A_233 = arith.index_cast %scan3A_171 : i32 to index
        %swap3A_234 = arith.constant 48 : index
        %swap3A_235 = tpu.vector_load %arg13[%swap3A_233, %swap3A_234] {strides = array<i32>} : memref<40x128xf32, #tpu.memory_space<vmem>>, vector<1x16xf32>,
        %swap3A_236 = vector.shape_cast %swap3A_235 : vector<1x16xf32> to vector<16xf32>
        %swap3A_237 = vector.shape_cast %max3A_232 : vector<16xf32> to vector<1x16xf32>
        tpu.vector_store %arg13[%swap3A_233, %swap3A_234], %swap3A_237 {strides = array<i32>} : memref<40x128xf32, #tpu.memory_space<vmem>>, vector<1x16xf32>,
        %get3A_238 = arith.index_cast %scan3A_171 : i32 to index
        %get3A_239 = arith.constant 64 : index
        %get3A_240 = tpu.vector_load %arg9[%get3A_238, %get3A_239] {strides = array<i32>} : memref<40x128xf32, #tpu.memory_space<vmem>>, vector<1x16xf32>,
        %get3A_241 = vector.shape_cast %get3A_240 : vector<1x16xf32> to vector<16xf32>
        %get3A_242 = arith.index_cast %scan3A_171 : i32 to index
        %get3A_243 = arith.constant 64 : index
        %get3A_244 = tpu.vector_load %arg11[%get3A_242, %get3A_243] {strides = array<i32>} : memref<40x128xf32, #tpu.memory_space<vmem>>, vector<1x16xf32>,
        %get3A_245 = vector.shape_cast %get3A_244 : vector<1x16xf32> to vector<16xf32>
        %add3A_246 = arith.addf %get3A_241, %get3A_245 : vector<16xf32>
        %max3A_247 = arith.constant 0.000000e+00 : f32
        %max3A_248 = vector.broadcast %max3A_247 : f32 to vector<16xf32>
        %max3A_249 = arith.maximumf %add3A_246, %max3A_248 : vector<16xf32>
        %swap3A_250 = arith.index_cast %scan3A_171 : i32 to index
        %swap3A_251 = arith.constant 64 : index
        %swap3A_252 = tpu.vector_load %arg13[%swap3A_250, %swap3A_251] {strides = array<i32>} : memref<40x128xf32, #tpu.memory_space<vmem>>, vector<1x16xf32>,
        %swap3A_253 = vector.shape_cast %swap3A_252 : vector<1x16xf32> to vector<16xf32>
        %swap3A_254 = vector.shape_cast %max3A_249 : vector<16xf32> to vector<1x16xf32>
        tpu.vector_store %arg13[%swap3A_250, %swap3A_251], %swap3A_254 {strides = array<i32>} : memref<40x128xf32, #tpu.memory_space<vmem>>, vector<1x16xf32>,
        %get3A_255 = arith.index_cast %scan3A_171 : i32 to index
        %get3A_256 = arith.constant 80 : index
        %get3A_257 = tpu.vector_load %arg9[%get3A_255, %get3A_256] {strides = array<i32>} : memref<40x128xf32, #tpu.memory_space<vmem>>, vector<1x16xf32>,
        %get3A_258 = vector.shape_cast %get3A_257 : vector<1x16xf32> to vector<16xf32>
        %get3A_259 = arith.index_cast %scan3A_171 : i32 to index
        %get3A_260 = arith.constant 80 : index
        %get3A_261 = tpu.vector_load %arg11[%get3A_259, %get3A_260] {strides = array<i32>} : memref<40x128xf32, #tpu.memory_space<vmem>>, vector<1x16xf32>,
        %get3A_262 = vector.shape_cast %get3A_261 : vector<1x16xf32> to vector<16xf32>
        %add3A_263 = arith.addf %get3A_258, %get3A_262 : vector<16xf32>
        %max3A_264 = arith.constant 0.000000e+00 : f32
        %max3A_265 = vector.broadcast %max3A_264 : f32 to vector<16xf32>
        %max3A_266 = arith.maximumf %add3A_263, %max3A_265 : vector<16xf32>
        %swap3A_267 = arith.index_cast %scan3A_171 : i32 to index
        %swap3A_268 = arith.constant 80 : index
        %swap3A_269 = tpu.vector_load %arg13[%swap3A_267, %swap3A_268] {strides = array<i32>} : memref<40x128xf32, #tpu.memory_space<vmem>>, vector<1x16xf32>,
        %swap3A_270 = vector.shape_cast %swap3A_269 : vector<1x16xf32> to vector<16xf32>
        %swap3A_271 = vector.shape_cast %max3A_266 : vector<16xf32> to vector<1x16xf32>
        tpu.vector_store %arg13[%swap3A_267, %swap3A_268], %swap3A_271 {strides = array<i32>} : memref<40x128xf32, #tpu.memory_space<vmem>>, vector<1x16xf32>,
        %get3A_272 = arith.index_cast %scan3A_171 : i32 to index
        %get3A_273 = arith.constant 96 : index
        %get3A_274 = tpu.vector_load %arg9[%get3A_272, %get3A_273] {strides = array<i32>} : memref<40x128xf32, #tpu.memory_space<vmem>>, vector<1x16xf32>,
        %get3A_275 = vector.shape_cast %get3A_274 : vector<1x16xf32> to vector<16xf32>
        %get3A_276 = arith.index_cast %scan3A_171 : i32 to index
        %get3A_277 = arith.constant 96 : index
        %get3A_278 = tpu.vector_load %arg11[%get3A_276, %get3A_277] {strides = array<i32>} : memref<40x128xf32, #tpu.memory_space<vmem>>, vector<1x16xf32>,
        %get3A_279 = vector.shape_cast %get3A_278 : vector<1x16xf32> to vector<16xf32>
        %add3A_280 = arith.addf %get3A_275, %get3A_279 : vector<16xf32>
        %max3A_281 = arith.constant 0.000000e+00 : f32
        %max3A_282 = vector.broadcast %max3A_281 : f32 to vector<16xf32>
        %max3A_283 = arith.maximumf %add3A_280, %max3A_282 : vector<16xf32>
        %swap3A_284 = arith.index_cast %scan3A_171 : i32 to index
        %swap3A_285 = arith.constant 96 : index
        %swap3A_286 = tpu.vector_load %arg13[%swap3A_284, %swap3A_285] {strides = array<i32>} : memref<40x128xf32, #tpu.memory_space<vmem>>, vector<1x16xf32>,
        %swap3A_287 = vector.shape_cast %swap3A_286 : vector<1x16xf32> to vector<16xf32>
        %swap3A_288 = vector.shape_cast %max3A_283 : vector<16xf32> to vector<1x16xf32>
        tpu.vector_store %arg13[%swap3A_284, %swap3A_285], %swap3A_288 {strides = array<i32>} : memref<40x128xf32, #tpu.memory_space<vmem>>, vector<1x16xf32>,
        %get3A_289 = arith.index_cast %scan3A_171 : i32 to index
        %get3A_290 = arith.constant 112 : index
        %get3A_291 = tpu.vector_load %arg9[%get3A_289, %get3A_290] {strides = array<i32>} : memref<40x128xf32, #tpu.memory_space<vmem>>, vector<1x16xf32>,
        %get3A_292 = vector.shape_cast %get3A_291 : vector<1x16xf32> to vector<16xf32>
        %get3A_293 = arith.index_cast %scan3A_171 : i32 to index
        %get3A_294 = arith.constant 112 : index
        %get3A_295 = tpu.vector_load %arg11[%get3A_293, %get3A_294] {strides = array<i32>} : memref<40x128xf32, #tpu.memory_space<vmem>>, vector<1x16xf32>,
        %get3A_296 = vector.shape_cast %get3A_295 : vector<1x16xf32> to vector<16xf32>
        %add3A_297 = arith.addf %get3A_292, %get3A_296 : vector<16xf32>
        %max3A_298 = arith.constant 0.000000e+00 : f32
        %max3A_299 = vector.broadcast %max3A_298 : f32 to vector<16xf32>
        %max3A_300 = arith.maximumf %add3A_297, %max3A_299 : vector<16xf32>
        %swap3A_301 = arith.index_cast %scan3A_171 : i32 to index
        %swap3A_302 = arith.constant 112 : index
        %swap3A_303 = tpu.vector_load %arg13[%swap3A_301, %swap3A_302] {strides = array<i32>} : memref<40x128xf32, #tpu.memory_space<vmem>>, vector<1x16xf32>,
        %swap3A_304 = vector.shape_cast %swap3A_303 : vector<1x16xf32> to vector<16xf32>
        %swap3A_305 = vector.shape_cast %max3A_300 : vector<16xf32> to vector<1x16xf32>
        tpu.vector_store %arg13[%swap3A_301, %swap3A_302], %swap3A_305 {strides = array<i32>} : memref<40x128xf32, #tpu.memory_space<vmem>>, vector<1x16xf32>,
        %scan3A_306 = arith.constant 0 : i32
        scf.yield %scan3A_306 : i32
      }
      %scan3A_116 = arith.constant 40 : i32
      %add3A_117 = arith.constant 2 : i32
      %add3A_118 = arith.addi %add3A_95, %add3A_117 : i32
      %lt3A = arith.constant 250 : i32
      %lt3A_119 = arith.cmpi slt, %add3A_118, %lt3A : i32
      %convert_element_type3A_120 = arith.extui %lt3A_119 : i1 to i32
      %cond3A_121 = arith.constant 0 : i32
      %cond3A_122 = arith.cmpi ne, %convert_element_type3A_120, %cond3A_121 : i32
      scf.if %cond3A_122 {
        %add3A_171 = arith.constant 2 : i32
        %add3A_172 = arith.addi %add3A_95, %add3A_171 : i32
        %dma_start3A_173 = arith.constant 0 : i32
        %dma_start3A_174 = tpu.memref_slice %arg7[%add3A_172, %dma_start3A_173] : memref<250x40xi32, #tpu.memory_space<vmem>> -> memref<1x40xi32, #tpu.memory_space<vmem>>
        %dma_start3A_175 = tpu.memref_squeeze %dma_start3A_174 : memref<1x40xi32, #tpu.memory_space<vmem>> -> memref<40xi32, #tpu.memory_space<vmem>>
        %dma_start3A_176 = arith.constant 0 : i32
        %dma_start3A_177 = arith.constant 0 : i32
        %dma_start3A_178 = tpu.memref_slice %arg2[%dma_start3A_176, %dma_start3A_177] : memref<10000x128xf32, #tpu.memory_space<hbm>> -> memref<10000x128xf32, #tpu.memory_space<hbm>>
        tpu.enqueue_indirect_dma source(%dma_start3A_178 : memref<10000x128xf32, #tpu.memory_space<hbm>>) target(%arg9 : memref<40x128xf32, #tpu.memory_space<vmem>>) offsets(%dma_start3A_175 : memref<40xi32, #tpu.memory_space<vmem>>) semaphore(%arg16 : memref<!tpu.dma_semaphore, #tpu.memory_space<semaphore_mem>>)
        %dma_start3A_179 = arith.constant 0 : i32
        %dma_start3A_180 = tpu.memref_slice %arg8[%add3A_172, %dma_start3A_179] : memref<250x40xi32, #tpu.memory_space<vmem>> -> memref<1x40xi32, #tpu.memory_space<vmem>>
        %dma_start3A_181 = tpu.memref_squeeze %dma_start3A_180 : memref<1x40xi32, #tpu.memory_space<vmem>> -> memref<40xi32, #tpu.memory_space<vmem>>
        %dma_start3A_182 = arith.constant 0 : i32
        %dma_start3A_183 = arith.constant 0 : i32
        %dma_start3A_184 = tpu.memref_slice %arg3[%dma_start3A_182, %dma_start3A_183] : memref<10000x128xf32, #tpu.memory_space<hbm>> -> memref<10000x128xf32, #tpu.memory_space<hbm>>
        tpu.enqueue_indirect_dma source(%dma_start3A_184 : memref<10000x128xf32, #tpu.memory_space<hbm>>) target(%arg11 : memref<40x128xf32, #tpu.memory_space<vmem>>) offsets(%dma_start3A_181 : memref<40xi32, #tpu.memory_space<vmem>>) semaphore(%arg18 : memref<!tpu.dma_semaphore, #tpu.memory_space<semaphore_mem>>)
      } else {
      }
      %dma_start3A_123 = arith.constant 0 : i32
      %dma_start3A_124 = tpu.memref_slice %arg8[%add3A_95, %dma_start3A_123] : memref<250x40xi32, #tpu.memory_space<vmem>> -> memref<1x40xi32, #tpu.memory_space<vmem>>
      %dma_start3A_125 = tpu.memref_squeeze %dma_start3A_124 : memref<1x40xi32, #tpu.memory_space<vmem>> -> memref<40xi32, #tpu.memory_space<vmem>>
      %dma_start3A_126 = arith.constant 0 : i32
      %dma_start3A_127 = arith.constant 0 : i32
      %dma_start3A_128 = tpu.memref_slice %arg15[%dma_start3A_126, %dma_start3A_127] : memref<10000x128xf32, #tpu.memory_space<vmem_shared>> -> memref<10000x128xf32, #tpu.memory_space<vmem_shared>>
      tpu.enqueue_indirect_dma source(%arg13 : memref<40x128xf32, #tpu.memory_space<vmem>>) target(%dma_start3A_128 : memref<10000x128xf32, #tpu.memory_space<vmem_shared>>) offsets(%dma_start3A_125 : memref<40xi32, #tpu.memory_space<vmem>>) semaphore(%arg20 : memref<!tpu.dma_semaphore, #tpu.memory_space<semaphore_mem>>) {add = true}
      %mul3A_129 = arith.constant 2 : i32
      %mul3A_130 = arith.muli %mul3A_129, %scan3A_90 : i32
      %add3A_131 = arith.constant 1 : i32
      %add3A_132 = arith.addi %mul3A_130, %add3A_131 : i32
      %dma_wait3A_133 = arith.constant 0 : i32
      %dma_wait3A_134 = tpu.memref_slice %arg7[%add3A_132, %dma_wait3A_133] : memref<250x40xi32, #tpu.memory_space<vmem>> -> memref<1x40xi32, #tpu.memory_space<vmem>>
      %dma_wait3A_135 = tpu.memref_squeeze %dma_wait3A_134 : memref<1x40xi32, #tpu.memory_space<vmem>> -> memref<40xi32, #tpu.memory_space<vmem>>
      %dma_wait3A_136 = arith.constant 0 : i32
      %dma_wait3A_137 = arith.constant 0 : i32
      %dma_wait3A_138 = tpu.memref_slice %arg2[%dma_wait3A_136, %dma_wait3A_137] : memref<10000x128xf32, #tpu.memory_space<hbm>> -> memref<10000x128xf32, #tpu.memory_space<hbm>>
      tpu.wait_indirect_dma semaphore(%arg17 : memref<!tpu.dma_semaphore, #tpu.memory_space<semaphore_mem>>) src(%dma_wait3A_138 : memref<10000x128xf32, #tpu.memory_space<hbm>>) dst(%arg10 : memref<40x128xf32, #tpu.memory_space<vmem>>)
      %dma_wait3A_139 = arith.constant 0 : i32
      %dma_wait3A_140 = tpu.memref_slice %arg8[%add3A_132, %dma_wait3A_139] : memref<250x40xi32, #tpu.memory_space<vmem>> -> memref<1x40xi32, #tpu.memory_space<vmem>>
      %dma_wait3A_141 = tpu.memref_squeeze %dma_wait3A_140 : memref<1x40xi32, #tpu.memory_space<vmem>> -> memref<40xi32, #tpu.memory_space<vmem>>
      %dma_wait3A_142 = arith.constant 0 : i32
      %dma_wait3A_143 = arith.constant 0 : i32
      %dma_wait3A_144 = tpu.memref_slice %arg3[%dma_wait3A_142, %dma_wait3A_143] : memref<10000x128xf32, #tpu.memory_space<hbm>> -> memref<10000x128xf32, #tpu.memory_space<hbm>>
      tpu.wait_indirect_dma semaphore(%arg19 : memref<!tpu.dma_semaphore, #tpu.memory_space<semaphore_mem>>) src(%dma_wait3A_144 : memref<10000x128xf32, #tpu.memory_space<hbm>>) dst(%arg12 : memref<40x128xf32, #tpu.memory_space<vmem>>)
      %ge3A_145 = arith.constant 2 : i32
      %ge3A_146 = arith.cmpi sge, %add3A_132, %ge3A_145 : i32
      %convert_element_type3A_147 = arith.extui %ge3A_146 : i1 to i32
      %cond3A_148 = arith.constant 0 : i32
      %cond3A_149 = arith.cmpi ne, %convert_element_type3A_147, %cond3A_148 : i32
      scf.if %cond3A_149 {
        %sub3A = arith.constant 2 : i32
        %sub3A_171 = arith.subi %add3A_132, %sub3A : i32
        %dma_wait3A_172 = arith.constant 0 : i32
        %dma_wait3A_173 = tpu.memref_slice %arg8[%sub3A_171, %dma_wait3A_172] : memref<250x40xi32, #tpu.memory_space<vmem>> -> memref<1x40xi32, #tpu.memory_space<vmem>>
        %dma_wait3A_174 = tpu.memref_squeeze %dma_wait3A_173 : memref<1x40xi32, #tpu.memory_space<vmem>> -> memref<40xi32, #tpu.memory_space<vmem>>
        %dma_wait3A_175 = arith.constant 0 : i32
        %dma_wait3A_176 = arith.constant 0 : i32
        %dma_wait3A_177 = tpu.memref_slice %arg15[%dma_wait3A_175, %dma_wait3A_176] : memref<10000x128xf32, #tpu.memory_space<vmem_shared>> -> memref<10000x128xf32, #tpu.memory_space<vmem_shared>>
        tpu.wait_indirect_dma semaphore(%arg21 : memref<!tpu.dma_semaphore, #tpu.memory_space<semaphore_mem>>) src(%arg14 : memref<40x128xf32, #tpu.memory_space<vmem>>) dst(%dma_wait3A_177 : memref<10000x128xf32, #tpu.memory_space<vmem_shared>>)
      } else {
      }
      %scan3A_150 = arith.constant 0 : i32
      %scan3A_151 = arith.constant 0 : i32
      %scan3A_152 = arith.constant 40 : i32
      %scan3A_153 = arith.addi %scan3A_151, %scan3A_152 : i32
      %scan3A_154 = arith.constant 1 : i32
      %scan3A_155 = scf.for %scan3A_171 = %scan3A_151 to %scan3A_153 step %scan3A_154 iter_args(%scan3A_172 = %scan3A_150) -> (i32)  : i32 {
        %get3A = arith.index_cast %scan3A_171 : i32 to index
        %get3A_173 = arith.constant 0 : index
        %get3A_174 = tpu.vector_load %arg10[%get3A, %get3A_173] {strides = array<i32>} : memref<40x128xf32, #tpu.memory_space<vmem>>, vector<1x16xf32>,
        %get3A_175 = vector.shape_cast %get3A_174 : vector<1x16xf32> to vector<16xf32>
        %get3A_176 = arith.index_cast %scan3A_171 : i32 to index
        %get3A_177 = arith.constant 0 : index
        %get3A_178 = tpu.vector_load %arg12[%get3A_176, %get3A_177] {strides = array<i32>} : memref<40x128xf32, #tpu.memory_space<vmem>>, vector<1x16xf32>,
        %get3A_179 = vector.shape_cast %get3A_178 : vector<1x16xf32> to vector<16xf32>
        %add3A_180 = arith.addf %get3A_175, %get3A_179 : vector<16xf32>
        %max3A = arith.constant 0.000000e+00 : f32
        %max3A_181 = vector.broadcast %max3A : f32 to vector<16xf32>
        %max3A_182 = arith.maximumf %add3A_180, %max3A_181 : vector<16xf32>
        %swap3A = arith.index_cast %scan3A_171 : i32 to index
        %swap3A_183 = arith.constant 0 : index
        %swap3A_184 = tpu.vector_load %arg14[%swap3A, %swap3A_183] {strides = array<i32>} : memref<40x128xf32, #tpu.memory_space<vmem>>, vector<1x16xf32>,
        %swap3A_185 = vector.shape_cast %swap3A_184 : vector<1x16xf32> to vector<16xf32>
        %swap3A_186 = vector.shape_cast %max3A_182 : vector<16xf32> to vector<1x16xf32>
        tpu.vector_store %arg14[%swap3A, %swap3A_183], %swap3A_186 {strides = array<i32>} : memref<40x128xf32, #tpu.memory_space<vmem>>, vector<1x16xf32>,
        %get3A_187 = arith.index_cast %scan3A_171 : i32 to index
        %get3A_188 = arith.constant 16 : index
        %get3A_189 = tpu.vector_load %arg10[%get3A_187, %get3A_188] {strides = array<i32>} : memref<40x128xf32, #tpu.memory_space<vmem>>, vector<1x16xf32>,
        %get3A_190 = vector.shape_cast %get3A_189 : vector<1x16xf32> to vector<16xf32>
        %get3A_191 = arith.index_cast %scan3A_171 : i32 to index
        %get3A_192 = arith.constant 16 : index
        %get3A_193 = tpu.vector_load %arg12[%get3A_191, %get3A_192] {strides = array<i32>} : memref<40x128xf32, #tpu.memory_space<vmem>>, vector<1x16xf32>,
        %get3A_194 = vector.shape_cast %get3A_193 : vector<1x16xf32> to vector<16xf32>
        %add3A_195 = arith.addf %get3A_190, %get3A_194 : vector<16xf32>
        %max3A_196 = arith.constant 0.000000e+00 : f32
        %max3A_197 = vector.broadcast %max3A_196 : f32 to vector<16xf32>
        %max3A_198 = arith.maximumf %add3A_195, %max3A_197 : vector<16xf32>
        %swap3A_199 = arith.index_cast %scan3A_171 : i32 to index
        %swap3A_200 = arith.constant 16 : index
        %swap3A_201 = tpu.vector_load %arg14[%swap3A_199, %swap3A_200] {strides = array<i32>} : memref<40x128xf32, #tpu.memory_space<vmem>>, vector<1x16xf32>,
        %swap3A_202 = vector.shape_cast %swap3A_201 : vector<1x16xf32> to vector<16xf32>
        %swap3A_203 = vector.shape_cast %max3A_198 : vector<16xf32> to vector<1x16xf32>
        tpu.vector_store %arg14[%swap3A_199, %swap3A_200], %swap3A_203 {strides = array<i32>} : memref<40x128xf32, #tpu.memory_space<vmem>>, vector<1x16xf32>,
        %get3A_204 = arith.index_cast %scan3A_171 : i32 to index
        %get3A_205 = arith.constant 32 : index
        %get3A_206 = tpu.vector_load %arg10[%get3A_204, %get3A_205] {strides = array<i32>} : memref<40x128xf32, #tpu.memory_space<vmem>>, vector<1x16xf32>,
        %get3A_207 = vector.shape_cast %get3A_206 : vector<1x16xf32> to vector<16xf32>
        %get3A_208 = arith.index_cast %scan3A_171 : i32 to index
        %get3A_209 = arith.constant 32 : index
        %get3A_210 = tpu.vector_load %arg12[%get3A_208, %get3A_209] {strides = array<i32>} : memref<40x128xf32, #tpu.memory_space<vmem>>, vector<1x16xf32>,
        %get3A_211 = vector.shape_cast %get3A_210 : vector<1x16xf32> to vector<16xf32>
        %add3A_212 = arith.addf %get3A_207, %get3A_211 : vector<16xf32>
        %max3A_213 = arith.constant 0.000000e+00 : f32
        %max3A_214 = vector.broadcast %max3A_213 : f32 to vector<16xf32>
        %max3A_215 = arith.maximumf %add3A_212, %max3A_214 : vector<16xf32>
        %swap3A_216 = arith.index_cast %scan3A_171 : i32 to index
        %swap3A_217 = arith.constant 32 : index
        %swap3A_218 = tpu.vector_load %arg14[%swap3A_216, %swap3A_217] {strides = array<i32>} : memref<40x128xf32, #tpu.memory_space<vmem>>, vector<1x16xf32>,
        %swap3A_219 = vector.shape_cast %swap3A_218 : vector<1x16xf32> to vector<16xf32>
        %swap3A_220 = vector.shape_cast %max3A_215 : vector<16xf32> to vector<1x16xf32>
        tpu.vector_store %arg14[%swap3A_216, %swap3A_217], %swap3A_220 {strides = array<i32>} : memref<40x128xf32, #tpu.memory_space<vmem>>, vector<1x16xf32>,
        %get3A_221 = arith.index_cast %scan3A_171 : i32 to index
        %get3A_222 = arith.constant 48 : index
        %get3A_223 = tpu.vector_load %arg10[%get3A_221, %get3A_222] {strides = array<i32>} : memref<40x128xf32, #tpu.memory_space<vmem>>, vector<1x16xf32>,
        %get3A_224 = vector.shape_cast %get3A_223 : vector<1x16xf32> to vector<16xf32>
        %get3A_225 = arith.index_cast %scan3A_171 : i32 to index
        %get3A_226 = arith.constant 48 : index
        %get3A_227 = tpu.vector_load %arg12[%get3A_225, %get3A_226] {strides = array<i32>} : memref<40x128xf32, #tpu.memory_space<vmem>>, vector<1x16xf32>,
        %get3A_228 = vector.shape_cast %get3A_227 : vector<1x16xf32> to vector<16xf32>
        %add3A_229 = arith.addf %get3A_224, %get3A_228 : vector<16xf32>
        %max3A_230 = arith.constant 0.000000e+00 : f32
        %max3A_231 = vector.broadcast %max3A_230 : f32 to vector<16xf32>
        %max3A_232 = arith.maximumf %add3A_229, %max3A_231 : vector<16xf32>
        %swap3A_233 = arith.index_cast %scan3A_171 : i32 to index
        %swap3A_234 = arith.constant 48 : index
        %swap3A_235 = tpu.vector_load %arg14[%swap3A_233, %swap3A_234] {strides = array<i32>} : memref<40x128xf32, #tpu.memory_space<vmem>>, vector<1x16xf32>,
        %swap3A_236 = vector.shape_cast %swap3A_235 : vector<1x16xf32> to vector<16xf32>
        %swap3A_237 = vector.shape_cast %max3A_232 : vector<16xf32> to vector<1x16xf32>
        tpu.vector_store %arg14[%swap3A_233, %swap3A_234], %swap3A_237 {strides = array<i32>} : memref<40x128xf32, #tpu.memory_space<vmem>>, vector<1x16xf32>,
        %get3A_238 = arith.index_cast %scan3A_171 : i32 to index
        %get3A_239 = arith.constant 64 : index
        %get3A_240 = tpu.vector_load %arg10[%get3A_238, %get3A_239] {strides = array<i32>} : memref<40x128xf32, #tpu.memory_space<vmem>>, vector<1x16xf32>,
        %get3A_241 = vector.shape_cast %get3A_240 : vector<1x16xf32> to vector<16xf32>
        %get3A_242 = arith.index_cast %scan3A_171 : i32 to index
        %get3A_243 = arith.constant 64 : index
        %get3A_244 = tpu.vector_load %arg12[%get3A_242, %get3A_243] {strides = array<i32>} : memref<40x128xf32, #tpu.memory_space<vmem>>, vector<1x16xf32>,
        %get3A_245 = vector.shape_cast %get3A_244 : vector<1x16xf32> to vector<16xf32>
        %add3A_246 = arith.addf %get3A_241, %get3A_245 : vector<16xf32>
        %max3A_247 = arith.constant 0.000000e+00 : f32
        %max3A_248 = vector.broadcast %max3A_247 : f32 to vector<16xf32>
        %max3A_249 = arith.maximumf %add3A_246, %max3A_248 : vector<16xf32>
        %swap3A_250 = arith.index_cast %scan3A_171 : i32 to index
        %swap3A_251 = arith.constant 64 : index
        %swap3A_252 = tpu.vector_load %arg14[%swap3A_250, %swap3A_251] {strides = array<i32>} : memref<40x128xf32, #tpu.memory_space<vmem>>, vector<1x16xf32>,
        %swap3A_253 = vector.shape_cast %swap3A_252 : vector<1x16xf32> to vector<16xf32>
        %swap3A_254 = vector.shape_cast %max3A_249 : vector<16xf32> to vector<1x16xf32>
        tpu.vector_store %arg14[%swap3A_250, %swap3A_251], %swap3A_254 {strides = array<i32>} : memref<40x128xf32, #tpu.memory_space<vmem>>, vector<1x16xf32>,
        %get3A_255 = arith.index_cast %scan3A_171 : i32 to index
        %get3A_256 = arith.constant 80 : index
        %get3A_257 = tpu.vector_load %arg10[%get3A_255, %get3A_256] {strides = array<i32>} : memref<40x128xf32, #tpu.memory_space<vmem>>, vector<1x16xf32>,
        %get3A_258 = vector.shape_cast %get3A_257 : vector<1x16xf32> to vector<16xf32>
        %get3A_259 = arith.index_cast %scan3A_171 : i32 to index
        %get3A_260 = arith.constant 80 : index
        %get3A_261 = tpu.vector_load %arg12[%get3A_259, %get3A_260] {strides = array<i32>} : memref<40x128xf32, #tpu.memory_space<vmem>>, vector<1x16xf32>,
        %get3A_262 = vector.shape_cast %get3A_261 : vector<1x16xf32> to vector<16xf32>
        %add3A_263 = arith.addf %get3A_258, %get3A_262 : vector<16xf32>
        %max3A_264 = arith.constant 0.000000e+00 : f32
        %max3A_265 = vector.broadcast %max3A_264 : f32 to vector<16xf32>
        %max3A_266 = arith.maximumf %add3A_263, %max3A_265 : vector<16xf32>
        %swap3A_267 = arith.index_cast %scan3A_171 : i32 to index
        %swap3A_268 = arith.constant 80 : index
        %swap3A_269 = tpu.vector_load %arg14[%swap3A_267, %swap3A_268] {strides = array<i32>} : memref<40x128xf32, #tpu.memory_space<vmem>>, vector<1x16xf32>,
        %swap3A_270 = vector.shape_cast %swap3A_269 : vector<1x16xf32> to vector<16xf32>
        %swap3A_271 = vector.shape_cast %max3A_266 : vector<16xf32> to vector<1x16xf32>
        tpu.vector_store %arg14[%swap3A_267, %swap3A_268], %swap3A_271 {strides = array<i32>} : memref<40x128xf32, #tpu.memory_space<vmem>>, vector<1x16xf32>,
        %get3A_272 = arith.index_cast %scan3A_171 : i32 to index
        %get3A_273 = arith.constant 96 : index
        %get3A_274 = tpu.vector_load %arg10[%get3A_272, %get3A_273] {strides = array<i32>} : memref<40x128xf32, #tpu.memory_space<vmem>>, vector<1x16xf32>,
        %get3A_275 = vector.shape_cast %get3A_274 : vector<1x16xf32> to vector<16xf32>
        %get3A_276 = arith.index_cast %scan3A_171 : i32 to index
        %get3A_277 = arith.constant 96 : index
        %get3A_278 = tpu.vector_load %arg12[%get3A_276, %get3A_277] {strides = array<i32>} : memref<40x128xf32, #tpu.memory_space<vmem>>, vector<1x16xf32>,
        %get3A_279 = vector.shape_cast %get3A_278 : vector<1x16xf32> to vector<16xf32>
        %add3A_280 = arith.addf %get3A_275, %get3A_279 : vector<16xf32>
        %max3A_281 = arith.constant 0.000000e+00 : f32
        %max3A_282 = vector.broadcast %max3A_281 : f32 to vector<16xf32>
        %max3A_283 = arith.maximumf %add3A_280, %max3A_282 : vector<16xf32>
        %swap3A_284 = arith.index_cast %scan3A_171 : i32 to index
        %swap3A_285 = arith.constant 96 : index
        %swap3A_286 = tpu.vector_load %arg14[%swap3A_284, %swap3A_285] {strides = array<i32>} : memref<40x128xf32, #tpu.memory_space<vmem>>, vector<1x16xf32>,
        %swap3A_287 = vector.shape_cast %swap3A_286 : vector<1x16xf32> to vector<16xf32>
        %swap3A_288 = vector.shape_cast %max3A_283 : vector<16xf32> to vector<1x16xf32>
        tpu.vector_store %arg14[%swap3A_284, %swap3A_285], %swap3A_288 {strides = array<i32>} : memref<40x128xf32, #tpu.memory_space<vmem>>, vector<1x16xf32>,
        %get3A_289 = arith.index_cast %scan3A_171 : i32 to index
        %get3A_290 = arith.constant 112 : index
        %get3A_291 = tpu.vector_load %arg10[%get3A_289, %get3A_290] {strides = array<i32>} : memref<40x128xf32, #tpu.memory_space<vmem>>, vector<1x16xf32>,
        %get3A_292 = vector.shape_cast %get3A_291 : vector<1x16xf32> to vector<16xf32>
        %get3A_293 = arith.index_cast %scan3A_171 : i32 to index
        %get3A_294 = arith.constant 112 : index
        %get3A_295 = tpu.vector_load %arg12[%get3A_293, %get3A_294] {strides = array<i32>} : memref<40x128xf32, #tpu.memory_space<vmem>>, vector<1x16xf32>,
        %get3A_296 = vector.shape_cast %get3A_295 : vector<1x16xf32> to vector<16xf32>
        %add3A_297 = arith.addf %get3A_292, %get3A_296 : vector<16xf32>
        %max3A_298 = arith.constant 0.000000e+00 : f32
        %max3A_299 = vector.broadcast %max3A_298 : f32 to vector<16xf32>
        %max3A_300 = arith.maximumf %add3A_297, %max3A_299 : vector<16xf32>
        %swap3A_301 = arith.index_cast %scan3A_171 : i32 to index
        %swap3A_302 = arith.constant 112 : index
        %swap3A_303 = tpu.vector_load %arg14[%swap3A_301, %swap3A_302] {strides = array<i32>} : memref<40x128xf32, #tpu.memory_space<vmem>>, vector<1x16xf32>,
        %swap3A_304 = vector.shape_cast %swap3A_303 : vector<1x16xf32> to vector<16xf32>
        %swap3A_305 = vector.shape_cast %max3A_300 : vector<16xf32> to vector<1x16xf32>
        tpu.vector_store %arg14[%swap3A_301, %swap3A_302], %swap3A_305 {strides = array<i32>} : memref<40x128xf32, #tpu.memory_space<vmem>>, vector<1x16xf32>,
        %scan3A_306 = arith.constant 0 : i32
        scf.yield %scan3A_306 : i32
      }
      %scan3A_156 = arith.constant 40 : i32
      %add3A_157 = arith.constant 2 : i32
      %add3A_158 = arith.addi %add3A_132, %add3A_157 : i32
      %lt3A_159 = arith.constant 250 : i32
      %lt3A_160 = arith.cmpi slt, %add3A_158, %lt3A_159 : i32
      %convert_element_type3A_161 = arith.extui %lt3A_160 : i1 to i32
      %cond3A_162 = arith.constant 0 : i32
      %cond3A_163 = arith.cmpi ne, %convert_element_type3A_161, %cond3A_162 : i32
      scf.if %cond3A_163 {
        %add3A_171 = arith.constant 2 : i32
        %add3A_172 = arith.addi %add3A_132, %add3A_171 : i32
        %dma_start3A_173 = arith.constant 0 : i32
        %dma_start3A_174 = tpu.memref_slice %arg7[%add3A_172, %dma_start3A_173] : memref<250x40xi32, #tpu.memory_space<vmem>> -> memref<1x40xi32, #tpu.memory_space<vmem>>
        %dma_start3A_175 = tpu.memref_squeeze %dma_start3A_174 : memref<1x40xi32, #tpu.memory_space<vmem>> -> memref<40xi32, #tpu.memory_space<vmem>>
        %dma_start3A_176 = arith.constant 0 : i32
        %dma_start3A_177 = arith.constant 0 : i32
        %dma_start3A_178 = tpu.memref_slice %arg2[%dma_start3A_176, %dma_start3A_177] : memref<10000x128xf32, #tpu.memory_space<hbm>> -> memref<10000x128xf32, #tpu.memory_space<hbm>>
        tpu.enqueue_indirect_dma source(%dma_start3A_178 : memref<10000x128xf32, #tpu.memory_space<hbm>>) target(%arg10 : memref<40x128xf32, #tpu.memory_space<vmem>>) offsets(%dma_start3A_175 : memref<40xi32, #tpu.memory_space<vmem>>) semaphore(%arg17 : memref<!tpu.dma_semaphore, #tpu.memory_space<semaphore_mem>>)
        %dma_start3A_179 = arith.constant 0 : i32
        %dma_start3A_180 = tpu.memref_slice %arg8[%add3A_172, %dma_start3A_179] : memref<250x40xi32, #tpu.memory_space<vmem>> -> memref<1x40xi32, #tpu.memory_space<vmem>>
        %dma_start3A_181 = tpu.memref_squeeze %dma_start3A_180 : memref<1x40xi32, #tpu.memory_space<vmem>> -> memref<40xi32, #tpu.memory_space<vmem>>
        %dma_start3A_182 = arith.constant 0 : i32
        %dma_start3A_183 = arith.constant 0 : i32
        %dma_start3A_184 = tpu.memref_slice %arg3[%dma_start3A_182, %dma_start3A_183] : memref<10000x128xf32, #tpu.memory_space<hbm>> -> memref<10000x128xf32, #tpu.memory_space<hbm>>
        tpu.enqueue_indirect_dma source(%dma_start3A_184 : memref<10000x128xf32, #tpu.memory_space<hbm>>) target(%arg12 : memref<40x128xf32, #tpu.memory_space<vmem>>) offsets(%dma_start3A_181 : memref<40xi32, #tpu.memory_space<vmem>>) semaphore(%arg19 : memref<!tpu.dma_semaphore, #tpu.memory_space<semaphore_mem>>)
      } else {
      }
      %dma_start3A_164 = arith.constant 0 : i32
      %dma_start3A_165 = tpu.memref_slice %arg8[%add3A_132, %dma_start3A_164] : memref<250x40xi32, #tpu.memory_space<vmem>> -> memref<1x40xi32, #tpu.memory_space<vmem>>
      %dma_start3A_166 = tpu.memref_squeeze %dma_start3A_165 : memref<1x40xi32, #tpu.memory_space<vmem>> -> memref<40xi32, #tpu.memory_space<vmem>>
      %dma_start3A_167 = arith.constant 0 : i32
      %dma_start3A_168 = arith.constant 0 : i32
      %dma_start3A_169 = tpu.memref_slice %arg15[%dma_start3A_167, %dma_start3A_168] : memref<10000x128xf32, #tpu.memory_space<vmem_shared>> -> memref<10000x128xf32, #tpu.memory_space<vmem_shared>>
      tpu.enqueue_indirect_dma source(%arg14 : memref<40x128xf32, #tpu.memory_space<vmem>>) target(%dma_start3A_169 : memref<10000x128xf32, #tpu.memory_space<vmem_shared>>) offsets(%dma_start3A_166 : memref<40xi32, #tpu.memory_space<vmem>>) semaphore(%arg21 : memref<!tpu.dma_semaphore, #tpu.memory_space<semaphore_mem>>) {add = true}
      %scan3A_170 = arith.constant 0 : i32
      scf.yield %scan3A_170 : i32
    }
    %scan3A_75 = arith.constant 125 : i32
    %dma_wait3A = arith.constant 248 : i32
    %dma_wait3A_76 = arith.constant 0 : i32
    %dma_wait3A_77 = tpu.memref_slice %arg8[%dma_wait3A, %dma_wait3A_76] : memref<250x40xi32, #tpu.memory_space<vmem>> -> memref<1x40xi32, #tpu.memory_space<vmem>>
    %dma_wait3A_78 = tpu.memref_squeeze %dma_wait3A_77 : memref<1x40xi32, #tpu.memory_space<vmem>> -> memref<40xi32, #tpu.memory_space<vmem>>
    %dma_wait3A_79 = arith.constant 0 : i32
    %dma_wait3A_80 = arith.constant 0 : i32
    %dma_wait3A_81 = tpu.memref_slice %arg15[%dma_wait3A_79, %dma_wait3A_80] : memref<10000x128xf32, #tpu.memory_space<vmem_shared>> -> memref<10000x128xf32, #tpu.memory_space<vmem_shared>>
    tpu.wait_indirect_dma semaphore(%arg20 : memref<!tpu.dma_semaphore, #tpu.memory_space<semaphore_mem>>) src(%arg13 : memref<40x128xf32, #tpu.memory_space<vmem>>) dst(%dma_wait3A_81 : memref<10000x128xf32, #tpu.memory_space<vmem_shared>>)
    %dma_wait3A_82 = arith.constant 249 : i32
    %dma_wait3A_83 = arith.constant 0 : i32
    %dma_wait3A_84 = tpu.memref_slice %arg8[%dma_wait3A_82, %dma_wait3A_83] : memref<250x40xi32, #tpu.memory_space<vmem>> -> memref<1x40xi32, #tpu.memory_space<vmem>>
    %dma_wait3A_85 = tpu.memref_squeeze %dma_wait3A_84 : memref<1x40xi32, #tpu.memory_space<vmem>> -> memref<40xi32, #tpu.memory_space<vmem>>
    %dma_wait3A_86 = arith.constant 0 : i32
    %dma_wait3A_87 = arith.constant 0 : i32
    %dma_wait3A_88 = tpu.memref_slice %arg15[%dma_wait3A_86, %dma_wait3A_87] : memref<10000x128xf32, #tpu.memory_space<vmem_shared>> -> memref<10000x128xf32, #tpu.memory_space<vmem_shared>>
    tpu.wait_indirect_dma semaphore(%arg21 : memref<!tpu.dma_semaphore, #tpu.memory_space<semaphore_mem>>) src(%arg14 : memref<40x128xf32, #tpu.memory_space<vmem>>) dst(%dma_wait3A_88 : memref<10000x128xf32, #tpu.memory_space<vmem_shared>>)
    %barrier3A_89 = arith.constant 0 : index
    tpu.barrier barrier_id(%barrier3A_89)
    "tpu.region"() ({
      %run_scoped3A = tpu.sem_alloc : memref<!tpu.dma_semaphore, #tpu.memory_space<semaphore_mem>>
      %dma_start3A_90 = arith.constant 0 : i32
      %dma_start3A_91 = tpu.memref_slice %arg6[%arg0, %mul3A_9, %dma_start3A_90] : memref<2x10000x128xf32, #tpu.memory_space<hbm>> -> memref<1x625x128xf32, #tpu.memory_space<hbm>>
      %dma_start3A_92 = tpu.memref_squeeze %dma_start3A_91 : memref<1x625x128xf32, #tpu.memory_space<hbm>> -> memref<625x128xf32, #tpu.memory_space<hbm>>
      %dma_start3A_93 = arith.constant 0 : i32
      %dma_start3A_94 = tpu.memref_slice %arg15[%mul3A_9, %dma_start3A_93] : memref<10000x128xf32, #tpu.memory_space<vmem_shared>> -> memref<625x128xf32, #tpu.memory_space<vmem_shared>>
      tpu.enqueue_dma source(%dma_start3A_94 : memref<625x128xf32, #tpu.memory_space<vmem_shared>>) target(%dma_start3A_92 : memref<625x128xf32, #tpu.memory_space<hbm>>) target_semaphore(%run_scoped3A : memref<!tpu.dma_semaphore, #tpu.memory_space<semaphore_mem>>)
      %dma_wait3A_95 = arith.constant 0 : i32
      %dma_wait3A_96 = tpu.memref_slice %arg6[%arg0, %mul3A_9, %dma_wait3A_95] : memref<2x10000x128xf32, #tpu.memory_space<hbm>> -> memref<1x625x128xf32, #tpu.memory_space<hbm>>
      %dma_wait3A_97 = tpu.memref_squeeze %dma_wait3A_96 : memref<1x625x128xf32, #tpu.memory_space<hbm>> -> memref<625x128xf32, #tpu.memory_space<hbm>>
      %dma_wait3A_98 = arith.constant 0 : i32
      %dma_wait3A_99 = tpu.memref_slice %arg15[%mul3A_9, %dma_wait3A_98] : memref<10000x128xf32, #tpu.memory_space<vmem_shared>> -> memref<625x128xf32, #tpu.memory_space<vmem_shared>>
      tpu.wait_dma2 semaphore(%run_scoped3A : memref<!tpu.dma_semaphore, #tpu.memory_space<semaphore_mem>>) src(%dma_wait3A_99 : memref<625x128xf32, #tpu.memory_space<vmem_shared>>) dst(%dma_wait3A_97 : memref<625x128xf32, #tpu.memory_space<hbm>>)
      tpu.yield
    }) : () -> ()
    return
  }
}

#map = affine_map<(d0, d1) -> (0, 0, 0)>
module attributes {stable_mosaic.version = 14 : i64} {
  func.func @k(%arg0: i32, %arg1: i32, %arg2: memref<32x250x40xi32, #tpu.memory_space<hbm>>, %arg3: memref<2x10000x16xf32, #tpu.memory_space<hbm>>, %arg4: memref<250x40xi32, #tpu.memory_space<vmem>>, %arg5: memref<40x16xf32, #tpu.memory_space<vmem>>, %arg6: memref<40x16xf32, #tpu.memory_space<vmem>>, %arg7: memref<10000x16xf32, #tpu.memory_space<vmem_shared>>, %arg8: memref<!tpu.dma_semaphore, #tpu.memory_space<semaphore_mem>>) attributes {dimension_semantics = [#tpu.dimension_semantics<core_parallel>, #tpu.dimension_semantics<subcore_parallel>], iteration_bounds = array<i64: 2, 16>, scalar_prefetch = 0 : i64, scratch_operands = 5 : i64, tpu.core_type = #tpu.core_type<sc_vector_subcore>, window_params = [{transform_indices = #map}, {transform_indices = #map}]} {
    %mul3A = arith.constant 16 : i32
    %mul3A_0 = arith.muli %arg0, %mul3A : i32
    %add3A = arith.addi %mul3A_0, %arg1 : i32
    "tpu.region"() ({
      %run_scoped3A = tpu.sem_alloc : memref<!tpu.dma_semaphore, #tpu.memory_space<semaphore_mem>>
      %dma_start3A = arith.constant 0 : i32
      %dma_start3A_59 = arith.constant 0 : i32
      %dma_start3A_60 = tpu.memref_slice %arg2[%add3A, %dma_start3A, %dma_start3A_59] : memref<32x250x40xi32, #tpu.memory_space<hbm>> -> memref<1x250x40xi32, #tpu.memory_space<hbm>>
      %dma_start3A_61 = tpu.memref_squeeze %dma_start3A_60 : memref<1x250x40xi32, #tpu.memory_space<hbm>> -> memref<250x40xi32, #tpu.memory_space<hbm>>
      %dma_start3A_62 = arith.constant 0 : i32
      %dma_start3A_63 = arith.constant 0 : i32
      %dma_start3A_64 = tpu.memref_slice %arg2[%add3A, %dma_start3A_62, %dma_start3A_63] : memref<32x250x40xi32, #tpu.memory_space<hbm>> -> memref<1x250x40xi32, #tpu.memory_space<hbm>>
      %dma_start3A_65 = tpu.memref_squeeze %dma_start3A_64 : memref<1x250x40xi32, #tpu.memory_space<hbm>> -> memref<250x40xi32, #tpu.memory_space<hbm>>
      tpu.enqueue_dma source(%dma_start3A_65 : memref<250x40xi32, #tpu.memory_space<hbm>>) target(%arg4 : memref<250x40xi32, #tpu.memory_space<vmem>>) target_semaphore(%run_scoped3A : memref<!tpu.dma_semaphore, #tpu.memory_space<semaphore_mem>>)
      %dma_wait3A = arith.constant 0 : i32
      %dma_wait3A_66 = arith.constant 0 : i32
      %dma_wait3A_67 = tpu.memref_slice %arg2[%add3A, %dma_wait3A, %dma_wait3A_66] : memref<32x250x40xi32, #tpu.memory_space<hbm>> -> memref<1x250x40xi32, #tpu.memory_space<hbm>>
      %dma_wait3A_68 = tpu.memref_squeeze %dma_wait3A_67 : memref<1x250x40xi32, #tpu.memory_space<hbm>> -> memref<250x40xi32, #tpu.memory_space<hbm>>
      %dma_wait3A_69 = arith.constant 0 : i32
      %dma_wait3A_70 = arith.constant 0 : i32
      %dma_wait3A_71 = tpu.memref_slice %arg2[%add3A, %dma_wait3A_69, %dma_wait3A_70] : memref<32x250x40xi32, #tpu.memory_space<hbm>> -> memref<1x250x40xi32, #tpu.memory_space<hbm>>
      %dma_wait3A_72 = tpu.memref_squeeze %dma_wait3A_71 : memref<1x250x40xi32, #tpu.memory_space<hbm>> -> memref<250x40xi32, #tpu.memory_space<hbm>>
      tpu.wait_dma2 semaphore(%run_scoped3A : memref<!tpu.dma_semaphore, #tpu.memory_space<semaphore_mem>>) src(%dma_wait3A_72 : memref<250x40xi32, #tpu.memory_space<hbm>>) dst(%arg4 : memref<250x40xi32, #tpu.memory_space<vmem>>)
      tpu.yield
    }) : () -> ()
    %broadcast_in_dim3A = arith.constant 1.000000e+00 : f32
    %broadcast_in_dim3A_1 = vector.broadcast %broadcast_in_dim3A : f32 to vector<16xf32>
    %broadcast_in_dim3A_2 = arith.constant 0.000000e+00 : f32
    %broadcast_in_dim3A_3 = vector.broadcast %broadcast_in_dim3A_2 : f32 to vector<16xf32>
    %scan3A = arith.constant 0 : i32
    %scan3A_4 = arith.constant 0 : i32
    %scan3A_5 = arith.constant 40 : i32
    %scan3A_6 = arith.addi %scan3A_4, %scan3A_5 : i32
    %scan3A_7 = arith.constant 1 : i32
    %scan3A_8 = scf.for %scan3A_59 = %scan3A_4 to %scan3A_6 step %scan3A_7 iter_args(%scan3A_60 = %scan3A) -> (i32)  : i32 {
      %swap3A = arith.index_cast %scan3A_59 : i32 to index
      %swap3A_61 = arith.constant 0 : index
      %swap3A_62 = tpu.vector_load %arg5[%swap3A, %swap3A_61] {strides = array<i32>} : memref<40x16xf32, #tpu.memory_space<vmem>>, vector<1x16xf32>,
      %swap3A_63 = vector.shape_cast %swap3A_62 : vector<1x16xf32> to vector<16xf32>
      %swap3A_64 = vector.shape_cast %broadcast_in_dim3A_1 : vector<16xf32> to vector<1x16xf32>
      tpu.vector_store %arg5[%swap3A, %swap3A_61], %swap3A_64 {strides = array<i32>} : memref<40x16xf32, #tpu.memory_space<vmem>>, vector<1x16xf32>,
      %swap3A_65 = arith.index_cast %scan3A_59 : i32 to index
      %swap3A_66 = arith.constant 0 : index
      %swap3A_67 = tpu.vector_load %arg6[%swap3A_65, %swap3A_66] {strides = array<i32>} : memref<40x16xf32, #tpu.memory_space<vmem>>, vector<1x16xf32>,
      %swap3A_68 = vector.shape_cast %swap3A_67 : vector<1x16xf32> to vector<16xf32>
      %swap3A_69 = vector.shape_cast %broadcast_in_dim3A_3 : vector<16xf32> to vector<1x16xf32>
      tpu.vector_store %arg6[%swap3A_65, %swap3A_66], %swap3A_69 {strides = array<i32>} : memref<40x16xf32, #tpu.memory_space<vmem>>, vector<1x16xf32>,
      %scan3A_70 = arith.constant 0 : i32
      scf.yield %scan3A_70 : i32
    }
    %scan3A_9 = arith.constant 40 : i32
    %mul3A_10 = arith.constant 625 : i32
    %mul3A_11 = arith.muli %arg1, %mul3A_10 : i32
    %add3A_12 = arith.constant 0 : i32
    %add3A_13 = arith.addi %mul3A_11, %add3A_12 : i32
    "tpu.region"() ({
      %run_scoped3A = tpu.sem_alloc : memref<!tpu.dma_semaphore, #tpu.memory_space<semaphore_mem>>
      %dma_start3A = arith.constant 0 : i32
      %dma_start3A_59 = tpu.memref_slice %arg7[%add3A_13, %dma_start3A] : memref<10000x16xf32, #tpu.memory_space<vmem_shared>> -> memref<40x16xf32, #tpu.memory_space<vmem_shared>>
      %dma_start3A_60 = arith.constant 0 : i32
      %dma_start3A_61 = tpu.memref_slice %arg7[%add3A_13, %dma_start3A_60] : memref<10000x16xf32, #tpu.memory_space<vmem_shared>> -> memref<40x16xf32, #tpu.memory_space<vmem_shared>>
      tpu.enqueue_dma source(%arg6 : memref<40x16xf32, #tpu.memory_space<vmem>>) target(%dma_start3A_61 : memref<40x16xf32, #tpu.memory_space<vmem_shared>>) target_semaphore(%run_scoped3A : memref<!tpu.dma_semaphore, #tpu.memory_space<semaphore_mem>>)
      %dma_wait3A = arith.constant 0 : i32
      %dma_wait3A_62 = tpu.memref_slice %arg7[%add3A_13, %dma_wait3A] : memref<10000x16xf32, #tpu.memory_space<vmem_shared>> -> memref<40x16xf32, #tpu.memory_space<vmem_shared>>
      %dma_wait3A_63 = arith.constant 0 : i32
      %dma_wait3A_64 = tpu.memref_slice %arg7[%add3A_13, %dma_wait3A_63] : memref<10000x16xf32, #tpu.memory_space<vmem_shared>> -> memref<40x16xf32, #tpu.memory_space<vmem_shared>>
      tpu.wait_dma2 semaphore(%run_scoped3A : memref<!tpu.dma_semaphore, #tpu.memory_space<semaphore_mem>>) src(%arg6 : memref<40x16xf32, #tpu.memory_space<vmem>>) dst(%dma_wait3A_64 : memref<40x16xf32, #tpu.memory_space<vmem_shared>>)
      tpu.yield
    }) : () -> ()
    %add3A_14 = arith.constant 40 : i32
    %add3A_15 = arith.addi %mul3A_11, %add3A_14 : i32
    "tpu.region"() ({
      %run_scoped3A = tpu.sem_alloc : memref<!tpu.dma_semaphore, #tpu.memory_space<semaphore_mem>>
      %dma_start3A = arith.constant 0 : i32
      %dma_start3A_59 = tpu.memref_slice %arg7[%add3A_15, %dma_start3A] : memref<10000x16xf32, #tpu.memory_space<vmem_shared>> -> memref<40x16xf32, #tpu.memory_space<vmem_shared>>
      %dma_start3A_60 = arith.constant 0 : i32
      %dma_start3A_61 = tpu.memref_slice %arg7[%add3A_15, %dma_start3A_60] : memref<10000x16xf32, #tpu.memory_space<vmem_shared>> -> memref<40x16xf32, #tpu.memory_space<vmem_shared>>
      tpu.enqueue_dma source(%arg6 : memref<40x16xf32, #tpu.memory_space<vmem>>) target(%dma_start3A_61 : memref<40x16xf32, #tpu.memory_space<vmem_shared>>) target_semaphore(%run_scoped3A : memref<!tpu.dma_semaphore, #tpu.memory_space<semaphore_mem>>)
      %dma_wait3A = arith.constant 0 : i32
      %dma_wait3A_62 = tpu.memref_slice %arg7[%add3A_15, %dma_wait3A] : memref<10000x16xf32, #tpu.memory_space<vmem_shared>> -> memref<40x16xf32, #tpu.memory_space<vmem_shared>>
      %dma_wait3A_63 = arith.constant 0 : i32
      %dma_wait3A_64 = tpu.memref_slice %arg7[%add3A_15, %dma_wait3A_63] : memref<10000x16xf32, #tpu.memory_space<vmem_shared>> -> memref<40x16xf32, #tpu.memory_space<vmem_shared>>
      tpu.wait_dma2 semaphore(%run_scoped3A : memref<!tpu.dma_semaphore, #tpu.memory_space<semaphore_mem>>) src(%arg6 : memref<40x16xf32, #tpu.memory_space<vmem>>) dst(%dma_wait3A_64 : memref<40x16xf32, #tpu.memory_space<vmem_shared>>)
      tpu.yield
    }) : () -> ()
    %add3A_16 = arith.constant 80 : i32
    %add3A_17 = arith.addi %mul3A_11, %add3A_16 : i32
    "tpu.region"() ({
      %run_scoped3A = tpu.sem_alloc : memref<!tpu.dma_semaphore, #tpu.memory_space<semaphore_mem>>
      %dma_start3A = arith.constant 0 : i32
      %dma_start3A_59 = tpu.memref_slice %arg7[%add3A_17, %dma_start3A] : memref<10000x16xf32, #tpu.memory_space<vmem_shared>> -> memref<40x16xf32, #tpu.memory_space<vmem_shared>>
      %dma_start3A_60 = arith.constant 0 : i32
      %dma_start3A_61 = tpu.memref_slice %arg7[%add3A_17, %dma_start3A_60] : memref<10000x16xf32, #tpu.memory_space<vmem_shared>> -> memref<40x16xf32, #tpu.memory_space<vmem_shared>>
      tpu.enqueue_dma source(%arg6 : memref<40x16xf32, #tpu.memory_space<vmem>>) target(%dma_start3A_61 : memref<40x16xf32, #tpu.memory_space<vmem_shared>>) target_semaphore(%run_scoped3A : memref<!tpu.dma_semaphore, #tpu.memory_space<semaphore_mem>>)
      %dma_wait3A = arith.constant 0 : i32
      %dma_wait3A_62 = tpu.memref_slice %arg7[%add3A_17, %dma_wait3A] : memref<10000x16xf32, #tpu.memory_space<vmem_shared>> -> memref<40x16xf32, #tpu.memory_space<vmem_shared>>
      %dma_wait3A_63 = arith.constant 0 : i32
      %dma_wait3A_64 = tpu.memref_slice %arg7[%add3A_17, %dma_wait3A_63] : memref<10000x16xf32, #tpu.memory_space<vmem_shared>> -> memref<40x16xf32, #tpu.memory_space<vmem_shared>>
      tpu.wait_dma2 semaphore(%run_scoped3A : memref<!tpu.dma_semaphore, #tpu.memory_space<semaphore_mem>>) src(%arg6 : memref<40x16xf32, #tpu.memory_space<vmem>>) dst(%dma_wait3A_64 : memref<40x16xf32, #tpu.memory_space<vmem_shared>>)
      tpu.yield
    }) : () -> ()
    %add3A_18 = arith.constant 120 : i32
    %add3A_19 = arith.addi %mul3A_11, %add3A_18 : i32
    "tpu.region"() ({
      %run_scoped3A = tpu.sem_alloc : memref<!tpu.dma_semaphore, #tpu.memory_space<semaphore_mem>>
      %dma_start3A = arith.constant 0 : i32
      %dma_start3A_59 = tpu.memref_slice %arg7[%add3A_19, %dma_start3A] : memref<10000x16xf32, #tpu.memory_space<vmem_shared>> -> memref<40x16xf32, #tpu.memory_space<vmem_shared>>
      %dma_start3A_60 = arith.constant 0 : i32
      %dma_start3A_61 = tpu.memref_slice %arg7[%add3A_19, %dma_start3A_60] : memref<10000x16xf32, #tpu.memory_space<vmem_shared>> -> memref<40x16xf32, #tpu.memory_space<vmem_shared>>
      tpu.enqueue_dma source(%arg6 : memref<40x16xf32, #tpu.memory_space<vmem>>) target(%dma_start3A_61 : memref<40x16xf32, #tpu.memory_space<vmem_shared>>) target_semaphore(%run_scoped3A : memref<!tpu.dma_semaphore, #tpu.memory_space<semaphore_mem>>)
      %dma_wait3A = arith.constant 0 : i32
      %dma_wait3A_62 = tpu.memref_slice %arg7[%add3A_19, %dma_wait3A] : memref<10000x16xf32, #tpu.memory_space<vmem_shared>> -> memref<40x16xf32, #tpu.memory_space<vmem_shared>>
      %dma_wait3A_63 = arith.constant 0 : i32
      %dma_wait3A_64 = tpu.memref_slice %arg7[%add3A_19, %dma_wait3A_63] : memref<10000x16xf32, #tpu.memory_space<vmem_shared>> -> memref<40x16xf32, #tpu.memory_space<vmem_shared>>
      tpu.wait_dma2 semaphore(%run_scoped3A : memref<!tpu.dma_semaphore, #tpu.memory_space<semaphore_mem>>) src(%arg6 : memref<40x16xf32, #tpu.memory_space<vmem>>) dst(%dma_wait3A_64 : memref<40x16xf32, #tpu.memory_space<vmem_shared>>)
      tpu.yield
    }) : () -> ()
    %add3A_20 = arith.constant 160 : i32
    %add3A_21 = arith.addi %mul3A_11, %add3A_20 : i32
    "tpu.region"() ({
      %run_scoped3A = tpu.sem_alloc : memref<!tpu.dma_semaphore, #tpu.memory_space<semaphore_mem>>
      %dma_start3A = arith.constant 0 : i32
      %dma_start3A_59 = tpu.memref_slice %arg7[%add3A_21, %dma_start3A] : memref<10000x16xf32, #tpu.memory_space<vmem_shared>> -> memref<40x16xf32, #tpu.memory_space<vmem_shared>>
      %dma_start3A_60 = arith.constant 0 : i32
      %dma_start3A_61 = tpu.memref_slice %arg7[%add3A_21, %dma_start3A_60] : memref<10000x16xf32, #tpu.memory_space<vmem_shared>> -> memref<40x16xf32, #tpu.memory_space<vmem_shared>>
      tpu.enqueue_dma source(%arg6 : memref<40x16xf32, #tpu.memory_space<vmem>>) target(%dma_start3A_61 : memref<40x16xf32, #tpu.memory_space<vmem_shared>>) target_semaphore(%run_scoped3A : memref<!tpu.dma_semaphore, #tpu.memory_space<semaphore_mem>>)
      %dma_wait3A = arith.constant 0 : i32
      %dma_wait3A_62 = tpu.memref_slice %arg7[%add3A_21, %dma_wait3A] : memref<10000x16xf32, #tpu.memory_space<vmem_shared>> -> memref<40x16xf32, #tpu.memory_space<vmem_shared>>
      %dma_wait3A_63 = arith.constant 0 : i32
      %dma_wait3A_64 = tpu.memref_slice %arg7[%add3A_21, %dma_wait3A_63] : memref<10000x16xf32, #tpu.memory_space<vmem_shared>> -> memref<40x16xf32, #tpu.memory_space<vmem_shared>>
      tpu.wait_dma2 semaphore(%run_scoped3A : memref<!tpu.dma_semaphore, #tpu.memory_space<semaphore_mem>>) src(%arg6 : memref<40x16xf32, #tpu.memory_space<vmem>>) dst(%dma_wait3A_64 : memref<40x16xf32, #tpu.memory_space<vmem_shared>>)
      tpu.yield
    }) : () -> ()
    %add3A_22 = arith.constant 200 : i32
    %add3A_23 = arith.addi %mul3A_11, %add3A_22 : i32
    "tpu.region"() ({
      %run_scoped3A = tpu.sem_alloc : memref<!tpu.dma_semaphore, #tpu.memory_space<semaphore_mem>>
      %dma_start3A = arith.constant 0 : i32
      %dma_start3A_59 = tpu.memref_slice %arg7[%add3A_23, %dma_start3A] : memref<10000x16xf32, #tpu.memory_space<vmem_shared>> -> memref<40x16xf32, #tpu.memory_space<vmem_shared>>
      %dma_start3A_60 = arith.constant 0 : i32
      %dma_start3A_61 = tpu.memref_slice %arg7[%add3A_23, %dma_start3A_60] : memref<10000x16xf32, #tpu.memory_space<vmem_shared>> -> memref<40x16xf32, #tpu.memory_space<vmem_shared>>
      tpu.enqueue_dma source(%arg6 : memref<40x16xf32, #tpu.memory_space<vmem>>) target(%dma_start3A_61 : memref<40x16xf32, #tpu.memory_space<vmem_shared>>) target_semaphore(%run_scoped3A : memref<!tpu.dma_semaphore, #tpu.memory_space<semaphore_mem>>)
      %dma_wait3A = arith.constant 0 : i32
      %dma_wait3A_62 = tpu.memref_slice %arg7[%add3A_23, %dma_wait3A] : memref<10000x16xf32, #tpu.memory_space<vmem_shared>> -> memref<40x16xf32, #tpu.memory_space<vmem_shared>>
      %dma_wait3A_63 = arith.constant 0 : i32
      %dma_wait3A_64 = tpu.memref_slice %arg7[%add3A_23, %dma_wait3A_63] : memref<10000x16xf32, #tpu.memory_space<vmem_shared>> -> memref<40x16xf32, #tpu.memory_space<vmem_shared>>
      tpu.wait_dma2 semaphore(%run_scoped3A : memref<!tpu.dma_semaphore, #tpu.memory_space<semaphore_mem>>) src(%arg6 : memref<40x16xf32, #tpu.memory_space<vmem>>) dst(%dma_wait3A_64 : memref<40x16xf32, #tpu.memory_space<vmem_shared>>)
      tpu.yield
    }) : () -> ()
    %add3A_24 = arith.constant 240 : i32
    %add3A_25 = arith.addi %mul3A_11, %add3A_24 : i32
    "tpu.region"() ({
      %run_scoped3A = tpu.sem_alloc : memref<!tpu.dma_semaphore, #tpu.memory_space<semaphore_mem>>
      %dma_start3A = arith.constant 0 : i32
      %dma_start3A_59 = tpu.memref_slice %arg7[%add3A_25, %dma_start3A] : memref<10000x16xf32, #tpu.memory_space<vmem_shared>> -> memref<40x16xf32, #tpu.memory_space<vmem_shared>>
      %dma_start3A_60 = arith.constant 0 : i32
      %dma_start3A_61 = tpu.memref_slice %arg7[%add3A_25, %dma_start3A_60] : memref<10000x16xf32, #tpu.memory_space<vmem_shared>> -> memref<40x16xf32, #tpu.memory_space<vmem_shared>>
      tpu.enqueue_dma source(%arg6 : memref<40x16xf32, #tpu.memory_space<vmem>>) target(%dma_start3A_61 : memref<40x16xf32, #tpu.memory_space<vmem_shared>>) target_semaphore(%run_scoped3A : memref<!tpu.dma_semaphore, #tpu.memory_space<semaphore_mem>>)
      %dma_wait3A = arith.constant 0 : i32
      %dma_wait3A_62 = tpu.memref_slice %arg7[%add3A_25, %dma_wait3A] : memref<10000x16xf32, #tpu.memory_space<vmem_shared>> -> memref<40x16xf32, #tpu.memory_space<vmem_shared>>
      %dma_wait3A_63 = arith.constant 0 : i32
      %dma_wait3A_64 = tpu.memref_slice %arg7[%add3A_25, %dma_wait3A_63] : memref<10000x16xf32, #tpu.memory_space<vmem_shared>> -> memref<40x16xf32, #tpu.memory_space<vmem_shared>>
      tpu.wait_dma2 semaphore(%run_scoped3A : memref<!tpu.dma_semaphore, #tpu.memory_space<semaphore_mem>>) src(%arg6 : memref<40x16xf32, #tpu.memory_space<vmem>>) dst(%dma_wait3A_64 : memref<40x16xf32, #tpu.memory_space<vmem_shared>>)
      tpu.yield
    }) : () -> ()
    %add3A_26 = arith.constant 280 : i32
    %add3A_27 = arith.addi %mul3A_11, %add3A_26 : i32
    "tpu.region"() ({
      %run_scoped3A = tpu.sem_alloc : memref<!tpu.dma_semaphore, #tpu.memory_space<semaphore_mem>>
      %dma_start3A = arith.constant 0 : i32
      %dma_start3A_59 = tpu.memref_slice %arg7[%add3A_27, %dma_start3A] : memref<10000x16xf32, #tpu.memory_space<vmem_shared>> -> memref<40x16xf32, #tpu.memory_space<vmem_shared>>
      %dma_start3A_60 = arith.constant 0 : i32
      %dma_start3A_61 = tpu.memref_slice %arg7[%add3A_27, %dma_start3A_60] : memref<10000x16xf32, #tpu.memory_space<vmem_shared>> -> memref<40x16xf32, #tpu.memory_space<vmem_shared>>
      tpu.enqueue_dma source(%arg6 : memref<40x16xf32, #tpu.memory_space<vmem>>) target(%dma_start3A_61 : memref<40x16xf32, #tpu.memory_space<vmem_shared>>) target_semaphore(%run_scoped3A : memref<!tpu.dma_semaphore, #tpu.memory_space<semaphore_mem>>)
      %dma_wait3A = arith.constant 0 : i32
      %dma_wait3A_62 = tpu.memref_slice %arg7[%add3A_27, %dma_wait3A] : memref<10000x16xf32, #tpu.memory_space<vmem_shared>> -> memref<40x16xf32, #tpu.memory_space<vmem_shared>>
      %dma_wait3A_63 = arith.constant 0 : i32
      %dma_wait3A_64 = tpu.memref_slice %arg7[%add3A_27, %dma_wait3A_63] : memref<10000x16xf32, #tpu.memory_space<vmem_shared>> -> memref<40x16xf32, #tpu.memory_space<vmem_shared>>
      tpu.wait_dma2 semaphore(%run_scoped3A : memref<!tpu.dma_semaphore, #tpu.memory_space<semaphore_mem>>) src(%arg6 : memref<40x16xf32, #tpu.memory_space<vmem>>) dst(%dma_wait3A_64 : memref<40x16xf32, #tpu.memory_space<vmem_shared>>)
      tpu.yield
    }) : () -> ()
    %add3A_28 = arith.constant 320 : i32
    %add3A_29 = arith.addi %mul3A_11, %add3A_28 : i32
    "tpu.region"() ({
      %run_scoped3A = tpu.sem_alloc : memref<!tpu.dma_semaphore, #tpu.memory_space<semaphore_mem>>
      %dma_start3A = arith.constant 0 : i32
      %dma_start3A_59 = tpu.memref_slice %arg7[%add3A_29, %dma_start3A] : memref<10000x16xf32, #tpu.memory_space<vmem_shared>> -> memref<40x16xf32, #tpu.memory_space<vmem_shared>>
      %dma_start3A_60 = arith.constant 0 : i32
      %dma_start3A_61 = tpu.memref_slice %arg7[%add3A_29, %dma_start3A_60] : memref<10000x16xf32, #tpu.memory_space<vmem_shared>> -> memref<40x16xf32, #tpu.memory_space<vmem_shared>>
      tpu.enqueue_dma source(%arg6 : memref<40x16xf32, #tpu.memory_space<vmem>>) target(%dma_start3A_61 : memref<40x16xf32, #tpu.memory_space<vmem_shared>>) target_semaphore(%run_scoped3A : memref<!tpu.dma_semaphore, #tpu.memory_space<semaphore_mem>>)
      %dma_wait3A = arith.constant 0 : i32
      %dma_wait3A_62 = tpu.memref_slice %arg7[%add3A_29, %dma_wait3A] : memref<10000x16xf32, #tpu.memory_space<vmem_shared>> -> memref<40x16xf32, #tpu.memory_space<vmem_shared>>
      %dma_wait3A_63 = arith.constant 0 : i32
      %dma_wait3A_64 = tpu.memref_slice %arg7[%add3A_29, %dma_wait3A_63] : memref<10000x16xf32, #tpu.memory_space<vmem_shared>> -> memref<40x16xf32, #tpu.memory_space<vmem_shared>>
      tpu.wait_dma2 semaphore(%run_scoped3A : memref<!tpu.dma_semaphore, #tpu.memory_space<semaphore_mem>>) src(%arg6 : memref<40x16xf32, #tpu.memory_space<vmem>>) dst(%dma_wait3A_64 : memref<40x16xf32, #tpu.memory_space<vmem_shared>>)
      tpu.yield
    }) : () -> ()
    %add3A_30 = arith.constant 360 : i32
    %add3A_31 = arith.addi %mul3A_11, %add3A_30 : i32
    "tpu.region"() ({
      %run_scoped3A = tpu.sem_alloc : memref<!tpu.dma_semaphore, #tpu.memory_space<semaphore_mem>>
      %dma_start3A = arith.constant 0 : i32
      %dma_start3A_59 = tpu.memref_slice %arg7[%add3A_31, %dma_start3A] : memref<10000x16xf32, #tpu.memory_space<vmem_shared>> -> memref<40x16xf32, #tpu.memory_space<vmem_shared>>
      %dma_start3A_60 = arith.constant 0 : i32
      %dma_start3A_61 = tpu.memref_slice %arg7[%add3A_31, %dma_start3A_60] : memref<10000x16xf32, #tpu.memory_space<vmem_shared>> -> memref<40x16xf32, #tpu.memory_space<vmem_shared>>
      tpu.enqueue_dma source(%arg6 : memref<40x16xf32, #tpu.memory_space<vmem>>) target(%dma_start3A_61 : memref<40x16xf32, #tpu.memory_space<vmem_shared>>) target_semaphore(%run_scoped3A : memref<!tpu.dma_semaphore, #tpu.memory_space<semaphore_mem>>)
      %dma_wait3A = arith.constant 0 : i32
      %dma_wait3A_62 = tpu.memref_slice %arg7[%add3A_31, %dma_wait3A] : memref<10000x16xf32, #tpu.memory_space<vmem_shared>> -> memref<40x16xf32, #tpu.memory_space<vmem_shared>>
      %dma_wait3A_63 = arith.constant 0 : i32
      %dma_wait3A_64 = tpu.memref_slice %arg7[%add3A_31, %dma_wait3A_63] : memref<10000x16xf32, #tpu.memory_space<vmem_shared>> -> memref<40x16xf32, #tpu.memory_space<vmem_shared>>
      tpu.wait_dma2 semaphore(%run_scoped3A : memref<!tpu.dma_semaphore, #tpu.memory_space<semaphore_mem>>) src(%arg6 : memref<40x16xf32, #tpu.memory_space<vmem>>) dst(%dma_wait3A_64 : memref<40x16xf32, #tpu.memory_space<vmem_shared>>)
      tpu.yield
    }) : () -> ()
    %add3A_32 = arith.constant 400 : i32
    %add3A_33 = arith.addi %mul3A_11, %add3A_32 : i32
    "tpu.region"() ({
      %run_scoped3A = tpu.sem_alloc : memref<!tpu.dma_semaphore, #tpu.memory_space<semaphore_mem>>
      %dma_start3A = arith.constant 0 : i32
      %dma_start3A_59 = tpu.memref_slice %arg7[%add3A_33, %dma_start3A] : memref<10000x16xf32, #tpu.memory_space<vmem_shared>> -> memref<40x16xf32, #tpu.memory_space<vmem_shared>>
      %dma_start3A_60 = arith.constant 0 : i32
      %dma_start3A_61 = tpu.memref_slice %arg7[%add3A_33, %dma_start3A_60] : memref<10000x16xf32, #tpu.memory_space<vmem_shared>> -> memref<40x16xf32, #tpu.memory_space<vmem_shared>>
      tpu.enqueue_dma source(%arg6 : memref<40x16xf32, #tpu.memory_space<vmem>>) target(%dma_start3A_61 : memref<40x16xf32, #tpu.memory_space<vmem_shared>>) target_semaphore(%run_scoped3A : memref<!tpu.dma_semaphore, #tpu.memory_space<semaphore_mem>>)
      %dma_wait3A = arith.constant 0 : i32
      %dma_wait3A_62 = tpu.memref_slice %arg7[%add3A_33, %dma_wait3A] : memref<10000x16xf32, #tpu.memory_space<vmem_shared>> -> memref<40x16xf32, #tpu.memory_space<vmem_shared>>
      %dma_wait3A_63 = arith.constant 0 : i32
      %dma_wait3A_64 = tpu.memref_slice %arg7[%add3A_33, %dma_wait3A_63] : memref<10000x16xf32, #tpu.memory_space<vmem_shared>> -> memref<40x16xf32, #tpu.memory_space<vmem_shared>>
      tpu.wait_dma2 semaphore(%run_scoped3A : memref<!tpu.dma_semaphore, #tpu.memory_space<semaphore_mem>>) src(%arg6 : memref<40x16xf32, #tpu.memory_space<vmem>>) dst(%dma_wait3A_64 : memref<40x16xf32, #tpu.memory_space<vmem_shared>>)
      tpu.yield
    }) : () -> ()
    %add3A_34 = arith.constant 440 : i32
    %add3A_35 = arith.addi %mul3A_11, %add3A_34 : i32
    "tpu.region"() ({
      %run_scoped3A = tpu.sem_alloc : memref<!tpu.dma_semaphore, #tpu.memory_space<semaphore_mem>>
      %dma_start3A = arith.constant 0 : i32
      %dma_start3A_59 = tpu.memref_slice %arg7[%add3A_35, %dma_start3A] : memref<10000x16xf32, #tpu.memory_space<vmem_shared>> -> memref<40x16xf32, #tpu.memory_space<vmem_shared>>
      %dma_start3A_60 = arith.constant 0 : i32
      %dma_start3A_61 = tpu.memref_slice %arg7[%add3A_35, %dma_start3A_60] : memref<10000x16xf32, #tpu.memory_space<vmem_shared>> -> memref<40x16xf32, #tpu.memory_space<vmem_shared>>
      tpu.enqueue_dma source(%arg6 : memref<40x16xf32, #tpu.memory_space<vmem>>) target(%dma_start3A_61 : memref<40x16xf32, #tpu.memory_space<vmem_shared>>) target_semaphore(%run_scoped3A : memref<!tpu.dma_semaphore, #tpu.memory_space<semaphore_mem>>)
      %dma_wait3A = arith.constant 0 : i32
      %dma_wait3A_62 = tpu.memref_slice %arg7[%add3A_35, %dma_wait3A] : memref<10000x16xf32, #tpu.memory_space<vmem_shared>> -> memref<40x16xf32, #tpu.memory_space<vmem_shared>>
      %dma_wait3A_63 = arith.constant 0 : i32
      %dma_wait3A_64 = tpu.memref_slice %arg7[%add3A_35, %dma_wait3A_63] : memref<10000x16xf32, #tpu.memory_space<vmem_shared>> -> memref<40x16xf32, #tpu.memory_space<vmem_shared>>
      tpu.wait_dma2 semaphore(%run_scoped3A : memref<!tpu.dma_semaphore, #tpu.memory_space<semaphore_mem>>) src(%arg6 : memref<40x16xf32, #tpu.memory_space<vmem>>) dst(%dma_wait3A_64 : memref<40x16xf32, #tpu.memory_space<vmem_shared>>)
      tpu.yield
    }) : () -> ()
    %add3A_36 = arith.constant 480 : i32
    %add3A_37 = arith.addi %mul3A_11, %add3A_36 : i32
    "tpu.region"() ({
      %run_scoped3A = tpu.sem_alloc : memref<!tpu.dma_semaphore, #tpu.memory_space<semaphore_mem>>
      %dma_start3A = arith.constant 0 : i32
      %dma_start3A_59 = tpu.memref_slice %arg7[%add3A_37, %dma_start3A] : memref<10000x16xf32, #tpu.memory_space<vmem_shared>> -> memref<40x16xf32, #tpu.memory_space<vmem_shared>>
      %dma_start3A_60 = arith.constant 0 : i32
      %dma_start3A_61 = tpu.memref_slice %arg7[%add3A_37, %dma_start3A_60] : memref<10000x16xf32, #tpu.memory_space<vmem_shared>> -> memref<40x16xf32, #tpu.memory_space<vmem_shared>>
      tpu.enqueue_dma source(%arg6 : memref<40x16xf32, #tpu.memory_space<vmem>>) target(%dma_start3A_61 : memref<40x16xf32, #tpu.memory_space<vmem_shared>>) target_semaphore(%run_scoped3A : memref<!tpu.dma_semaphore, #tpu.memory_space<semaphore_mem>>)
      %dma_wait3A = arith.constant 0 : i32
      %dma_wait3A_62 = tpu.memref_slice %arg7[%add3A_37, %dma_wait3A] : memref<10000x16xf32, #tpu.memory_space<vmem_shared>> -> memref<40x16xf32, #tpu.memory_space<vmem_shared>>
      %dma_wait3A_63 = arith.constant 0 : i32
      %dma_wait3A_64 = tpu.memref_slice %arg7[%add3A_37, %dma_wait3A_63] : memref<10000x16xf32, #tpu.memory_space<vmem_shared>> -> memref<40x16xf32, #tpu.memory_space<vmem_shared>>
      tpu.wait_dma2 semaphore(%run_scoped3A : memref<!tpu.dma_semaphore, #tpu.memory_space<semaphore_mem>>) src(%arg6 : memref<40x16xf32, #tpu.memory_space<vmem>>) dst(%dma_wait3A_64 : memref<40x16xf32, #tpu.memory_space<vmem_shared>>)
      tpu.yield
    }) : () -> ()
    %add3A_38 = arith.constant 520 : i32
    %add3A_39 = arith.addi %mul3A_11, %add3A_38 : i32
    "tpu.region"() ({
      %run_scoped3A = tpu.sem_alloc : memref<!tpu.dma_semaphore, #tpu.memory_space<semaphore_mem>>
      %dma_start3A = arith.constant 0 : i32
      %dma_start3A_59 = tpu.memref_slice %arg7[%add3A_39, %dma_start3A] : memref<10000x16xf32, #tpu.memory_space<vmem_shared>> -> memref<40x16xf32, #tpu.memory_space<vmem_shared>>
      %dma_start3A_60 = arith.constant 0 : i32
      %dma_start3A_61 = tpu.memref_slice %arg7[%add3A_39, %dma_start3A_60] : memref<10000x16xf32, #tpu.memory_space<vmem_shared>> -> memref<40x16xf32, #tpu.memory_space<vmem_shared>>
      tpu.enqueue_dma source(%arg6 : memref<40x16xf32, #tpu.memory_space<vmem>>) target(%dma_start3A_61 : memref<40x16xf32, #tpu.memory_space<vmem_shared>>) target_semaphore(%run_scoped3A : memref<!tpu.dma_semaphore, #tpu.memory_space<semaphore_mem>>)
      %dma_wait3A = arith.constant 0 : i32
      %dma_wait3A_62 = tpu.memref_slice %arg7[%add3A_39, %dma_wait3A] : memref<10000x16xf32, #tpu.memory_space<vmem_shared>> -> memref<40x16xf32, #tpu.memory_space<vmem_shared>>
      %dma_wait3A_63 = arith.constant 0 : i32
      %dma_wait3A_64 = tpu.memref_slice %arg7[%add3A_39, %dma_wait3A_63] : memref<10000x16xf32, #tpu.memory_space<vmem_shared>> -> memref<40x16xf32, #tpu.memory_space<vmem_shared>>
      tpu.wait_dma2 semaphore(%run_scoped3A : memref<!tpu.dma_semaphore, #tpu.memory_space<semaphore_mem>>) src(%arg6 : memref<40x16xf32, #tpu.memory_space<vmem>>) dst(%dma_wait3A_64 : memref<40x16xf32, #tpu.memory_space<vmem_shared>>)
      tpu.yield
    }) : () -> ()
    %add3A_40 = arith.constant 560 : i32
    %add3A_41 = arith.addi %mul3A_11, %add3A_40 : i32
    "tpu.region"() ({
      %run_scoped3A = tpu.sem_alloc : memref<!tpu.dma_semaphore, #tpu.memory_space<semaphore_mem>>
      %dma_start3A = arith.constant 0 : i32
      %dma_start3A_59 = tpu.memref_slice %arg7[%add3A_41, %dma_start3A] : memref<10000x16xf32, #tpu.memory_space<vmem_shared>> -> memref<40x16xf32, #tpu.memory_space<vmem_shared>>
      %dma_start3A_60 = arith.constant 0 : i32
      %dma_start3A_61 = tpu.memref_slice %arg7[%add3A_41, %dma_start3A_60] : memref<10000x16xf32, #tpu.memory_space<vmem_shared>> -> memref<40x16xf32, #tpu.memory_space<vmem_shared>>
      tpu.enqueue_dma source(%arg6 : memref<40x16xf32, #tpu.memory_space<vmem>>) target(%dma_start3A_61 : memref<40x16xf32, #tpu.memory_space<vmem_shared>>) target_semaphore(%run_scoped3A : memref<!tpu.dma_semaphore, #tpu.memory_space<semaphore_mem>>)
      %dma_wait3A = arith.constant 0 : i32
      %dma_wait3A_62 = tpu.memref_slice %arg7[%add3A_41, %dma_wait3A] : memref<10000x16xf32, #tpu.memory_space<vmem_shared>> -> memref<40x16xf32, #tpu.memory_space<vmem_shared>>
      %dma_wait3A_63 = arith.constant 0 : i32
      %dma_wait3A_64 = tpu.memref_slice %arg7[%add3A_41, %dma_wait3A_63] : memref<10000x16xf32, #tpu.memory_space<vmem_shared>> -> memref<40x16xf32, #tpu.memory_space<vmem_shared>>
      tpu.wait_dma2 semaphore(%run_scoped3A : memref<!tpu.dma_semaphore, #tpu.memory_space<semaphore_mem>>) src(%arg6 : memref<40x16xf32, #tpu.memory_space<vmem>>) dst(%dma_wait3A_64 : memref<40x16xf32, #tpu.memory_space<vmem_shared>>)
      tpu.yield
    }) : () -> ()
    %add3A_42 = arith.constant 600 : i32
    %add3A_43 = arith.addi %mul3A_11, %add3A_42 : i32
    "tpu.region"() ({
      %run_scoped3A = tpu.sem_alloc : memref<!tpu.dma_semaphore, #tpu.memory_space<semaphore_mem>>
      %dma_start3A = arith.constant 0 : i32
      %dma_start3A_59 = arith.constant 0 : i32
      %dma_start3A_60 = tpu.memref_slice %arg6[%dma_start3A, %dma_start3A_59] : memref<40x16xf32, #tpu.memory_space<vmem>> -> memref<25x16xf32, #tpu.memory_space<vmem>>
      %dma_start3A_61 = arith.constant 0 : i32
      %dma_start3A_62 = tpu.memref_slice %arg7[%add3A_43, %dma_start3A_61] : memref<10000x16xf32, #tpu.memory_space<vmem_shared>> -> memref<25x16xf32, #tpu.memory_space<vmem_shared>>
      %dma_start3A_63 = arith.constant 0 : i32
      %dma_start3A_64 = tpu.memref_slice %arg7[%add3A_43, %dma_start3A_63] : memref<10000x16xf32, #tpu.memory_space<vmem_shared>> -> memref<25x16xf32, #tpu.memory_space<vmem_shared>>
      %dma_start3A_65 = arith.constant 0 : i32
      %dma_start3A_66 = arith.constant 0 : i32
      %dma_start3A_67 = tpu.memref_slice %arg6[%dma_start3A_65, %dma_start3A_66] : memref<40x16xf32, #tpu.memory_space<vmem>> -> memref<25x16xf32, #tpu.memory_space<vmem>>
      tpu.enqueue_dma source(%dma_start3A_67 : memref<25x16xf32, #tpu.memory_space<vmem>>) target(%dma_start3A_64 : memref<25x16xf32, #tpu.memory_space<vmem_shared>>) target_semaphore(%run_scoped3A : memref<!tpu.dma_semaphore, #tpu.memory_space<semaphore_mem>>)
      %dma_wait3A = arith.constant 0 : i32
      %dma_wait3A_68 = arith.constant 0 : i32
      %dma_wait3A_69 = tpu.memref_slice %arg6[%dma_wait3A, %dma_wait3A_68] : memref<40x16xf32, #tpu.memory_space<vmem>> -> memref<25x16xf32, #tpu.memory_space<vmem>>
      %dma_wait3A_70 = arith.constant 0 : i32
      %dma_wait3A_71 = tpu.memref_slice %arg7[%add3A_43, %dma_wait3A_70] : memref<10000x16xf32, #tpu.memory_space<vmem_shared>> -> memref<25x16xf32, #tpu.memory_space<vmem_shared>>
      %dma_wait3A_72 = arith.constant 0 : i32
      %dma_wait3A_73 = tpu.memref_slice %arg7[%add3A_43, %dma_wait3A_72] : memref<10000x16xf32, #tpu.memory_space<vmem_shared>> -> memref<25x16xf32, #tpu.memory_space<vmem_shared>>
      %dma_wait3A_74 = arith.constant 0 : i32
      %dma_wait3A_75 = arith.constant 0 : i32
      %dma_wait3A_76 = tpu.memref_slice %arg6[%dma_wait3A_74, %dma_wait3A_75] : memref<40x16xf32, #tpu.memory_space<vmem>> -> memref<25x16xf32, #tpu.memory_space<vmem>>
      tpu.wait_dma2 semaphore(%run_scoped3A : memref<!tpu.dma_semaphore, #tpu.memory_space<semaphore_mem>>) src(%dma_wait3A_76 : memref<25x16xf32, #tpu.memory_space<vmem>>) dst(%dma_wait3A_73 : memref<25x16xf32, #tpu.memory_space<vmem_shared>>)
      tpu.yield
    }) : () -> ()
    %barrier3A = arith.constant 0 : index
    tpu.barrier barrier_id(%barrier3A)
    %scan3A_44 = arith.constant 0 : i32
    %scan3A_45 = arith.constant 0 : i32
    %scan3A_46 = arith.constant 250 : i32
    %scan3A_47 = arith.addi %scan3A_45, %scan3A_46 : i32
    %scan3A_48 = arith.constant 1 : i32
    %scan3A_49 = scf.for %scan3A_59 = %scan3A_45 to %scan3A_47 step %scan3A_48 iter_args(%scan3A_60 = %scan3A_44) -> (i32)  : i32 {
      %dma_start3A = arith.constant 0 : i32
      %dma_start3A_61 = tpu.memref_slice %arg4[%scan3A_59, %dma_start3A] : memref<250x40xi32, #tpu.memory_space<vmem>> -> memref<1x40xi32, #tpu.memory_space<vmem>>
      %dma_start3A_62 = tpu.memref_squeeze %dma_start3A_61 : memref<1x40xi32, #tpu.memory_space<vmem>> -> memref<40xi32, #tpu.memory_space<vmem>>
      %dma_start3A_63 = arith.constant 0 : i32
      %dma_start3A_64 = arith.constant 0 : i32
      %dma_start3A_65 = tpu.memref_slice %arg7[%dma_start3A_63, %dma_start3A_64] : memref<10000x16xf32, #tpu.memory_space<vmem_shared>> -> memref<10000x16xf32, #tpu.memory_space<vmem_shared>>
      tpu.enqueue_indirect_dma source(%arg5 : memref<40x16xf32, #tpu.memory_space<vmem>>) target(%dma_start3A_65 : memref<10000x16xf32, #tpu.memory_space<vmem_shared>>) offsets(%dma_start3A_62 : memref<40xi32, #tpu.memory_space<vmem>>) semaphore(%arg8 : memref<!tpu.dma_semaphore, #tpu.memory_space<semaphore_mem>>) {add = true}
      %scan3A_66 = arith.constant 0 : i32
      scf.yield %scan3A_66 : i32
    }
    %scan3A_50 = arith.constant 250 : i32
    %scan3A_51 = arith.constant 0 : i32
    %scan3A_52 = arith.constant 0 : i32
    %scan3A_53 = arith.constant 250 : i32
    %scan3A_54 = arith.addi %scan3A_52, %scan3A_53 : i32
    %scan3A_55 = arith.constant 1 : i32
    %scan3A_56 = scf.for %scan3A_59 = %scan3A_52 to %scan3A_54 step %scan3A_55 iter_args(%scan3A_60 = %scan3A_51) -> (i32)  : i32 {
      %dma_wait3A = arith.constant 0 : i32
      %dma_wait3A_61 = arith.constant 0 : i32
      %dma_wait3A_62 = tpu.memref_slice %arg4[%dma_wait3A, %dma_wait3A_61] : memref<250x40xi32, #tpu.memory_space<vmem>> -> memref<1x40xi32, #tpu.memory_space<vmem>>
      %dma_wait3A_63 = tpu.memref_squeeze %dma_wait3A_62 : memref<1x40xi32, #tpu.memory_space<vmem>> -> memref<40xi32, #tpu.memory_space<vmem>>
      %dma_wait3A_64 = arith.constant 0 : i32
      %dma_wait3A_65 = arith.constant 0 : i32
      %dma_wait3A_66 = tpu.memref_slice %arg7[%dma_wait3A_64, %dma_wait3A_65] : memref<10000x16xf32, #tpu.memory_space<vmem_shared>> -> memref<10000x16xf32, #tpu.memory_space<vmem_shared>>
      tpu.wait_indirect_dma semaphore(%arg8 : memref<!tpu.dma_semaphore, #tpu.memory_space<semaphore_mem>>) src(%arg5 : memref<40x16xf32, #tpu.memory_space<vmem>>) dst(%dma_wait3A_66 : memref<10000x16xf32, #tpu.memory_space<vmem_shared>>)
      %scan3A_67 = arith.constant 0 : i32
      scf.yield %scan3A_67 : i32
    }
    %scan3A_57 = arith.constant 250 : i32
    %barrier3A_58 = arith.constant 0 : index
    tpu.barrier barrier_id(%barrier3A_58)
    "tpu.region"() ({
      %run_scoped3A = tpu.sem_alloc : memref<!tpu.dma_semaphore, #tpu.memory_space<semaphore_mem>>
      %dma_start3A = arith.constant 0 : i32
      %dma_start3A_59 = tpu.memref_slice %arg3[%arg0, %mul3A_11, %dma_start3A] : memref<2x10000x16xf32, #tpu.memory_space<hbm>> -> memref<1x625x16xf32, #tpu.memory_space<hbm>>
      %dma_start3A_60 = tpu.memref_squeeze %dma_start3A_59 : memref<1x625x16xf32, #tpu.memory_space<hbm>> -> memref<625x16xf32, #tpu.memory_space<hbm>>
      %dma_start3A_61 = arith.constant 0 : i32
      %dma_start3A_62 = tpu.memref_slice %arg7[%mul3A_11, %dma_start3A_61] : memref<10000x16xf32, #tpu.memory_space<vmem_shared>> -> memref<625x16xf32, #tpu.memory_space<vmem_shared>>
      tpu.enqueue_dma source(%dma_start3A_62 : memref<625x16xf32, #tpu.memory_space<vmem_shared>>) target(%dma_start3A_60 : memref<625x16xf32, #tpu.memory_space<hbm>>) target_semaphore(%run_scoped3A : memref<!tpu.dma_semaphore, #tpu.memory_space<semaphore_mem>>)
      %dma_wait3A = arith.constant 0 : i32
      %dma_wait3A_63 = tpu.memref_slice %arg3[%arg0, %mul3A_11, %dma_wait3A] : memref<2x10000x16xf32, #tpu.memory_space<hbm>> -> memref<1x625x16xf32, #tpu.memory_space<hbm>>
      %dma_wait3A_64 = tpu.memref_squeeze %dma_wait3A_63 : memref<1x625x16xf32, #tpu.memory_space<hbm>> -> memref<625x16xf32, #tpu.memory_space<hbm>>
      %dma_wait3A_65 = arith.constant 0 : i32
      %dma_wait3A_66 = tpu.memref_slice %arg7[%mul3A_11, %dma_wait3A_65] : memref<10000x16xf32, #tpu.memory_space<vmem_shared>> -> memref<625x16xf32, #tpu.memory_space<vmem_shared>>
      tpu.wait_dma2 semaphore(%run_scoped3A : memref<!tpu.dma_semaphore, #tpu.memory_space<semaphore_mem>>) src(%dma_wait3A_66 : memref<625x16xf32, #tpu.memory_space<vmem_shared>>) dst(%dma_wait3A_64 : memref<625x16xf32, #tpu.memory_space<hbm>>)
      tpu.yield
    }) : () -> ()
    return
  }
}

module attributes {stable_mosaic.version = 14 : i64} {
  func.func @_enc_pq_body(%arg0: i32, %arg1: memref<2000x128xf32, #tpu.memory_space<vmem>>, %arg2: memref<2000x8xf32, #tpu.memory_space<vmem>>, %arg3: memref<128x128xf32, #tpu.memory_space<vmem>>, %arg4: memref<1x128xf32, #tpu.memory_space<vmem>>, %arg5: memref<128x128xf32, #tpu.memory_space<vmem>>, %arg6: memref<1x128xf32, #tpu.memory_space<vmem>>, %arg7: memref<128x128xf32, #tpu.memory_space<vmem>>, %arg8: memref<128x128xf32, #tpu.memory_space<vmem>>, %arg9: memref<8x128xf32, #tpu.memory_space<vmem>>, %arg10: memref<1x128xf32, #tpu.memory_space<vmem>>, %arg11: memref<2000x128xf32, #tpu.memory_space<vmem>>, %arg12: memref<2000x128xf32, #tpu.memory_space<vmem>>, %arg13: memref<2000x128xf32, #tpu.memory_space<vmem>>) attributes {dimension_semantics = [#tpu.dimension_semantics<arbitrary>], iteration_bounds = array<i64: 5>, scalar_prefetch = 0 : i64, scratch_operands = 0 : i64, tpu.core_type = #tpu.core_type<tc>, window_params = [{transform_indices = @transform_0, window_bounds = array<i64: 2000, 128>}, {transform_indices = @transform_1, window_bounds = array<i64: 2000, 8>}, {pipeline_mode = #tpu.pipeline_mode<synchronous>, transform_indices = @transform_2, window_bounds = array<i64: 128, 128>}, {pipeline_mode = #tpu.pipeline_mode<synchronous>, transform_indices = @transform_3, window_bounds = array<i64: 1, 128>}, {pipeline_mode = #tpu.pipeline_mode<synchronous>, transform_indices = @transform_4, window_bounds = array<i64: 128, 128>}, {pipeline_mode = #tpu.pipeline_mode<synchronous>, transform_indices = @transform_5, window_bounds = array<i64: 1, 128>}, {pipeline_mode = #tpu.pipeline_mode<synchronous>, transform_indices = @transform_6, window_bounds = array<i64: 128, 128>}, {pipeline_mode = #tpu.pipeline_mode<synchronous>, transform_indices = @transform_7, window_bounds = array<i64: 128, 128>}, {pipeline_mode = #tpu.pipeline_mode<synchronous>, transform_indices = @transform_8, window_bounds = array<i64: 8, 128>}, {pipeline_mode = #tpu.pipeline_mode<synchronous>, transform_indices = @transform_9, window_bounds = array<i64: 1, 128>}, {transform_indices = @transform_10, window_bounds = array<i64: 2000, 128>}, {transform_indices = @transform_11, window_bounds = array<i64: 2000, 128>}, {transform_indices = @transform_12, window_bounds = array<i64: 2000, 128>}]} {
    %get3A = arith.constant 0 : index
    %get3A_0 = arith.constant 0 : index
    %get3A_1 = vector.load %arg1[%get3A, %get3A_0] : memref<2000x128xf32, #tpu.memory_space<vmem>>, vector<2000x128xf32>
    %get3A_2 = arith.constant 0 : index
    %get3A_3 = arith.constant 0 : index
    %get3A_4 = vector.load %arg3[%get3A_2, %get3A_3] : memref<128x128xf32, #tpu.memory_space<vmem>>, vector<128x128xf32>
    %dot_general3A = arith.constant dense<0.000000e+00> : vector<2000x128xf32>
    %dot_general3A_5 = tpu.matmul %get3A_1, %get3A_4, %dot_general3A {dimension_numbers = #tpu.dot_dimension_numbers<[1], [0], [0], [1], [0, 0, 1, 1], [], []>, transpose_lhs_hint = false} : vector<2000x128xf32>, vector<128x128xf32>, vector<2000x128xf32> -> vector<2000x128xf32>
    %get3A_6 = arith.constant 0 : index
    %get3A_7 = arith.constant 0 : index
    %get3A_8 = vector.load %arg4[%get3A_6, %get3A_7] : memref<1x128xf32, #tpu.memory_space<vmem>>, vector<1x128xf32>
    %add3A = vector.broadcast %get3A_8 : vector<1x128xf32> to vector<2000x128xf32>
    %add3A_9 = arith.addf %dot_general3A_5, %add3A : vector<2000x128xf32>
    %max3A = arith.constant 0.000000e+00 : f32
    %max3A_10 = vector.broadcast %max3A : f32 to vector<2000x128xf32>
    %max3A_11 = arith.maximumf %add3A_9, %max3A_10 : vector<2000x128xf32>
    %get3A_12 = arith.constant 0 : index
    %get3A_13 = arith.constant 0 : index
    %get3A_14 = vector.load %arg5[%get3A_12, %get3A_13] : memref<128x128xf32, #tpu.memory_space<vmem>>, vector<128x128xf32>
    %dot_general3A_15 = arith.constant dense<0.000000e+00> : vector<2000x128xf32>
    %dot_general3A_16 = tpu.matmul %max3A_11, %get3A_14, %dot_general3A_15 {dimension_numbers = #tpu.dot_dimension_numbers<[1], [0], [0], [1], [0, 0, 1, 1], [], []>, transpose_lhs_hint = false} : vector<2000x128xf32>, vector<128x128xf32>, vector<2000x128xf32> -> vector<2000x128xf32>
    %get3A_17 = arith.constant 0 : index
    %get3A_18 = arith.constant 0 : index
    %get3A_19 = vector.load %arg6[%get3A_17, %get3A_18] : memref<1x128xf32, #tpu.memory_space<vmem>>, vector<1x128xf32>
    %add3A_20 = vector.broadcast %get3A_19 : vector<1x128xf32> to vector<2000x128xf32>
    %add3A_21 = arith.addf %dot_general3A_16, %add3A_20 : vector<2000x128xf32>
    %get3A_22 = arith.constant 0 : index
    %get3A_23 = arith.constant 0 : index
    %get3A_24 = vector.load %arg2[%get3A_22, %get3A_23] : memref<2000x8xf32, #tpu.memory_space<vmem>>, vector<2000x8xf32>
    %get3A_25 = arith.constant 0 : index
    %get3A_26 = arith.constant 0 : index
    %get3A_27 = vector.load %arg9[%get3A_25, %get3A_26] : memref<8x128xf32, #tpu.memory_space<vmem>>, vector<8x128xf32>
    %dot_general3A_28 = arith.constant dense<0.000000e+00> : vector<2000x128xf32>
    %dot_general3A_29 = tpu.matmul %get3A_24, %get3A_27, %dot_general3A_28 {dimension_numbers = #tpu.dot_dimension_numbers<[1], [0], [0], [1], [0, 0, 1, 1], [], []>, transpose_lhs_hint = false} : vector<2000x8xf32>, vector<8x128xf32>, vector<2000x128xf32> -> vector<2000x128xf32>
    %swap3A = arith.constant 0 : index
    %swap3A_30 = arith.constant 0 : index
    %swap3A_31 = vector.load %arg11[%swap3A, %swap3A_30] : memref<2000x128xf32, #tpu.memory_space<vmem>>, vector<2000x128xf32>
    tpu.vector_store %arg11[%swap3A, %swap3A_30], %add3A_21 {strides = array<i32>} : memref<2000x128xf32, #tpu.memory_space<vmem>>, vector<2000x128xf32>,
    %get3A_32 = arith.constant 0 : index
    %get3A_33 = arith.constant 0 : index
    %get3A_34 = vector.load %arg7[%get3A_32, %get3A_33] : memref<128x128xf32, #tpu.memory_space<vmem>>, vector<128x128xf32>
    %dot_general3A_35 = arith.constant dense<0.000000e+00> : vector<2000x128xf32>
    %dot_general3A_36 = tpu.matmul %add3A_21, %get3A_34, %dot_general3A_35 {dimension_numbers = #tpu.dot_dimension_numbers<[1], [0], [0], [1], [0, 0, 1, 1], [], []>, transpose_lhs_hint = false} : vector<2000x128xf32>, vector<128x128xf32>, vector<2000x128xf32> -> vector<2000x128xf32>
    %add3A_37 = arith.addf %dot_general3A_36, %dot_general3A_29 : vector<2000x128xf32>
    %swap3A_38 = arith.constant 0 : index
    %swap3A_39 = arith.constant 0 : index
    %swap3A_40 = vector.load %arg12[%swap3A_38, %swap3A_39] : memref<2000x128xf32, #tpu.memory_space<vmem>>, vector<2000x128xf32>
    tpu.vector_store %arg12[%swap3A_38, %swap3A_39], %add3A_37 {strides = array<i32>} : memref<2000x128xf32, #tpu.memory_space<vmem>>, vector<2000x128xf32>,
    %get3A_41 = arith.constant 0 : index
    %get3A_42 = arith.constant 0 : index
    %get3A_43 = vector.load %arg8[%get3A_41, %get3A_42] : memref<128x128xf32, #tpu.memory_space<vmem>>, vector<128x128xf32>
    %dot_general3A_44 = arith.constant dense<0.000000e+00> : vector<2000x128xf32>
    %dot_general3A_45 = tpu.matmul %add3A_21, %get3A_43, %dot_general3A_44 {dimension_numbers = #tpu.dot_dimension_numbers<[1], [0], [0], [1], [0, 0, 1, 1], [], []>, transpose_lhs_hint = false} : vector<2000x128xf32>, vector<128x128xf32>, vector<2000x128xf32> -> vector<2000x128xf32>
    %sub3A = arith.subf %dot_general3A_45, %dot_general3A_29 : vector<2000x128xf32>
    %get3A_46 = arith.constant 0 : index
    %get3A_47 = arith.constant 0 : index
    %get3A_48 = vector.load %arg10[%get3A_46, %get3A_47] : memref<1x128xf32, #tpu.memory_space<vmem>>, vector<1x128xf32>
    %add3A_49 = vector.broadcast %get3A_48 : vector<1x128xf32> to vector<2000x128xf32>
    %add3A_50 = arith.addf %sub3A, %add3A_49 : vector<2000x128xf32>
    %swap3A_51 = arith.constant 0 : index
    %swap3A_52 = arith.constant 0 : index
    %swap3A_53 = vector.load %arg13[%swap3A_51, %swap3A_52] : memref<2000x128xf32, #tpu.memory_space<vmem>>, vector<2000x128xf32>
    tpu.vector_store %arg13[%swap3A_51, %swap3A_52], %add3A_50 {strides = array<i32>} : memref<2000x128xf32, #tpu.memory_space<vmem>>, vector<2000x128xf32>,
    return
  }
  func.func @transform_0(%arg0: i32) -> (i32, i32) {
    %c0_i32 = arith.constant 0 : i32
    %c0_i32_0 = arith.constant 0 : i32
    return %arg0, %c0_i32 : i32, i32
  }
  func.func @transform_1(%arg0: i32) -> (i32, i32) {
    %c0_i32 = arith.constant 0 : i32
    %c0_i32_0 = arith.constant 0 : i32
    return %arg0, %c0_i32 : i32, i32
  }
  func.func @transform_2(%arg0: i32) -> (i32, i32) {
    %c0_i32 = arith.constant 0 : i32
    %c0_i32_0 = arith.constant 0 : i32
    %c0_i32_1 = arith.constant 0 : i32
    return %c0_i32, %c0_i32_0 : i32, i32
  }
  func.func @transform_3(%arg0: i32) -> (i32, i32) {
    %c0_i32 = arith.constant 0 : i32
    %c0_i32_0 = arith.constant 0 : i32
    %c0_i32_1 = arith.constant 0 : i32
    return %c0_i32, %c0_i32_0 : i32, i32
  }
  func.func @transform_4(%arg0: i32) -> (i32, i32) {
    %c0_i32 = arith.constant 0 : i32
    %c0_i32_0 = arith.constant 0 : i32
    %c0_i32_1 = arith.constant 0 : i32
    return %c0_i32, %c0_i32_0 : i32, i32
  }
  func.func @transform_5(%arg0: i32) -> (i32, i32) {
    %c0_i32 = arith.constant 0 : i32
    %c0_i32_0 = arith.constant 0 : i32
    %c0_i32_1 = arith.constant 0 : i32
    return %c0_i32, %c0_i32_0 : i32, i32
  }
  func.func @transform_6(%arg0: i32) -> (i32, i32) {
    %c0_i32 = arith.constant 0 : i32
    %c0_i32_0 = arith.constant 0 : i32
    %c0_i32_1 = arith.constant 0 : i32
    return %c0_i32, %c0_i32_0 : i32, i32
  }
  func.func @transform_7(%arg0: i32) -> (i32, i32) {
    %c0_i32 = arith.constant 0 : i32
    %c0_i32_0 = arith.constant 0 : i32
    %c0_i32_1 = arith.constant 0 : i32
    return %c0_i32, %c0_i32_0 : i32, i32
  }
  func.func @transform_8(%arg0: i32) -> (i32, i32) {
    %c0_i32 = arith.constant 0 : i32
    %c0_i32_0 = arith.constant 0 : i32
    %c0_i32_1 = arith.constant 0 : i32
    return %c0_i32, %c0_i32_0 : i32, i32
  }
  func.func @transform_9(%arg0: i32) -> (i32, i32) {
    %c0_i32 = arith.constant 0 : i32
    %c0_i32_0 = arith.constant 0 : i32
    %c0_i32_1 = arith.constant 0 : i32
    return %c0_i32, %c0_i32_0 : i32, i32
  }
  func.func @transform_10(%arg0: i32) -> (i32, i32) {
    %c0_i32 = arith.constant 0 : i32
    %c0_i32_0 = arith.constant 0 : i32
    return %arg0, %c0_i32 : i32, i32
  }
  func.func @transform_11(%arg0: i32) -> (i32, i32) {
    %c0_i32 = arith.constant 0 : i32
    %c0_i32_0 = arith.constant 0 : i32
    return %arg0, %c0_i32 : i32, i32
  }
  func.func @transform_12(%arg0: i32) -> (i32, i32) {
    %c0_i32 = arith.constant 0 : i32
    %c0_i32_0 = arith.constant 0 : i32
    return %arg0, %c0_i32 : i32, i32
  }
}

module attributes {stable_mosaic.version = 14 : i64} {
  func.func @_node_pq_body(%arg0: i32, %arg1: memref<2000x128xf32, #tpu.memory_space<vmem>>, %arg2: memref<2000x128xf32, #tpu.memory_space<vmem>>, %arg3: memref<2000x128xf32, #tpu.memory_space<vmem>>, %arg4: memref<2000x1xf32, #tpu.memory_space<vmem>>, %arg5: memref<2000x8xf32, #tpu.memory_space<vmem>>, %arg6: memref<128x128xf32, #tpu.memory_space<vmem>>, %arg7: memref<1x128xf32, #tpu.memory_space<vmem>>, %arg8: memref<128x128xf32, #tpu.memory_space<vmem>>, %arg9: memref<128x128xf32, #tpu.memory_space<vmem>>, %arg10: memref<1x128xf32, #tpu.memory_space<vmem>>, %arg11: memref<128x128xf32, #tpu.memory_space<vmem>>, %arg12: memref<1x128xf32, #tpu.memory_space<vmem>>, %arg13: memref<128x128xf32, #tpu.memory_space<vmem>>, %arg14: memref<128x128xf32, #tpu.memory_space<vmem>>, %arg15: memref<8x128xf32, #tpu.memory_space<vmem>>, %arg16: memref<1x128xf32, #tpu.memory_space<vmem>>, %arg17: memref<2000x128xf32, #tpu.memory_space<vmem>>, %arg18: memref<2000x128xf32, #tpu.memory_space<vmem>>, %arg19: memref<2000x128xf32, #tpu.memory_space<vmem>>) attributes {dimension_semantics = [#tpu.dimension_semantics<arbitrary>], iteration_bounds = array<i64: 5>, scalar_prefetch = 0 : i64, scratch_operands = 0 : i64, tpu.core_type = #tpu.core_type<tc>, window_params = [{transform_indices = @transform_0, window_bounds = array<i64: 2000, 128>}, {transform_indices = @transform_1, window_bounds = array<i64: 2000, 128>}, {transform_indices = @transform_2, window_bounds = array<i64: 2000, 128>}, {transform_indices = @transform_3, window_bounds = array<i64: 2000, 1>}, {transform_indices = @transform_4, window_bounds = array<i64: 2000, 8>}, {pipeline_mode = #tpu.pipeline_mode<synchronous>, transform_indices = @transform_5, window_bounds = array<i64: 128, 128>}, {pipeline_mode = #tpu.pipeline_mode<synchronous>, transform_indices = @transform_6, window_bounds = array<i64: 1, 128>}, {pipeline_mode = #tpu.pipeline_mode<synchronous>, transform_indices = @transform_7, window_bounds = array<i64: 128, 128>}, {pipeline_mode = #tpu.pipeline_mode<synchronous>, transform_indices = @transform_8, window_bounds = array<i64: 128, 128>}, {pipeline_mode = #tpu.pipeline_mode<synchronous>, transform_indices = @transform_9, window_bounds = array<i64: 1, 128>}, {pipeline_mode = #tpu.pipeline_mode<synchronous>, transform_indices = @transform_10, window_bounds = array<i64: 128, 128>}, {pipeline_mode = #tpu.pipeline_mode<synchronous>, transform_indices = @transform_11, window_bounds = array<i64: 1, 128>}, {pipeline_mode = #tpu.pipeline_mode<synchronous>, transform_indices = @transform_12, window_bounds = array<i64: 128, 128>}, {pipeline_mode = #tpu.pipeline_mode<synchronous>, transform_indices = @transform_13, window_bounds = array<i64: 128, 128>}, {pipeline_mode = #tpu.pipeline_mode<synchronous>, transform_indices = @transform_14, window_bounds = array<i64: 8, 128>}, {pipeline_mode = #tpu.pipeline_mode<synchronous>, transform_indices = @transform_15, window_bounds = array<i64: 1, 128>}, {transform_indices = @transform_16, window_bounds = array<i64: 2000, 128>}, {transform_indices = @transform_17, window_bounds = array<i64: 2000, 128>}, {transform_indices = @transform_18, window_bounds = array<i64: 2000, 128>}]} {
    %get3A = arith.constant 0 : index
    %get3A_0 = arith.constant 0 : index
    %get3A_1 = vector.load %arg2[%get3A, %get3A_0] : memref<2000x128xf32, #tpu.memory_space<vmem>>, vector<2000x128xf32>
    %get3A_2 = arith.constant 0 : index
    %get3A_3 = arith.constant 0 : index
    %get3A_4 = vector.load %arg3[%get3A_2, %get3A_3] : memref<2000x128xf32, #tpu.memory_space<vmem>>, vector<2000x128xf32>
    %add3A = arith.addf %get3A_1, %get3A_4 : vector<2000x128xf32>
    %get3A_5 = arith.constant 0 : index
    %get3A_6 = arith.constant 0 : index
    %get3A_7 = vector.load %arg6[%get3A_5, %get3A_6] : memref<128x128xf32, #tpu.memory_space<vmem>>, vector<128x128xf32>
    %dot_general3A = arith.constant dense<0.000000e+00> : vector<2000x128xf32>
    %dot_general3A_8 = tpu.matmul %add3A, %get3A_7, %dot_general3A {dimension_numbers = #tpu.dot_dimension_numbers<[1], [0], [0], [1], [0, 0, 1, 1], [], []>, transpose_lhs_hint = false} : vector<2000x128xf32>, vector<128x128xf32>, vector<2000x128xf32> -> vector<2000x128xf32>
    %get3A_9 = arith.constant 0 : index
    %get3A_10 = arith.constant 0 : index
    %get3A_11 = vector.load %arg4[%get3A_9, %get3A_10] : memref<2000x1xf32, #tpu.memory_space<vmem>>, vector<2000x1xf32>
    %get3A_12 = arith.constant 0 : index
    %get3A_13 = arith.constant 0 : index
    %get3A_14 = vector.load %arg7[%get3A_12, %get3A_13] : memref<1x128xf32, #tpu.memory_space<vmem>>, vector<1x128xf32>
    %mul3A = vector.broadcast %get3A_11 : vector<2000x1xf32> to vector<2000x128xf32>
    %mul3A_15 = vector.broadcast %get3A_14 : vector<1x128xf32> to vector<2000x128xf32>
    %mul3A_16 = arith.mulf %mul3A, %mul3A_15 : vector<2000x128xf32>
    %add3A_17 = arith.addf %dot_general3A_8, %mul3A_16 : vector<2000x128xf32>
    %get3A_18 = arith.constant 0 : index
    %get3A_19 = arith.constant 0 : index
    %get3A_20 = vector.load %arg1[%get3A_18, %get3A_19] : memref<2000x128xf32, #tpu.memory_space<vmem>>, vector<2000x128xf32>
    %get3A_21 = arith.constant 0 : index
    %get3A_22 = arith.constant 0 : index
    %get3A_23 = vector.load %arg8[%get3A_21, %get3A_22] : memref<128x128xf32, #tpu.memory_space<vmem>>, vector<128x128xf32>
    %dot_general3A_24 = arith.constant dense<0.000000e+00> : vector<2000x128xf32>
    %dot_general3A_25 = tpu.matmul %get3A_20, %get3A_23, %dot_general3A_24 {dimension_numbers = #tpu.dot_dimension_numbers<[1], [0], [0], [1], [0, 0, 1, 1], [], []>, transpose_lhs_hint = false} : vector<2000x128xf32>, vector<128x128xf32>, vector<2000x128xf32> -> vector<2000x128xf32>
    %get3A_26 = arith.constant 0 : index
    %get3A_27 = arith.constant 0 : index
    %get3A_28 = vector.load %arg9[%get3A_26, %get3A_27] : memref<128x128xf32, #tpu.memory_space<vmem>>, vector<128x128xf32>
    %dot_general3A_29 = arith.constant dense<0.000000e+00> : vector<2000x128xf32>
    %dot_general3A_30 = tpu.matmul %add3A_17, %get3A_28, %dot_general3A_29 {dimension_numbers = #tpu.dot_dimension_numbers<[1], [0], [0], [1], [0, 0, 1, 1], [], []>, transpose_lhs_hint = false} : vector<2000x128xf32>, vector<128x128xf32>, vector<2000x128xf32> -> vector<2000x128xf32>
    %add3A_31 = arith.addf %dot_general3A_25, %dot_general3A_30 : vector<2000x128xf32>
    %get3A_32 = arith.constant 0 : index
    %get3A_33 = arith.constant 0 : index
    %get3A_34 = vector.load %arg10[%get3A_32, %get3A_33] : memref<1x128xf32, #tpu.memory_space<vmem>>, vector<1x128xf32>
    %add3A_35 = vector.broadcast %get3A_34 : vector<1x128xf32> to vector<2000x128xf32>
    %add3A_36 = arith.addf %add3A_31, %add3A_35 : vector<2000x128xf32>
    %get3A_37 = arith.constant 0 : index
    %get3A_38 = arith.constant 0 : index
    %get3A_39 = vector.load %arg1[%get3A_37, %get3A_38] : memref<2000x128xf32, #tpu.memory_space<vmem>>, vector<2000x128xf32>
    %max3A = arith.constant 0.000000e+00 : f32
    %max3A_40 = vector.broadcast %max3A : f32 to vector<2000x128xf32>
    %max3A_41 = arith.maximumf %add3A_36, %max3A_40 : vector<2000x128xf32>
    %get3A_42 = arith.constant 0 : index
    %get3A_43 = arith.constant 0 : index
    %get3A_44 = vector.load %arg11[%get3A_42, %get3A_43] : memref<128x128xf32, #tpu.memory_space<vmem>>, vector<128x128xf32>
    %dot_general3A_45 = arith.constant dense<0.000000e+00> : vector<2000x128xf32>
    %dot_general3A_46 = tpu.matmul %max3A_41, %get3A_44, %dot_general3A_45 {dimension_numbers = #tpu.dot_dimension_numbers<[1], [0], [0], [1], [0, 0, 1, 1], [], []>, transpose_lhs_hint = false} : vector<2000x128xf32>, vector<128x128xf32>, vector<2000x128xf32> -> vector<2000x128xf32>
    %add3A_47 = arith.addf %get3A_39, %dot_general3A_46 : vector<2000x128xf32>
    %get3A_48 = arith.constant 0 : index
    %get3A_49 = arith.constant 0 : index
    %get3A_50 = vector.load %arg12[%get3A_48, %get3A_49] : memref<1x128xf32, #tpu.memory_space<vmem>>, vector<1x128xf32>
    %add3A_51 = vector.broadcast %get3A_50 : vector<1x128xf32> to vector<2000x128xf32>
    %add3A_52 = arith.addf %add3A_47, %add3A_51 : vector<2000x128xf32>
    %get3A_53 = arith.constant 0 : index
    %get3A_54 = arith.constant 0 : index
    %get3A_55 = vector.load %arg5[%get3A_53, %get3A_54] : memref<2000x8xf32, #tpu.memory_space<vmem>>, vector<2000x8xf32>
    %get3A_56 = arith.constant 0 : index
    %get3A_57 = arith.constant 0 : index
    %get3A_58 = vector.load %arg15[%get3A_56, %get3A_57] : memref<8x128xf32, #tpu.memory_space<vmem>>, vector<8x128xf32>
    %dot_general3A_59 = arith.constant dense<0.000000e+00> : vector<2000x128xf32>
    %dot_general3A_60 = tpu.matmul %get3A_55, %get3A_58, %dot_general3A_59 {dimension_numbers = #tpu.dot_dimension_numbers<[1], [0], [0], [1], [0, 0, 1, 1], [], []>, transpose_lhs_hint = false} : vector<2000x8xf32>, vector<8x128xf32>, vector<2000x128xf32> -> vector<2000x128xf32>
    %swap3A = arith.constant 0 : index
    %swap3A_61 = arith.constant 0 : index
    %swap3A_62 = vector.load %arg17[%swap3A, %swap3A_61] : memref<2000x128xf32, #tpu.memory_space<vmem>>, vector<2000x128xf32>
    tpu.vector_store %arg17[%swap3A, %swap3A_61], %add3A_52 {strides = array<i32>} : memref<2000x128xf32, #tpu.memory_space<vmem>>, vector<2000x128xf32>,
    %get3A_63 = arith.constant 0 : index
    %get3A_64 = arith.constant 0 : index
    %get3A_65 = vector.load %arg13[%get3A_63, %get3A_64] : memref<128x128xf32, #tpu.memory_space<vmem>>, vector<128x128xf32>
    %dot_general3A_66 = arith.constant dense<0.000000e+00> : vector<2000x128xf32>
    %dot_general3A_67 = tpu.matmul %add3A_52, %get3A_65, %dot_general3A_66 {dimension_numbers = #tpu.dot_dimension_numbers<[1], [0], [0], [1], [0, 0, 1, 1], [], []>, transpose_lhs_hint = false} : vector<2000x128xf32>, vector<128x128xf32>, vector<2000x128xf32> -> vector<2000x128xf32>
    %add3A_68 = arith.addf %dot_general3A_67, %dot_general3A_60 : vector<2000x128xf32>
    %swap3A_69 = arith.constant 0 : index
    %swap3A_70 = arith.constant 0 : index
    %swap3A_71 = vector.load %arg18[%swap3A_69, %swap3A_70] : memref<2000x128xf32, #tpu.memory_space<vmem>>, vector<2000x128xf32>
    tpu.vector_store %arg18[%swap3A_69, %swap3A_70], %add3A_68 {strides = array<i32>} : memref<2000x128xf32, #tpu.memory_space<vmem>>, vector<2000x128xf32>,
    %get3A_72 = arith.constant 0 : index
    %get3A_73 = arith.constant 0 : index
    %get3A_74 = vector.load %arg14[%get3A_72, %get3A_73] : memref<128x128xf32, #tpu.memory_space<vmem>>, vector<128x128xf32>
    %dot_general3A_75 = arith.constant dense<0.000000e+00> : vector<2000x128xf32>
    %dot_general3A_76 = tpu.matmul %add3A_52, %get3A_74, %dot_general3A_75 {dimension_numbers = #tpu.dot_dimension_numbers<[1], [0], [0], [1], [0, 0, 1, 1], [], []>, transpose_lhs_hint = false} : vector<2000x128xf32>, vector<128x128xf32>, vector<2000x128xf32> -> vector<2000x128xf32>
    %sub3A = arith.subf %dot_general3A_76, %dot_general3A_60 : vector<2000x128xf32>
    %get3A_77 = arith.constant 0 : index
    %get3A_78 = arith.constant 0 : index
    %get3A_79 = vector.load %arg16[%get3A_77, %get3A_78] : memref<1x128xf32, #tpu.memory_space<vmem>>, vector<1x128xf32>
    %add3A_80 = vector.broadcast %get3A_79 : vector<1x128xf32> to vector<2000x128xf32>
    %add3A_81 = arith.addf %sub3A, %add3A_80 : vector<2000x128xf32>
    %swap3A_82 = arith.constant 0 : index
    %swap3A_83 = arith.constant 0 : index
    %swap3A_84 = vector.load %arg19[%swap3A_82, %swap3A_83] : memref<2000x128xf32, #tpu.memory_space<vmem>>, vector<2000x128xf32>
    tpu.vector_store %arg19[%swap3A_82, %swap3A_83], %add3A_81 {strides = array<i32>} : memref<2000x128xf32, #tpu.memory_space<vmem>>, vector<2000x128xf32>,
    return
  }
  func.func @transform_0(%arg0: i32) -> (i32, i32) {
    %c0_i32 = arith.constant 0 : i32
    %c0_i32_0 = arith.constant 0 : i32
    return %arg0, %c0_i32 : i32, i32
  }
  func.func @transform_1(%arg0: i32) -> (i32, i32) {
    %c0_i32 = arith.constant 0 : i32
    %c0_i32_0 = arith.constant 0 : i32
    return %arg0, %c0_i32 : i32, i32
  }
  func.func @transform_2(%arg0: i32) -> (i32, i32) {
    %c0_i32 = arith.constant 0 : i32
    %c0_i32_0 = arith.constant 0 : i32
    return %arg0, %c0_i32 : i32, i32
  }
  func.func @transform_3(%arg0: i32) -> (i32, i32) {
    %c0_i32 = arith.constant 0 : i32
    %c0_i32_0 = arith.constant 0 : i32
    return %arg0, %c0_i32 : i32, i32
  }
  func.func @transform_4(%arg0: i32) -> (i32, i32) {
    %c0_i32 = arith.constant 0 : i32
    %c0_i32_0 = arith.constant 0 : i32
    return %arg0, %c0_i32 : i32, i32
  }
  func.func @transform_5(%arg0: i32) -> (i32, i32) {
    %c0_i32 = arith.constant 0 : i32
    %c0_i32_0 = arith.constant 0 : i32
    %c0_i32_1 = arith.constant 0 : i32
    return %c0_i32, %c0_i32_0 : i32, i32
  }
  func.func @transform_6(%arg0: i32) -> (i32, i32) {
    %c0_i32 = arith.constant 0 : i32
    %c0_i32_0 = arith.constant 0 : i32
    %c0_i32_1 = arith.constant 0 : i32
    return %c0_i32, %c0_i32_0 : i32, i32
  }
  func.func @transform_7(%arg0: i32) -> (i32, i32) {
    %c0_i32 = arith.constant 0 : i32
    %c0_i32_0 = arith.constant 0 : i32
    %c0_i32_1 = arith.constant 0 : i32
    return %c0_i32, %c0_i32_0 : i32, i32
  }
  func.func @transform_8(%arg0: i32) -> (i32, i32) {
    %c0_i32 = arith.constant 0 : i32
    %c0_i32_0 = arith.constant 0 : i32
    %c0_i32_1 = arith.constant 0 : i32
    return %c0_i32, %c0_i32_0 : i32, i32
  }
  func.func @transform_9(%arg0: i32) -> (i32, i32) {
    %c0_i32 = arith.constant 0 : i32
    %c0_i32_0 = arith.constant 0 : i32
    %c0_i32_1 = arith.constant 0 : i32
    return %c0_i32, %c0_i32_0 : i32, i32
  }
  func.func @transform_10(%arg0: i32) -> (i32, i32) {
    %c0_i32 = arith.constant 0 : i32
    %c0_i32_0 = arith.constant 0 : i32
    %c0_i32_1 = arith.constant 0 : i32
    return %c0_i32, %c0_i32_0 : i32, i32
  }
  func.func @transform_11(%arg0: i32) -> (i32, i32) {
    %c0_i32 = arith.constant 0 : i32
    %c0_i32_0 = arith.constant 0 : i32
    %c0_i32_1 = arith.constant 0 : i32
    return %c0_i32, %c0_i32_0 : i32, i32
  }
  func.func @transform_12(%arg0: i32) -> (i32, i32) {
    %c0_i32 = arith.constant 0 : i32
    %c0_i32_0 = arith.constant 0 : i32
    %c0_i32_1 = arith.constant 0 : i32
    return %c0_i32, %c0_i32_0 : i32, i32
  }
  func.func @transform_13(%arg0: i32) -> (i32, i32) {
    %c0_i32 = arith.constant 0 : i32
    %c0_i32_0 = arith.constant 0 : i32
    %c0_i32_1 = arith.constant 0 : i32
    return %c0_i32, %c0_i32_0 : i32, i32
  }
  func.func @transform_14(%arg0: i32) -> (i32, i32) {
    %c0_i32 = arith.constant 0 : i32
    %c0_i32_0 = arith.constant 0 : i32
    %c0_i32_1 = arith.constant 0 : i32
    return %c0_i32, %c0_i32_0 : i32, i32
  }
  func.func @transform_15(%arg0: i32) -> (i32, i32) {
    %c0_i32 = arith.constant 0 : i32
    %c0_i32_0 = arith.constant 0 : i32
    %c0_i32_1 = arith.constant 0 : i32
    return %c0_i32, %c0_i32_0 : i32, i32
  }
  func.func @transform_16(%arg0: i32) -> (i32, i32) {
    %c0_i32 = arith.constant 0 : i32
    %c0_i32_0 = arith.constant 0 : i32
    return %arg0, %c0_i32 : i32, i32
  }
  func.func @transform_17(%arg0: i32) -> (i32, i32) {
    %c0_i32 = arith.constant 0 : i32
    %c0_i32_0 = arith.constant 0 : i32
    return %arg0, %c0_i32 : i32, i32
  }
  func.func @transform_18(%arg0: i32) -> (i32, i32) {
    %c0_i32 = arith.constant 0 : i32
    %c0_i32_0 = arith.constant 0 : i32
    return %arg0, %c0_i32 : i32, i32
  }
}

module attributes {stable_mosaic.version = 14 : i64} {
  func.func @_node_dec_body(%arg0: i32, %arg1: memref<2000x128xf32, #tpu.memory_space<vmem>>, %arg2: memref<2000x128xf32, #tpu.memory_space<vmem>>, %arg3: memref<2000x128xf32, #tpu.memory_space<vmem>>, %arg4: memref<2000x1xf32, #tpu.memory_space<vmem>>, %arg5: memref<128x128xf32, #tpu.memory_space<vmem>>, %arg6: memref<1x128xf32, #tpu.memory_space<vmem>>, %arg7: memref<128x128xf32, #tpu.memory_space<vmem>>, %arg8: memref<128x128xf32, #tpu.memory_space<vmem>>, %arg9: memref<1x128xf32, #tpu.memory_space<vmem>>, %arg10: memref<128x128xf32, #tpu.memory_space<vmem>>, %arg11: memref<1x128xf32, #tpu.memory_space<vmem>>, %arg12: memref<128x128xf32, #tpu.memory_space<vmem>>, %arg13: memref<1x128xf32, #tpu.memory_space<vmem>>, %arg14: memref<128x128xf32, #tpu.memory_space<vmem>>, %arg15: memref<1x128xf32, #tpu.memory_space<vmem>>, %arg16: memref<2000x128xf32, #tpu.memory_space<vmem>>) attributes {dimension_semantics = [#tpu.dimension_semantics<arbitrary>], iteration_bounds = array<i64: 5>, scalar_prefetch = 0 : i64, scratch_operands = 0 : i64, tpu.core_type = #tpu.core_type<tc>, window_params = [{transform_indices = @transform_0, window_bounds = array<i64: 2000, 128>}, {transform_indices = @transform_1, window_bounds = array<i64: 2000, 128>}, {transform_indices = @transform_2, window_bounds = array<i64: 2000, 128>}, {transform_indices = @transform_3, window_bounds = array<i64: 2000, 1>}, {pipeline_mode = #tpu.pipeline_mode<synchronous>, transform_indices = @transform_4, window_bounds = array<i64: 128, 128>}, {pipeline_mode = #tpu.pipeline_mode<synchronous>, transform_indices = @transform_5, window_bounds = array<i64: 1, 128>}, {pipeline_mode = #tpu.pipeline_mode<synchronous>, transform_indices = @transform_6, window_bounds = array<i64: 128, 128>}, {pipeline_mode = #tpu.pipeline_mode<synchronous>, transform_indices = @transform_7, window_bounds = array<i64: 128, 128>}, {pipeline_mode = #tpu.pipeline_mode<synchronous>, transform_indices = @transform_8, window_bounds = array<i64: 1, 128>}, {pipeline_mode = #tpu.pipeline_mode<synchronous>, transform_indices = @transform_9, window_bounds = array<i64: 128, 128>}, {pipeline_mode = #tpu.pipeline_mode<synchronous>, transform_indices = @transform_10, window_bounds = array<i64: 1, 128>}, {pipeline_mode = #tpu.pipeline_mode<synchronous>, transform_indices = @transform_11, window_bounds = array<i64: 128, 128>}, {pipeline_mode = #tpu.pipeline_mode<synchronous>, transform_indices = @transform_12, window_bounds = array<i64: 1, 128>}, {pipeline_mode = #tpu.pipeline_mode<synchronous>, transform_indices = @transform_13, window_bounds = array<i64: 128, 128>}, {pipeline_mode = #tpu.pipeline_mode<synchronous>, transform_indices = @transform_14, window_bounds = array<i64: 1, 128>}, {transform_indices = @transform_15, window_bounds = array<i64: 2000, 128>}]} {
    %get3A = arith.constant 0 : index
    %get3A_0 = arith.constant 0 : index
    %get3A_1 = vector.load %arg2[%get3A, %get3A_0] : memref<2000x128xf32, #tpu.memory_space<vmem>>, vector<2000x128xf32>
    %get3A_2 = arith.constant 0 : index
    %get3A_3 = arith.constant 0 : index
    %get3A_4 = vector.load %arg3[%get3A_2, %get3A_3] : memref<2000x128xf32, #tpu.memory_space<vmem>>, vector<2000x128xf32>
    %add3A = arith.addf %get3A_1, %get3A_4 : vector<2000x128xf32>
    %get3A_5 = arith.constant 0 : index
    %get3A_6 = arith.constant 0 : index
    %get3A_7 = vector.load %arg5[%get3A_5, %get3A_6] : memref<128x128xf32, #tpu.memory_space<vmem>>, vector<128x128xf32>
    %dot_general3A = arith.constant dense<0.000000e+00> : vector<2000x128xf32>
    %dot_general3A_8 = tpu.matmul %add3A, %get3A_7, %dot_general3A {dimension_numbers = #tpu.dot_dimension_numbers<[1], [0], [0], [1], [0, 0, 1, 1], [], []>, transpose_lhs_hint = false} : vector<2000x128xf32>, vector<128x128xf32>, vector<2000x128xf32> -> vector<2000x128xf32>
    %get3A_9 = arith.constant 0 : index
    %get3A_10 = arith.constant 0 : index
    %get3A_11 = vector.load %arg4[%get3A_9, %get3A_10] : memref<2000x1xf32, #tpu.memory_space<vmem>>, vector<2000x1xf32>
    %get3A_12 = arith.constant 0 : index
    %get3A_13 = arith.constant 0 : index
    %get3A_14 = vector.load %arg6[%get3A_12, %get3A_13] : memref<1x128xf32, #tpu.memory_space<vmem>>, vector<1x128xf32>
    %mul3A = vector.broadcast %get3A_11 : vector<2000x1xf32> to vector<2000x128xf32>
    %mul3A_15 = vector.broadcast %get3A_14 : vector<1x128xf32> to vector<2000x128xf32>
    %mul3A_16 = arith.mulf %mul3A, %mul3A_15 : vector<2000x128xf32>
    %add3A_17 = arith.addf %dot_general3A_8, %mul3A_16 : vector<2000x128xf32>
    %get3A_18 = arith.constant 0 : index
    %get3A_19 = arith.constant 0 : index
    %get3A_20 = vector.load %arg1[%get3A_18, %get3A_19] : memref<2000x128xf32, #tpu.memory_space<vmem>>, vector<2000x128xf32>
    %get3A_21 = arith.constant 0 : index
    %get3A_22 = arith.constant 0 : index
    %get3A_23 = vector.load %arg7[%get3A_21, %get3A_22] : memref<128x128xf32, #tpu.memory_space<vmem>>, vector<128x128xf32>
    %dot_general3A_24 = arith.constant dense<0.000000e+00> : vector<2000x128xf32>
    %dot_general3A_25 = tpu.matmul %get3A_20, %get3A_23, %dot_general3A_24 {dimension_numbers = #tpu.dot_dimension_numbers<[1], [0], [0], [1], [0, 0, 1, 1], [], []>, transpose_lhs_hint = false} : vector<2000x128xf32>, vector<128x128xf32>, vector<2000x128xf32> -> vector<2000x128xf32>
    %get3A_26 = arith.constant 0 : index
    %get3A_27 = arith.constant 0 : index
    %get3A_28 = vector.load %arg8[%get3A_26, %get3A_27] : memref<128x128xf32, #tpu.memory_space<vmem>>, vector<128x128xf32>
    %dot_general3A_29 = arith.constant dense<0.000000e+00> : vector<2000x128xf32>
    %dot_general3A_30 = tpu.matmul %add3A_17, %get3A_28, %dot_general3A_29 {dimension_numbers = #tpu.dot_dimension_numbers<[1], [0], [0], [1], [0, 0, 1, 1], [], []>, transpose_lhs_hint = false} : vector<2000x128xf32>, vector<128x128xf32>, vector<2000x128xf32> -> vector<2000x128xf32>
    %add3A_31 = arith.addf %dot_general3A_25, %dot_general3A_30 : vector<2000x128xf32>
    %get3A_32 = arith.constant 0 : index
    %get3A_33 = arith.constant 0 : index
    %get3A_34 = vector.load %arg9[%get3A_32, %get3A_33] : memref<1x128xf32, #tpu.memory_space<vmem>>, vector<1x128xf32>
    %add3A_35 = vector.broadcast %get3A_34 : vector<1x128xf32> to vector<2000x128xf32>
    %add3A_36 = arith.addf %add3A_31, %add3A_35 : vector<2000x128xf32>
    %get3A_37 = arith.constant 0 : index
    %get3A_38 = arith.constant 0 : index
    %get3A_39 = vector.load %arg1[%get3A_37, %get3A_38] : memref<2000x128xf32, #tpu.memory_space<vmem>>, vector<2000x128xf32>
    %max3A = arith.constant 0.000000e+00 : f32
    %max3A_40 = vector.broadcast %max3A : f32 to vector<2000x128xf32>
    %max3A_41 = arith.maximumf %add3A_36, %max3A_40 : vector<2000x128xf32>
    %get3A_42 = arith.constant 0 : index
    %get3A_43 = arith.constant 0 : index
    %get3A_44 = vector.load %arg10[%get3A_42, %get3A_43] : memref<128x128xf32, #tpu.memory_space<vmem>>, vector<128x128xf32>
    %dot_general3A_45 = arith.constant dense<0.000000e+00> : vector<2000x128xf32>
    %dot_general3A_46 = tpu.matmul %max3A_41, %get3A_44, %dot_general3A_45 {dimension_numbers = #tpu.dot_dimension_numbers<[1], [0], [0], [1], [0, 0, 1, 1], [], []>, transpose_lhs_hint = false} : vector<2000x128xf32>, vector<128x128xf32>, vector<2000x128xf32> -> vector<2000x128xf32>
    %add3A_47 = arith.addf %get3A_39, %dot_general3A_46 : vector<2000x128xf32>
    %get3A_48 = arith.constant 0 : index
    %get3A_49 = arith.constant 0 : index
    %get3A_50 = vector.load %arg11[%get3A_48, %get3A_49] : memref<1x128xf32, #tpu.memory_space<vmem>>, vector<1x128xf32>
    %add3A_51 = vector.broadcast %get3A_50 : vector<1x128xf32> to vector<2000x128xf32>
    %add3A_52 = arith.addf %add3A_47, %add3A_51 : vector<2000x128xf32>
    %get3A_53 = arith.constant 0 : index
    %get3A_54 = arith.constant 0 : index
    %get3A_55 = vector.load %arg12[%get3A_53, %get3A_54] : memref<128x128xf32, #tpu.memory_space<vmem>>, vector<128x128xf32>
    %dot_general3A_56 = arith.constant dense<0.000000e+00> : vector<2000x128xf32>
    %dot_general3A_57 = tpu.matmul %add3A_52, %get3A_55, %dot_general3A_56 {dimension_numbers = #tpu.dot_dimension_numbers<[1], [0], [0], [1], [0, 0, 1, 1], [], []>, transpose_lhs_hint = false} : vector<2000x128xf32>, vector<128x128xf32>, vector<2000x128xf32> -> vector<2000x128xf32>
    %get3A_58 = arith.constant 0 : index
    %get3A_59 = arith.constant 0 : index
    %get3A_60 = vector.load %arg13[%get3A_58, %get3A_59] : memref<1x128xf32, #tpu.memory_space<vmem>>, vector<1x128xf32>
    %add3A_61 = vector.broadcast %get3A_60 : vector<1x128xf32> to vector<2000x128xf32>
    %add3A_62 = arith.addf %dot_general3A_57, %add3A_61 : vector<2000x128xf32>
    %max3A_63 = arith.constant 0.000000e+00 : f32
    %max3A_64 = vector.broadcast %max3A_63 : f32 to vector<2000x128xf32>
    %max3A_65 = arith.maximumf %add3A_62, %max3A_64 : vector<2000x128xf32>
    %get3A_66 = arith.constant 0 : index
    %get3A_67 = arith.constant 0 : index
    %get3A_68 = vector.load %arg14[%get3A_66, %get3A_67] : memref<128x128xf32, #tpu.memory_space<vmem>>, vector<128x128xf32>
    %dot_general3A_69 = arith.constant dense<0.000000e+00> : vector<2000x128xf32>
    %dot_general3A_70 = tpu.matmul %max3A_65, %get3A_68, %dot_general3A_69 {dimension_numbers = #tpu.dot_dimension_numbers<[1], [0], [0], [1], [0, 0, 1, 1], [], []>, transpose_lhs_hint = false} : vector<2000x128xf32>, vector<128x128xf32>, vector<2000x128xf32> -> vector<2000x128xf32>
    %get3A_71 = arith.constant 0 : index
    %get3A_72 = arith.constant 0 : index
    %get3A_73 = vector.load %arg15[%get3A_71, %get3A_72] : memref<1x128xf32, #tpu.memory_space<vmem>>, vector<1x128xf32>
    %add3A_74 = vector.broadcast %get3A_73 : vector<1x128xf32> to vector<2000x128xf32>
    %add3A_75 = arith.addf %dot_general3A_70, %add3A_74 : vector<2000x128xf32>
    %swap3A = arith.constant 0 : index
    %swap3A_76 = arith.constant 0 : index
    %swap3A_77 = vector.load %arg16[%swap3A, %swap3A_76] : memref<2000x128xf32, #tpu.memory_space<vmem>>, vector<2000x128xf32>
    tpu.vector_store %arg16[%swap3A, %swap3A_76], %add3A_75 {strides = array<i32>} : memref<2000x128xf32, #tpu.memory_space<vmem>>, vector<2000x128xf32>,
    return
  }
  func.func @transform_0(%arg0: i32) -> (i32, i32) {
    %c0_i32 = arith.constant 0 : i32
    %c0_i32_0 = arith.constant 0 : i32
    return %arg0, %c0_i32 : i32, i32
  }
  func.func @transform_1(%arg0: i32) -> (i32, i32) {
    %c0_i32 = arith.constant 0 : i32
    %c0_i32_0 = arith.constant 0 : i32
    return %arg0, %c0_i32 : i32, i32
  }
  func.func @transform_2(%arg0: i32) -> (i32, i32) {
    %c0_i32 = arith.constant 0 : i32
    %c0_i32_0 = arith.constant 0 : i32
    return %arg0, %c0_i32 : i32, i32
  }
  func.func @transform_3(%arg0: i32) -> (i32, i32) {
    %c0_i32 = arith.constant 0 : i32
    %c0_i32_0 = arith.constant 0 : i32
    return %arg0, %c0_i32 : i32, i32
  }
  func.func @transform_4(%arg0: i32) -> (i32, i32) {
    %c0_i32 = arith.constant 0 : i32
    %c0_i32_0 = arith.constant 0 : i32
    %c0_i32_1 = arith.constant 0 : i32
    return %c0_i32, %c0_i32_0 : i32, i32
  }
  func.func @transform_5(%arg0: i32) -> (i32, i32) {
    %c0_i32 = arith.constant 0 : i32
    %c0_i32_0 = arith.constant 0 : i32
    %c0_i32_1 = arith.constant 0 : i32
    return %c0_i32, %c0_i32_0 : i32, i32
  }
  func.func @transform_6(%arg0: i32) -> (i32, i32) {
    %c0_i32 = arith.constant 0 : i32
    %c0_i32_0 = arith.constant 0 : i32
    %c0_i32_1 = arith.constant 0 : i32
    return %c0_i32, %c0_i32_0 : i32, i32
  }
  func.func @transform_7(%arg0: i32) -> (i32, i32) {
    %c0_i32 = arith.constant 0 : i32
    %c0_i32_0 = arith.constant 0 : i32
    %c0_i32_1 = arith.constant 0 : i32
    return %c0_i32, %c0_i32_0 : i32, i32
  }
  func.func @transform_8(%arg0: i32) -> (i32, i32) {
    %c0_i32 = arith.constant 0 : i32
    %c0_i32_0 = arith.constant 0 : i32
    %c0_i32_1 = arith.constant 0 : i32
    return %c0_i32, %c0_i32_0 : i32, i32
  }
  func.func @transform_9(%arg0: i32) -> (i32, i32) {
    %c0_i32 = arith.constant 0 : i32
    %c0_i32_0 = arith.constant 0 : i32
    %c0_i32_1 = arith.constant 0 : i32
    return %c0_i32, %c0_i32_0 : i32, i32
  }
  func.func @transform_10(%arg0: i32) -> (i32, i32) {
    %c0_i32 = arith.constant 0 : i32
    %c0_i32_0 = arith.constant 0 : i32
    %c0_i32_1 = arith.constant 0 : i32
    return %c0_i32, %c0_i32_0 : i32, i32
  }
  func.func @transform_11(%arg0: i32) -> (i32, i32) {
    %c0_i32 = arith.constant 0 : i32
    %c0_i32_0 = arith.constant 0 : i32
    %c0_i32_1 = arith.constant 0 : i32
    return %c0_i32, %c0_i32_0 : i32, i32
  }
  func.func @transform_12(%arg0: i32) -> (i32, i32) {
    %c0_i32 = arith.constant 0 : i32
    %c0_i32_0 = arith.constant 0 : i32
    %c0_i32_1 = arith.constant 0 : i32
    return %c0_i32, %c0_i32_0 : i32, i32
  }
  func.func @transform_13(%arg0: i32) -> (i32, i32) {
    %c0_i32 = arith.constant 0 : i32
    %c0_i32_0 = arith.constant 0 : i32
    %c0_i32_1 = arith.constant 0 : i32
    return %c0_i32, %c0_i32_0 : i32, i32
  }
  func.func @transform_14(%arg0: i32) -> (i32, i32) {
    %c0_i32 = arith.constant 0 : i32
    %c0_i32_0 = arith.constant 0 : i32
    %c0_i32_1 = arith.constant 0 : i32
    return %c0_i32, %c0_i32_0 : i32, i32
  }
  func.func @transform_15(%arg0: i32) -> (i32, i32) {
    %c0_i32 = arith.constant 0 : i32
    %c0_i32_0 = arith.constant 0 : i32
    return %arg0, %c0_i32 : i32, i32
  }
}

</mosaic_0001>

<sc_bundles>
// kernel: kernel.11.cloned.1.call-start
scs
__scs_entry_jumppad:
0x0: {  	(pc) =	sbr.rel $0x88, $3  }
0x1: {  	(tag) =	ssettag $0x0;
	lr =	simm.s32 $0x1  }
0x2: {  	[smem:$0x3F86] =	sst lr;
	_ =	strace $0xD0000000  }
0x3: {  	_ = 	snop  }
0x4: {  	_ = 	snop  }
0x5: {  	_ = 	snop  }
0x6: {  	_ = 	snop  }
0x7: {  	_ = 	snop  }
__scs_overlays_trampoline_lowered:
0x8: {  	[smem:$0x3F95] =	sst s0  }
0x9: {  	[smem:$0x3F96] =	sst s1  }
0xa: {  	[smem:$0x3F97] =	sst s2  }
0xb: {  	[smem:$0x3F98] =	sst s3  }
0xc: {  	[smem:$0x3F99] =	sst s4  }
0xd: {  	[smem:$0x3F9A] =	sst s5  }
0xe: {  	[smem:$0x3F9B] =	sst s6  }
0xf: {  	[smem:$0x3F9C] =	sst s7  }
0x10: {  	[smem:$0x3F9D] =	sst s8  }
0x11: {  	[smem:$0x3F9E] =	sst s9;
	s0 =	simm.s32 @!p0 $0x0  }
0x12: {  	s1 =	sld [smem:$0x3F84];
	s0 =	simm.s32 @p0 $0x1  }
0x13: {  	[smem:$0x3F9F] =	sst s0;
	s0 =	simm.s32 @!p1 $0x0  }
0x14: {  	s2 =	sld [smem:$0x3F83];
	s0 =	simm.s32 @p1 $0x1  }
0x15: {  	[smem:$0x3FA0] =	sst s0;
	s0 =	simm.s32 @!p2 $0x0  }
0x16: {  	s3 =	sld [smem:$0x3FDB];
	s0 =	simm.s32 @p2 $0x1  }
0x17: {  	s4 =	simm.s32 $0x1BF5;
	[smem:$0x3FA2] =	sst s0  }
0x18: {  	s0 =	sld [smem:$0x3F85];
	_ =	swait.ge [sflag:s4], $0x0  }
0x19: {  	s7 =	sld [smem:$0x3F86]  }
0x1a: {  	s8 =	sadd.s32 $0xFFFFE003, lr  }
0x1b: {  	s9 =	sadd.s32 $0xFFFFFEF7, lr;
	s5 =	simm.s32 $0xFFFFFFFF;
	p2 =	slt.u32 s8, $0xFFFFF086  }
0x1c: {  	p1 =	slt.u32 s9, $0xF7A;
	s5 =	simm.s32 @!p2 $0x0  }
0x1d: {  	s5 =	simm.s32 @p1 $0x1;
	p0 =	seq.s32 s7, s2  }
0x1e: {  	s7 =	smul.u32 @!p0 $0xF7A, s2;
	p2 =	seq.s32 @!p0 s5, $0x0  }
0x1f: {  	s9 =	smul.u32 $0xF7A, s1;
	s8 =	simm.s32 @!p0 $0x1BF5;
	p2 =	por !p2, p0  }
0x20: {  	[sflag:s8] =	ssyncset.s32 @!p0 $0xFFFFF086;
	s6 =	sadd.s32 @!p0 s3, s7;
	s7 =	simm.s32 @!p0 $0x108  }
0x21: {  	s3 =	sadd.s32 s3, s9;
	s6 =	sadd.s32 @!p0 $0x88, s6;
	s7 =	simm.s32 @p2 $0x1082  }
0x22: {  	[simem:s7], [sflag:s8] =	dma.local @!p0 [hbm:s6], $0xF7A  }
0x23: {  	s9 =	sor.u32 $0xD0000000, s2;
	s6 =	simm.s32 $0x108;
	_ =	swait.ge @!p0 [sflag:s8], $0x0  }
0x24: {  	s3 =	sadd.s32 $0x88, s3;
	s6 =	simm.s32 @!p1 $0x1082;
	[sflag:s4] =	ssyncset.s32 $0xFFFFF086  }
0x25: {  	[simem:s6], [sflag:s4] =	dma.local [hbm:s3], $0xF7A  }
0x26: {  	[smem:$0x3F86] =	sst s1;
	(tag) =	ssettag s2;
	_ =	strace s9  }
0x27: {  	s1 =	sld [smem:$0x3F96]  }
0x28: {  	s2 =	sld [smem:$0x3F97]  }
0x29: {  	s4 =	sld [smem:$0x3F99]  }
0x2a: {  	p0 =	seq.s32 s5, $0x0;
	s5 =	sld [smem:$0x3F9A]  }
0x2b: {  	s6 =	sld [smem:$0x3F9B]  }
0x2c: {  	s7 =	sld [smem:$0x3F9C]  }
0x2d: {  	s3 =	simm.s32 $0x108;
	s8 =	sld [smem:$0x3F9D]  }
0x2e: {  	s3 =	simm.s32 @!p0 $0x1082;
	s9 =	sld [smem:$0x3F9E]  }
0x2f: {  	lr =	sadd.s32 s0, s3;
	s0 =	sld [smem:$0x3F95]  }
0x30: {  	s3 =	sld [smem:$0x3F98]  }
0x31: {  	[smem:$0x3FA1] =	sst s10  }
0x32: {  	s10 =	sld [smem:$0x3F9F];
	_ =	sdelay $0x3  }
0x33: {  	p0 =	seq.s32 s10, $0x1;
	s10 =	sld [smem:$0x3FA1];
	_ =	sdelay $0x3  }
0x34: {  	[smem:$0x3FA1] =	sst s10  }
0x35: {  	s10 =	sld [smem:$0x3FA0];
	_ =	sdelay $0x3  }
0x36: {  	p1 =	seq.s32 s10, $0x1;
	s10 =	sld [smem:$0x3FA1];
	_ =	sdelay $0x3  }
0x37: {  	[smem:$0x3FA1] =	sst s10  }
0x38: {  	s10 =	sld [smem:$0x3FA2]  }
0x39: {  	_ = 	snop;
	(pc) =	sbr.ind lr, $3  }
0x3a: {  	_ = 	snop  }
0x3b: {  	_ = 	snop  }
0x3c: {  	p2 =	seq.s32 s10, $0x1;
	s10 =	sld [smem:$0x3FA1]  }
0x3d: {  	_ =	shalt  }
0x3e: {  	_ =	shalt  }
0x3f: {  	_ =	shalt  }
0x40: {  	_ =	shalt  }
0x41: {  	_ =	shalt  }
0x42: {  	_ =	shalt  }
0x43: {  	_ =	shalt  }
0x44: {  	_ =	shalt  }
0x45: {  	_ =	shalt  }
0x46: {  	_ =	shalt  }
0x47: {  	_ =	shalt  }
0x48: {  	_ =	shalt  }
0x49: {  	_ =	shalt  }
0x4a: {  	_ =	shalt  }
0x4b: {  	_ =	shalt  }
0x4c: {  	_ =	shalt  }
0x4d: {  	_ =	shalt  }
0x4e: {  	_ =	shalt  }
0x4f: {  	_ =	shalt  }
0x50: {  	_ =	shalt  }
0x51: {  	_ =	shalt  }
0x52: {  	_ =	shalt  }
0x53: {  	_ =	shalt  }
0x54: {  	_ =	shalt  }
0x55: {  	_ =	shalt  }
0x56: {  	_ =	shalt  }
0x57: {  	_ =	shalt  }
0x58: {  	_ =	shalt  }
0x59: {  	_ =	shalt  }
0x5a: {  	_ =	shalt  }
0x5b: {  	_ =	shalt  }
0x5c: {  	_ =	shalt  }
0x5d: {  	_ =	shalt  }
0x5e: {  	_ =	shalt  }
0x5f: {  	_ =	shalt  }
0x60: {  	_ =	shalt  }
0x61: {  	_ =	shalt  }
0x62: {  	_ =	shalt  }
0x63: {  	_ =	shalt  }
0x64: {  	_ =	shalt  }
0x65: {  	_ =	shalt  }
0x66: {  	_ =	shalt  }
0x67: {  	_ =	shalt  }
0x68: {  	_ =	shalt  }
0x69: {  	_ =	shalt  }
0x6a: {  	_ =	shalt  }
0x6b: {  	_ =	shalt  }
0x6c: {  	_ =	shalt  }
0x6d: {  	_ =	shalt  }
0x6e: {  	_ =	shalt  }
0x6f: {  	_ =	shalt  }
0x70: {  	_ =	shalt  }
0x71: {  	_ =	shalt  }
0x72: {  	_ =	shalt  }
0x73: {  	_ =	shalt  }
0x74: {  	_ =	shalt  }
0x75: {  	_ =	shalt  }
0x76: {  	_ =	shalt  }
0x77: {  	_ =	shalt  }
0x78: {  	_ =	shalt  }
0x79: {  	_ =	shalt  }
0x7a: {  	_ =	shalt  }
0x7b: {  	_ =	shalt  }
0x7c: {  	_ =	shalt  }
0x7d: {  	_ =	shalt  }
0x7e: {  	_ =	shalt  }
0x7f: {  	_ =	shalt  }
0x80: {  	_ =	shalt  }
0x81: {  	_ =	shalt  }
0x82: {  	_ =	shalt  }
0x83: {  	_ =	shalt  }
0x84: {  	_ =	shalt  }
0x85: {  	_ =	shalt  }
0x86: {  	_ =	shalt  }
0x87: {  	_ =	shalt  }
.Lfunc_end0:
.L_simem_size_0:
called_computation.1_lowered:
.L_overlay_start_0:
0x88: {  	s2 =	sld [smem:$0x3FD9]  }
0x89: {  	s3 =	sld [smem:$0x3FFE];
	_ =	sdelay $0x1  }
0x8a: {  	s1 =	srdreg.scid  }
0x8b: {  	s0 =	sand.u32 $0x1, s1  }
0x8c: {  	s16 =	sshll.u32 s0, $0xA;
	s2 =	sadd.s32 s3, s2  }
0x8d: {  	s2 =	sadd.s32 s2, s16  }
0x8e: {  	[smem:$0x3FAD] =	sst s2  }
0x8f: {  	_ = 	snop  }
0x90: {  	(tm) =	ssettm $0x1  }
0x91: {  	s17 =	sld [smem:$0x3FFB];
	_ =	sdelay $0x3  }
0x92: {  	_ =	strace s17  }
0x93: {  	s2 =	sld [smem:$0x3FFC];
	_ =	sdelay $0x3  }
0x94: {  	_ =	strace s2  }
0x95: {  	s2 =	sld [smem:$0x3FFD];
	_ =	sdelay $0x3  }
0x96: {  	_ =	strace s2  }
0x97: {  	_ =	strace $0x8FFFFFFF  }
0x98: {  	s18 =	sld [smem:$0x3FDB];
	_ =	sdelay $0x1  }
0x99: {  	s19 =	simm.s32 $_scs_section_size  }
0x9a: {  	s4 =	simm.s32 $_size__tile_overlayer_lowered;
	s5 =	simm.s32 $_tile_overlayer_lowered  }
0x9b: {  	s22 =	simm.s32 $0x1BFF;
	s21 =	sshll.u32 s5, $0x1;
	s2 =	sadd.s32 s19, s18  }
0x9c: {  	s6 =	simm.s32 $0x0;
	s20 =	sshll.u32 s4, $0x1;
	s4 =	sadd.s32 s21, s2  }
0x9d: {  	[timem:s6], [sflag:s22] =	dma.local [hbm:s4], s20  }
0x9e: {  	_ =	swait.ge [sflag:s22], s20  }
0x9f: {  	s3 =	ssub.s32 $0x0, s20;
	[sflag:s22] =	ssyncset.done $0x0  }
0xa0: {  	[sflag:s22] =	ssyncadd.s32 s3;
	_ =	sdelay $0x1  }
0xa1: {  	s23 =	simm.s32 $0x1B8B  }
0xa2: {  	_ =	swait.ge [sflag:s23], $0x1  }
0xa3: {  	[sflag:s23] =	ssyncset.done $0x0  }
0xa4: {  	s25 =	simm.s32 $0x1B8E;
	s24 =	sld [smem:$0x3FFE];
	[sflag:s23] =	ssyncadd.s32 $0xFFFFFFFF  }
0xa5: {  	s26 =	simm.s32 $execute0_lowered;
	[smem:$0x3FD2] =	sst s25  }
0xa6: {  	s4 =	sshll.u32 s26, $0x1;
	_ =	strace $0x80000046;
	[dreg:$0x1] =	wrdreg $0xFFFFFFFF  }
0xa7: {  	s28 =	simm.s32 $_size_execute0_lowered;
	s2 =	sadd.s32 s2, s4;
	[dreg:$0x0] =	wrdreg $0x0  }
0xa8: {  	s4 =	sshll.u32 s28, $0x1;
	[dreg:$0x2] =	wrdreg s2  }
0xa9: {  	[dreg:$0x3] =	wrdreg s4  }
0xaa: {  	[dreg:$0x4] =	wrdreg $0xC0  }
0xab: {  	_ =	task [dreg:s6], $0x5FFFF  }
0xac: {  	[dreg:$0x1] =	wrdreg $0xFFFFFFFF  }
0xad: {  	[dreg:$0x0] =	wrdreg $0x60  }
0xae: {  	[dreg:$0x2] =	wrdreg s24  }
0xaf: {  	[dreg:$0x3] =	wrdreg $0xC6200  }
0xb0: {  	[dreg:$0x4] =	wrdreg $0xA  }
0xb1: {  	_ =	task.clear_ibuf [dreg:s6], $0x5FFFF;
	_ =	strace $0x90000046  }
0xb2: {  	s29 =	simm.s32 $0xA;
	_ =	strace $0x80000048  }
0xb3: {  	_ =	swait.ge [sflag:s29], $0x1  }
0xb4: {  	[sflag:s29] =	ssyncadd.s32 $0xFFFFFFFF  }
0xb5: {  	_ =	strace $0x90000048  }
0xb6: {  	_ =	sfence  }
0xb7: {  	s30 =	sld [smem:$0x0];
	_ =	sdelay $0x2  }
0xb8: {  	s31 =	sshll.u32 s1, $0xD;
	s1 =	sshrl.u32 s1, $0x2  }
0xb9: {  	s3 =	sand.u32 $0x4000, s31;
	s1 =	sadd.s32 s1, s30  }
0xba: {  	s0 =	sor.u32 s3, s0;
	s1 =	sshll.u32 s1, $0x11  }
0xbb: {  	s0 =	sor.u32 s1, s0  }
0xbc: {  	s0 =	sadd.s32 $0x8F2B, s0  }
0xbd: {  	[sflag:s0] =	ssyncadd.remote.s32 $0x1  }
0xbe: {  	_ =	sfence.sel $0xFFFF  }
0xbf: {  	[dreg:$0x0] =	wrdreg $0xFFFFFFFF;
	(pc) =	sbr.abs _section_cstart, $3  }
0xc0: {  	[dreg:$0x1] =	wrdreg $0xFFFFFFFF  }
0xc1: {  	_ =	task.clear_ibuf [dreg:s6], $0x2FFFF;
	_ =	strace $0x9FFFFFFF  }
0xc2: {  	(tm) =	ssettm $0x7FFFFFFF  }
0xc3: {  	_ =	shalt  }
tec
execute0_lowered:
.L_overlay_start_1:
0x0: {  	(tag) =	ssettag $0x1  }
0x1: {  	s0 =	rddreg [dreg:$0x0]  }
0x2: {  	s2 =	rddreg [dreg:$0x1]  }
0x3: {  	s1 =	srdreg.scid;
	s8 =	stileid.u32;
	s4 =	simm.s32 $0x0  }
0x4: {  	s28 =	simm.s32 $0x2710;
	s29 =	simm.s32 $0x9E20;
	s1 =	sand.u32 $0x1, s1  }
0x5: {  	s30 =	simm.s32 $0x28;
	s31 =	simm.s32 $0x6220;
	s3 =	sshll.u32 s1, $0x4  }
0x6: {  	s9 =	simm.s32 $0xB220;
	s6 =	smul.u32 $0x13880, s8;
	s3 =	sor.u32 s8, s3  }
0x7: {  	s10 =	simm.s32 $0x5;
	s11 =	simm.s32 $0x6;
	s3 =	smul.u32 $0x4E2, s3  }
0x8: {  	s12 =	simm.s32 $0x0;
	[smem:$0x7FF] =	sst s4;
	s8 =	smul.u32 $0x4E200, s8  }
0x9: {  	s4 =	sadd.s32 $0x1AA00, s0;
	s5 =	sadd.s32 $0x41C00, s0;
	s3 =	sadd.s32 s3, s0  }
0xa: {  	_ =	strace $0x80000047;
	s8 =	sshrl.u32 s8, $0x2;
	s16 =	sadd.s32 $0x10C00, s3  }
0xb: {  	s17 =	sadd.s32 s8, s2;
	s3 =	sadd.s32 $0x6E00, s3;
	[dreg:$0x3] =	wrdreg s16  }
0xc: {  	s7 =	smul.u32 $0x138800, s1;
	s18 =	sadd.s32 $0x1400, s17;
	[dreg:$0x4] =	wrdreg s3  }
0xd: {  	s1 =	ssub.s32 $0x2, s1;
	s19 =	sadd.s32 $0x2800, s17;
	[dreg:$0x5] =	wrdreg s18  }
0xe: {  	s15 =	sshrl.u32 s1, $0x1;
	s20 =	sadd.s32 $0x3C00, s17;
	[dreg:$0x6] =	wrdreg s19  }
0xf: {  	s7 =	sadd.s32 s6, s7;
	s21 =	sadd.s32 $0x5000, s17;
	[dreg:$0x7] =	wrdreg s20  }
0x10: {  	s1 =	ssub.s32 s1, s15;
	s22 =	sadd.s32 $0x6400, s17;
	[dreg:$0x8] =	wrdreg s21  }
0x11: {  	s7 =	sshrl.u32 s7, $0x3;
	s23 =	sadd.s32 $0x7800, s17;
	[dreg:$0x9] =	wrdreg s22  }
0x12: {  	s0 =	sadd.s32 s7, s0;
	s24 =	sadd.s32 $0x8C00, s17;
	[dreg:$0xa] =	wrdreg s23  }
0x13: {  	s8 =	sadd.s32 s6, s2;
	s25 =	sadd.s32 $0xA000, s17;
	[dreg:$0xb] =	wrdreg s24  }
0x14: {  	s6 =	simm.s32 $0x2;
	s26 =	sadd.s32 $0xB400, s17;
	[dreg:$0xc] =	wrdreg s25  }
.Ltmp0:
0x15: {  	s7 =	simm.s32 $0x4;
	[dreg:$0xd] =	wrdreg s26;
	(pc) =	sbr.rel .LBB2_1-.Ltmp0, $4  }
0x16: {  	s18 =	sadd.s32 $0xC800, s17;
	s19 =	sadd.s32 $0xDC00, s17;
	s20 =	sadd.s32 $0xF000, s17  }
0x17: {  	s21 =	sadd.s32 $0x10400, s17;
	s22 =	sadd.s32 $0x11800, s17;
	s23 =	sadd.s32 $0x12C00, s17  }
0x18: {  	s24 =	sadd.s32 $0x68E00, s0;
	s25 =	smax.u32 s1, $0x1;
	s26 =	simm.s32 $0x7  }
0x19: {  	v0 =	vimm.f32 $0.0e+00;
	s0 =	simm.s32 $0x8A20;
	s1 =	simm.s32 $0x1;
	s3 =	simm.s32 $0x3  }
.LBB2_10:
0x1a: {  	[spmem:s2] =	stream.indirect.scatter.add.f32 [tilespmem:s9], [sflag:$0x6], $0x80, s14, s30, $0xb8;
	[tilespmem:$0x1FEA0] =	vst v63  }
0x1b: {  	_ =	swait.ge [sflag:s10], $0x1400  }
0x1c: {  	[sflag:s10] =	ssyncset.done $0x0  }
0x1d: {  	[sflag:s10] =	ssyncadd.s32 $0xFFFFEC00  }
0x1e: {  	s13 =	stileid.u32;
	_ =	swait.ge [sflag:s11], $0x1400  }
0x1f: {  	s17 =	sshrl.u32 s8, $0x3;
	s12 =	sadd.s32 $0x1, s12;
	[sflag:s11] =	ssyncset.done $0x0  }
0x20: {  	s13 =	sshll.u32 s13, $0x6;
	p0 =	sne.s32 s12, s25;
	[sflag:s11] =	ssyncadd.s32 $0xFFFFEC00  }
.Ltmp1:
0x21: {  	s13 =	sor.u32 $0x1C07, s13;
	[bflag:$0x0] =	sbarrier.arrive $0xFFFF;
	(pc) =	sbr.rel @!p0 .LBB2_11-.Ltmp1, $4  }
0x22: {  	[hbm:s24], [sflag:s13] =	dma.local [spmem:s17], $0x2710  }
0x23: {  	_ =	swait.ge [sflag:s26], $0x2710  }
0x24: {  	[sflag:s26] =	ssyncset.done $0x0  }
0x25: {  	[sflag:s26] =	ssyncadd.s32 $0xFFFFD8F0  }
.LBB2_1:
0x26: {  	s13 =	simm.s32 $0x0;
	s14 =	rddreg [dreg:$0x3]  }
0x27: {  	[tilespmem:s13], [sflag:$0x7] =	stream.linear.gather [hbm4b:s14+s13], $0x2710, $0x38;
	[tilespmem:$0x1FEA0] =	vst v63  }
0x28: {  	_ =	swait.ge [sflag:s26], $0x2710  }
0x29: {  	[sflag:s26] =	ssyncset.done $0x0  }
0x2a: {  	s17 =	rddreg [dreg:$0x4];
	[sflag:s26] =	ssyncadd.s32 $0xFFFFD8F0  }
0x2b: {  	[tilespmem:s28], [sflag:$0x7] =	stream.linear.gather [hbm4b:s17+s13], $0x2710, $0x38;
	[tilespmem:$0x1FEA0] =	vst v63  }
0x2c: {  	_ =	swait.ge [sflag:s26], $0x2710  }
0x2d: {  	[sflag:s26] =	ssyncset.done $0x0  }
0x2e: {  	s14 =	simm.s32 $0x200;
	s13 =	simm.s32 $0x0;
	[sflag:s26] =	ssyncadd.s32 $0xFFFFD8F0  }
.LBB2_2:
0x2f: {  	p0 =	sne.s32 s14, $0x4E00;
	[tilespmem:s13+$0x9E90] =	vst v0  }
0x30: {  	[tilespmem:s13+$0x9E20] =	vst v0  }
0x31: {  	[tilespmem:s13+$0x9E30] =	vst v0  }
.Ltmp2:
0x32: {  	[tilespmem:s13+$0x9E40] =	vst v0;
	(pc) =	sbr.rel @p0 .LBB2_2-.Ltmp2, $4  }
0x33: {  	[tilespmem:s13+$0x9E50] =	vst v0  }
0x34: {  	[tilespmem:s13+$0x9E60] =	vst v0  }
0x35: {  	[tilespmem:s13+$0x9E70] =	vst v0  }
0x36: {  	[tilespmem:s13+$0x9E80] =	vst v0;
	s13 =	sshra.s32 s14, $0x2;
	s14 =	sadd.s32 $0x200, s14  }
0x37: {  	[tilespmem:s13+$0x9E90] =	vst v0  }
0x38: {  	[tilespmem:s13+$0x9E20] =	vst v0  }
0x39: {  	[tilespmem:s13+$0x9E30] =	vst v0  }
0x3a: {  	[tilespmem:s13+$0x9E40] =	vst v0  }
0x3b: {  	[tilespmem:s13+$0x9E50] =	vst v0  }
0x3c: {  	[tilespmem:s13+$0x9E60] =	vst v0  }
0x3d: {  	[tilespmem:s13+$0x9E70] =	vst v0  }
0x3e: {  	[tilespmem:s13+$0x9E80] =	vst v0  }
0x3f: {  	[spmem:s8] =	stream.linear.scatter [tilespmem:s29], [sflag:$0x7], $0x1400, $0x38;
	[tilespmem:$0x1FEA0] =	vst v63  }
0x40: {  	_ =	swait.ge [sflag:s26], $0x1400  }
0x41: {  	[sflag:s26] =	ssyncset.done $0x0  }
0x42: {  	s15 =	rddreg [dreg:$0x5];
	[sflag:s26] =	ssyncadd.s32 $0xFFFFEC00  }
0x43: {  	[spmem:s15] =	stream.linear.scatter [tilespmem:s29], [sflag:$0x7], $0x1400, $0x38;
	[tilespmem:$0x1FEA0] =	vst v63  }
0x44: {  	_ =	swait.ge [sflag:s26], $0x1400  }
0x45: {  	[sflag:s26] =	ssyncset.done $0x0  }
0x46: {  	s16 =	rddreg [dreg:$0x6];
	[sflag:s26] =	ssyncadd.s32 $0xFFFFEC00  }
0x47: {  	[spmem:s16] =	stream.linear.scatter [tilespmem:s29], [sflag:$0x7], $0x1400, $0x38;
	[tilespmem:$0x1FEA0] =	vst v63  }
0x48: {  	_ =	swait.ge [sflag:s26], $0x1400  }
0x49: {  	[sflag:s26] =	ssyncset.done $0x0  }
0x4a: {  	s17 =	rddreg [dreg:$0x7];
	[sflag:s26] =	ssyncadd.s32 $0xFFFFEC00  }
0x4b: {  	[spmem:s17] =	stream.linear.scatter [tilespmem:s29], [sflag:$0x7], $0x1400, $0x38;
	[tilespmem:$0x1FEA0] =	vst v63  }
0x4c: {  	_ =	swait.ge [sflag:s26], $0x1400  }
0x4d: {  	[sflag:s26] =	ssyncset.done $0x0  }
0x4e: {  	s14 =	rddreg [dreg:$0x8];
	[sflag:s26] =	ssyncadd.s32 $0xFFFFEC00  }
0x4f: {  	[spmem:s14] =	stream.linear.scatter [tilespmem:s29], [sflag:$0x7], $0x1400, $0x38;
	[tilespmem:$0x1FEA0] =	vst v63  }
0x50: {  	_ =	swait.ge [sflag:s26], $0x1400  }
0x51: {  	[sflag:s26] =	ssyncset.done $0x0  }
0x52: {  	s15 =	rddreg [dreg:$0x9];
	[sflag:s26] =	ssyncadd.s32 $0xFFFFEC00  }
0x53: {  	[spmem:s15] =	stream.linear.scatter [tilespmem:s29], [sflag:$0x7], $0x1400, $0x38;
	[tilespmem:$0x1FEA0] =	vst v63  }
0x54: {  	_ =	swait.ge [sflag:s26], $0x1400  }
0x55: {  	[sflag:s26] =	ssyncset.done $0x0  }
0x56: {  	s16 =	rddreg [dreg:$0xa];
	[sflag:s26] =	ssyncadd.s32 $0xFFFFEC00  }
0x57: {  	[spmem:s16] =	stream.linear.scatter [tilespmem:s29], [sflag:$0x7], $0x1400, $0x38;
	[tilespmem:$0x1FEA0] =	vst v63  }
0x58: {  	_ =	swait.ge [sflag:s26], $0x1400  }
0x59: {  	[sflag:s26] =	ssyncset.done $0x0  }
0x5a: {  	s17 =	rddreg [dreg:$0xb];
	[sflag:s26] =	ssyncadd.s32 $0xFFFFEC00  }
0x5b: {  	[spmem:s17] =	stream.linear.scatter [tilespmem:s29], [sflag:$0x7], $0x1400, $0x38;
	[tilespmem:$0x1FEA0] =	vst v63  }
0x5c: {  	_ =	swait.ge [sflag:s26], $0x1400  }
0x5d: {  	[sflag:s26] =	ssyncset.done $0x0  }
0x5e: {  	s14 =	rddreg [dreg:$0xc];
	[sflag:s26] =	ssyncadd.s32 $0xFFFFEC00  }
0x5f: {  	[spmem:s14] =	stream.linear.scatter [tilespmem:s29], [sflag:$0x7], $0x1400, $0x38;
	[tilespmem:$0x1FEA0] =	vst v63  }
0x60: {  	_ =	swait.ge [sflag:s26], $0x1400  }
0x61: {  	[sflag:s26] =	ssyncset.done $0x0  }
0x62: {  	s15 =	rddreg [dreg:$0xd];
	[sflag:s26] =	ssyncadd.s32 $0xFFFFEC00  }
0x63: {  	[spmem:s15] =	stream.linear.scatter [tilespmem:s29], [sflag:$0x7], $0x1400, $0x38;
	[tilespmem:$0x1FEA0] =	vst v63  }
0x64: {  	_ =	swait.ge [sflag:s26], $0x1400  }
0x65: {  	[sflag:s26] =	ssyncset.done $0x0  }
0x66: {  	[sflag:s26] =	ssyncadd.s32 $0xFFFFEC00  }
0x67: {  	[spmem:s18] =	stream.linear.scatter [tilespmem:s29], [sflag:$0x7], $0x1400, $0x38;
	[tilespmem:$0x1FEA0] =	vst v63  }
0x68: {  	_ =	swait.ge [sflag:s26], $0x1400  }
0x69: {  	[sflag:s26] =	ssyncset.done $0x0  }
0x6a: {  	[sflag:s26] =	ssyncadd.s32 $0xFFFFEC00  }
0x6b: {  	[spmem:s19] =	stream.linear.scatter [tilespmem:s29], [sflag:$0x7], $0x1400, $0x38;
	[tilespmem:$0x1FEA0] =	vst v63  }
0x6c: {  	_ =	swait.ge [sflag:s26], $0x1400  }
0x6d: {  	[sflag:s26] =	ssyncset.done $0x0  }
0x6e: {  	[sflag:s26] =	ssyncadd.s32 $0xFFFFEC00  }
0x6f: {  	[spmem:s20] =	stream.linear.scatter [tilespmem:s29], [sflag:$0x7], $0x1400, $0x38;
	[tilespmem:$0x1FEA0] =	vst v63  }
0x70: {  	_ =	swait.ge [sflag:s26], $0x1400  }
0x71: {  	[sflag:s26] =	ssyncset.done $0x0  }
0x72: {  	[sflag:s26] =	ssyncadd.s32 $0xFFFFEC00  }
0x73: {  	[spmem:s21] =	stream.linear.scatter [tilespmem:s29], [sflag:$0x7], $0x1400, $0x38;
	[tilespmem:$0x1FEA0] =	vst v63  }
0x74: {  	_ =	swait.ge [sflag:s26], $0x1400  }
0x75: {  	[sflag:s26] =	ssyncset.done $0x0  }
0x76: {  	[sflag:s26] =	ssyncadd.s32 $0xFFFFEC00  }
0x77: {  	[spmem:s22] =	stream.linear.scatter [tilespmem:s29], [sflag:$0x7], $0x1400, $0x38;
	[tilespmem:$0x1FEA0] =	vst v63  }
0x78: {  	_ =	swait.ge [sflag:s26], $0x1400  }
0x79: {  	[sflag:s26] =	ssyncset.done $0x0  }
0x7a: {  	[sflag:s26] =	ssyncadd.s32 $0xFFFFEC00  }
0x7b: {  	[spmem:s23] =	stream.linear.scatter [tilespmem:s29], [sflag:$0x7], $0xC80, $0x38;
	[tilespmem:$0x1FEA0] =	vst v63  }
0x7c: {  	_ =	swait.ge [sflag:s26], $0xC80  }
0x7d: {  	[sflag:s26] =	ssyncset.done $0x0  }
0x7e: {  	[sflag:s26] =	ssyncadd.s32 $0xFFFFF380  }
0x7f: {  	s13 =	simm.s32 $0x0;
	s14 =	simm.s32 $0x4E20;
	[bflag:$0x0] =	sbarrier.arrive $0xFFFF  }
0x80: {  	[tilespmem:s14], [sflag:$0x1] =	stream.indirect.gather [hbm4b:s4+s30], $0x80, s13, s30, $0xb8;
	[tilespmem:$0x1FEA0] =	vst v63  }
0x81: {  	s16 =	simm.s32 $0x7620  }
0x82: {  	[tilespmem:s16], [sflag:$0x3] =	stream.indirect.gather [hbm4b:s5+s30], $0x80, s28, s30, $0xb8;
	[tilespmem:$0x1FEA0] =	vst v63  }
0x83: {  	_ = 	snop  }
0x84: {  	[tilespmem:s31], [sflag:$0x2] =	stream.indirect.gather [hbm4b:s4+s30], $0x80, s30, s30, $0xb8;
	[tilespmem:$0x1FEA0] =	vst v63  }
0x85: {  	s17 =	simm.s32 $0x2738  }
0x86: {  	[tilespmem:s0], [sflag:$0x4] =	stream.indirect.gather [hbm4b:s5+s30], $0x80, s17, s30, $0xb8;
	[tilespmem:$0x1FEA0] =	vst v63  }
.LBB2_4:
0x87: {  	_ =	swait.ge [sflag:s1], $0x1400  }
0x88: {  	[sflag:s1] =	ssyncset.done $0x0  }
0x89: {  	[sflag:s1] =	ssyncadd.s32 $0xFFFFEC00  }
0x8a: {  	_ =	swait.ge [sflag:s3], $0x1400  }
0x8b: {  	p1 =	seq.s32 s13, $0x0;
	[sflag:s3] =	ssyncset.done $0x0  }
0x8c: {  	s14 =	simm.s32 @!p1 $0x5;
	[sflag:s3] =	ssyncadd.s32 $0xFFFFEC00  }
0x8d: {  	_ =	swait.ge @!p1 [sflag:s14], $0x1400  }
0x8e: {  	[sflag:s14] =	ssyncset.done @!p1 $0x0  }
0x8f: {  	[sflag:s14] =	ssyncadd.s32 @!p1 $0xFFFFEC00;
	s14 =	simm.s32 $0x0  }
0x90: {  	v1 =	vld [tilespmem:s14+$0x4E90]  }
0x91: {  	v2 =	vld [tilespmem:s14+$0x7690]  }
0x92: {  	v3 =	vld [tilespmem:s14+$0x4E20]  }
0x93: {  	v4 =	vld [tilespmem:s14+$0x7620]  }
0x94: {  	v5 =	vld [tilespmem:s14+$0x4E30]  }
0x95: {  	v6 =	vld [tilespmem:s14+$0x7630]  }
0x96: {  	v7 =	vld [tilespmem:s14+$0x4E40]  }
0x97: {  	v1 =	vadd.f32 v2, v1;
	v2 =	vld [tilespmem:s14+$0x7640]  }
0x98: {  	v8 =	vld [tilespmem:s14+$0x4E50]  }
0x99: {  	v9 =	vld [tilespmem:s14+$0x7650];
	v3 =	vadd.f32 v4, v3  }
0x9a: {  	v10 =	vld [tilespmem:s14+$0x4E60];
	v1 =	vmax.f32 v1, $0.0e+00  }
0x9b: {  	[tilespmem:s14+$0x9E90] =	vst v1;
	v1 =	vmax.f32 v3, $0.0e+00;
	v3 =	vadd.f32 v6, v5;
	v6 =	vld [tilespmem:s14+$0x7660]  }
0x9c: {  	v4 =	vld [tilespmem:s14+$0x7670];
	v2 =	vadd.f32 v2, v7  }
0x9d: {  	[tilespmem:s14+$0x9E20] =	vst v1;
	v1 =	vld [tilespmem:s14+$0x4E70];
	v3 =	vmax.f32 v3, $0.0e+00  }
0x9e: {  	v5 =	vld [tilespmem:s14+$0x7680];
	v7 =	vadd.f32 v9, v8;
	[tilespmem:s14+$0x9E30] =	vst v3;
	v3 =	vmax.f32 v2, $0.0e+00  }
0x9f: {  	s15 =	simm.s32 $0x80;
	v2 =	vld [tilespmem:s14+$0x4E80];
	[tilespmem:s14+$0x9E40] =	vst v3  }
0xa0: {  	s16 =	simm.s32 $0x400;
	v7 =	vmax.f32 v7, $0.0e+00;
	v6 =	vadd.f32 v6, v10;
	v3 =	vld [tilespmem:s15+$0x4E90]  }
.LBB2_5:
0xa1: {  	p0 =	sne.s32 s16, $0x4E00;
	v8 =	vld [tilespmem:s15+$0x7690];
	[tilespmem:s14+$0x9E50] =	vst v7  }
0xa2: {  	v7 =	vld [tilespmem:s15+$0x4E20];
	v6 =	vmax.f32 v6, $0.0e+00;
	v1 =	vadd.f32 v4, v1  }
0xa3: {  	v4 =	vld [tilespmem:s15+$0x7620];
	[tilespmem:s14+$0x9E60] =	vst v6  }
0xa4: {  	v6 =	vld [tilespmem:s15+$0x4E30];
	v1 =	vmax.f32 v1, $0.0e+00;
	v2 =	vadd.f32 v5, v2  }
0xa5: {  	v5 =	vld [tilespmem:s15+$0x7630];
	[tilespmem:s14+$0x9E70] =	vst v1  }
0xa6: {  	v1 =	vld [tilespmem:s15+$0x4E40];
	v3 =	vadd.f32 v8, v3;
	v2 =	vmax.f32 v2, $0.0e+00  }
0xa7: {  	v8 =	vld [tilespmem:s15+$0x7640];
	[tilespmem:s14+$0x9E80] =	vst v2;
	s14 =	smov.u32 s15  }
0xa8: {  	v2 =	vadd.f32 v4, v7;
	v7 =	vld [tilespmem:s14+$0x4E50];
	v3 =	vmax.f32 v3, $0.0e+00  }
0xa9: {  	v9 =	vld [tilespmem:s14+$0x7650];
	[tilespmem:s14+$0x9E90] =	vst v3  }
0xaa: {  	v2 =	vmax.f32 v2, $0.0e+00;
	v3 =	vadd.f32 v5, v6;
	v6 =	vld [tilespmem:s14+$0x4E60]  }
0xab: {  	[tilespmem:s14+$0x9E20] =	vst v2;
	v10 =	vld [tilespmem:s14+$0x7660]  }
.Ltmp3:
0xac: {  	v2 =	vmax.f32 v3, $0.0e+00;
	v3 =	vadd.f32 v8, v1;
	v1 =	vld [tilespmem:s14+$0x4E70];
	(pc) =	sbr.rel @p0 .LBB2_5-.Ltmp3, $4  }
0xad: {  	[tilespmem:s14+$0x9E30] =	vst v2;
	v4 =	vld [tilespmem:s14+$0x7670]  }
0xae: {  	v3 =	vmax.f32 v3, $0.0e+00;
	v7 =	vadd.f32 v9, v7;
	v2 =	vld [tilespmem:s14+$0x4E80]  }
0xaf: {  	s15 =	sshra.s32 s16, $0x2;
	[tilespmem:s14+$0x9E40] =	vst v3;
	v5 =	vld [tilespmem:s14+$0x7680]  }
0xb0: {  	s16 =	sadd.s32 $0x200, s16;
	v3 =	vld [tilespmem:s15+$0x4E90];
	v7 =	vmax.f32 v7, $0.0e+00;
	v6 =	vadd.f32 v10, v6  }
0xb1: {  	v8 =	vld [tilespmem:s15+$0x7690];
	[tilespmem:s14+$0x9E50] =	vst v7  }
0xb2: {  	v7 =	vld [tilespmem:s15+$0x4E20];
	v6 =	vmax.f32 v6, $0.0e+00;
	v1 =	vadd.f32 v4, v1  }
0xb3: {  	v9 =	vld [tilespmem:s15+$0x7620];
	[tilespmem:s14+$0x9E60] =	vst v6  }
0xb4: {  	v4 =	vld [tilespmem:s15+$0x4E30];
	v1 =	vmax.f32 v1, $0.0e+00;
	v2 =	vadd.f32 v5, v2  }
0xb5: {  	v6 =	vld [tilespmem:s15+$0x7630];
	[tilespmem:s14+$0x9E70] =	vst v1  }
0xb6: {  	v1 =	vld [tilespmem:s15+$0x4E40];
	v2 =	vmax.f32 v2, $0.0e+00  }
0xb7: {  	v5 =	vld [tilespmem:s15+$0x7640];
	v3 =	vadd.f32 v8, v3;
	[tilespmem:s14+$0x9E80] =	vst v2  }
0xb8: {  	v7 =	vadd.f32 v9, v7;
	v2 =	vld [tilespmem:s15+$0x4E50]  }
0xb9: {  	v3 =	vmax.f32 v3, $0.0e+00;
	v8 =	vld [tilespmem:s15+$0x7650]  }
0xba: {  	[tilespmem:s15+$0x9E90] =	vst v3;
	v3 =	vmax.f32 v7, $0.0e+00;
	v7 =	vld [tilespmem:s15+$0x4E60]  }
0xbb: {  	v4 =	vadd.f32 v6, v4;
	v6 =	vld [tilespmem:s15+$0x4E70]  }
0xbc: {  	[tilespmem:s15+$0x9E20] =	vst v3;
	v3 =	vld [tilespmem:s15+$0x7660];
	v1 =	vadd.f32 v5, v1  }
0xbd: {  	v4 =	vmax.f32 v4, $0.0e+00;
	v5 =	vld [tilespmem:s15+$0x4E80]  }
0xbe: {  	[tilespmem:s15+$0x9E30] =	vst v4;
	v4 =	vld [tilespmem:s15+$0x7670];
	v1 =	vmax.f32 v1, $0.0e+00  }
0xbf: {  	[tilespmem:s15+$0x9E40] =	vst v1;
	v1 =	vld [tilespmem:s15+$0x7680];
	_ =	sdelay $0x1  }
0xc0: {  	v2 =	vadd.f32 v8, v2  }
0xc1: {  	v3 =	vadd.f32 v3, v7  }
0xc2: {  	v2 =	vmax.f32 v2, $0.0e+00;
	v4 =	vadd.f32 v4, v6  }
0xc3: {  	p0 =	seq.s32 s13, $0x7C;
	[tilespmem:s15+$0x9E50] =	vst v2;
	v2 =	vmax.f32 v3, $0.0e+00;
	v1 =	vadd.f32 v1, v5  }
0xc4: {  	s14 =	smul.u32 @!p0 $0x50, s13;
	[tilespmem:s15+$0x9E60] =	vst v2;
	v2 =	vmax.f32 v4, $0.0e+00  }
0xc5: {  	[tilespmem:s15+$0x9E70] =	vst v2;
	v1 =	vmax.f32 v1, $0.0e+00  }
0xc6: {  	s16 =	simm.s32 @!p0 $0x28;
	s17 =	simm.s32 @!p0 $0x4E20;
	[tilespmem:s15+$0x9E80] =	vst v1;
	s15 =	sadd.s32 @!p0 $0x50, s14  }
0xc7: {  	[tilespmem:s17], [sflag:$0x1] =	stream.indirect.gather @!p0 [hbm4b:s4+s16], $0x80, s15, s16, $0xb8;
	[tilespmem:$0x1FEA0] =	vst v63  }
0xc8: {  	s14 =	sadd.s32 @!p0 $0x2760, s14;
	s15 =	simm.s32 @!p0 $0x7620;
	s17 =	smul.u32 $0x140, s13  }
0xc9: {  	[tilespmem:s15], [sflag:$0x3] =	stream.indirect.gather @!p0 [hbm4b:s5+s16], $0x80, s14, s16, $0xb8;
	[tilespmem:$0x1FEA0] =	vst v63  }
0xca: {  	s14 =	sshra.s32 s17, $0x2  }
0xcb: {  	s17 =	sadd.s32 $0x2710, s14  }
0xcc: {  	[spmem:s2] =	stream.indirect.scatter.add.f32 [tilespmem:s29], [sflag:$0x5], $0x80, s17, s30, $0xb8;
	[tilespmem:$0x1FEA0] =	vst v63  }
0xcd: {  	_ =	swait.ge [sflag:s6], $0x1400  }
0xce: {  	[sflag:s6] =	ssyncset.done $0x0  }
0xcf: {  	[sflag:s6] =	ssyncadd.s32 $0xFFFFEC00  }
0xd0: {  	_ =	swait.ge [sflag:s7], $0x1400  }
0xd1: {  	[sflag:s7] =	ssyncset.done $0x0  }
0xd2: {  	s15 =	simm.s32 @!p1 $0x6;
	[sflag:s7] =	ssyncadd.s32 $0xFFFFEC00  }
0xd3: {  	_ =	swait.ge @!p1 [sflag:s15], $0x1400  }
0xd4: {  	[sflag:s15] =	ssyncset.done @!p1 $0x0  }
0xd5: {  	[sflag:s15] =	ssyncadd.s32 @!p1 $0xFFFFEC00;
	s15 =	simm.s32 $0x0  }
0xd6: {  	v1 =	vld [tilespmem:s15+$0x6290]  }
0xd7: {  	v2 =	vld [tilespmem:s15+$0x8A90]  }
0xd8: {  	v3 =	vld [tilespmem:s15+$0x6220]  }
0xd9: {  	v4 =	vld [tilespmem:s15+$0x8A20]  }
0xda: {  	v5 =	vld [tilespmem:s15+$0x6230]  }
0xdb: {  	v6 =	vld [tilespmem:s15+$0x8A30]  }
0xdc: {  	v7 =	vld [tilespmem:s15+$0x6240]  }
0xdd: {  	v1 =	vadd.f32 v2, v1;
	v2 =	vld [tilespmem:s15+$0x8A40]  }
0xde: {  	v8 =	vld [tilespmem:s15+$0x6250]  }
0xdf: {  	v63 =	vld [tilespmem:s15+$0x8A50];
	v3 =	vadd.f32 v4, v3  }
0xe0: {  	v10 =	vld [tilespmem:s15+$0x6260];
	v1 =	vmax.f32 v1, $0.0e+00  }
0xe1: {  	[tilespmem:s15+$0xB290] =	vst v1;
	v1 =	vmax.f32 v3, $0.0e+00;
	v3 =	vadd.f32 v6, v5;
	v6 =	vld [tilespmem:s15+$0x8A60]  }
0xe2: {  	v4 =	vld [tilespmem:s15+$0x8A70];
	v2 =	vadd.f32 v2, v7  }
0xe3: {  	[tilespmem:s15+$0xB220] =	vst v1;
	v1 =	vld [tilespmem:s15+$0x6270];
	v3 =	vmax.f32 v3, $0.0e+00  }
0xe4: {  	v5 =	vld [tilespmem:s15+$0x8A80];
	v7 =	vadd.f32 v63, v8;
	[tilespmem:s15+$0xB230] =	vst v3;
	v3 =	vmax.f32 v2, $0.0e+00  }
0xe5: {  	s16 =	simm.s32 $0x80;
	v2 =	vld [tilespmem:s15+$0x6280];
	[tilespmem:s15+$0xB240] =	vst v3  }
0xe6: {  	s17 =	simm.s32 $0x400;
	v7 =	vmax.f32 v7, $0.0e+00;
	v6 =	vadd.f32 v6, v10;
	v3 =	vld [tilespmem:s16+$0x6290]  }
.LBB2_7:
0xe7: {  	p1 =	sne.s32 s17, $0x4E00;
	v8 =	vld [tilespmem:s16+$0x8A90];
	[tilespmem:s15+$0xB250] =	vst v7  }
0xe8: {  	v7 =	vld [tilespmem:s16+$0x6220];
	v6 =	vmax.f32 v6, $0.0e+00;
	v1 =	vadd.f32 v4, v1  }
0xe9: {  	v4 =	vld [tilespmem:s16+$0x8A20];
	[tilespmem:s15+$0xB260] =	vst v6  }
0xea: {  	v6 =	vld [tilespmem:s16+$0x6230];
	v1 =	vmax.f32 v1, $0.0e+00;
	v2 =	vadd.f32 v5, v2  }
0xeb: {  	v5 =	vld [tilespmem:s16+$0x8A30];
	[tilespmem:s15+$0xB270] =	vst v1  }
0xec: {  	v1 =	vld [tilespmem:s16+$0x6240];
	v3 =	vadd.f32 v8, v3;
	v2 =	vmax.f32 v2, $0.0e+00  }
0xed: {  	v8 =	vld [tilespmem:s16+$0x8A40];
	[tilespmem:s15+$0xB280] =	vst v2;
	s15 =	smov.u32 s16  }
0xee: {  	v2 =	vadd.f32 v4, v7;
	v7 =	vld [tilespmem:s15+$0x6250];
	v3 =	vmax.f32 v3, $0.0e+00  }
0xef: {  	v9 =	vld [tilespmem:s15+$0x8A50];
	[tilespmem:s15+$0xB290] =	vst v3  }
0xf0: {  	v2 =	vmax.f32 v2, $0.0e+00;
	v3 =	vadd.f32 v5, v6;
	v6 =	vld [tilespmem:s15+$0x6260]  }
0xf1: {  	[tilespmem:s15+$0xB220] =	vst v2;
	v10 =	vld [tilespmem:s15+$0x8A60]  }
.Ltmp4:
0xf2: {  	v2 =	vmax.f32 v3, $0.0e+00;
	v3 =	vadd.f32 v8, v1;
	v1 =	vld [tilespmem:s15+$0x6270];
	(pc) =	sbr.rel @p1 .LBB2_7-.Ltmp4, $4  }
0xf3: {  	[tilespmem:s15+$0xB230] =	vst v2;
	v4 =	vld [tilespmem:s15+$0x8A70]  }
0xf4: {  	v3 =	vmax.f32 v3, $0.0e+00;
	v7 =	vadd.f32 v9, v7;
	v2 =	vld [tilespmem:s15+$0x6280]  }
0xf5: {  	s16 =	sshra.s32 s17, $0x2;
	[tilespmem:s15+$0xB240] =	vst v3;
	v5 =	vld [tilespmem:s15+$0x8A80]  }
0xf6: {  	s17 =	sadd.s32 $0x200, s17;
	v3 =	vld [tilespmem:s16+$0x6290];
	v7 =	vmax.f32 v7, $0.0e+00;
	v6 =	vadd.f32 v10, v6  }
0xf7: {  	v8 =	vld [tilespmem:s16+$0x8A90];
	[tilespmem:s15+$0xB250] =	vst v7  }
0xf8: {  	v7 =	vld [tilespmem:s16+$0x6220];
	v6 =	vmax.f32 v6, $0.0e+00;
	v1 =	vadd.f32 v4, v1  }
0xf9: {  	v9 =	vld [tilespmem:s16+$0x8A20];
	[tilespmem:s15+$0xB260] =	vst v6  }
0xfa: {  	v57 =	vld [tilespmem:s16+$0x6230];
	v1 =	vmax.f32 v1, $0.0e+00;
	v2 =	vadd.f32 v5, v2  }
0xfb: {  	v6 =	vld [tilespmem:s16+$0x8A30];
	[tilespmem:s15+$0xB270] =	vst v1  }
0xfc: {  	v1 =	vld [tilespmem:s16+$0x6240];
	v2 =	vmax.f32 v2, $0.0e+00  }
0xfd: {  	v58 =	vld [tilespmem:s16+$0x8A40];
	[tilespmem:s15+$0xB280] =	vst v2  }
0xfe: {  	v2 =	vld [tilespmem:s16+$0x6250]  }
0xff: {  	v3 =	vadd.f32 v8, v3;
	v59 =	vld [tilespmem:s16+$0x8A50]  }
0x100: {  	v7 =	vadd.f32 v9, v7;
	v60 =	vld [tilespmem:s16+$0x6260]  }
0x101: {  	v3 =	vmax.f32 v3, $0.0e+00;
	v61 =	vld [tilespmem:s16+$0x6270]  }
0x102: {  	v62 =	vld [tilespmem:s16+$0x8A70];
	[tilespmem:s16+$0xB290] =	vst v3;
	v3 =	vmax.f32 v7, $0.0e+00;
	v1 =	vadd.f32 v58, v1  }
0x103: {  	[tilespmem:s16+$0xB220] =	vst v3;
	v3 =	vld [tilespmem:s16+$0x8A60]  }
0x104: {  	v63 =	vld [tilespmem:s16+$0x6280];
	v1 =	vmax.f32 v1, $0.0e+00  }
0x105: {  	[tilespmem:s16+$0xB240] =	vst v1;
	v1 =	vld [tilespmem:s16+$0x8A80]  }
0x106: {  	v4 =	vadd.f32 v6, v57  }
0x107: {  	v2 =	vadd.f32 v59, v2  }
0x108: {  	v4 =	vmax.f32 v4, $0.0e+00;
	v3 =	vadd.f32 v3, v60  }
.Ltmp5:
0x109: {  	[tilespmem:s16+$0xB230] =	vst v4;
	v4 =	vadd.f32 v62, v61;
	v2 =	vmax.f32 v2, $0.0e+00;
	(pc) =	sbr.rel @p0 .LBB2_10-.Ltmp5, $4  }
0x10a: {  	[tilespmem:s16+$0xB250] =	vst v2;
	v2 =	vmax.f32 v3, $0.0e+00;
	v1 =	vadd.f32 v1, v63  }
0x10b: {  	[tilespmem:s16+$0xB260] =	vst v2;
	v2 =	vmax.f32 v4, $0.0e+00  }
0x10c: {  	[tilespmem:s16+$0xB270] =	vst v2;
	v1 =	vmax.f32 v1, $0.0e+00  }
0x10d: {  	s14 =	sadd.s32 $0x2738, s14;
	[tilespmem:s16+$0xB280] =	vst v1  }
0x10e: {  	s15 =	smul.u32 $0x50, s13;
	_ =	sdelay $0x1  }
0x10f: {  	s16 =	sadd.s32 $0x78, s15  }
0x110: {  	[tilespmem:s31], [sflag:$0x2] =	stream.indirect.gather [hbm4b:s4+s30], $0x80, s16, s30, $0xb8;
	[tilespmem:$0x1FEA0] =	vst v63  }
.Ltmp6:
0x111: {  	_ = 	snop;
	(pc) =	sbr.rel .LBB2_4-.Ltmp6, $4  }
0x112: {  	s15 =	sadd.s32 $0x2788, s15  }
0x113: {  	[tilespmem:s0], [sflag:$0x4] =	stream.indirect.gather [hbm4b:s5+s30], $0x80, s15, s30, $0xb8;
	[tilespmem:$0x1FEA0] =	vst v63  }
0x114: {  	s13 =	sadd.s32 $0x1, s13  }
0x115: {  	[spmem:s2] =	stream.indirect.scatter.add.f32 [tilespmem:s9], [sflag:$0x6], $0x80, s14, s30, $0xb8;
	[tilespmem:$0x1FEA0] =	vst v63  }
.LBB2_11:
0x116: {  	_ =	sfence.sel $0x180000  }
0x117: {  	[bflag:$0x0] =	sbarrier.arrive $0xFFFF  }
0x118: {  	_ =	strace $0x90000047  }
0x119: {  	s0 =	stileid.u32;
	[bflag:$0x2] =	sbarrier.arrive $0xFFFF  }
0x11a: {  	p0 =	sne.s32 s0, $0x0;
	s0 =	rddreg [dreg:$0x2]  }
0x11b: {  	s0 =	sadd.s32 @!p0 $0x100000, s0  }
0x11c: {  	[sflag:s0] =	ssyncadd.tile.s32 @!p0 $0x1;
	_ =	shalt  }
.Lfunc_end2:
_tile_overlayer_lowered:
.L_overlay_start_2:
0x11d: {  	(tag) =	ssettag $0x2  }
0x11e: {  	s0 =	rddreg [dreg:$0x0];
	s2 =	stileid.u32  }
0x11f: {  	s1 =	rddreg [dreg:$0x1];
	p0 =	sne.s32 s2, $0x0  }
0x120: {  	s3 =	rddreg [dreg:$0x2];
	[bflag:$0x3] =	sbarrier.arrive $0xFFFF;
	s2 =	simm.s32 @!p0 $0x1C07  }
0x121: {  	[timem:s3], [sflag:s2] =	dma.local @!p0 [hbm:s0], s1  }
0x122: {  	s0 =	simm.s32 @!p0 $0x7  }
0x123: {  	_ =	swait.ge @!p0 [sflag:s0], s1  }
0x124: {  	s1 =	ssub.s32 @!p0 $0x0, s1;
	[sflag:s0] =	ssyncset.done @!p0 $0x0  }
0x125: {  	[sflag:s0] =	ssyncadd.s32 @!p0 s1  }
0x126: {  	[bflag:$0x3] =	sbarrier.arrive $0xFFFF  }
0x127: {  	_ =	shalt  }

// kernel: kernel.14.cloned.1.call-start
scs
__scs_entry_jumppad:
0x0: {  	(pc) =	sbr.rel $0x88, $3  }
0x1: {  	(tag) =	ssettag $0x0;
	lr =	simm.s32 $0x1  }
0x2: {  	[smem:$0x3F86] =	sst lr;
	_ =	strace $0xD0000000  }
0x3: {  	_ = 	snop  }
0x4: {  	_ = 	snop  }
0x5: {  	_ = 	snop  }
0x6: {  	_ = 	snop  }
0x7: {  	_ = 	snop  }
__scs_overlays_trampoline_lowered:
0x8: {  	[smem:$0x3F95] =	sst s0  }
0x9: {  	[smem:$0x3F96] =	sst s1  }
0xa: {  	[smem:$0x3F97] =	sst s2  }
0xb: {  	[smem:$0x3F98] =	sst s3  }
0xc: {  	[smem:$0x3F99] =	sst s4  }
0xd: {  	[smem:$0x3F9A] =	sst s5  }
0xe: {  	[smem:$0x3F9B] =	sst s6  }
0xf: {  	[smem:$0x3F9C] =	sst s7  }
0x10: {  	[smem:$0x3F9D] =	sst s8  }
0x11: {  	[smem:$0x3F9E] =	sst s9;
	s0 =	simm.s32 @!p0 $0x0  }
0x12: {  	s1 =	sld [smem:$0x3F84];
	s0 =	simm.s32 @p0 $0x1  }
0x13: {  	[smem:$0x3F9F] =	sst s0;
	s0 =	simm.s32 @!p1 $0x0  }
0x14: {  	s2 =	sld [smem:$0x3F83];
	s0 =	simm.s32 @p1 $0x1  }
0x15: {  	[smem:$0x3FA0] =	sst s0;
	s0 =	simm.s32 @!p2 $0x0  }
0x16: {  	s3 =	sld [smem:$0x3FDB];
	s0 =	simm.s32 @p2 $0x1  }
0x17: {  	s4 =	simm.s32 $0x1BF5;
	[smem:$0x3FA2] =	sst s0  }
0x18: {  	s0 =	sld [smem:$0x3F85];
	_ =	swait.ge [sflag:s4], $0x0  }
0x19: {  	s7 =	sld [smem:$0x3F86]  }
0x1a: {  	s8 =	sadd.s32 $0xFFFFE003, lr  }
0x1b: {  	s9 =	sadd.s32 $0xFFFFFEF7, lr;
	s5 =	simm.s32 $0xFFFFFFFF;
	p2 =	slt.u32 s8, $0xFFFFF086  }
0x1c: {  	p1 =	slt.u32 s9, $0xF7A;
	s5 =	simm.s32 @!p2 $0x0  }
0x1d: {  	s5 =	simm.s32 @p1 $0x1;
	p0 =	seq.s32 s7, s2  }
0x1e: {  	s7 =	smul.u32 @!p0 $0xF7A, s2;
	p2 =	seq.s32 @!p0 s5, $0x0  }
0x1f: {  	s9 =	smul.u32 $0xF7A, s1;
	s8 =	simm.s32 @!p0 $0x1BF5;
	p2 =	por !p2, p0  }
0x20: {  	[sflag:s8] =	ssyncset.s32 @!p0 $0xFFFFF086;
	s6 =	sadd.s32 @!p0 s3, s7;
	s7 =	simm.s32 @!p0 $0x108  }
0x21: {  	s3 =	sadd.s32 s3, s9;
	s6 =	sadd.s32 @!p0 $0x88, s6;
	s7 =	simm.s32 @p2 $0x1082  }
0x22: {  	[simem:s7], [sflag:s8] =	dma.local @!p0 [hbm:s6], $0xF7A  }
0x23: {  	s9 =	sor.u32 $0xD0000000, s2;
	s6 =	simm.s32 $0x108;
	_ =	swait.ge @!p0 [sflag:s8], $0x0  }
0x24: {  	s3 =	sadd.s32 $0x88, s3;
	s6 =	simm.s32 @!p1 $0x1082;
	[sflag:s4] =	ssyncset.s32 $0xFFFFF086  }
0x25: {  	[simem:s6], [sflag:s4] =	dma.local [hbm:s3], $0xF7A  }
0x26: {  	[smem:$0x3F86] =	sst s1;
	(tag) =	ssettag s2;
	_ =	strace s9  }
0x27: {  	s1 =	sld [smem:$0x3F96]  }
0x28: {  	s2 =	sld [smem:$0x3F97]  }
0x29: {  	s4 =	sld [smem:$0x3F99]  }
0x2a: {  	p0 =	seq.s32 s5, $0x0;
	s5 =	sld [smem:$0x3F9A]  }
0x2b: {  	s6 =	sld [smem:$0x3F9B]  }
0x2c: {  	s7 =	sld [smem:$0x3F9C]  }
0x2d: {  	s3 =	simm.s32 $0x108;
	s8 =	sld [smem:$0x3F9D]  }
0x2e: {  	s3 =	simm.s32 @!p0 $0x1082;
	s9 =	sld [smem:$0x3F9E]  }
0x2f: {  	lr =	sadd.s32 s0, s3;
	s0 =	sld [smem:$0x3F95]  }
0x30: {  	s3 =	sld [smem:$0x3F98]  }
0x31: {  	[smem:$0x3FA1] =	sst s10  }
0x32: {  	s10 =	sld [smem:$0x3F9F];
	_ =	sdelay $0x3  }
0x33: {  	p0 =	seq.s32 s10, $0x1;
	s10 =	sld [smem:$0x3FA1];
	_ =	sdelay $0x3  }
0x34: {  	[smem:$0x3FA1] =	sst s10  }
0x35: {  	s10 =	sld [smem:$0x3FA0];
	_ =	sdelay $0x3  }
0x36: {  	p1 =	seq.s32 s10, $0x1;
	s10 =	sld [smem:$0x3FA1];
	_ =	sdelay $0x3  }
0x37: {  	[smem:$0x3FA1] =	sst s10  }
0x38: {  	s10 =	sld [smem:$0x3FA2]  }
0x39: {  	_ = 	snop;
	(pc) =	sbr.ind lr, $3  }
0x3a: {  	_ = 	snop  }
0x3b: {  	_ = 	snop  }
0x3c: {  	p2 =	seq.s32 s10, $0x1;
	s10 =	sld [smem:$0x3FA1]  }
0x3d: {  	_ =	shalt  }
0x3e: {  	_ =	shalt  }
0x3f: {  	_ =	shalt  }
0x40: {  	_ =	shalt  }
0x41: {  	_ =	shalt  }
0x42: {  	_ =	shalt  }
0x43: {  	_ =	shalt  }
0x44: {  	_ =	shalt  }
0x45: {  	_ =	shalt  }
0x46: {  	_ =	shalt  }
0x47: {  	_ =	shalt  }
0x48: {  	_ =	shalt  }
0x49: {  	_ =	shalt  }
0x4a: {  	_ =	shalt  }
0x4b: {  	_ =	shalt  }
0x4c: {  	_ =	shalt  }
0x4d: {  	_ =	shalt  }
0x4e: {  	_ =	shalt  }
0x4f: {  	_ =	shalt  }
0x50: {  	_ =	shalt  }
0x51: {  	_ =	shalt  }
0x52: {  	_ =	shalt  }
0x53: {  	_ =	shalt  }
0x54: {  	_ =	shalt  }
0x55: {  	_ =	shalt  }
0x56: {  	_ =	shalt  }
0x57: {  	_ =	shalt  }
0x58: {  	_ =	shalt  }
0x59: {  	_ =	shalt  }
0x5a: {  	_ =	shalt  }
0x5b: {  	_ =	shalt  }
0x5c: {  	_ =	shalt  }
0x5d: {  	_ =	shalt  }
0x5e: {  	_ =	shalt  }
0x5f: {  	_ =	shalt  }
0x60: {  	_ =	shalt  }
0x61: {  	_ =	shalt  }
0x62: {  	_ =	shalt  }
0x63: {  	_ =	shalt  }
0x64: {  	_ =	shalt  }
0x65: {  	_ =	shalt  }
0x66: {  	_ =	shalt  }
0x67: {  	_ =	shalt  }
0x68: {  	_ =	shalt  }
0x69: {  	_ =	shalt  }
0x6a: {  	_ =	shalt  }
0x6b: {  	_ =	shalt  }
0x6c: {  	_ =	shalt  }
0x6d: {  	_ =	shalt  }
0x6e: {  	_ =	shalt  }
0x6f: {  	_ =	shalt  }
0x70: {  	_ =	shalt  }
0x71: {  	_ =	shalt  }
0x72: {  	_ =	shalt  }
0x73: {  	_ =	shalt  }
0x74: {  	_ =	shalt  }
0x75: {  	_ =	shalt  }
0x76: {  	_ =	shalt  }
0x77: {  	_ =	shalt  }
0x78: {  	_ =	shalt  }
0x79: {  	_ =	shalt  }
0x7a: {  	_ =	shalt  }
0x7b: {  	_ =	shalt  }
0x7c: {  	_ =	shalt  }
0x7d: {  	_ =	shalt  }
0x7e: {  	_ =	shalt  }
0x7f: {  	_ =	shalt  }
0x80: {  	_ =	shalt  }
0x81: {  	_ =	shalt  }
0x82: {  	_ =	shalt  }
0x83: {  	_ =	shalt  }
0x84: {  	_ =	shalt  }
0x85: {  	_ =	shalt  }
0x86: {  	_ =	shalt  }
0x87: {  	_ =	shalt  }
.Lfunc_end0:
.L_simem_size_0:
called_computation.2_lowered:
.L_overlay_start_0:
0x88: {  	s2 =	sld [smem:$0x3FD9]  }
0x89: {  	s3 =	sld [smem:$0x3FFE];
	_ =	sdelay $0x1  }
0x8a: {  	s1 =	srdreg.scid  }
0x8b: {  	s0 =	sand.u32 $0x1, s1  }
0x8c: {  	s16 =	sshll.u32 s0, $0xA;
	s2 =	sadd.s32 s3, s2  }
0x8d: {  	s2 =	sadd.s32 s2, s16  }
0x8e: {  	[smem:$0x3FAD] =	sst s2  }
0x8f: {  	_ = 	snop  }
0x90: {  	(tm) =	ssettm $0x1  }
0x91: {  	s17 =	sld [smem:$0x3FFB];
	_ =	sdelay $0x3  }
0x92: {  	_ =	strace s17  }
0x93: {  	s2 =	sld [smem:$0x3FFC];
	_ =	sdelay $0x3  }
0x94: {  	_ =	strace s2  }
0x95: {  	s2 =	sld [smem:$0x3FFD];
	_ =	sdelay $0x3  }
0x96: {  	_ =	strace s2  }
0x97: {  	_ =	strace $0x8FFFFFFF  }
0x98: {  	s18 =	sld [smem:$0x3FDB];
	_ =	sdelay $0x1  }
0x99: {  	s19 =	simm.s32 $_scs_section_size  }
0x9a: {  	s4 =	simm.s32 $_size__tile_overlayer_lowered;
	s5 =	simm.s32 $_tile_overlayer_lowered  }
0x9b: {  	s22 =	simm.s32 $0x1BFF;
	s21 =	sshll.u32 s5, $0x1;
	s2 =	sadd.s32 s19, s18  }
0x9c: {  	s6 =	simm.s32 $0x0;
	s20 =	sshll.u32 s4, $0x1;
	s4 =	sadd.s32 s21, s2  }
0x9d: {  	[timem:s6], [sflag:s22] =	dma.local [hbm:s4], s20  }
0x9e: {  	_ =	swait.ge [sflag:s22], s20  }
0x9f: {  	s3 =	ssub.s32 $0x0, s20;
	[sflag:s22] =	ssyncset.done $0x0  }
0xa0: {  	[sflag:s22] =	ssyncadd.s32 s3;
	_ =	sdelay $0x1  }
0xa1: {  	s23 =	simm.s32 $0x1B8B  }
0xa2: {  	_ =	swait.ge [sflag:s23], $0x1  }
0xa3: {  	[sflag:s23] =	ssyncset.done $0x0  }
0xa4: {  	s25 =	simm.s32 $0x1B8E;
	s24 =	sld [smem:$0x3FFE];
	[sflag:s23] =	ssyncadd.s32 $0xFFFFFFFF  }
0xa5: {  	s26 =	simm.s32 $execute0_lowered;
	[smem:$0x3FD2] =	sst s25  }
0xa6: {  	s4 =	sshll.u32 s26, $0x1;
	_ =	strace $0x8000004C;
	[dreg:$0x1] =	wrdreg $0xFFFFFFFF  }
0xa7: {  	s28 =	simm.s32 $_size_execute0_lowered;
	s2 =	sadd.s32 s2, s4;
	[dreg:$0x0] =	wrdreg $0x0  }
0xa8: {  	s4 =	sshll.u32 s28, $0x1;
	[dreg:$0x2] =	wrdreg s2  }
0xa9: {  	[dreg:$0x3] =	wrdreg s4  }
0xaa: {  	[dreg:$0x4] =	wrdreg $0xC0  }
0xab: {  	_ =	task [dreg:s6], $0x5FFFF  }
0xac: {  	[dreg:$0x1] =	wrdreg $0xFFFFFFFF  }
0xad: {  	[dreg:$0x0] =	wrdreg $0x60  }
0xae: {  	[dreg:$0x2] =	wrdreg s24  }
0xaf: {  	[dreg:$0x3] =	wrdreg $0xC6200  }
0xb0: {  	[dreg:$0x4] =	wrdreg $0x9  }
0xb1: {  	_ =	task.clear_ibuf [dreg:s6], $0x5FFFF;
	_ =	strace $0x9000004C  }
0xb2: {  	s29 =	simm.s32 $0x9;
	_ =	strace $0x8000004E  }
0xb3: {  	_ =	swait.ge [sflag:s29], $0x1  }
0xb4: {  	[sflag:s29] =	ssyncadd.s32 $0xFFFFFFFF  }
0xb5: {  	_ =	strace $0x9000004E  }
0xb6: {  	_ =	sfence  }
0xb7: {  	s30 =	sld [smem:$0x0];
	_ =	sdelay $0x2  }
0xb8: {  	s31 =	sshll.u32 s1, $0xD;
	s1 =	sshrl.u32 s1, $0x2  }
0xb9: {  	s3 =	sand.u32 $0x4000, s31;
	s1 =	sadd.s32 s1, s30  }
0xba: {  	s0 =	sor.u32 s3, s0;
	s1 =	sshll.u32 s1, $0x11  }
0xbb: {  	s0 =	sor.u32 s1, s0  }
0xbc: {  	s0 =	sadd.s32 $0x8F2B, s0  }
0xbd: {  	[sflag:s0] =	ssyncadd.remote.s32 $0x1  }
0xbe: {  	_ =	sfence.sel $0xFFFF  }
0xbf: {  	[dreg:$0x0] =	wrdreg $0xFFFFFFFF;
	(pc) =	sbr.abs _section_cstart, $3  }
0xc0: {  	[dreg:$0x1] =	wrdreg $0xFFFFFFFF  }
0xc1: {  	_ =	task.clear_ibuf [dreg:s6], $0x2FFFF;
	_ =	strace $0x9FFFFFFF  }
0xc2: {  	(tm) =	ssettm $0x7FFFFFFF  }
0xc3: {  	_ =	shalt  }
tec
execute0_lowered:
.L_overlay_start_1:
0x0: {  	(tag) =	ssettag $0x1  }
0x1: {  	s0 =	rddreg [dreg:$0x0]  }
0x2: {  	s2 =	rddreg [dreg:$0x1]  }
0x3: {  	s1 =	srdreg.scid;
	s8 =	stileid.u32;
	s4 =	simm.s32 $0x0  }
0x4: {  	s28 =	simm.s32 $0x2710;
	s29 =	simm.s32 $0x9E20;
	s1 =	sand.u32 $0x1, s1  }
0x5: {  	s30 =	simm.s32 $0x28;
	s31 =	simm.s32 $0x6220;
	s3 =	sshll.u32 s1, $0x4  }
0x6: {  	s9 =	simm.s32 $0xB220;
	s6 =	smul.u32 $0x13880, s8;
	s3 =	sor.u32 s8, s3  }
0x7: {  	s10 =	simm.s32 $0x5;
	s11 =	simm.s32 $0x6;
	s3 =	smul.u32 $0x4E2, s3  }
0x8: {  	s12 =	simm.s32 $0x0;
	[smem:$0x7FF] =	sst s4;
	s8 =	smul.u32 $0x4E200, s8  }
0x9: {  	s4 =	sadd.s32 $0x1AA00, s0;
	s5 =	sadd.s32 $0x41C00, s0;
	s3 =	sadd.s32 s3, s0  }
0xa: {  	_ =	strace $0x8000004D;
	s8 =	sshrl.u32 s8, $0x2;
	s16 =	sadd.s32 $0x10C00, s3  }
0xb: {  	s17 =	sadd.s32 s8, s2;
	s3 =	sadd.s32 $0x6E00, s3;
	[dreg:$0x3] =	wrdreg s16  }
0xc: {  	s7 =	smul.u32 $0x138800, s1;
	s18 =	sadd.s32 $0x1400, s17;
	[dreg:$0x4] =	wrdreg s3  }
0xd: {  	s1 =	ssub.s32 $0x2, s1;
	s19 =	sadd.s32 $0x2800, s17;
	[dreg:$0x5] =	wrdreg s18  }
0xe: {  	s15 =	sshrl.u32 s1, $0x1;
	s20 =	sadd.s32 $0x3C00, s17;
	[dreg:$0x6] =	wrdreg s19  }
0xf: {  	s7 =	sadd.s32 s6, s7;
	s21 =	sadd.s32 $0x5000, s17;
	[dreg:$0x7] =	wrdreg s20  }
0x10: {  	s1 =	ssub.s32 s1, s15;
	s22 =	sadd.s32 $0x6400, s17;
	[dreg:$0x8] =	wrdreg s21  }
0x11: {  	s7 =	sshrl.u32 s7, $0x3;
	s23 =	sadd.s32 $0x7800, s17;
	[dreg:$0x9] =	wrdreg s22  }
0x12: {  	s0 =	sadd.s32 s7, s0;
	s24 =	sadd.s32 $0x8C00, s17;
	[dreg:$0xa] =	wrdreg s23  }
0x13: {  	s8 =	sadd.s32 s6, s2;
	s25 =	sadd.s32 $0xA000, s17;
	[dreg:$0xb] =	wrdreg s24  }
0x14: {  	s6 =	simm.s32 $0x2;
	s26 =	sadd.s32 $0xB400, s17;
	[dreg:$0xc] =	wrdreg s25  }
.Ltmp0:
0x15: {  	s7 =	simm.s32 $0x4;
	[dreg:$0xd] =	wrdreg s26;
	(pc) =	sbr.rel .LBB2_1-.Ltmp0, $4  }
0x16: {  	s18 =	sadd.s32 $0xC800, s17;
	s19 =	sadd.s32 $0xDC00, s17;
	s20 =	sadd.s32 $0xF000, s17  }
0x17: {  	s21 =	sadd.s32 $0x10400, s17;
	s22 =	sadd.s32 $0x11800, s17;
	s23 =	sadd.s32 $0x12C00, s17  }
0x18: {  	s24 =	sadd.s32 $0x90000, s0;
	s25 =	smax.u32 s1, $0x1;
	s26 =	simm.s32 $0x7  }
0x19: {  	v0 =	vimm.f32 $0.0e+00;
	s0 =	simm.s32 $0x8A20;
	s1 =	simm.s32 $0x1;
	s3 =	simm.s32 $0x3  }
.LBB2_10:
0x1a: {  	[spmem:s2] =	stream.indirect.scatter.add.f32 [tilespmem:s9], [sflag:$0x6], $0x80, s14, s30, $0xb8;
	[tilespmem:$0x1FEA0] =	vst v63  }
0x1b: {  	_ =	swait.ge [sflag:s10], $0x1400  }
0x1c: {  	[sflag:s10] =	ssyncset.done $0x0  }
0x1d: {  	[sflag:s10] =	ssyncadd.s32 $0xFFFFEC00  }
0x1e: {  	s13 =	stileid.u32;
	_ =	swait.ge [sflag:s11], $0x1400  }
0x1f: {  	s17 =	sshrl.u32 s8, $0x3;
	s12 =	sadd.s32 $0x1, s12;
	[sflag:s11] =	ssyncset.done $0x0  }
0x20: {  	s13 =	sshll.u32 s13, $0x6;
	p0 =	sne.s32 s12, s25;
	[sflag:s11] =	ssyncadd.s32 $0xFFFFEC00  }
.Ltmp1:
0x21: {  	s13 =	sor.u32 $0x1C07, s13;
	[bflag:$0x0] =	sbarrier.arrive $0xFFFF;
	(pc) =	sbr.rel @!p0 .LBB2_11-.Ltmp1, $4  }
0x22: {  	[hbm:s24], [sflag:s13] =	dma.local [spmem:s17], $0x2710  }
0x23: {  	_ =	swait.ge [sflag:s26], $0x2710  }
0x24: {  	[sflag:s26] =	ssyncset.done $0x0  }
0x25: {  	[sflag:s26] =	ssyncadd.s32 $0xFFFFD8F0  }
.LBB2_1:
0x26: {  	s13 =	simm.s32 $0x0;
	s14 =	rddreg [dreg:$0x3]  }
0x27: {  	[tilespmem:s13], [sflag:$0x7] =	stream.linear.gather [hbm4b:s14+s13], $0x2710, $0x38;
	[tilespmem:$0x1FEA0] =	vst v63  }
0x28: {  	_ =	swait.ge [sflag:s26], $0x2710  }
0x29: {  	[sflag:s26] =	ssyncset.done $0x0  }
0x2a: {  	s17 =	rddreg [dreg:$0x4];
	[sflag:s26] =	ssyncadd.s32 $0xFFFFD8F0  }
0x2b: {  	[tilespmem:s28], [sflag:$0x7] =	stream.linear.gather [hbm4b:s17+s13], $0x2710, $0x38;
	[tilespmem:$0x1FEA0] =	vst v63  }
0x2c: {  	_ =	swait.ge [sflag:s26], $0x2710  }
0x2d: {  	[sflag:s26] =	ssyncset.done $0x0  }
0x2e: {  	s14 =	simm.s32 $0x200;
	s13 =	simm.s32 $0x0;
	[sflag:s26] =	ssyncadd.s32 $0xFFFFD8F0  }
.LBB2_2:
0x2f: {  	p0 =	sne.s32 s14, $0x4E00;
	[tilespmem:s13+$0x9E90] =	vst v0  }
0x30: {  	[tilespmem:s13+$0x9E20] =	vst v0  }
0x31: {  	[tilespmem:s13+$0x9E30] =	vst v0  }
.Ltmp2:
0x32: {  	[tilespmem:s13+$0x9E40] =	vst v0;
	(pc) =	sbr.rel @p0 .LBB2_2-.Ltmp2, $4  }
0x33: {  	[tilespmem:s13+$0x9E50] =	vst v0  }
0x34: {  	[tilespmem:s13+$0x9E60] =	vst v0  }
0x35: {  	[tilespmem:s13+$0x9E70] =	vst v0  }
0x36: {  	[tilespmem:s13+$0x9E80] =	vst v0;
	s13 =	sshra.s32 s14, $0x2;
	s14 =	sadd.s32 $0x200, s14  }
0x37: {  	[tilespmem:s13+$0x9E90] =	vst v0  }
0x38: {  	[tilespmem:s13+$0x9E20] =	vst v0  }
0x39: {  	[tilespmem:s13+$0x9E30] =	vst v0  }
0x3a: {  	[tilespmem:s13+$0x9E40] =	vst v0  }
0x3b: {  	[tilespmem:s13+$0x9E50] =	vst v0  }
0x3c: {  	[tilespmem:s13+$0x9E60] =	vst v0  }
0x3d: {  	[tilespmem:s13+$0x9E70] =	vst v0  }
0x3e: {  	[tilespmem:s13+$0x9E80] =	vst v0  }
0x3f: {  	[spmem:s8] =	stream.linear.scatter [tilespmem:s29], [sflag:$0x7], $0x1400, $0x38;
	[tilespmem:$0x1FEA0] =	vst v63  }
0x40: {  	_ =	swait.ge [sflag:s26], $0x1400  }
0x41: {  	[sflag:s26] =	ssyncset.done $0x0  }
0x42: {  	s15 =	rddreg [dreg:$0x5];
	[sflag:s26] =	ssyncadd.s32 $0xFFFFEC00  }
0x43: {  	[spmem:s15] =	stream.linear.scatter [tilespmem:s29], [sflag:$0x7], $0x1400, $0x38;
	[tilespmem:$0x1FEA0] =	vst v63  }
0x44: {  	_ =	swait.ge [sflag:s26], $0x1400  }
0x45: {  	[sflag:s26] =	ssyncset.done $0x0  }
0x46: {  	s16 =	rddreg [dreg:$0x6];
	[sflag:s26] =	ssyncadd.s32 $0xFFFFEC00  }
0x47: {  	[spmem:s16] =	stream.linear.scatter [tilespmem:s29], [sflag:$0x7], $0x1400, $0x38;
	[tilespmem:$0x1FEA0] =	vst v63  }
0x48: {  	_ =	swait.ge [sflag:s26], $0x1400  }
0x49: {  	[sflag:s26] =	ssyncset.done $0x0  }
0x4a: {  	s17 =	rddreg [dreg:$0x7];
	[sflag:s26] =	ssyncadd.s32 $0xFFFFEC00  }
0x4b: {  	[spmem:s17] =	stream.linear.scatter [tilespmem:s29], [sflag:$0x7], $0x1400, $0x38;
	[tilespmem:$0x1FEA0] =	vst v63  }
0x4c: {  	_ =	swait.ge [sflag:s26], $0x1400  }
0x4d: {  	[sflag:s26] =	ssyncset.done $0x0  }
0x4e: {  	s14 =	rddreg [dreg:$0x8];
	[sflag:s26] =	ssyncadd.s32 $0xFFFFEC00  }
0x4f: {  	[spmem:s14] =	stream.linear.scatter [tilespmem:s29], [sflag:$0x7], $0x1400, $0x38;
	[tilespmem:$0x1FEA0] =	vst v63  }
0x50: {  	_ =	swait.ge [sflag:s26], $0x1400  }
0x51: {  	[sflag:s26] =	ssyncset.done $0x0  }
0x52: {  	s15 =	rddreg [dreg:$0x9];
	[sflag:s26] =	ssyncadd.s32 $0xFFFFEC00  }
0x53: {  	[spmem:s15] =	stream.linear.scatter [tilespmem:s29], [sflag:$0x7], $0x1400, $0x38;
	[tilespmem:$0x1FEA0] =	vst v63  }
0x54: {  	_ =	swait.ge [sflag:s26], $0x1400  }
0x55: {  	[sflag:s26] =	ssyncset.done $0x0  }
0x56: {  	s16 =	rddreg [dreg:$0xa];
	[sflag:s26] =	ssyncadd.s32 $0xFFFFEC00  }
0x57: {  	[spmem:s16] =	stream.linear.scatter [tilespmem:s29], [sflag:$0x7], $0x1400, $0x38;
	[tilespmem:$0x1FEA0] =	vst v63  }
0x58: {  	_ =	swait.ge [sflag:s26], $0x1400  }
0x59: {  	[sflag:s26] =	ssyncset.done $0x0  }
0x5a: {  	s17 =	rddreg [dreg:$0xb];
	[sflag:s26] =	ssyncadd.s32 $0xFFFFEC00  }
0x5b: {  	[spmem:s17] =	stream.linear.scatter [tilespmem:s29], [sflag:$0x7], $0x1400, $0x38;
	[tilespmem:$0x1FEA0] =	vst v63  }
0x5c: {  	_ =	swait.ge [sflag:s26], $0x1400  }
0x5d: {  	[sflag:s26] =	ssyncset.done $0x0  }
0x5e: {  	s14 =	rddreg [dreg:$0xc];
	[sflag:s26] =	ssyncadd.s32 $0xFFFFEC00  }
0x5f: {  	[spmem:s14] =	stream.linear.scatter [tilespmem:s29], [sflag:$0x7], $0x1400, $0x38;
	[tilespmem:$0x1FEA0] =	vst v63  }
0x60: {  	_ =	swait.ge [sflag:s26], $0x1400  }
0x61: {  	[sflag:s26] =	ssyncset.done $0x0  }
0x62: {  	s15 =	rddreg [dreg:$0xd];
	[sflag:s26] =	ssyncadd.s32 $0xFFFFEC00  }
0x63: {  	[spmem:s15] =	stream.linear.scatter [tilespmem:s29], [sflag:$0x7], $0x1400, $0x38;
	[tilespmem:$0x1FEA0] =	vst v63  }
0x64: {  	_ =	swait.ge [sflag:s26], $0x1400  }
0x65: {  	[sflag:s26] =	ssyncset.done $0x0  }
0x66: {  	[sflag:s26] =	ssyncadd.s32 $0xFFFFEC00  }
0x67: {  	[spmem:s18] =	stream.linear.scatter [tilespmem:s29], [sflag:$0x7], $0x1400, $0x38;
	[tilespmem:$0x1FEA0] =	vst v63  }
0x68: {  	_ =	swait.ge [sflag:s26], $0x1400  }
0x69: {  	[sflag:s26] =	ssyncset.done $0x0  }
0x6a: {  	[sflag:s26] =	ssyncadd.s32 $0xFFFFEC00  }
0x6b: {  	[spmem:s19] =	stream.linear.scatter [tilespmem:s29], [sflag:$0x7], $0x1400, $0x38;
	[tilespmem:$0x1FEA0] =	vst v63  }
0x6c: {  	_ =	swait.ge [sflag:s26], $0x1400  }
0x6d: {  	[sflag:s26] =	ssyncset.done $0x0  }
0x6e: {  	[sflag:s26] =	ssyncadd.s32 $0xFFFFEC00  }
0x6f: {  	[spmem:s20] =	stream.linear.scatter [tilespmem:s29], [sflag:$0x7], $0x1400, $0x38;
	[tilespmem:$0x1FEA0] =	vst v63  }
0x70: {  	_ =	swait.ge [sflag:s26], $0x1400  }
0x71: {  	[sflag:s26] =	ssyncset.done $0x0  }
0x72: {  	[sflag:s26] =	ssyncadd.s32 $0xFFFFEC00  }
0x73: {  	[spmem:s21] =	stream.linear.scatter [tilespmem:s29], [sflag:$0x7], $0x1400, $0x38;
	[tilespmem:$0x1FEA0] =	vst v63  }
0x74: {  	_ =	swait.ge [sflag:s26], $0x1400  }
0x75: {  	[sflag:s26] =	ssyncset.done $0x0  }
0x76: {  	[sflag:s26] =	ssyncadd.s32 $0xFFFFEC00  }
0x77: {  	[spmem:s22] =	stream.linear.scatter [tilespmem:s29], [sflag:$0x7], $0x1400, $0x38;
	[tilespmem:$0x1FEA0] =	vst v63  }
0x78: {  	_ =	swait.ge [sflag:s26], $0x1400  }
0x79: {  	[sflag:s26] =	ssyncset.done $0x0  }
0x7a: {  	[sflag:s26] =	ssyncadd.s32 $0xFFFFEC00  }
0x7b: {  	[spmem:s23] =	stream.linear.scatter [tilespmem:s29], [sflag:$0x7], $0xC80, $0x38;
	[tilespmem:$0x1FEA0] =	vst v63  }
0x7c: {  	_ =	swait.ge [sflag:s26], $0xC80  }
0x7d: {  	[sflag:s26] =	ssyncset.done $0x0  }
0x7e: {  	[sflag:s26] =	ssyncadd.s32 $0xFFFFF380  }
0x7f: {  	s13 =	simm.s32 $0x0;
	s14 =	simm.s32 $0x4E20;
	[bflag:$0x0] =	sbarrier.arrive $0xFFFF  }
0x80: {  	[tilespmem:s14], [sflag:$0x1] =	stream.indirect.gather [hbm4b:s4+s30], $0x80, s13, s30, $0xb8;
	[tilespmem:$0x1FEA0] =	vst v63  }
0x81: {  	s16 =	simm.s32 $0x7620  }
0x82: {  	[tilespmem:s16], [sflag:$0x3] =	stream.indirect.gather [hbm4b:s5+s30], $0x80, s28, s30, $0xb8;
	[tilespmem:$0x1FEA0] =	vst v63  }
0x83: {  	_ = 	snop  }
0x84: {  	[tilespmem:s31], [sflag:$0x2] =	stream.indirect.gather [hbm4b:s4+s30], $0x80, s30, s30, $0xb8;
	[tilespmem:$0x1FEA0] =	vst v63  }
0x85: {  	s17 =	simm.s32 $0x2738  }
0x86: {  	[tilespmem:s0], [sflag:$0x4] =	stream.indirect.gather [hbm4b:s5+s30], $0x80, s17, s30, $0xb8;
	[tilespmem:$0x1FEA0] =	vst v63  }
.LBB2_4:
0x87: {  	_ =	swait.ge [sflag:s1], $0x1400  }
0x88: {  	[sflag:s1] =	ssyncset.done $0x0  }
0x89: {  	[sflag:s1] =	ssyncadd.s32 $0xFFFFEC00  }
0x8a: {  	_ =	swait.ge [sflag:s3], $0x1400  }
0x8b: {  	p1 =	seq.s32 s13, $0x0;
	[sflag:s3] =	ssyncset.done $0x0  }
0x8c: {  	s14 =	simm.s32 @!p1 $0x5;
	[sflag:s3] =	ssyncadd.s32 $0xFFFFEC00  }
0x8d: {  	_ =	swait.ge @!p1 [sflag:s14], $0x1400  }
0x8e: {  	[sflag:s14] =	ssyncset.done @!p1 $0x0  }
0x8f: {  	[sflag:s14] =	ssyncadd.s32 @!p1 $0xFFFFEC00;
	s14 =	simm.s32 $0x0  }
0x90: {  	v1 =	vld [tilespmem:s14+$0x4E90]  }
0x91: {  	v2 =	vld [tilespmem:s14+$0x7690]  }
0x92: {  	v3 =	vld [tilespmem:s14+$0x4E20]  }
0x93: {  	v4 =	vld [tilespmem:s14+$0x7620]  }
0x94: {  	v5 =	vld [tilespmem:s14+$0x4E30]  }
0x95: {  	v6 =	vld [tilespmem:s14+$0x7630]  }
0x96: {  	v7 =	vld [tilespmem:s14+$0x4E40]  }
0x97: {  	v1 =	vadd.f32 v2, v1;
	v2 =	vld [tilespmem:s14+$0x7640]  }
0x98: {  	v8 =	vld [tilespmem:s14+$0x4E50]  }
0x99: {  	v9 =	vld [tilespmem:s14+$0x7650];
	v3 =	vadd.f32 v4, v3  }
0x9a: {  	v10 =	vld [tilespmem:s14+$0x4E60];
	v1 =	vmax.f32 v1, $0.0e+00  }
0x9b: {  	[tilespmem:s14+$0x9E90] =	vst v1;
	v1 =	vmax.f32 v3, $0.0e+00;
	v3 =	vadd.f32 v6, v5;
	v6 =	vld [tilespmem:s14+$0x7660]  }
0x9c: {  	v4 =	vld [tilespmem:s14+$0x7670];
	v2 =	vadd.f32 v2, v7  }
0x9d: {  	[tilespmem:s14+$0x9E20] =	vst v1;
	v1 =	vld [tilespmem:s14+$0x4E70];
	v3 =	vmax.f32 v3, $0.0e+00  }
0x9e: {  	v5 =	vld [tilespmem:s14+$0x7680];
	v7 =	vadd.f32 v9, v8;
	[tilespmem:s14+$0x9E30] =	vst v3;
	v3 =	vmax.f32 v2, $0.0e+00  }
0x9f: {  	s15 =	simm.s32 $0x80;
	v2 =	vld [tilespmem:s14+$0x4E80];
	[tilespmem:s14+$0x9E40] =	vst v3  }
0xa0: {  	s16 =	simm.s32 $0x400;
	v7 =	vmax.f32 v7, $0.0e+00;
	v6 =	vadd.f32 v6, v10;
	v3 =	vld [tilespmem:s15+$0x4E90]  }
.LBB2_5:
0xa1: {  	p0 =	sne.s32 s16, $0x4E00;
	v8 =	vld [tilespmem:s15+$0x7690];
	[tilespmem:s14+$0x9E50] =	vst v7  }
0xa2: {  	v7 =	vld [tilespmem:s15+$0x4E20];
	v6 =	vmax.f32 v6, $0.0e+00;
	v1 =	vadd.f32 v4, v1  }
0xa3: {  	v4 =	vld [tilespmem:s15+$0x7620];
	[tilespmem:s14+$0x9E60] =	vst v6  }
0xa4: {  	v6 =	vld [tilespmem:s15+$0x4E30];
	v1 =	vmax.f32 v1, $0.0e+00;
	v2 =	vadd.f32 v5, v2  }
0xa5: {  	v5 =	vld [tilespmem:s15+$0x7630];
	[tilespmem:s14+$0x9E70] =	vst v1  }
0xa6: {  	v1 =	vld [tilespmem:s15+$0x4E40];
	v3 =	vadd.f32 v8, v3;
	v2 =	vmax.f32 v2, $0.0e+00  }
0xa7: {  	v8 =	vld [tilespmem:s15+$0x7640];
	[tilespmem:s14+$0x9E80] =	vst v2;
	s14 =	smov.u32 s15  }
0xa8: {  	v2 =	vadd.f32 v4, v7;
	v7 =	vld [tilespmem:s14+$0x4E50];
	v3 =	vmax.f32 v3, $0.0e+00  }
0xa9: {  	v9 =	vld [tilespmem:s14+$0x7650];
	[tilespmem:s14+$0x9E90] =	vst v3  }
0xaa: {  	v2 =	vmax.f32 v2, $0.0e+00;
	v3 =	vadd.f32 v5, v6;
	v6 =	vld [tilespmem:s14+$0x4E60]  }
0xab: {  	[tilespmem:s14+$0x9E20] =	vst v2;
	v10 =	vld [tilespmem:s14+$0x7660]  }
.Ltmp3:
0xac: {  	v2 =	vmax.f32 v3, $0.0e+00;
	v3 =	vadd.f32 v8, v1;
	v1 =	vld [tilespmem:s14+$0x4E70];
	(pc) =	sbr.rel @p0 .LBB2_5-.Ltmp3, $4  }
0xad: {  	[tilespmem:s14+$0x9E30] =	vst v2;
	v4 =	vld [tilespmem:s14+$0x7670]  }
0xae: {  	v3 =	vmax.f32 v3, $0.0e+00;
	v7 =	vadd.f32 v9, v7;
	v2 =	vld [tilespmem:s14+$0x4E80]  }
0xaf: {  	s15 =	sshra.s32 s16, $0x2;
	[tilespmem:s14+$0x9E40] =	vst v3;
	v5 =	vld [tilespmem:s14+$0x7680]  }
0xb0: {  	s16 =	sadd.s32 $0x200, s16;
	v3 =	vld [tilespmem:s15+$0x4E90];
	v7 =	vmax.f32 v7, $0.0e+00;
	v6 =	vadd.f32 v10, v6  }
0xb1: {  	v8 =	vld [tilespmem:s15+$0x7690];
	[tilespmem:s14+$0x9E50] =	vst v7  }
0xb2: {  	v7 =	vld [tilespmem:s15+$0x4E20];
	v6 =	vmax.f32 v6, $0.0e+00;
	v1 =	vadd.f32 v4, v1  }
0xb3: {  	v9 =	vld [tilespmem:s15+$0x7620];
	[tilespmem:s14+$0x9E60] =	vst v6  }
0xb4: {  	v4 =	vld [tilespmem:s15+$0x4E30];
	v1 =	vmax.f32 v1, $0.0e+00;
	v2 =	vadd.f32 v5, v2  }
0xb5: {  	v6 =	vld [tilespmem:s15+$0x7630];
	[tilespmem:s14+$0x9E70] =	vst v1  }
0xb6: {  	v1 =	vld [tilespmem:s15+$0x4E40];
	v2 =	vmax.f32 v2, $0.0e+00  }
0xb7: {  	v5 =	vld [tilespmem:s15+$0x7640];
	v3 =	vadd.f32 v8, v3;
	[tilespmem:s14+$0x9E80] =	vst v2  }
0xb8: {  	v7 =	vadd.f32 v9, v7;
	v2 =	vld [tilespmem:s15+$0x4E50]  }
0xb9: {  	v3 =	vmax.f32 v3, $0.0e+00;
	v8 =	vld [tilespmem:s15+$0x7650]  }
0xba: {  	[tilespmem:s15+$0x9E90] =	vst v3;
	v3 =	vmax.f32 v7, $0.0e+00;
	v7 =	vld [tilespmem:s15+$0x4E60]  }
0xbb: {  	v4 =	vadd.f32 v6, v4;
	v6 =	vld [tilespmem:s15+$0x4E70]  }
0xbc: {  	[tilespmem:s15+$0x9E20] =	vst v3;
	v3 =	vld [tilespmem:s15+$0x7660];
	v1 =	vadd.f32 v5, v1  }
0xbd: {  	v4 =	vmax.f32 v4, $0.0e+00;
	v5 =	vld [tilespmem:s15+$0x4E80]  }
0xbe: {  	[tilespmem:s15+$0x9E30] =	vst v4;
	v4 =	vld [tilespmem:s15+$0x7670];
	v1 =	vmax.f32 v1, $0.0e+00  }
0xbf: {  	[tilespmem:s15+$0x9E40] =	vst v1;
	v1 =	vld [tilespmem:s15+$0x7680];
	_ =	sdelay $0x1  }
0xc0: {  	v2 =	vadd.f32 v8, v2  }
0xc1: {  	v3 =	vadd.f32 v3, v7  }
0xc2: {  	v2 =	vmax.f32 v2, $0.0e+00;
	v4 =	vadd.f32 v4, v6  }
0xc3: {  	p0 =	seq.s32 s13, $0x7C;
	[tilespmem:s15+$0x9E50] =	vst v2;
	v2 =	vmax.f32 v3, $0.0e+00;
	v1 =	vadd.f32 v1, v5  }
0xc4: {  	s14 =	smul.u32 @!p0 $0x50, s13;
	[tilespmem:s15+$0x9E60] =	vst v2;
	v2 =	vmax.f32 v4, $0.0e+00  }
0xc5: {  	[tilespmem:s15+$0x9E70] =	vst v2;
	v1 =	vmax.f32 v1, $0.0e+00  }
0xc6: {  	s16 =	simm.s32 @!p0 $0x28;
	s17 =	simm.s32 @!p0 $0x4E20;
	[tilespmem:s15+$0x9E80] =	vst v1;
	s15 =	sadd.s32 @!p0 $0x50, s14  }
0xc7: {  	[tilespmem:s17], [sflag:$0x1] =	stream.indirect.gather @!p0 [hbm4b:s4+s16], $0x80, s15, s16, $0xb8;
	[tilespmem:$0x1FEA0] =	vst v63  }
0xc8: {  	s14 =	sadd.s32 @!p0 $0x2760, s14;
	s15 =	simm.s32 @!p0 $0x7620;
	s17 =	smul.u32 $0x140, s13  }
0xc9: {  	[tilespmem:s15], [sflag:$0x3] =	stream.indirect.gather @!p0 [hbm4b:s5+s16], $0x80, s14, s16, $0xb8;
	[tilespmem:$0x1FEA0] =	vst v63  }
0xca: {  	s14 =	sshra.s32 s17, $0x2  }
0xcb: {  	s17 =	sadd.s32 $0x2710, s14  }
0xcc: {  	[spmem:s2] =	stream.indirect.scatter.add.f32 [tilespmem:s29], [sflag:$0x5], $0x80, s17, s30, $0xb8;
	[tilespmem:$0x1FEA0] =	vst v63  }
0xcd: {  	_ =	swait.ge [sflag:s6], $0x1400  }
0xce: {  	[sflag:s6] =	ssyncset.done $0x0  }
0xcf: {  	[sflag:s6] =	ssyncadd.s32 $0xFFFFEC00  }
0xd0: {  	_ =	swait.ge [sflag:s7], $0x1400  }
0xd1: {  	[sflag:s7] =	ssyncset.done $0x0  }
0xd2: {  	s15 =	simm.s32 @!p1 $0x6;
	[sflag:s7] =	ssyncadd.s32 $0xFFFFEC00  }
0xd3: {  	_ =	swait.ge @!p1 [sflag:s15], $0x1400  }
0xd4: {  	[sflag:s15] =	ssyncset.done @!p1 $0x0  }
0xd5: {  	[sflag:s15] =	ssyncadd.s32 @!p1 $0xFFFFEC00;
	s15 =	simm.s32 $0x0  }
0xd6: {  	v1 =	vld [tilespmem:s15+$0x6290]  }
0xd7: {  	v2 =	vld [tilespmem:s15+$0x8A90]  }
0xd8: {  	v3 =	vld [tilespmem:s15+$0x6220]  }
0xd9: {  	v4 =	vld [tilespmem:s15+$0x8A20]  }
0xda: {  	v5 =	vld [tilespmem:s15+$0x6230]  }
0xdb: {  	v6 =	vld [tilespmem:s15+$0x8A30]  }
0xdc: {  	v7 =	vld [tilespmem:s15+$0x6240]  }
0xdd: {  	v1 =	vadd.f32 v2, v1;
	v2 =	vld [tilespmem:s15+$0x8A40]  }
0xde: {  	v8 =	vld [tilespmem:s15+$0x6250]  }
0xdf: {  	v63 =	vld [tilespmem:s15+$0x8A50];
	v3 =	vadd.f32 v4, v3  }
0xe0: {  	v10 =	vld [tilespmem:s15+$0x6260];
	v1 =	vmax.f32 v1, $0.0e+00  }
0xe1: {  	[tilespmem:s15+$0xB290] =	vst v1;
	v1 =	vmax.f32 v3, $0.0e+00;
	v3 =	vadd.f32 v6, v5;
	v6 =	vld [tilespmem:s15+$0x8A60]  }
0xe2: {  	v4 =	vld [tilespmem:s15+$0x8A70];
	v2 =	vadd.f32 v2, v7  }
0xe3: {  	[tilespmem:s15+$0xB220] =	vst v1;
	v1 =	vld [tilespmem:s15+$0x6270];
	v3 =	vmax.f32 v3, $0.0e+00  }
0xe4: {  	v5 =	vld [tilespmem:s15+$0x8A80];
	v7 =	vadd.f32 v63, v8;
	[tilespmem:s15+$0xB230] =	vst v3;
	v3 =	vmax.f32 v2, $0.0e+00  }
0xe5: {  	s16 =	simm.s32 $0x80;
	v2 =	vld [tilespmem:s15+$0x6280];
	[tilespmem:s15+$0xB240] =	vst v3  }
0xe6: {  	s17 =	simm.s32 $0x400;
	v7 =	vmax.f32 v7, $0.0e+00;
	v6 =	vadd.f32 v6, v10;
	v3 =	vld [tilespmem:s16+$0x6290]  }
.LBB2_7:
0xe7: {  	p1 =	sne.s32 s17, $0x4E00;
	v8 =	vld [tilespmem:s16+$0x8A90];
	[tilespmem:s15+$0xB250] =	vst v7  }
0xe8: {  	v7 =	vld [tilespmem:s16+$0x6220];
	v6 =	vmax.f32 v6, $0.0e+00;
	v1 =	vadd.f32 v4, v1  }
0xe9: {  	v4 =	vld [tilespmem:s16+$0x8A20];
	[tilespmem:s15+$0xB260] =	vst v6  }
0xea: {  	v6 =	vld [tilespmem:s16+$0x6230];
	v1 =	vmax.f32 v1, $0.0e+00;
	v2 =	vadd.f32 v5, v2  }
0xeb: {  	v5 =	vld [tilespmem:s16+$0x8A30];
	[tilespmem:s15+$0xB270] =	vst v1  }
0xec: {  	v1 =	vld [tilespmem:s16+$0x6240];
	v3 =	vadd.f32 v8, v3;
	v2 =	vmax.f32 v2, $0.0e+00  }
0xed: {  	v8 =	vld [tilespmem:s16+$0x8A40];
	[tilespmem:s15+$0xB280] =	vst v2;
	s15 =	smov.u32 s16  }
0xee: {  	v2 =	vadd.f32 v4, v7;
	v7 =	vld [tilespmem:s15+$0x6250];
	v3 =	vmax.f32 v3, $0.0e+00  }
0xef: {  	v9 =	vld [tilespmem:s15+$0x8A50];
	[tilespmem:s15+$0xB290] =	vst v3  }
0xf0: {  	v2 =	vmax.f32 v2, $0.0e+00;
	v3 =	vadd.f32 v5, v6;
	v6 =	vld [tilespmem:s15+$0x6260]  }
0xf1: {  	[tilespmem:s15+$0xB220] =	vst v2;
	v10 =	vld [tilespmem:s15+$0x8A60]  }
.Ltmp4:
0xf2: {  	v2 =	vmax.f32 v3, $0.0e+00;
	v3 =	vadd.f32 v8, v1;
	v1 =	vld [tilespmem:s15+$0x6270];
	(pc) =	sbr.rel @p1 .LBB2_7-.Ltmp4, $4  }
0xf3: {  	[tilespmem:s15+$0xB230] =	vst v2;
	v4 =	vld [tilespmem:s15+$0x8A70]  }
0xf4: {  	v3 =	vmax.f32 v3, $0.0e+00;
	v7 =	vadd.f32 v9, v7;
	v2 =	vld [tilespmem:s15+$0x6280]  }
0xf5: {  	s16 =	sshra.s32 s17, $0x2;
	[tilespmem:s15+$0xB240] =	vst v3;
	v5 =	vld [tilespmem:s15+$0x8A80]  }
0xf6: {  	s17 =	sadd.s32 $0x200, s17;
	v3 =	vld [tilespmem:s16+$0x6290];
	v7 =	vmax.f32 v7, $0.0e+00;
	v6 =	vadd.f32 v10, v6  }
0xf7: {  	v8 =	vld [tilespmem:s16+$0x8A90];
	[tilespmem:s15+$0xB250] =	vst v7  }
0xf8: {  	v7 =	vld [tilespmem:s16+$0x6220];
	v6 =	vmax.f32 v6, $0.0e+00;
	v1 =	vadd.f32 v4, v1  }
0xf9: {  	v9 =	vld [tilespmem:s16+$0x8A20];
	[tilespmem:s15+$0xB260] =	vst v6  }
0xfa: {  	v57 =	vld [tilespmem:s16+$0x6230];
	v1 =	vmax.f32 v1, $0.0e+00;
	v2 =	vadd.f32 v5, v2  }
0xfb: {  	v6 =	vld [tilespmem:s16+$0x8A30];
	[tilespmem:s15+$0xB270] =	vst v1  }
0xfc: {  	v1 =	vld [tilespmem:s16+$0x6240];
	v2 =	vmax.f32 v2, $0.0e+00  }
0xfd: {  	v58 =	vld [tilespmem:s16+$0x8A40];
	[tilespmem:s15+$0xB280] =	vst v2  }
0xfe: {  	v2 =	vld [tilespmem:s16+$0x6250]  }
0xff: {  	v3 =	vadd.f32 v8, v3;
	v59 =	vld [tilespmem:s16+$0x8A50]  }
0x100: {  	v7 =	vadd.f32 v9, v7;
	v60 =	vld [tilespmem:s16+$0x6260]  }
0x101: {  	v3 =	vmax.f32 v3, $0.0e+00;
	v61 =	vld [tilespmem:s16+$0x6270]  }
0x102: {  	v62 =	vld [tilespmem:s16+$0x8A70];
	[tilespmem:s16+$0xB290] =	vst v3;
	v3 =	vmax.f32 v7, $0.0e+00;
	v1 =	vadd.f32 v58, v1  }
0x103: {  	[tilespmem:s16+$0xB220] =	vst v3;
	v3 =	vld [tilespmem:s16+$0x8A60]  }
0x104: {  	v63 =	vld [tilespmem:s16+$0x6280];
	v1 =	vmax.f32 v1, $0.0e+00  }
0x105: {  	[tilespmem:s16+$0xB240] =	vst v1;
	v1 =	vld [tilespmem:s16+$0x8A80]  }
0x106: {  	v4 =	vadd.f32 v6, v57  }
0x107: {  	v2 =	vadd.f32 v59, v2  }
0x108: {  	v4 =	vmax.f32 v4, $0.0e+00;
	v3 =	vadd.f32 v3, v60  }
.Ltmp5:
0x109: {  	[tilespmem:s16+$0xB230] =	vst v4;
	v4 =	vadd.f32 v62, v61;
	v2 =	vmax.f32 v2, $0.0e+00;
	(pc) =	sbr.rel @p0 .LBB2_10-.Ltmp5, $4  }
0x10a: {  	[tilespmem:s16+$0xB250] =	vst v2;
	v2 =	vmax.f32 v3, $0.0e+00;
	v1 =	vadd.f32 v1, v63  }
0x10b: {  	[tilespmem:s16+$0xB260] =	vst v2;
	v2 =	vmax.f32 v4, $0.0e+00  }
0x10c: {  	[tilespmem:s16+$0xB270] =	vst v2;
	v1 =	vmax.f32 v1, $0.0e+00  }
0x10d: {  	s14 =	sadd.s32 $0x2738, s14;
	[tilespmem:s16+$0xB280] =	vst v1  }
0x10e: {  	s15 =	smul.u32 $0x50, s13;
	_ =	sdelay $0x1  }
0x10f: {  	s16 =	sadd.s32 $0x78, s15  }
0x110: {  	[tilespmem:s31], [sflag:$0x2] =	stream.indirect.gather [hbm4b:s4+s30], $0x80, s16, s30, $0xb8;
	[tilespmem:$0x1FEA0] =	vst v63  }
.Ltmp6:
0x111: {  	_ = 	snop;
	(pc) =	sbr.rel .LBB2_4-.Ltmp6, $4  }
0x112: {  	s15 =	sadd.s32 $0x2788, s15  }
0x113: {  	[tilespmem:s0], [sflag:$0x4] =	stream.indirect.gather [hbm4b:s5+s30], $0x80, s15, s30, $0xb8;
	[tilespmem:$0x1FEA0] =	vst v63  }
0x114: {  	s13 =	sadd.s32 $0x1, s13  }
0x115: {  	[spmem:s2] =	stream.indirect.scatter.add.f32 [tilespmem:s9], [sflag:$0x6], $0x80, s14, s30, $0xb8;
	[tilespmem:$0x1FEA0] =	vst v63  }
.LBB2_11:
0x116: {  	_ =	sfence.sel $0x180000  }
0x117: {  	[bflag:$0x0] =	sbarrier.arrive $0xFFFF  }
0x118: {  	_ =	strace $0x9000004D  }
0x119: {  	s0 =	stileid.u32;
	[bflag:$0x2] =	sbarrier.arrive $0xFFFF  }
0x11a: {  	p0 =	sne.s32 s0, $0x0;
	s0 =	rddreg [dreg:$0x2]  }
0x11b: {  	s0 =	sadd.s32 @!p0 $0x100000, s0  }
0x11c: {  	[sflag:s0] =	ssyncadd.tile.s32 @!p0 $0x1;
	_ =	shalt  }
.Lfunc_end2:
_tile_overlayer_lowered:
.L_overlay_start_2:
0x11d: {  	(tag) =	ssettag $0x2  }
0x11e: {  	s0 =	rddreg [dreg:$0x0];
	s2 =	stileid.u32  }
0x11f: {  	s1 =	rddreg [dreg:$0x1];
	p0 =	sne.s32 s2, $0x0  }
0x120: {  	s3 =	rddreg [dreg:$0x2];
	[bflag:$0x3] =	sbarrier.arrive $0xFFFF;
	s2 =	simm.s32 @!p0 $0x1C07  }
0x121: {  	[timem:s3], [sflag:s2] =	dma.local @!p0 [hbm:s0], s1  }
0x122: {  	s0 =	simm.s32 @!p0 $0x7  }
0x123: {  	_ =	swait.ge @!p0 [sflag:s0], s1  }
0x124: {  	s1 =	ssub.s32 @!p0 $0x0, s1;
	[sflag:s0] =	ssyncset.done @!p0 $0x0  }
0x125: {  	[sflag:s0] =	ssyncadd.s32 @!p0 s1  }
0x126: {  	[bflag:$0x3] =	sbarrier.arrive $0xFFFF  }
0x127: {  	_ =	shalt  }

// kernel: kernel.8.cloned.1.call-start
scs
__scs_entry_jumppad:
0x0: {  	(pc) =	sbr.rel $0x88, $3  }
0x1: {  	(tag) =	ssettag $0x0;
	lr =	simm.s32 $0x1  }
0x2: {  	[smem:$0x3F86] =	sst lr;
	_ =	strace $0xD0000000  }
0x3: {  	_ = 	snop  }
0x4: {  	_ = 	snop  }
0x5: {  	_ = 	snop  }
0x6: {  	_ = 	snop  }
0x7: {  	_ = 	snop  }
__scs_overlays_trampoline_lowered:
0x8: {  	[smem:$0x3F95] =	sst s0  }
0x9: {  	[smem:$0x3F96] =	sst s1  }
0xa: {  	[smem:$0x3F97] =	sst s2  }
0xb: {  	[smem:$0x3F98] =	sst s3  }
0xc: {  	[smem:$0x3F99] =	sst s4  }
0xd: {  	[smem:$0x3F9A] =	sst s5  }
0xe: {  	[smem:$0x3F9B] =	sst s6  }
0xf: {  	[smem:$0x3F9C] =	sst s7  }
0x10: {  	[smem:$0x3F9D] =	sst s8  }
0x11: {  	[smem:$0x3F9E] =	sst s9;
	s0 =	simm.s32 @!p0 $0x0  }
0x12: {  	s1 =	sld [smem:$0x3F84];
	s0 =	simm.s32 @p0 $0x1  }
0x13: {  	[smem:$0x3F9F] =	sst s0;
	s0 =	simm.s32 @!p1 $0x0  }
0x14: {  	s2 =	sld [smem:$0x3F83];
	s0 =	simm.s32 @p1 $0x1  }
0x15: {  	[smem:$0x3FA0] =	sst s0;
	s0 =	simm.s32 @!p2 $0x0  }
0x16: {  	s3 =	sld [smem:$0x3FDB];
	s0 =	simm.s32 @p2 $0x1  }
0x17: {  	s4 =	simm.s32 $0x1BF5;
	[smem:$0x3FA2] =	sst s0  }
0x18: {  	s0 =	sld [smem:$0x3F85];
	_ =	swait.ge [sflag:s4], $0x0  }
0x19: {  	s7 =	sld [smem:$0x3F86]  }
0x1a: {  	s8 =	sadd.s32 $0xFFFFE003, lr  }
0x1b: {  	s9 =	sadd.s32 $0xFFFFFEF7, lr;
	s5 =	simm.s32 $0xFFFFFFFF;
	p2 =	slt.u32 s8, $0xFFFFF086  }
0x1c: {  	p1 =	slt.u32 s9, $0xF7A;
	s5 =	simm.s32 @!p2 $0x0  }
0x1d: {  	s5 =	simm.s32 @p1 $0x1;
	p0 =	seq.s32 s7, s2  }
0x1e: {  	s7 =	smul.u32 @!p0 $0xF7A, s2;
	p2 =	seq.s32 @!p0 s5, $0x0  }
0x1f: {  	s9 =	smul.u32 $0xF7A, s1;
	s8 =	simm.s32 @!p0 $0x1BF5;
	p2 =	por !p2, p0  }
0x20: {  	[sflag:s8] =	ssyncset.s32 @!p0 $0xFFFFF086;
	s6 =	sadd.s32 @!p0 s3, s7;
	s7 =	simm.s32 @!p0 $0x108  }
0x21: {  	s3 =	sadd.s32 s3, s9;
	s6 =	sadd.s32 @!p0 $0x88, s6;
	s7 =	simm.s32 @p2 $0x1082  }
0x22: {  	[simem:s7], [sflag:s8] =	dma.local @!p0 [hbm:s6], $0xF7A  }
0x23: {  	s9 =	sor.u32 $0xD0000000, s2;
	s6 =	simm.s32 $0x108;
	_ =	swait.ge @!p0 [sflag:s8], $0x0  }
0x24: {  	s3 =	sadd.s32 $0x88, s3;
	s6 =	simm.s32 @!p1 $0x1082;
	[sflag:s4] =	ssyncset.s32 $0xFFFFF086  }
0x25: {  	[simem:s6], [sflag:s4] =	dma.local [hbm:s3], $0xF7A  }
0x26: {  	[smem:$0x3F86] =	sst s1;
	(tag) =	ssettag s2;
	_ =	strace s9  }
0x27: {  	s1 =	sld [smem:$0x3F96]  }
0x28: {  	s2 =	sld [smem:$0x3F97]  }
0x29: {  	s4 =	sld [smem:$0x3F99]  }
0x2a: {  	p0 =	seq.s32 s5, $0x0;
	s5 =	sld [smem:$0x3F9A]  }
0x2b: {  	s6 =	sld [smem:$0x3F9B]  }
0x2c: {  	s7 =	sld [smem:$0x3F9C]  }
0x2d: {  	s3 =	simm.s32 $0x108;
	s8 =	sld [smem:$0x3F9D]  }
0x2e: {  	s3 =	simm.s32 @!p0 $0x1082;
	s9 =	sld [smem:$0x3F9E]  }
0x2f: {  	lr =	sadd.s32 s0, s3;
	s0 =	sld [smem:$0x3F95]  }
0x30: {  	s3 =	sld [smem:$0x3F98]  }
0x31: {  	[smem:$0x3FA1] =	sst s10  }
0x32: {  	s10 =	sld [smem:$0x3F9F];
	_ =	sdelay $0x3  }
0x33: {  	p0 =	seq.s32 s10, $0x1;
	s10 =	sld [smem:$0x3FA1];
	_ =	sdelay $0x3  }
0x34: {  	[smem:$0x3FA1] =	sst s10  }
0x35: {  	s10 =	sld [smem:$0x3FA0];
	_ =	sdelay $0x3  }
0x36: {  	p1 =	seq.s32 s10, $0x1;
	s10 =	sld [smem:$0x3FA1];
	_ =	sdelay $0x3  }
0x37: {  	[smem:$0x3FA1] =	sst s10  }
0x38: {  	s10 =	sld [smem:$0x3FA2]  }
0x39: {  	_ = 	snop;
	(pc) =	sbr.ind lr, $3  }
0x3a: {  	_ = 	snop  }
0x3b: {  	_ = 	snop  }
0x3c: {  	p2 =	seq.s32 s10, $0x1;
	s10 =	sld [smem:$0x3FA1]  }
0x3d: {  	_ =	shalt  }
0x3e: {  	_ =	shalt  }
0x3f: {  	_ =	shalt  }
0x40: {  	_ =	shalt  }
0x41: {  	_ =	shalt  }
0x42: {  	_ =	shalt  }
0x43: {  	_ =	shalt  }
0x44: {  	_ =	shalt  }
0x45: {  	_ =	shalt  }
0x46: {  	_ =	shalt  }
0x47: {  	_ =	shalt  }
0x48: {  	_ =	shalt  }
0x49: {  	_ =	shalt  }
0x4a: {  	_ =	shalt  }
0x4b: {  	_ =	shalt  }
0x4c: {  	_ =	shalt  }
0x4d: {  	_ =	shalt  }
0x4e: {  	_ =	shalt  }
0x4f: {  	_ =	shalt  }
0x50: {  	_ =	shalt  }
0x51: {  	_ =	shalt  }
0x52: {  	_ =	shalt  }
0x53: {  	_ =	shalt  }
0x54: {  	_ =	shalt  }
0x55: {  	_ =	shalt  }
0x56: {  	_ =	shalt  }
0x57: {  	_ =	shalt  }
0x58: {  	_ =	shalt  }
0x59: {  	_ =	shalt  }
0x5a: {  	_ =	shalt  }
0x5b: {  	_ =	shalt  }
0x5c: {  	_ =	shalt  }
0x5d: {  	_ =	shalt  }
0x5e: {  	_ =	shalt  }
0x5f: {  	_ =	shalt  }
0x60: {  	_ =	shalt  }
0x61: {  	_ =	shalt  }
0x62: {  	_ =	shalt  }
0x63: {  	_ =	shalt  }
0x64: {  	_ =	shalt  }
0x65: {  	_ =	shalt  }
0x66: {  	_ =	shalt  }
0x67: {  	_ =	shalt  }
0x68: {  	_ =	shalt  }
0x69: {  	_ =	shalt  }
0x6a: {  	_ =	shalt  }
0x6b: {  	_ =	shalt  }
0x6c: {  	_ =	shalt  }
0x6d: {  	_ =	shalt  }
0x6e: {  	_ =	shalt  }
0x6f: {  	_ =	shalt  }
0x70: {  	_ =	shalt  }
0x71: {  	_ =	shalt  }
0x72: {  	_ =	shalt  }
0x73: {  	_ =	shalt  }
0x74: {  	_ =	shalt  }
0x75: {  	_ =	shalt  }
0x76: {  	_ =	shalt  }
0x77: {  	_ =	shalt  }
0x78: {  	_ =	shalt  }
0x79: {  	_ =	shalt  }
0x7a: {  	_ =	shalt  }
0x7b: {  	_ =	shalt  }
0x7c: {  	_ =	shalt  }
0x7d: {  	_ =	shalt  }
0x7e: {  	_ =	shalt  }
0x7f: {  	_ =	shalt  }
0x80: {  	_ =	shalt  }
0x81: {  	_ =	shalt  }
0x82: {  	_ =	shalt  }
0x83: {  	_ =	shalt  }
0x84: {  	_ =	shalt  }
0x85: {  	_ =	shalt  }
0x86: {  	_ =	shalt  }
0x87: {  	_ =	shalt  }
.Lfunc_end0:
.L_simem_size_0:
called_computation_lowered:
.L_overlay_start_0:
0x88: {  	s2 =	sld [smem:$0x3FD9]  }
0x89: {  	s3 =	sld [smem:$0x3FFE];
	_ =	sdelay $0x1  }
0x8a: {  	s1 =	srdreg.scid  }
0x8b: {  	s0 =	sand.u32 $0x1, s1  }
0x8c: {  	s17 =	sshll.u32 s0, $0xA;
	s2 =	sadd.s32 s3, s2  }
0x8d: {  	s2 =	sadd.s32 s2, s17  }
0x8e: {  	[smem:$0x3FAD] =	sst s2  }
0x8f: {  	_ = 	snop  }
0x90: {  	(tm) =	ssettm $0x1  }
0x91: {  	s18 =	sld [smem:$0x3FFB];
	_ =	sdelay $0x3  }
0x92: {  	_ =	strace s18  }
0x93: {  	s2 =	sld [smem:$0x3FFC];
	_ =	sdelay $0x3  }
0x94: {  	_ =	strace s2  }
0x95: {  	s2 =	sld [smem:$0x3FFD];
	_ =	sdelay $0x3  }
0x96: {  	_ =	strace s2  }
0x97: {  	_ =	strace $0x8FFFFFFF  }
0x98: {  	s19 =	sld [smem:$0x3FDB];
	_ =	sdelay $0x1  }
0x99: {  	s20 =	simm.s32 $_scs_section_size  }
0x9a: {  	s4 =	simm.s32 $_size__tile_overlayer_lowered;
	s5 =	simm.s32 $_tile_overlayer_lowered  }
0x9b: {  	s6 =	simm.s32 $0x1BFF;
	s21 =	sshll.u32 s5, $0x1;
	s3 =	sadd.s32 s20, s19  }
0x9c: {  	s22 =	simm.s32 $0x0;
	s4 =	sshll.u32 s4, $0x1;
	s5 =	sadd.s32 s21, s3  }
0x9d: {  	[timem:s22], [sflag:s6] =	dma.local [hbm:s5], s4  }
0x9e: {  	_ =	swait.ge [sflag:s6], s4  }
0x9f: {  	s4 =	ssub.s32 $0x0, s4;
	[sflag:s6] =	ssyncset.done $0x0  }
0xa0: {  	[sflag:s6] =	ssyncadd.s32 s4;
	_ =	sdelay $0x1  }
0xa1: {  	s23 =	simm.s32 $0x1B8B  }
0xa2: {  	_ =	swait.ge [sflag:s23], $0x1  }
0xa3: {  	[sflag:s23] =	ssyncset.done $0x0  }
0xa4: {  	[sflag:s23] =	ssyncadd.s32 $0xFFFFFFFF  }
0xa5: {  	s4 =	sld [smem:$0x0]  }
0xa6: {  	s5 =	sand.u32 $0xFFFFFFFE, s1  }
0xa7: {  	p0 =	sne.s32 s1, s5  }
0xa8: {  	s5 =	sshll.u32 @p0 s5, $0xE  }
0xa9: {  	s5 =	sadd.s32 @p0 $0x11B8D, s5;
	s6 =	sshll.u32 @p0 s4, $0x11  }
0xaa: {  	s5 =	sor.u32 @p0 s6, s5  }
0xab: {  	[sflag:s5] =	ssyncadd.remote.s32 @p0 $0x1;
	_ =	sdelay $0x1  }
0xac: {  	s5 =	simm.s32 @p0 $0x1B8D  }
0xad: {  	_ =	swait.eq @p0 [sflag:s5], $0x1  }
0xae: {  	[sflag:s5] =	ssyncadd.s32 @p0 $0xFFFFFFFF  }
0xaf: {  	s6 =	sshll.u32 @!p0 s1, $0xE  }
0xb0: {  	s6 =	sor.u32 @!p0 $0x4000, s6;
	s5 =	simm.s32 @!p0 $0x1B8D  }
0xb1: {  	s4 =	sshll.u32 @!p0 s4, $0x11;
	s6 =	sadd.s32 @!p0 $0x11B8D, s6;
	_ =	swait.eq @!p0 [sflag:s5], $0x1  }
0xb2: {  	s4 =	sor.u32 @!p0 s4, s6;
	[sflag:s5] =	ssyncadd.s32 @!p0 $0xFFFFFFFF  }
0xb3: {  	s25 =	simm.s32 $0x1B8E;
	s24 =	sld [smem:$0x3FFE];
	[sflag:s4] =	ssyncadd.remote.s32 @!p0 $0x1  }
0xb4: {  	s26 =	simm.s32 $execute0_lowered;
	[smem:$0x3FD2] =	sst s25  }
0xb5: {  	s5 =	sshll.u32 s26, $0x1;
	_ =	strace $0x80000049;
	[dreg:$0x1] =	wrdreg $0xFFFFFFFF  }
0xb6: {  	s28 =	simm.s32 $_size_execute0_lowered;
	s3 =	sadd.s32 s3, s5;
	[dreg:$0x0] =	wrdreg $0x0  }
0xb7: {  	s5 =	sshll.u32 s28, $0x1;
	[dreg:$0x2] =	wrdreg s3  }
0xb8: {  	[dreg:$0x3] =	wrdreg s5  }
0xb9: {  	[dreg:$0x4] =	wrdreg $0xC0  }
0xba: {  	_ =	task [dreg:s22], $0x5FFFF  }
0xbb: {  	[dreg:$0x1] =	wrdreg $0xFFFFFFFF  }
0xbc: {  	[dreg:$0x0] =	wrdreg $0x60  }
0xbd: {  	[dreg:$0x2] =	wrdreg s24  }
0xbe: {  	[dreg:$0x3] =	wrdreg $0x2C100  }
0xbf: {  	[dreg:$0x4] =	wrdreg $0x9  }
0xc0: {  	_ =	task.clear_ibuf [dreg:s22], $0x5FFFF;
	_ =	strace $0x90000049  }
0xc1: {  	s29 =	simm.s32 $0x9;
	_ =	strace $0x8000004B  }
0xc2: {  	_ =	swait.ge [sflag:s29], $0x1  }
0xc3: {  	[sflag:s29] =	ssyncadd.s32 $0xFFFFFFFF  }
0xc4: {  	_ =	strace $0x9000004B  }
0xc5: {  	_ =	sfence  }
0xc6: {  	s30 =	sld [smem:$0x0];
	_ =	sdelay $0x2  }
0xc7: {  	s31 =	sshll.u32 s1, $0xD;
	s1 =	sshrl.u32 s1, $0x2  }
0xc8: {  	s4 =	sand.u32 $0x4000, s31;
	s1 =	sadd.s32 s1, s30  }
0xc9: {  	s0 =	sor.u32 s4, s0;
	s1 =	sshll.u32 s1, $0x11  }
0xca: {  	s0 =	sor.u32 s1, s0  }
0xcb: {  	s0 =	sadd.s32 $0x8F2B, s0  }
0xcc: {  	[sflag:s0] =	ssyncadd.remote.s32 $0x1  }
0xcd: {  	_ =	sfence.sel $0xFFFF  }
0xce: {  	[dreg:$0x0] =	wrdreg $0xFFFFFFFF;
	(pc) =	sbr.abs _section_cstart, $3  }
0xcf: {  	[dreg:$0x1] =	wrdreg $0xFFFFFFFF  }
0xd0: {  	_ =	task.clear_ibuf [dreg:s22], $0x2FFFF;
	_ =	strace $0x9FFFFFFF  }
0xd1: {  	(tm) =	ssettm $0x7FFFFFFF  }
tec
execute0_lowered:
.L_overlay_start_1:
0x0: {  	(tag) =	ssettag $0x1  }
0x1: {  	s4 =	rddreg [dreg:$0x0]  }
0x2: {  	s0 =	srdreg.scid;
	s2 =	rddreg [dreg:$0x1]  }
0x3: {  	s1 =	stileid.u32;
	s3 =	simm.s32 $0x0;
	s23 =	simm.s32 $0x2  }
0x4: {  	s24 =	simm.s32 $0x2990;
	s25 =	simm.s32 $0x28;
	s26 =	simm.s32 $0x2710  }
0x5: {  	s28 =	simm.s32 $0x1;
	s29 =	simm.s32 $0x0;
	s7 =	smul.u32 $0x2710, s1  }
0x6: {  	s5 =	sand.u32 $0x1, s0;
	[smem:$0x7FF] =	sst s3;
	s9 =	smul.u32 $0x9C40, s1  }
0x7: {  	s6 =	sshll.u32 s5, $0x4;
	s8 =	smul.u32 $0x27100, s5;
	s5 =	ssub.s32 $0x2, s5  }
0x8: {  	_ =	strace $0x8000004A;
	s6 =	sor.u32 s1, s6;
	s30 =	sshrl.u32 s5, $0x1  }
0x9: {  	s31 =	sshrl.u32 s9, $0x2;
	s6 =	smul.u32 $0x4E2, s6;
	s8 =	sadd.s32 s7, s8  }
0xa: {  	s22 =	ssub.s32 s5, s30;
	s20 =	sadd.s32 s31, s2;
	s5 =	sadd.s32 s7, s2  }
0xb: {  	s8 =	sshrl.u32 s8, $0x3;
	s7 =	sadd.s32 $0x500, s20;
	s9 =	sadd.s32 $0xA00, s20  }
0xc: {  	s10 =	sadd.s32 $0xC80, s20;
	s11 =	sadd.s32 $0xF00, s20;
	s12 =	sadd.s32 $0x1180, s20  }
0xd: {  	s13 =	sadd.s32 $0x1400, s20;
	s14 =	sadd.s32 $0x1680, s20;
	s15 =	sadd.s32 $0x1900, s20  }
0xe: {  	s16 =	sadd.s32 $0x1B80, s20;
	s17 =	sadd.s32 $0x1E00, s20;
	s18 =	sadd.s32 $0x2080, s20  }
0xf: {  	s19 =	sadd.s32 $0x2300, s20;
	s22 =	smax.u32 s22, $0x1;
	s6 =	sadd.s32 s6, s4  }
0x10: {  	s21 =	sadd.s32 s8, s4;
	s8 =	sadd.s32 $0x780, s20;
	s4 =	sadd.s32 $0x6E00, s6  }
0x11: {  	v0 =	vimm.f32 $1.000000000e+00;
	v1 =	vimm.f32 $0.0e+00;
	s6 =	sadd.s32 $0x280, s20;
	s20 =	sadd.s32 $0x2580, s20;
	s21 =	sadd.s32 $0xB7000, s21  }
.LBB2_1:
0x12: {  	[tilespmem:s3], [sflag:$0x2] =	stream.linear.gather [hbm4b:s4+s3], $0x2710, $0x38;
	[tilespmem:$0x5320] =	vst v63  }
0x13: {  	_ =	swait.ge [sflag:s23], $0x2710  }
0x14: {  	[sflag:s23] =	ssyncset.done $0x0  }
0x15: {  	s30 =	simm.s32 $0x40;
	s31 =	simm.s32 $0x0;
	[sflag:s23] =	ssyncadd.s32 $0xFFFFD8F0  }
.LBB2_2:
0x16: {  	p0 =	sne.s32 s30, $0x9C0;
	[tilespmem:s31+$0x2710] =	vst v0;
	s0 =	smov.u32 s30;
	s30 =	sadd.s32 $0x40, s30  }
.Ltmp0:
0x17: {  	[tilespmem:s31+$0x2990] =	vst v1;
	(pc) =	sbr.rel @p0 .LBB2_2-.Ltmp0, $2  }
0x18: {  	_ =	sdelay $0x2  }
0x19: {  	s31 =	sshra.s32 s0, $0x2  }
0x1a: {  	[tilespmem:s31+$0x2710] =	vst v0  }
0x1b: {  	[tilespmem:s31+$0x2990] =	vst v1  }
0x1c: {  	[spmem:s5] =	stream.linear.scatter [tilespmem:s24], [sflag:$0x2], $0x280, $0x38;
	[tilespmem:$0x5320] =	vst v63  }
0x1d: {  	_ =	swait.ge [sflag:s23], $0x280  }
0x1e: {  	[sflag:s23] =	ssyncset.done $0x0  }
0x1f: {  	[sflag:s23] =	ssyncadd.s32 $0xFFFFFD80  }
0x20: {  	[spmem:s6] =	stream.linear.scatter [tilespmem:s24], [sflag:$0x2], $0x280, $0x38;
	[tilespmem:$0x5320] =	vst v63  }
0x21: {  	_ =	swait.ge [sflag:s23], $0x280  }
0x22: {  	[sflag:s23] =	ssyncset.done $0x0  }
0x23: {  	[sflag:s23] =	ssyncadd.s32 $0xFFFFFD80  }
0x24: {  	[spmem:s7] =	stream.linear.scatter [tilespmem:s24], [sflag:$0x2], $0x280, $0x38;
	[tilespmem:$0x5320] =	vst v63  }
0x25: {  	_ =	swait.ge [sflag:s23], $0x280  }
0x26: {  	[sflag:s23] =	ssyncset.done $0x0  }
0x27: {  	[sflag:s23] =	ssyncadd.s32 $0xFFFFFD80  }
0x28: {  	[spmem:s8] =	stream.linear.scatter [tilespmem:s24], [sflag:$0x2], $0x280, $0x38;
	[tilespmem:$0x5320] =	vst v63  }
0x29: {  	_ =	swait.ge [sflag:s23], $0x280  }
0x2a: {  	[sflag:s23] =	ssyncset.done $0x0  }
0x2b: {  	[sflag:s23] =	ssyncadd.s32 $0xFFFFFD80  }
0x2c: {  	[spmem:s9] =	stream.linear.scatter [tilespmem:s24], [sflag:$0x2], $0x280, $0x38;
	[tilespmem:$0x5320] =	vst v63  }
0x2d: {  	_ =	swait.ge [sflag:s23], $0x280  }
0x2e: {  	[sflag:s23] =	ssyncset.done $0x0  }
0x2f: {  	[sflag:s23] =	ssyncadd.s32 $0xFFFFFD80  }
0x30: {  	[spmem:s10] =	stream.linear.scatter [tilespmem:s24], [sflag:$0x2], $0x280, $0x38;
	[tilespmem:$0x5320] =	vst v63  }
0x31: {  	_ =	swait.ge [sflag:s23], $0x280  }
0x32: {  	[sflag:s23] =	ssyncset.done $0x0  }
0x33: {  	[sflag:s23] =	ssyncadd.s32 $0xFFFFFD80  }
0x34: {  	[spmem:s11] =	stream.linear.scatter [tilespmem:s24], [sflag:$0x2], $0x280, $0x38;
	[tilespmem:$0x5320] =	vst v63  }
0x35: {  	_ =	swait.ge [sflag:s23], $0x280  }
0x36: {  	[sflag:s23] =	ssyncset.done $0x0  }
0x37: {  	[sflag:s23] =	ssyncadd.s32 $0xFFFFFD80  }
0x38: {  	[spmem:s12] =	stream.linear.scatter [tilespmem:s24], [sflag:$0x2], $0x280, $0x38;
	[tilespmem:$0x5320] =	vst v63  }
0x39: {  	_ =	swait.ge [sflag:s23], $0x280  }
0x3a: {  	[sflag:s23] =	ssyncset.done $0x0  }
0x3b: {  	[sflag:s23] =	ssyncadd.s32 $0xFFFFFD80  }
0x3c: {  	[spmem:s13] =	stream.linear.scatter [tilespmem:s24], [sflag:$0x2], $0x280, $0x38;
	[tilespmem:$0x5320] =	vst v63  }
0x3d: {  	_ =	swait.ge [sflag:s23], $0x280  }
0x3e: {  	[sflag:s23] =	ssyncset.done $0x0  }
0x3f: {  	[sflag:s23] =	ssyncadd.s32 $0xFFFFFD80  }
0x40: {  	[spmem:s14] =	stream.linear.scatter [tilespmem:s24], [sflag:$0x2], $0x280, $0x38;
	[tilespmem:$0x5320] =	vst v63  }
0x41: {  	_ =	swait.ge [sflag:s23], $0x280  }
0x42: {  	[sflag:s23] =	ssyncset.done $0x0  }
0x43: {  	[sflag:s23] =	ssyncadd.s32 $0xFFFFFD80  }
0x44: {  	[spmem:s15] =	stream.linear.scatter [tilespmem:s24], [sflag:$0x2], $0x280, $0x38;
	[tilespmem:$0x5320] =	vst v63  }
0x45: {  	_ =	swait.ge [sflag:s23], $0x280  }
0x46: {  	[sflag:s23] =	ssyncset.done $0x0  }
0x47: {  	[sflag:s23] =	ssyncadd.s32 $0xFFFFFD80  }
0x48: {  	[spmem:s16] =	stream.linear.scatter [tilespmem:s24], [sflag:$0x2], $0x280, $0x38;
	[tilespmem:$0x5320] =	vst v63  }
0x49: {  	_ =	swait.ge [sflag:s23], $0x280  }
0x4a: {  	[sflag:s23] =	ssyncset.done $0x0  }
0x4b: {  	[sflag:s23] =	ssyncadd.s32 $0xFFFFFD80  }
0x4c: {  	[spmem:s17] =	stream.linear.scatter [tilespmem:s24], [sflag:$0x2], $0x280, $0x38;
	[tilespmem:$0x5320] =	vst v63  }
0x4d: {  	_ =	swait.ge [sflag:s23], $0x280  }
0x4e: {  	[sflag:s23] =	ssyncset.done $0x0  }
0x4f: {  	[sflag:s23] =	ssyncadd.s32 $0xFFFFFD80  }
0x50: {  	[spmem:s18] =	stream.linear.scatter [tilespmem:s24], [sflag:$0x2], $0x280, $0x38;
	[tilespmem:$0x5320] =	vst v63  }
0x51: {  	_ =	swait.ge [sflag:s23], $0x280  }
0x52: {  	[sflag:s23] =	ssyncset.done $0x0  }
0x53: {  	[sflag:s23] =	ssyncadd.s32 $0xFFFFFD80  }
0x54: {  	[spmem:s19] =	stream.linear.scatter [tilespmem:s24], [sflag:$0x2], $0x280, $0x38;
	[tilespmem:$0x5320] =	vst v63  }
0x55: {  	_ =	swait.ge [sflag:s23], $0x280  }
0x56: {  	[sflag:s23] =	ssyncset.done $0x0  }
0x57: {  	[sflag:s23] =	ssyncadd.s32 $0xFFFFFD80  }
0x58: {  	[spmem:s20] =	stream.linear.scatter [tilespmem:s24], [sflag:$0x2], $0x190, $0x38;
	[tilespmem:$0x5320] =	vst v63  }
0x59: {  	_ =	swait.ge [sflag:s23], $0x190  }
0x5a: {  	[sflag:s23] =	ssyncset.done $0x0  }
0x5b: {  	[sflag:s23] =	ssyncadd.s32 $0xFFFFFE70  }
0x5c: {  	s30 =	simm.s32 $0x0;
	[bflag:$0x0] =	sbarrier.arrive $0xFFFF  }
.LBB2_4:
0x5d: {  	p0 =	sne.s32 s30, $0x9BA0  }
.Ltmp1:
0x5e: {  	_ = 	snop;
	(pc) =	sbr.rel @p0 .LBB2_4-.Ltmp1, $3  }
0x5f: {  	_ =	sdelay $0x1  }
0x60: {  	s0 =	sshra.s32 s30, $0x2;
	s30 =	sadd.s32 $0xA0, s30  }
0x61: {  	[spmem:s2] =	stream.indirect.scatter.add.f32 [tilespmem:s26], [sflag:$0x1], $0x10, s0, s25, $0xb8;
	[tilespmem:$0x5320] =	vst v63  }
0x62: {  	_ =	swait.ge [sflag:s28], $0x280  }
0x63: {  	s30 =	simm.s32 $0xF9;
	[sflag:s28] =	ssyncset.done $0x0  }
.LBB2_6:
0x64: {  	p0 =	sne.s32 s30, $0x1;
	s30 =	sadd.s32 $0xFFFFFFFF, s30;
	[sflag:s28] =	ssyncadd.s32 $0xFFFFFD80  }
.Ltmp2:
0x65: {  	(pc) =	sbr.rel @p0 .LBB2_6-.Ltmp2, $3  }
0x66: {  	_ =	sdelay $0x1  }
0x67: {  	_ =	swait.ge [sflag:s28], $0x280  }
0x68: {  	[sflag:s28] =	ssyncset.done $0x0  }
0x69: {  	[sflag:s28] =	ssyncadd.s32 $0xFFFFFD80;
	s29 =	sadd.s32 $0x1, s29  }
0x6a: {  	s0 =	sshll.u32 s1, $0x6;
	s30 =	sshrl.u32 s5, $0x3;
	p0 =	sne.s32 s29, s22  }
.Ltmp3:
0x6b: {  	[bflag:$0x0] =	sbarrier.arrive $0xFFFF;
	s0 =	sor.u32 $0x1C02, s0;
	(pc) =	sbr.rel @p0 .LBB2_1-.Ltmp3, $4  }
0x6c: {  	[hbm:s21], [sflag:s0] =	dma.local [spmem:s30], $0x4E2  }
0x6d: {  	_ =	swait.ge [sflag:s23], $0x4E2  }
0x6e: {  	[sflag:s23] =	ssyncset.done $0x0  }
0x6f: {  	[sflag:s23] =	ssyncadd.s32 $0xFFFFFB1E  }
0x70: {  	_ =	sfence.sel $0x180000  }
0x71: {  	[bflag:$0x0] =	sbarrier.arrive $0xFFFF  }
0x72: {  	_ =	strace $0x9000004A  }
0x73: {  	[bflag:$0x2] =	sbarrier.arrive $0xFFFF  }
0x74: {  	p0 =	sne.s32 s1, $0x0;
	s0 =	rddreg [dreg:$0x2]  }
0x75: {  	s0 =	sadd.s32 @!p0 $0x100000, s0  }
0x76: {  	[sflag:s0] =	ssyncadd.tile.s32 @!p0 $0x1;
	_ =	shalt  }
.Lfunc_end2:
_tile_overlayer_lowered:
.L_overlay_start_2:
0x77: {  	(tag) =	ssettag $0x2  }
0x78: {  	s0 =	rddreg [dreg:$0x0];
	s2 =	stileid.u32  }
0x79: {  	s1 =	rddreg [dreg:$0x1];
	p0 =	sne.s32 s2, $0x0  }
0x7a: {  	s3 =	rddreg [dreg:$0x2];
	[bflag:$0x3] =	sbarrier.arrive $0xFFFF;
	s2 =	simm.s32 @!p0 $0x1C02  }
0x7b: {  	[timem:s3], [sflag:s2] =	dma.local @!p0 [hbm:s0], s1  }
0x7c: {  	s0 =	simm.s32 @!p0 $0x2  }
0x7d: {  	_ =	swait.ge @!p0 [sflag:s0], s1  }
0x7e: {  	s1 =	ssub.s32 @!p0 $0x0, s1;
	[sflag:s0] =	ssyncset.done @!p0 $0x0  }
0x7f: {  	[sflag:s0] =	ssyncadd.s32 @!p0 s1  }
0x80: {  	[bflag:$0x3] =	sbarrier.arrive $0xFFFF  }
0x81: {  	_ =	shalt  }

</sc_bundles>
